<compile_context>
chip_gen: v7x
topology: tpu7x:2x2x1
jax: 0.10.2.dev20260603
libtpu: 0.0.44.dev20260713+nightly
codegen_flags: <defaults>
</compile_context>

<pallas_src>
import functools

import jax
import jax.numpy as jnp
import numpy as np
from jax import lax
from jax.experimental import pallas as pl
from jax.experimental.pallas import tpu as pltpu
from jax.experimental.pallas import tpu_sc as plsc

N_NODES = 50000
N_EDGES = 800000
N_HOPS = 5
NC = 2
NS = 16
NW = NC * NS
CHUNK = 512
CPT = -(-N_EDGES // (NS * CHUNK))
NSUP = 14
CPS = CPT // NSUP
EPAD = NS * CPT * CHUNK
RPT = N_NODES // NS
RSTAGE = CHUNK
NSTAGE = RPT // RSTAGE
RREM = RPT - NSTAGE * RSTAGE
F = 32
HT = NC * N_NODES

_BCAST_DNUMS = lax.GatherDimensionNumbers(
    offset_dims=(), collapsed_slice_dims=(0,), start_index_map=(0,))


def _bcast_lane(v16, idx):
    return lax.gather(v16, idx, _BCAST_DNUMS, (1,),
                      mode=lax.GatherScatterMode.PROMISE_IN_BOUNDS)


def _mlp_prologue(x, w, b, d1, d2):
    n, k = x.shape
    r = 2000
    g = n // r

    def body(x_ref, w_ref, b_ref, d1_ref, d2_ref, h_ref, dh_ref):
        acts = jnp.dot(x_ref[...], w_ref[...],
                       preferred_element_type=jnp.float32)
        acts = jnp.maximum(acts + b_ref[...], 0.0)
        dh = 0.5 * (d1_ref[...] + d2_ref[...]) * acts
        h_ref[0] = acts[:, 0:F]
        h_ref[1] = acts[:, F:2 * F]
        dh_ref[0] = dh[:, 0:F]
        dh_ref[1] = dh[:, F:2 * F]

    h, dh = pl.pallas_call(
        body,
        grid=(g,),
        in_specs=[
            pl.BlockSpec((r, k), lambda i: (i, 0)),
            pl.BlockSpec((k, 2 * F), lambda i: (0, 0)),
            pl.BlockSpec((1, 2 * F), lambda i: (0, 0)),
            pl.BlockSpec((r, 1), lambda i: (i, 0)),
            pl.BlockSpec((r, 1), lambda i: (i, 0)),
        ],
        out_specs=[
            pl.BlockSpec((NC, r, F), lambda i: (0, i, 0)),
            pl.BlockSpec((NC, r, F), lambda i: (0, i, 0)),
        ],
        out_shape=[
            jax.ShapeDtypeStruct((NC, n, F), jnp.float32),
            jax.ShapeDtypeStruct((NC, n, F), jnp.float32),
        ],
    )(x, w, b.reshape(1, 2 * F), d1, d2)
    return h.reshape(HT, F), dh.reshape(HT, F)


def _final_projection(ha, w2, b2):
    r = 2000
    g = N_NODES // r

    def body(lo_ref, hi_ref, w_ref, b_ref, o_ref):
        o_ref[...] = (
            jnp.dot(lo_ref[...], w_ref[0:F, :],
                    preferred_element_type=jnp.float32)
            + jnp.dot(hi_ref[...], w_ref[F:2 * F, :],
                      preferred_element_type=jnp.float32)
            + b_ref[...]
        )

    return pl.pallas_call(
        body,
        grid=(g,),
        in_specs=[
            pl.BlockSpec((r, F), lambda i: (i, 0)),
            pl.BlockSpec((r, F), lambda i: (i + g, 0)),
            pl.BlockSpec((2 * F, 16), lambda i: (0, 0)),
            pl.BlockSpec((1, 16), lambda i: (0, 0)),
        ],
        out_specs=pl.BlockSpec((r, 16), lambda i: (i, 0)),
        out_shape=jax.ShapeDtypeStruct((N_NODES, 16), jnp.float32),
    )(ha, ha, w2, b2.reshape(1, 16))


def _sc_body(ha0, hb0, da, db,
             src_aa, dst_aa, val_aa, src_ab, dst_ab, val_ab,
             src_ba, dst_ba, val_ba, src_bb, dst_bb, val_bb,
             ha_out, hb_out,
             acc, src_v, dst_v, vals_v, rows_v):
    c = lax.axis_index("c")
    s = lax.axis_index("s")
    zeros16 = lax.iota(jnp.int32, 16) * 0
    bcast_idx = [(zeros16 + e)[:, None] for e in range(16)]
    coff = c * N_NODES
    rbase = s * RPT
    hbase = coff + rbase
    def staged_copy(read, write):
        @pl.loop(0, NSTAGE)
        def _(z):
            pltpu.sync_copy(read(z * RSTAGE, RSTAGE), rows_v)
            pltpu.sync_copy(rows_v, write(z * RSTAGE, RSTAGE))
        rem = NSTAGE * RSTAGE
        pltpu.sync_copy(read(rem, RREM), rows_v.at[pl.ds(0, RREM)])
        pltpu.sync_copy(rows_v.at[pl.ds(0, RREM)], write(rem, RREM))

    def h_slice(ref):
        return lambda off, n: ref.at[pl.ds(hbase + off, n)]

    def acc_slice(off, n):
        return acc.at[pl.ds(rbase + off, n)]

    staged_copy(h_slice(ha0), h_slice(ha_out))
    staged_copy(h_slice(hb0), h_slice(hb_out))
    plsc.subcore_barrier()

    def accumulate(src_e, dst_e, val_e, h_src):
        @pl.loop(0, NSUP)
        def _super(sp):
            sup = CPS * CHUNK
            pltpu.sync_copy(src_e.at[s, pl.ds(sp * sup, sup)], src_v)
            pltpu.sync_copy(dst_e.at[s, pl.ds(sp * sup, sup)], dst_v)
            pltpu.sync_copy(val_e.at[s, pl.ds(sp * sup, sup)], vals_v)

            @pl.loop(0, CPS)
            def _chunk(j):
                base = j * CHUNK

                @pl.loop(0, CHUNK // 128)
                def _off(g8):
                    for u in range(8):
                        sl = pl.ds(base + g8 * 128 + u * 16, 16)
                        src_v[sl] = src_v[sl] + coff

                pltpu.sync_copy(h_src.at[src_v.at[pl.ds(base, CHUNK)]],
                                rows_v)

                @pl.loop(0, CHUNK // 16)
                def _scale(g16):
                    v16 = vals_v[pl.ds(base + g16 * 16, 16)] * 0.5
                    for e in range(16):
                        vb = _bcast_lane(v16, bcast_idx[e])
                        row = g16 * 16 + e
                        rows_v[row, pl.ds(0, 16)] = (
                            rows_v[row, pl.ds(0, 16)] * vb)
                        rows_v[row, pl.ds(16, 16)] = (
                            rows_v[row, pl.ds(16, 16)] * vb)

                pltpu.sync_copy(rows_v, acc.at[dst_v.at[pl.ds(base, CHUNK)]],
                                add=True)

    def phase(d_hbm, sets, h_dst):
        staged_copy(h_slice(d_hbm), acc_slice)
        plsc.subcore_barrier()
        for args in sets:
            accumulate(*args)
        plsc.subcore_barrier()
        staged_copy(acc_slice, h_slice(h_dst))
        plsc.subcore_barrier()

    @pl.loop(0, N_HOPS)
    def _hop(h):
        phase(da, [(src_aa, dst_aa, val_aa, ha_out),
                   (src_ab, dst_ab, val_ab, hb_out)], ha_out)
        phase(db, [(src_ba, dst_ba, val_ba, ha_out),
                   (src_bb, dst_bb, val_bb, hb_out)], hb_out)


@functools.cache
def _sc_hops():
    return pl.kernel(
        _sc_body,
        out_type=(jax.ShapeDtypeStruct((HT, F), jnp.float32),
                  jax.ShapeDtypeStruct((HT, F), jnp.float32)),
        mesh=plsc.VectorSubcoreMesh(core_axis_name="c", subcore_axis_name="s",
                                    num_cores=NC, num_subcores=NS),
        compiler_params=pltpu.CompilerParams(use_tc_tiling_on_sc=False),
        scratch_types=[
            pltpu.VMEM_SHARED((N_NODES, F), jnp.float32),
            pltpu.VMEM((CPS * CHUNK,), jnp.int32),
            pltpu.VMEM((CPS * CHUNK,), jnp.int32),
            pltpu.VMEM((CPS * CHUNK,), jnp.float32),
            pltpu.VMEM((CHUNK, F), jnp.float32),
        ],
    )


def _prep_edges(ei, vals):
    pad = EPAD - N_EDGES
    src = jnp.concatenate(
        [ei[1].astype(jnp.int32), jnp.zeros((pad,), jnp.int32)]
    ).reshape(NS, CPT * CHUNK)
    dst = jnp.concatenate(
        [ei[0].astype(jnp.int32), jnp.zeros((pad,), jnp.int32)]
    ).reshape(NS, CPT * CHUNK)
    val = jnp.concatenate(
        [vals, jnp.zeros((pad,), jnp.float32)]
    ).reshape(NS, CPT * CHUNK)
    return src, dst, val


def kernel(x_a, x_b, edge_index_aa, values_aa, edge_index_ab, values_ab,
           edge_index_ba, values_ba, edge_index_bb, values_bb,
           d_aa, d_ab, d_ba, d_bb, W1_a, b1_a, W1_b, b1_b, W2, b2):
    ha0, da = _mlp_prologue(x_a, W1_a, b1_a, d_aa, d_ab)
    hb0, db = _mlp_prologue(x_b, W1_b, b1_b, d_ba, d_bb)
    e_aa = _prep_edges(edge_index_aa, values_aa)
    e_ab = _prep_edges(edge_index_ab, values_ab)
    e_ba = _prep_edges(edge_index_ba, values_ba)
    e_bb = _prep_edges(edge_index_bb, values_bb)
    ha_fin, _ = _sc_hops()(ha0, hb0, da, db, *e_aa, *e_ab, *e_ba, *e_bb)
    return _final_projection(ha_fin, W2, b2)

# --- scband reference (transcript-rebuilt; emitter-appended) ---
"""Pipeline reference for scband-het-gtcn-mean-76682346102823 (READ-ONLY COPY).

The authoritative reference and input builder live on the scoring server;
editing this copy changes nothing except your own understanding.
"""

import jax, jax.numpy as jnp
import numpy as np

Na = 50000
Nb = 50000
E = 800000
HOP = 5

def spmm(ei, vals, h, n):
    # sparse.mm(A1, h): out[row] += val * h[col]
    return jax.ops.segment_sum(vals[:, None] * h[ei[1]], ei[0], num_segments=n)

def setup_inputs(seed: int = 0):
    key = jax.random.key(seed)
    ks = jax.random.split(key, 24)
    inp = {}
    inp['x_a'] = jax.random.normal(ks[0], (Na, 128), dtype=jnp.float32)
    inp['x_b'] = jax.random.normal(ks[1], (Nb, 256), dtype=jnp.float32)
    inp['edge_index_aa'] = jax.random.randint(ks[2], (2, E), 0, Na)
    inp['values_aa'] = jax.random.uniform(ks[3], (E,), dtype=jnp.float32) / 16.0
    inp['edge_index_ab'] = jax.random.randint(ks[4], (2, E), 0, Nb)
    inp['values_ab'] = jax.random.uniform(ks[5], (E,), dtype=jnp.float32) / 16.0
    inp['edge_index_ba'] = jax.random.randint(ks[6], (2, E), 0, Na)
    inp['values_ba'] = jax.random.uniform(ks[7], (E,), dtype=jnp.float32) / 16.0
    inp['edge_index_bb'] = jax.random.randint(ks[8], (2, E), 0, Nb)
    inp['values_bb'] = jax.random.uniform(ks[9], (E,), dtype=jnp.float32) / 16.0
    inp['d_aa'] = jax.random.uniform(ks[10], (Na, 1), dtype=jnp.float32)
    inp['d_ab'] = jax.random.uniform(ks[11], (Na, 1), dtype=jnp.float32)
    inp['d_ba'] = jax.random.uniform(ks[12], (Nb, 1), dtype=jnp.float32)
    inp['d_bb'] = jax.random.uniform(ks[13], (Nb, 1), dtype=jnp.float32)
    inp['W1_a'] = jax.random.normal(ks[14], (128, 64), dtype=jnp.float32) * 0.05
    inp['b1_a'] = jnp.zeros((64,), dtype=jnp.float32)
    inp['W1_b'] = jax.random.normal(ks[15], (256, 64), dtype=jnp.float32) * 0.05
    inp['b1_b'] = jnp.zeros((64,), dtype=jnp.float32)
    inp['W2'] = jax.random.normal(ks[16], (64, 16), dtype=jnp.float32) * 0.05
    inp['b2'] = jnp.zeros((16,), dtype=jnp.float32)
    return inp

def reference(x_a, x_b, edge_index_aa, values_aa, edge_index_ab, values_ab,
              edge_index_ba, values_ba, edge_index_bb, values_bb,
              d_aa, d_ab, d_ba, d_bb, W1_a, b1_a, W1_b, b1_b, W2, b2):
    # dropout layers are identity in eval mode
    xa = jax.nn.relu(x_a @ W1_a + b1_a)
    xb = jax.nn.relu(x_b @ W1_b + b1_b)
    ha, hb = xa, xb
    for _ in range(HOP):
        # node type 'a' updated first (dict iteration order), then 'b' sees the
        # already-updated ha, matching the torch in-place h_dict update.
        h_aa = spmm(edge_index_aa, values_aa, ha, Na) + d_aa * xa
        h_ab = spmm(edge_index_ab, values_ab, hb, Na) + d_ab * xa
        ha = 0.5 * (h_aa + h_ab)
        h_ba = spmm(edge_index_ba, values_ba, ha, Nb) + d_ba * xb
        h_bb = spmm(edge_index_bb, values_bb, hb, Nb) + d_bb * xb
        hb = 0.5 * (h_ba + h_bb)
    # target_node_type = 'a'
    return ha @ W2 + b2

if __name__ == "__main__":
    import jax
    _d = setup_inputs()
    print(jax.jit(kernel)(*tuple(_d.values())))

</pallas_src>

<mosaic_0001>
#map = affine_map<(d0, d1) -> (0, 0)>
module attributes {stable_mosaic.version = 14 : i64} {
  func.func @_sc_body(%arg0: i32, %arg1: i32, %arg2: memref<100000x32xf32, #tpu.memory_space<hbm>>, %arg3: memref<100000x32xf32, #tpu.memory_space<hbm>>, %arg4: memref<100000x32xf32, #tpu.memory_space<hbm>>, %arg5: memref<100000x32xf32, #tpu.memory_space<hbm>>, %arg6: memref<16x50176xi32, #tpu.memory_space<hbm>>, %arg7: memref<16x50176xi32, #tpu.memory_space<hbm>>, %arg8: memref<16x50176xf32, #tpu.memory_space<hbm>>, %arg9: memref<16x50176xi32, #tpu.memory_space<hbm>>, %arg10: memref<16x50176xi32, #tpu.memory_space<hbm>>, %arg11: memref<16x50176xf32, #tpu.memory_space<hbm>>, %arg12: memref<16x50176xi32, #tpu.memory_space<hbm>>, %arg13: memref<16x50176xi32, #tpu.memory_space<hbm>>, %arg14: memref<16x50176xf32, #tpu.memory_space<hbm>>, %arg15: memref<16x50176xi32, #tpu.memory_space<hbm>>, %arg16: memref<16x50176xi32, #tpu.memory_space<hbm>>, %arg17: memref<16x50176xf32, #tpu.memory_space<hbm>>, %arg18: memref<100000x32xf32, #tpu.memory_space<hbm>>, %arg19: memref<100000x32xf32, #tpu.memory_space<hbm>>, %arg20: memref<50000x32xf32, #tpu.memory_space<vmem_shared>>, %arg21: memref<3584xi32, #tpu.memory_space<vmem>>, %arg22: memref<3584xi32, #tpu.memory_space<vmem>>, %arg23: memref<3584xf32, #tpu.memory_space<vmem>>, %arg24: memref<512x32xf32, #tpu.memory_space<vmem>>) attributes {dimension_semantics = [#tpu.dimension_semantics<core_parallel>, #tpu.dimension_semantics<subcore_parallel>], iteration_bounds = array<i64: 2, 16>, scalar_prefetch = 0 : i64, scratch_operands = 5 : i64, tpu.core_type = #tpu.core_type<sc_vector_subcore>, window_params = [{transform_indices = #map}, {transform_indices = #map}, {transform_indices = #map}, {transform_indices = #map}, {transform_indices = #map}, {transform_indices = #map}, {transform_indices = #map}, {transform_indices = #map}, {transform_indices = #map}, {transform_indices = #map}, {transform_indices = #map}, {transform_indices = #map}, {transform_indices = #map}, {transform_indices = #map}, {transform_indices = #map}, {transform_indices = #map}, {transform_indices = #map}, {transform_indices = #map}]} {
    %iota3A = tpu.iota {dimensions = array<i32: 0>} : vector<16xi32>
    %mul3A = arith.constant 0 : i32
    %mul3A_0 = vector.broadcast %mul3A : i32 to vector<16xi32>
    %mul3A_1 = arith.muli %iota3A, %mul3A_0 : vector<16xi32>
    %add3A = arith.constant 0 : i32
    %add3A_2 = vector.broadcast %add3A : i32 to vector<16xi32>
    %add3A_3 = arith.addi %mul3A_1, %add3A_2 : vector<16xi32>
    %broadcast_in_dim3A = vector.shape_cast %add3A_3 : vector<16xi32> to vector<16x1xi32>
    %add3A_4 = arith.constant 1 : i32
    %add3A_5 = vector.broadcast %add3A_4 : i32 to vector<16xi32>
    %add3A_6 = arith.addi %mul3A_1, %add3A_5 : vector<16xi32>
    %broadcast_in_dim3A_7 = vector.shape_cast %add3A_6 : vector<16xi32> to vector<16x1xi32>
    %add3A_8 = arith.constant 2 : i32
    %add3A_9 = vector.broadcast %add3A_8 : i32 to vector<16xi32>
    %add3A_10 = arith.addi %mul3A_1, %add3A_9 : vector<16xi32>
    %broadcast_in_dim3A_11 = vector.shape_cast %add3A_10 : vector<16xi32> to vector<16x1xi32>
    %add3A_12 = arith.constant 3 : i32
    %add3A_13 = vector.broadcast %add3A_12 : i32 to vector<16xi32>
    %add3A_14 = arith.addi %mul3A_1, %add3A_13 : vector<16xi32>
    %broadcast_in_dim3A_15 = vector.shape_cast %add3A_14 : vector<16xi32> to vector<16x1xi32>
    %add3A_16 = arith.constant 4 : i32
    %add3A_17 = vector.broadcast %add3A_16 : i32 to vector<16xi32>
    %add3A_18 = arith.addi %mul3A_1, %add3A_17 : vector<16xi32>
    %broadcast_in_dim3A_19 = vector.shape_cast %add3A_18 : vector<16xi32> to vector<16x1xi32>
    %add3A_20 = arith.constant 5 : i32
    %add3A_21 = vector.broadcast %add3A_20 : i32 to vector<16xi32>
    %add3A_22 = arith.addi %mul3A_1, %add3A_21 : vector<16xi32>
    %broadcast_in_dim3A_23 = vector.shape_cast %add3A_22 : vector<16xi32> to vector<16x1xi32>
    %add3A_24 = arith.constant 6 : i32
    %add3A_25 = vector.broadcast %add3A_24 : i32 to vector<16xi32>
    %add3A_26 = arith.addi %mul3A_1, %add3A_25 : vector<16xi32>
    %broadcast_in_dim3A_27 = vector.shape_cast %add3A_26 : vector<16xi32> to vector<16x1xi32>
    %add3A_28 = arith.constant 7 : i32
    %add3A_29 = vector.broadcast %add3A_28 : i32 to vector<16xi32>
    %add3A_30 = arith.addi %mul3A_1, %add3A_29 : vector<16xi32>
    %broadcast_in_dim3A_31 = vector.shape_cast %add3A_30 : vector<16xi32> to vector<16x1xi32>
    %add3A_32 = arith.constant 8 : i32
    %add3A_33 = vector.broadcast %add3A_32 : i32 to vector<16xi32>
    %add3A_34 = arith.addi %mul3A_1, %add3A_33 : vector<16xi32>
    %broadcast_in_dim3A_35 = vector.shape_cast %add3A_34 : vector<16xi32> to vector<16x1xi32>
    %add3A_36 = arith.constant 9 : i32
    %add3A_37 = vector.broadcast %add3A_36 : i32 to vector<16xi32>
    %add3A_38 = arith.addi %mul3A_1, %add3A_37 : vector<16xi32>
    %broadcast_in_dim3A_39 = vector.shape_cast %add3A_38 : vector<16xi32> to vector<16x1xi32>
    %add3A_40 = arith.constant 10 : i32
    %add3A_41 = vector.broadcast %add3A_40 : i32 to vector<16xi32>
    %add3A_42 = arith.addi %mul3A_1, %add3A_41 : vector<16xi32>
    %broadcast_in_dim3A_43 = vector.shape_cast %add3A_42 : vector<16xi32> to vector<16x1xi32>
    %add3A_44 = arith.constant 11 : i32
    %add3A_45 = vector.broadcast %add3A_44 : i32 to vector<16xi32>
    %add3A_46 = arith.addi %mul3A_1, %add3A_45 : vector<16xi32>
    %broadcast_in_dim3A_47 = vector.shape_cast %add3A_46 : vector<16xi32> to vector<16x1xi32>
    %add3A_48 = arith.constant 12 : i32
    %add3A_49 = vector.broadcast %add3A_48 : i32 to vector<16xi32>
    %add3A_50 = arith.addi %mul3A_1, %add3A_49 : vector<16xi32>
    %broadcast_in_dim3A_51 = vector.shape_cast %add3A_50 : vector<16xi32> to vector<16x1xi32>
    %add3A_52 = arith.constant 13 : i32
    %add3A_53 = vector.broadcast %add3A_52 : i32 to vector<16xi32>
    %add3A_54 = arith.addi %mul3A_1, %add3A_53 : vector<16xi32>
    %broadcast_in_dim3A_55 = vector.shape_cast %add3A_54 : vector<16xi32> to vector<16x1xi32>
    %add3A_56 = arith.constant 14 : i32
    %add3A_57 = vector.broadcast %add3A_56 : i32 to vector<16xi32>
    %add3A_58 = arith.addi %mul3A_1, %add3A_57 : vector<16xi32>
    %broadcast_in_dim3A_59 = vector.shape_cast %add3A_58 : vector<16xi32> to vector<16x1xi32>
    %add3A_60 = arith.constant 15 : i32
    %add3A_61 = vector.broadcast %add3A_60 : i32 to vector<16xi32>
    %add3A_62 = arith.addi %mul3A_1, %add3A_61 : vector<16xi32>
    %broadcast_in_dim3A_63 = vector.shape_cast %add3A_62 : vector<16xi32> to vector<16x1xi32>
    %mul3A_64 = arith.constant 50000 : i32
    %mul3A_65 = arith.muli %arg0, %mul3A_64 : i32
    %mul3A_66 = arith.constant 3125 : i32
    %mul3A_67 = arith.muli %arg1, %mul3A_66 : i32
    %add3A_68 = arith.addi %mul3A_65, %mul3A_67 : i32
    %scan3A = arith.constant 0 : i32
    %scan3A_69 = arith.constant 6 : i32
    %scan3A_70 = arith.addi %scan3A, %scan3A_69 : i32
    %scan3A_71 = arith.constant 1 : i32
    scf.for %scan3A_91 = %scan3A to %scan3A_70 step %scan3A_71  : i32 {
      %mul3A_92 = arith.constant 1 : i32
      %mul3A_93 = arith.muli %scan3A_91, %mul3A_92 : i32
      %add3A_94 = arith.constant 0 : i32
      %add3A_95 = arith.addi %add3A_94, %mul3A_93 : i32
      %mul3A_96 = arith.constant 512 : i32
      %mul3A_97 = arith.muli %add3A_95, %mul3A_96 : i32
      %add3A_98 = arith.addi %add3A_68, %mul3A_97 : i32
      "tpu.region"() ({
        %run_scoped3A = tpu.sem_alloc : memref<!tpu.dma_semaphore, #tpu.memory_space<semaphore_mem>>
        %dma_start3A = arith.constant 0 : i32
        %dma_start3A_102 = tpu.memref_slice %arg2[%add3A_98, %dma_start3A] : memref<100000x32xf32, #tpu.memory_space<hbm>> -> memref<512x32xf32, #tpu.memory_space<hbm>>
        %dma_start3A_103 = arith.constant 0 : i32
        %dma_start3A_104 = tpu.memref_slice %arg2[%add3A_98, %dma_start3A_103] : memref<100000x32xf32, #tpu.memory_space<hbm>> -> memref<512x32xf32, #tpu.memory_space<hbm>>
        tpu.enqueue_dma source(%dma_start3A_104 : memref<512x32xf32, #tpu.memory_space<hbm>>) target(%arg24 : memref<512x32xf32, #tpu.memory_space<vmem>>) target_semaphore(%run_scoped3A : memref<!tpu.dma_semaphore, #tpu.memory_space<semaphore_mem>>)
        %dma_wait3A = arith.constant 0 : i32
        %dma_wait3A_105 = tpu.memref_slice %arg2[%add3A_98, %dma_wait3A] : memref<100000x32xf32, #tpu.memory_space<hbm>> -> memref<512x32xf32, #tpu.memory_space<hbm>>
        %dma_wait3A_106 = arith.constant 0 : i32
        %dma_wait3A_107 = tpu.memref_slice %arg2[%add3A_98, %dma_wait3A_106] : memref<100000x32xf32, #tpu.memory_space<hbm>> -> memref<512x32xf32, #tpu.memory_space<hbm>>
        tpu.wait_dma2 semaphore(%run_scoped3A : memref<!tpu.dma_semaphore, #tpu.memory_space<semaphore_mem>>) src(%dma_wait3A_107 : memref<512x32xf32, #tpu.memory_space<hbm>>) dst(%arg24 : memref<512x32xf32, #tpu.memory_space<vmem>>)
        tpu.yield
      }) : () -> ()
      %mul3A_99 = arith.constant 512 : i32
      %mul3A_100 = arith.muli %add3A_95, %mul3A_99 : i32
      %add3A_101 = arith.addi %add3A_68, %mul3A_100 : i32
      "tpu.region"() ({
        %run_scoped3A = tpu.sem_alloc : memref<!tpu.dma_semaphore, #tpu.memory_space<semaphore_mem>>
        %dma_start3A = arith.constant 0 : i32
        %dma_start3A_102 = tpu.memref_slice %arg18[%add3A_101, %dma_start3A] : memref<100000x32xf32, #tpu.memory_space<hbm>> -> memref<512x32xf32, #tpu.memory_space<hbm>>
        %dma_start3A_103 = arith.constant 0 : i32
        %dma_start3A_104 = tpu.memref_slice %arg18[%add3A_101, %dma_start3A_103] : memref<100000x32xf32, #tpu.memory_space<hbm>> -> memref<512x32xf32, #tpu.memory_space<hbm>>
        tpu.enqueue_dma source(%arg24 : memref<512x32xf32, #tpu.memory_space<vmem>>) target(%dma_start3A_104 : memref<512x32xf32, #tpu.memory_space<hbm>>) target_semaphore(%run_scoped3A : memref<!tpu.dma_semaphore, #tpu.memory_space<semaphore_mem>>)
        %dma_wait3A = arith.constant 0 : i32
        %dma_wait3A_105 = tpu.memref_slice %arg18[%add3A_101, %dma_wait3A] : memref<100000x32xf32, #tpu.memory_space<hbm>> -> memref<512x32xf32, #tpu.memory_space<hbm>>
        %dma_wait3A_106 = arith.constant 0 : i32
        %dma_wait3A_107 = tpu.memref_slice %arg18[%add3A_101, %dma_wait3A_106] : memref<100000x32xf32, #tpu.memory_space<hbm>> -> memref<512x32xf32, #tpu.memory_space<hbm>>
        tpu.wait_dma2 semaphore(%run_scoped3A : memref<!tpu.dma_semaphore, #tpu.memory_space<semaphore_mem>>) src(%arg24 : memref<512x32xf32, #tpu.memory_space<vmem>>) dst(%dma_wait3A_107 : memref<512x32xf32, #tpu.memory_space<hbm>>)
        tpu.yield
      }) : () -> ()
    }
    %scan3A_72 = arith.constant 6 : i32
    %add3A_73 = arith.constant 3072 : i32
    %add3A_74 = arith.addi %add3A_68, %add3A_73 : i32
    "tpu.region"() ({
      %run_scoped3A = tpu.sem_alloc : memref<!tpu.dma_semaphore, #tpu.memory_space<semaphore_mem>>
      %dma_start3A = arith.constant 0 : i32
      %dma_start3A_91 = arith.constant 0 : i32
      %dma_start3A_92 = tpu.memref_slice %arg24[%dma_start3A, %dma_start3A_91] : memref<512x32xf32, #tpu.memory_space<vmem>> -> memref<53x32xf32, #tpu.memory_space<vmem>>
      %dma_start3A_93 = arith.constant 0 : i32
      %dma_start3A_94 = tpu.memref_slice %arg2[%add3A_74, %dma_start3A_93] : memref<100000x32xf32, #tpu.memory_space<hbm>> -> memref<53x32xf32, #tpu.memory_space<hbm>>
      %dma_start3A_95 = arith.constant 0 : i32
      %dma_start3A_96 = arith.constant 0 : i32
      %dma_start3A_97 = tpu.memref_slice %arg24[%dma_start3A_95, %dma_start3A_96] : memref<512x32xf32, #tpu.memory_space<vmem>> -> memref<53x32xf32, #tpu.memory_space<vmem>>
      %dma_start3A_98 = arith.constant 0 : i32
      %dma_start3A_99 = tpu.memref_slice %arg2[%add3A_74, %dma_start3A_98] : memref<100000x32xf32, #tpu.memory_space<hbm>> -> memref<53x32xf32, #tpu.memory_space<hbm>>
      tpu.enqueue_dma source(%dma_start3A_99 : memref<53x32xf32, #tpu.memory_space<hbm>>) target(%dma_start3A_97 : memref<53x32xf32, #tpu.memory_space<vmem>>) target_semaphore(%run_scoped3A : memref<!tpu.dma_semaphore, #tpu.memory_space<semaphore_mem>>)
      %dma_wait3A = arith.constant 0 : i32
      %dma_wait3A_100 = arith.constant 0 : i32
      %dma_wait3A_101 = tpu.memref_slice %arg24[%dma_wait3A, %dma_wait3A_100] : memref<512x32xf32, #tpu.memory_space<vmem>> -> memref<53x32xf32, #tpu.memory_space<vmem>>
      %dma_wait3A_102 = arith.constant 0 : i32
      %dma_wait3A_103 = tpu.memref_slice %arg2[%add3A_74, %dma_wait3A_102] : memref<100000x32xf32, #tpu.memory_space<hbm>> -> memref<53x32xf32, #tpu.memory_space<hbm>>
      %dma_wait3A_104 = arith.constant 0 : i32
      %dma_wait3A_105 = arith.constant 0 : i32
      %dma_wait3A_106 = tpu.memref_slice %arg24[%dma_wait3A_104, %dma_wait3A_105] : memref<512x32xf32, #tpu.memory_space<vmem>> -> memref<53x32xf32, #tpu.memory_space<vmem>>
      %dma_wait3A_107 = arith.constant 0 : i32
      %dma_wait3A_108 = tpu.memref_slice %arg2[%add3A_74, %dma_wait3A_107] : memref<100000x32xf32, #tpu.memory_space<hbm>> -> memref<53x32xf32, #tpu.memory_space<hbm>>
      tpu.wait_dma2 semaphore(%run_scoped3A : memref<!tpu.dma_semaphore, #tpu.memory_space<semaphore_mem>>) src(%dma_wait3A_108 : memref<53x32xf32, #tpu.memory_space<hbm>>) dst(%dma_wait3A_106 : memref<53x32xf32, #tpu.memory_space<vmem>>)
      tpu.yield
    }) : () -> ()
    %add3A_75 = arith.constant 3072 : i32
    %add3A_76 = arith.addi %add3A_68, %add3A_75 : i32
    "tpu.region"() ({
      %run_scoped3A = tpu.sem_alloc : memref<!tpu.dma_semaphore, #tpu.memory_space<semaphore_mem>>
      %dma_start3A = arith.constant 0 : i32
      %dma_start3A_91 = arith.constant 0 : i32
      %dma_start3A_92 = tpu.memref_slice %arg24[%dma_start3A, %dma_start3A_91] : memref<512x32xf32, #tpu.memory_space<vmem>> -> memref<53x32xf32, #tpu.memory_space<vmem>>
      %dma_start3A_93 = arith.constant 0 : i32
      %dma_start3A_94 = tpu.memref_slice %arg18[%add3A_76, %dma_start3A_93] : memref<100000x32xf32, #tpu.memory_space<hbm>> -> memref<53x32xf32, #tpu.memory_space<hbm>>
      %dma_start3A_95 = arith.constant 0 : i32
      %dma_start3A_96 = tpu.memref_slice %arg18[%add3A_76, %dma_start3A_95] : memref<100000x32xf32, #tpu.memory_space<hbm>> -> memref<53x32xf32, #tpu.memory_space<hbm>>
      %dma_start3A_97 = arith.constant 0 : i32
      %dma_start3A_98 = arith.constant 0 : i32
      %dma_start3A_99 = tpu.memref_slice %arg24[%dma_start3A_97, %dma_start3A_98] : memref<512x32xf32, #tpu.memory_space<vmem>> -> memref<53x32xf32, #tpu.memory_space<vmem>>
      tpu.enqueue_dma source(%dma_start3A_99 : memref<53x32xf32, #tpu.memory_space<vmem>>) target(%dma_start3A_96 : memref<53x32xf32, #tpu.memory_space<hbm>>) target_semaphore(%run_scoped3A : memref<!tpu.dma_semaphore, #tpu.memory_space<semaphore_mem>>)
      %dma_wait3A = arith.constant 0 : i32
      %dma_wait3A_100 = arith.constant 0 : i32
      %dma_wait3A_101 = tpu.memref_slice %arg24[%dma_wait3A, %dma_wait3A_100] : memref<512x32xf32, #tpu.memory_space<vmem>> -> memref<53x32xf32, #tpu.memory_space<vmem>>
      %dma_wait3A_102 = arith.constant 0 : i32
      %dma_wait3A_103 = tpu.memref_slice %arg18[%add3A_76, %dma_wait3A_102] : memref<100000x32xf32, #tpu.memory_space<hbm>> -> memref<53x32xf32, #tpu.memory_space<hbm>>
      %dma_wait3A_104 = arith.constant 0 : i32
      %dma_wait3A_105 = tpu.memref_slice %arg18[%add3A_76, %dma_wait3A_104] : memref<100000x32xf32, #tpu.memory_space<hbm>> -> memref<53x32xf32, #tpu.memory_space<hbm>>
      %dma_wait3A_106 = arith.constant 0 : i32
      %dma_wait3A_107 = arith.constant 0 : i32
      %dma_wait3A_108 = tpu.memref_slice %arg24[%dma_wait3A_106, %dma_wait3A_107] : memref<512x32xf32, #tpu.memory_space<vmem>> -> memref<53x32xf32, #tpu.memory_space<vmem>>
      tpu.wait_dma2 semaphore(%run_scoped3A : memref<!tpu.dma_semaphore, #tpu.memory_space<semaphore_mem>>) src(%dma_wait3A_108 : memref<53x32xf32, #tpu.memory_space<vmem>>) dst(%dma_wait3A_105 : memref<53x32xf32, #tpu.memory_space<hbm>>)
      tpu.yield
    }) : () -> ()
    %scan3A_77 = arith.constant 0 : i32
    %scan3A_78 = arith.constant 6 : i32
    %scan3A_79 = arith.addi %scan3A_77, %scan3A_78 : i32
    %scan3A_80 = arith.constant 1 : i32
    scf.for %scan3A_91 = %scan3A_77 to %scan3A_79 step %scan3A_80  : i32 {
      %mul3A_92 = arith.constant 1 : i32
      %mul3A_93 = arith.muli %scan3A_91, %mul3A_92 : i32
      %add3A_94 = arith.constant 0 : i32
      %add3A_95 = arith.addi %add3A_94, %mul3A_93 : i32
      %mul3A_96 = arith.constant 512 : i32
      %mul3A_97 = arith.muli %add3A_95, %mul3A_96 : i32
      %add3A_98 = arith.addi %add3A_68, %mul3A_97 : i32
      "tpu.region"() ({
        %run_scoped3A = tpu.sem_alloc : memref<!tpu.dma_semaphore, #tpu.memory_space<semaphore_mem>>
        %dma_start3A = arith.constant 0 : i32
        %dma_start3A_102 = tpu.memref_slice %arg3[%add3A_98, %dma_start3A] : memref<100000x32xf32, #tpu.memory_space<hbm>> -> memref<512x32xf32, #tpu.memory_space<hbm>>
        %dma_start3A_103 = arith.constant 0 : i32
        %dma_start3A_104 = tpu.memref_slice %arg3[%add3A_98, %dma_start3A_103] : memref<100000x32xf32, #tpu.memory_space<hbm>> -> memref<512x32xf32, #tpu.memory_space<hbm>>
        tpu.enqueue_dma source(%dma_start3A_104 : memref<512x32xf32, #tpu.memory_space<hbm>>) target(%arg24 : memref<512x32xf32, #tpu.memory_space<vmem>>) target_semaphore(%run_scoped3A : memref<!tpu.dma_semaphore, #tpu.memory_space<semaphore_mem>>)
        %dma_wait3A = arith.constant 0 : i32
        %dma_wait3A_105 = tpu.memref_slice %arg3[%add3A_98, %dma_wait3A] : memref<100000x32xf32, #tpu.memory_space<hbm>> -> memref<512x32xf32, #tpu.memory_space<hbm>>
        %dma_wait3A_106 = arith.constant 0 : i32
        %dma_wait3A_107 = tpu.memref_slice %arg3[%add3A_98, %dma_wait3A_106] : memref<100000x32xf32, #tpu.memory_space<hbm>> -> memref<512x32xf32, #tpu.memory_space<hbm>>
        tpu.wait_dma2 semaphore(%run_scoped3A : memref<!tpu.dma_semaphore, #tpu.memory_space<semaphore_mem>>) src(%dma_wait3A_107 : memref<512x32xf32, #tpu.memory_space<hbm>>) dst(%arg24 : memref<512x32xf32, #tpu.memory_space<vmem>>)
        tpu.yield
      }) : () -> ()
      %mul3A_99 = arith.constant 512 : i32
      %mul3A_100 = arith.muli %add3A_95, %mul3A_99 : i32
      %add3A_101 = arith.addi %add3A_68, %mul3A_100 : i32
      "tpu.region"() ({
        %run_scoped3A = tpu.sem_alloc : memref<!tpu.dma_semaphore, #tpu.memory_space<semaphore_mem>>
        %dma_start3A = arith.constant 0 : i32
        %dma_start3A_102 = tpu.memref_slice %arg19[%add3A_101, %dma_start3A] : memref<100000x32xf32, #tpu.memory_space<hbm>> -> memref<512x32xf32, #tpu.memory_space<hbm>>
        %dma_start3A_103 = arith.constant 0 : i32
        %dma_start3A_104 = tpu.memref_slice %arg19[%add3A_101, %dma_start3A_103] : memref<100000x32xf32, #tpu.memory_space<hbm>> -> memref<512x32xf32, #tpu.memory_space<hbm>>
        tpu.enqueue_dma source(%arg24 : memref<512x32xf32, #tpu.memory_space<vmem>>) target(%dma_start3A_104 : memref<512x32xf32, #tpu.memory_space<hbm>>) target_semaphore(%run_scoped3A : memref<!tpu.dma_semaphore, #tpu.memory_space<semaphore_mem>>)
        %dma_wait3A = arith.constant 0 : i32
        %dma_wait3A_105 = tpu.memref_slice %arg19[%add3A_101, %dma_wait3A] : memref<100000x32xf32, #tpu.memory_space<hbm>> -> memref<512x32xf32, #tpu.memory_space<hbm>>
        %dma_wait3A_106 = arith.constant 0 : i32
        %dma_wait3A_107 = tpu.memref_slice %arg19[%add3A_101, %dma_wait3A_106] : memref<100000x32xf32, #tpu.memory_space<hbm>> -> memref<512x32xf32, #tpu.memory_space<hbm>>
        tpu.wait_dma2 semaphore(%run_scoped3A : memref<!tpu.dma_semaphore, #tpu.memory_space<semaphore_mem>>) src(%arg24 : memref<512x32xf32, #tpu.memory_space<vmem>>) dst(%dma_wait3A_107 : memref<512x32xf32, #tpu.memory_space<hbm>>)
        tpu.yield
      }) : () -> ()
    }
    %scan3A_81 = arith.constant 6 : i32
    %add3A_82 = arith.constant 3072 : i32
    %add3A_83 = arith.addi %add3A_68, %add3A_82 : i32
    "tpu.region"() ({
      %run_scoped3A = tpu.sem_alloc : memref<!tpu.dma_semaphore, #tpu.memory_space<semaphore_mem>>
      %dma_start3A = arith.constant 0 : i32
      %dma_start3A_91 = arith.constant 0 : i32
      %dma_start3A_92 = tpu.memref_slice %arg24[%dma_start3A, %dma_start3A_91] : memref<512x32xf32, #tpu.memory_space<vmem>> -> memref<53x32xf32, #tpu.memory_space<vmem>>
      %dma_start3A_93 = arith.constant 0 : i32
      %dma_start3A_94 = tpu.memref_slice %arg3[%add3A_83, %dma_start3A_93] : memref<100000x32xf32, #tpu.memory_space<hbm>> -> memref<53x32xf32, #tpu.memory_space<hbm>>
      %dma_start3A_95 = arith.constant 0 : i32
      %dma_start3A_96 = arith.constant 0 : i32
      %dma_start3A_97 = tpu.memref_slice %arg24[%dma_start3A_95, %dma_start3A_96] : memref<512x32xf32, #tpu.memory_space<vmem>> -> memref<53x32xf32, #tpu.memory_space<vmem>>
      %dma_start3A_98 = arith.constant 0 : i32
      %dma_start3A_99 = tpu.memref_slice %arg3[%add3A_83, %dma_start3A_98] : memref<100000x32xf32, #tpu.memory_space<hbm>> -> memref<53x32xf32, #tpu.memory_space<hbm>>
      tpu.enqueue_dma source(%dma_start3A_99 : memref<53x32xf32, #tpu.memory_space<hbm>>) target(%dma_start3A_97 : memref<53x32xf32, #tpu.memory_space<vmem>>) target_semaphore(%run_scoped3A : memref<!tpu.dma_semaphore, #tpu.memory_space<semaphore_mem>>)
      %dma_wait3A = arith.constant 0 : i32
      %dma_wait3A_100 = arith.constant 0 : i32
      %dma_wait3A_101 = tpu.memref_slice %arg24[%dma_wait3A, %dma_wait3A_100] : memref<512x32xf32, #tpu.memory_space<vmem>> -> memref<53x32xf32, #tpu.memory_space<vmem>>
      %dma_wait3A_102 = arith.constant 0 : i32
      %dma_wait3A_103 = tpu.memref_slice %arg3[%add3A_83, %dma_wait3A_102] : memref<100000x32xf32, #tpu.memory_space<hbm>> -> memref<53x32xf32, #tpu.memory_space<hbm>>
      %dma_wait3A_104 = arith.constant 0 : i32
      %dma_wait3A_105 = arith.constant 0 : i32
      %dma_wait3A_106 = tpu.memref_slice %arg24[%dma_wait3A_104, %dma_wait3A_105] : memref<512x32xf32, #tpu.memory_space<vmem>> -> memref<53x32xf32, #tpu.memory_space<vmem>>
      %dma_wait3A_107 = arith.constant 0 : i32
      %dma_wait3A_108 = tpu.memref_slice %arg3[%add3A_83, %dma_wait3A_107] : memref<100000x32xf32, #tpu.memory_space<hbm>> -> memref<53x32xf32, #tpu.memory_space<hbm>>
      tpu.wait_dma2 semaphore(%run_scoped3A : memref<!tpu.dma_semaphore, #tpu.memory_space<semaphore_mem>>) src(%dma_wait3A_108 : memref<53x32xf32, #tpu.memory_space<hbm>>) dst(%dma_wait3A_106 : memref<53x32xf32, #tpu.memory_space<vmem>>)
      tpu.yield
    }) : () -> ()
    %add3A_84 = arith.constant 3072 : i32
    %add3A_85 = arith.addi %add3A_68, %add3A_84 : i32
    "tpu.region"() ({
      %run_scoped3A = tpu.sem_alloc : memref<!tpu.dma_semaphore, #tpu.memory_space<semaphore_mem>>
      %dma_start3A = arith.constant 0 : i32
      %dma_start3A_91 = arith.constant 0 : i32
      %dma_start3A_92 = tpu.memref_slice %arg24[%dma_start3A, %dma_start3A_91] : memref<512x32xf32, #tpu.memory_space<vmem>> -> memref<53x32xf32, #tpu.memory_space<vmem>>
      %dma_start3A_93 = arith.constant 0 : i32
      %dma_start3A_94 = tpu.memref_slice %arg19[%add3A_85, %dma_start3A_93] : memref<100000x32xf32, #tpu.memory_space<hbm>> -> memref<53x32xf32, #tpu.memory_space<hbm>>
      %dma_start3A_95 = arith.constant 0 : i32
      %dma_start3A_96 = tpu.memref_slice %arg19[%add3A_85, %dma_start3A_95] : memref<100000x32xf32, #tpu.memory_space<hbm>> -> memref<53x32xf32, #tpu.memory_space<hbm>>
      %dma_start3A_97 = arith.constant 0 : i32
      %dma_start3A_98 = arith.constant 0 : i32
      %dma_start3A_99 = tpu.memref_slice %arg24[%dma_start3A_97, %dma_start3A_98] : memref<512x32xf32, #tpu.memory_space<vmem>> -> memref<53x32xf32, #tpu.memory_space<vmem>>
      tpu.enqueue_dma source(%dma_start3A_99 : memref<53x32xf32, #tpu.memory_space<vmem>>) target(%dma_start3A_96 : memref<53x32xf32, #tpu.memory_space<hbm>>) target_semaphore(%run_scoped3A : memref<!tpu.dma_semaphore, #tpu.memory_space<semaphore_mem>>)
      %dma_wait3A = arith.constant 0 : i32
      %dma_wait3A_100 = arith.constant 0 : i32
      %dma_wait3A_101 = tpu.memref_slice %arg24[%dma_wait3A, %dma_wait3A_100] : memref<512x32xf32, #tpu.memory_space<vmem>> -> memref<53x32xf32, #tpu.memory_space<vmem>>
      %dma_wait3A_102 = arith.constant 0 : i32
      %dma_wait3A_103 = tpu.memref_slice %arg19[%add3A_85, %dma_wait3A_102] : memref<100000x32xf32, #tpu.memory_space<hbm>> -> memref<53x32xf32, #tpu.memory_space<hbm>>
      %dma_wait3A_104 = arith.constant 0 : i32
      %dma_wait3A_105 = tpu.memref_slice %arg19[%add3A_85, %dma_wait3A_104] : memref<100000x32xf32, #tpu.memory_space<hbm>> -> memref<53x32xf32, #tpu.memory_space<hbm>>
      %dma_wait3A_106 = arith.constant 0 : i32
      %dma_wait3A_107 = arith.constant 0 : i32
      %dma_wait3A_108 = tpu.memref_slice %arg24[%dma_wait3A_106, %dma_wait3A_107] : memref<512x32xf32, #tpu.memory_space<vmem>> -> memref<53x32xf32, #tpu.memory_space<vmem>>
      tpu.wait_dma2 semaphore(%run_scoped3A : memref<!tpu.dma_semaphore, #tpu.memory_space<semaphore_mem>>) src(%dma_wait3A_108 : memref<53x32xf32, #tpu.memory_space<vmem>>) dst(%dma_wait3A_105 : memref<53x32xf32, #tpu.memory_space<hbm>>)
      tpu.yield
    }) : () -> ()
    %barrier3A = arith.constant 0 : index
    tpu.barrier barrier_id(%barrier3A)
    %scan3A_86 = arith.constant 0 : i32
    %scan3A_87 = arith.constant 5 : i32
    %scan3A_88 = arith.addi %scan3A_86, %scan3A_87 : i32
    %scan3A_89 = arith.constant 1 : i32
    scf.for %scan3A_91 = %scan3A_86 to %scan3A_88 step %scan3A_89  : i32 {
      %mul3A_92 = arith.constant 1 : i32
      %mul3A_93 = arith.muli %scan3A_91, %mul3A_92 : i32
      %add3A_94 = arith.constant 0 : i32
      %add3A_95 = arith.addi %add3A_94, %mul3A_93 : i32
      %scan3A_96 = arith.constant 0 : i32
      %scan3A_97 = arith.constant 6 : i32
      %scan3A_98 = arith.addi %scan3A_96, %scan3A_97 : i32
      %scan3A_99 = arith.constant 1 : i32
      scf.for %scan3A_158 = %scan3A_96 to %scan3A_98 step %scan3A_99  : i32 {
        %mul3A_159 = arith.constant 1 : i32
        %mul3A_160 = arith.muli %scan3A_158, %mul3A_159 : i32
        %add3A_161 = arith.constant 0 : i32
        %add3A_162 = arith.addi %add3A_161, %mul3A_160 : i32
        %mul3A_163 = arith.constant 512 : i32
        %mul3A_164 = arith.muli %add3A_162, %mul3A_163 : i32
        %add3A_165 = arith.addi %add3A_68, %mul3A_164 : i32
        "tpu.region"() ({
          %run_scoped3A = tpu.sem_alloc : memref<!tpu.dma_semaphore, #tpu.memory_space<semaphore_mem>>
          %dma_start3A = arith.constant 0 : i32
          %dma_start3A_169 = tpu.memref_slice %arg4[%add3A_165, %dma_start3A] : memref<100000x32xf32, #tpu.memory_space<hbm>> -> memref<512x32xf32, #tpu.memory_space<hbm>>
          %dma_start3A_170 = arith.constant 0 : i32
          %dma_start3A_171 = tpu.memref_slice %arg4[%add3A_165, %dma_start3A_170] : memref<100000x32xf32, #tpu.memory_space<hbm>> -> memref<512x32xf32, #tpu.memory_space<hbm>>
          tpu.enqueue_dma source(%dma_start3A_171 : memref<512x32xf32, #tpu.memory_space<hbm>>) target(%arg24 : memref<512x32xf32, #tpu.memory_space<vmem>>) target_semaphore(%run_scoped3A : memref<!tpu.dma_semaphore, #tpu.memory_space<semaphore_mem>>)
          %dma_wait3A = arith.constant 0 : i32
          %dma_wait3A_172 = tpu.memref_slice %arg4[%add3A_165, %dma_wait3A] : memref<100000x32xf32, #tpu.memory_space<hbm>> -> memref<512x32xf32, #tpu.memory_space<hbm>>
          %dma_wait3A_173 = arith.constant 0 : i32
          %dma_wait3A_174 = tpu.memref_slice %arg4[%add3A_165, %dma_wait3A_173] : memref<100000x32xf32, #tpu.memory_space<hbm>> -> memref<512x32xf32, #tpu.memory_space<hbm>>
          tpu.wait_dma2 semaphore(%run_scoped3A : memref<!tpu.dma_semaphore, #tpu.memory_space<semaphore_mem>>) src(%dma_wait3A_174 : memref<512x32xf32, #tpu.memory_space<hbm>>) dst(%arg24 : memref<512x32xf32, #tpu.memory_space<vmem>>)
          tpu.yield
        }) : () -> ()
        %mul3A_166 = arith.constant 512 : i32
        %mul3A_167 = arith.muli %add3A_162, %mul3A_166 : i32
        %add3A_168 = arith.addi %mul3A_67, %mul3A_167 : i32
        "tpu.region"() ({
          %run_scoped3A = tpu.sem_alloc : memref<!tpu.dma_semaphore, #tpu.memory_space<semaphore_mem>>
          %dma_start3A = arith.constant 0 : i32
          %dma_start3A_169 = tpu.memref_slice %arg20[%add3A_168, %dma_start3A] : memref<50000x32xf32, #tpu.memory_space<vmem_shared>> -> memref<512x32xf32, #tpu.memory_space<vmem_shared>>
          %dma_start3A_170 = arith.constant 0 : i32
          %dma_start3A_171 = tpu.memref_slice %arg20[%add3A_168, %dma_start3A_170] : memref<50000x32xf32, #tpu.memory_space<vmem_shared>> -> memref<512x32xf32, #tpu.memory_space<vmem_shared>>
          tpu.enqueue_dma source(%arg24 : memref<512x32xf32, #tpu.memory_space<vmem>>) target(%dma_start3A_171 : memref<512x32xf32, #tpu.memory_space<vmem_shared>>) target_semaphore(%run_scoped3A : memref<!tpu.dma_semaphore, #tpu.memory_space<semaphore_mem>>)
          %dma_wait3A = arith.constant 0 : i32
          %dma_wait3A_172 = tpu.memref_slice %arg20[%add3A_168, %dma_wait3A] : memref<50000x32xf32, #tpu.memory_space<vmem_shared>> -> memref<512x32xf32, #tpu.memory_space<vmem_shared>>
          %dma_wait3A_173 = arith.constant 0 : i32
          %dma_wait3A_174 = tpu.memref_slice %arg20[%add3A_168, %dma_wait3A_173] : memref<50000x32xf32, #tpu.memory_space<vmem_shared>> -> memref<512x32xf32, #tpu.memory_space<vmem_shared>>
          tpu.wait_dma2 semaphore(%run_scoped3A : memref<!tpu.dma_semaphore, #tpu.memory_space<semaphore_mem>>) src(%arg24 : memref<512x32xf32, #tpu.memory_space<vmem>>) dst(%dma_wait3A_174 : memref<512x32xf32, #tpu.memory_space<vmem_shared>>)
          tpu.yield
        }) : () -> ()
      }
      %scan3A_100 = arith.constant 6 : i32
      %add3A_101 = arith.constant 3072 : i32
      %add3A_102 = arith.addi %add3A_68, %add3A_101 : i32
      "tpu.region"() ({
        %run_scoped3A = tpu.sem_alloc : memref<!tpu.dma_semaphore, #tpu.memory_space<semaphore_mem>>
        %dma_start3A = arith.constant 0 : i32
        %dma_start3A_158 = arith.constant 0 : i32
        %dma_start3A_159 = tpu.memref_slice %arg24[%dma_start3A, %dma_start3A_158] : memref<512x32xf32, #tpu.memory_space<vmem>> -> memref<53x32xf32, #tpu.memory_space<vmem>>
        %dma_start3A_160 = arith.constant 0 : i32
        %dma_start3A_161 = tpu.memref_slice %arg4[%add3A_102, %dma_start3A_160] : memref<100000x32xf32, #tpu.memory_space<hbm>> -> memref<53x32xf32, #tpu.memory_space<hbm>>
        %dma_start3A_162 = arith.constant 0 : i32
        %dma_start3A_163 = arith.constant 0 : i32
        %dma_start3A_164 = tpu.memref_slice %arg24[%dma_start3A_162, %dma_start3A_163] : memref<512x32xf32, #tpu.memory_space<vmem>> -> memref<53x32xf32, #tpu.memory_space<vmem>>
        %dma_start3A_165 = arith.constant 0 : i32
        %dma_start3A_166 = tpu.memref_slice %arg4[%add3A_102, %dma_start3A_165] : memref<100000x32xf32, #tpu.memory_space<hbm>> -> memref<53x32xf32, #tpu.memory_space<hbm>>
        tpu.enqueue_dma source(%dma_start3A_166 : memref<53x32xf32, #tpu.memory_space<hbm>>) target(%dma_start3A_164 : memref<53x32xf32, #tpu.memory_space<vmem>>) target_semaphore(%run_scoped3A : memref<!tpu.dma_semaphore, #tpu.memory_space<semaphore_mem>>)
        %dma_wait3A = arith.constant 0 : i32
        %dma_wait3A_167 = arith.constant 0 : i32
        %dma_wait3A_168 = tpu.memref_slice %arg24[%dma_wait3A, %dma_wait3A_167] : memref<512x32xf32, #tpu.memory_space<vmem>> -> memref<53x32xf32, #tpu.memory_space<vmem>>
        %dma_wait3A_169 = arith.constant 0 : i32
        %dma_wait3A_170 = tpu.memref_slice %arg4[%add3A_102, %dma_wait3A_169] : memref<100000x32xf32, #tpu.memory_space<hbm>> -> memref<53x32xf32, #tpu.memory_space<hbm>>
        %dma_wait3A_171 = arith.constant 0 : i32
        %dma_wait3A_172 = arith.constant 0 : i32
        %dma_wait3A_173 = tpu.memref_slice %arg24[%dma_wait3A_171, %dma_wait3A_172] : memref<512x32xf32, #tpu.memory_space<vmem>> -> memref<53x32xf32, #tpu.memory_space<vmem>>
        %dma_wait3A_174 = arith.constant 0 : i32
        %dma_wait3A_175 = tpu.memref_slice %arg4[%add3A_102, %dma_wait3A_174] : memref<100000x32xf32, #tpu.memory_space<hbm>> -> memref<53x32xf32, #tpu.memory_space<hbm>>
        tpu.wait_dma2 semaphore(%run_scoped3A : memref<!tpu.dma_semaphore, #tpu.memory_space<semaphore_mem>>) src(%dma_wait3A_175 : memref<53x32xf32, #tpu.memory_space<hbm>>) dst(%dma_wait3A_173 : memref<53x32xf32, #tpu.memory_space<vmem>>)
        tpu.yield
      }) : () -> ()
      %add3A_103 = arith.constant 3072 : i32
      %add3A_104 = arith.addi %mul3A_67, %add3A_103 : i32
      "tpu.region"() ({
        %run_scoped3A = tpu.sem_alloc : memref<!tpu.dma_semaphore, #tpu.memory_space<semaphore_mem>>
        %dma_start3A = arith.constant 0 : i32
        %dma_start3A_158 = arith.constant 0 : i32
        %dma_start3A_159 = tpu.memref_slice %arg24[%dma_start3A, %dma_start3A_158] : memref<512x32xf32, #tpu.memory_space<vmem>> -> memref<53x32xf32, #tpu.memory_space<vmem>>
        %dma_start3A_160 = arith.constant 0 : i32
        %dma_start3A_161 = tpu.memref_slice %arg20[%add3A_104, %dma_start3A_160] : memref<50000x32xf32, #tpu.memory_space<vmem_shared>> -> memref<53x32xf32, #tpu.memory_space<vmem_shared>>
        %dma_start3A_162 = arith.constant 0 : i32
        %dma_start3A_163 = tpu.memref_slice %arg20[%add3A_104, %dma_start3A_162] : memref<50000x32xf32, #tpu.memory_space<vmem_shared>> -> memref<53x32xf32, #tpu.memory_space<vmem_shared>>
        %dma_start3A_164 = arith.constant 0 : i32
        %dma_start3A_165 = arith.constant 0 : i32
        %dma_start3A_166 = tpu.memref_slice %arg24[%dma_start3A_164, %dma_start3A_165] : memref<512x32xf32, #tpu.memory_space<vmem>> -> memref<53x32xf32, #tpu.memory_space<vmem>>
        tpu.enqueue_dma source(%dma_start3A_166 : memref<53x32xf32, #tpu.memory_space<vmem>>) target(%dma_start3A_163 : memref<53x32xf32, #tpu.memory_space<vmem_shared>>) target_semaphore(%run_scoped3A : memref<!tpu.dma_semaphore, #tpu.memory_space<semaphore_mem>>)
        %dma_wait3A = arith.constant 0 : i32
        %dma_wait3A_167 = arith.constant 0 : i32
        %dma_wait3A_168 = tpu.memref_slice %arg24[%dma_wait3A, %dma_wait3A_167] : memref<512x32xf32, #tpu.memory_space<vmem>> -> memref<53x32xf32, #tpu.memory_space<vmem>>
        %dma_wait3A_169 = arith.constant 0 : i32
        %dma_wait3A_170 = tpu.memref_slice %arg20[%add3A_104, %dma_wait3A_169] : memref<50000x32xf32, #tpu.memory_space<vmem_shared>> -> memref<53x32xf32, #tpu.memory_space<vmem_shared>>
        %dma_wait3A_171 = arith.constant 0 : i32
        %dma_wait3A_172 = tpu.memref_slice %arg20[%add3A_104, %dma_wait3A_171] : memref<50000x32xf32, #tpu.memory_space<vmem_shared>> -> memref<53x32xf32, #tpu.memory_space<vmem_shared>>
        %dma_wait3A_173 = arith.constant 0 : i32
        %dma_wait3A_174 = arith.constant 0 : i32
        %dma_wait3A_175 = tpu.memref_slice %arg24[%dma_wait3A_173, %dma_wait3A_174] : memref<512x32xf32, #tpu.memory_space<vmem>> -> memref<53x32xf32, #tpu.memory_space<vmem>>
        tpu.wait_dma2 semaphore(%run_scoped3A : memref<!tpu.dma_semaphore, #tpu.memory_space<semaphore_mem>>) src(%dma_wait3A_175 : memref<53x32xf32, #tpu.memory_space<vmem>>) dst(%dma_wait3A_172 : memref<53x32xf32, #tpu.memory_space<vmem_shared>>)
        tpu.yield
      }) : () -> ()
      %barrier3A_105 = arith.constant 0 : index
      tpu.barrier barrier_id(%barrier3A_105)
      %scan3A_106 = arith.constant 0 : i32
      %scan3A_107 = arith.constant 14 : i32
      %scan3A_108 = arith.addi %scan3A_106, %scan3A_107 : i32
      %scan3A_109 = arith.constant 1 : i32
      scf.for %scan3A_158 = %scan3A_106 to %scan3A_108 step %scan3A_109  : i32 {
        %mul3A_159 = arith.constant 1 : i32
        %mul3A_160 = arith.muli %scan3A_158, %mul3A_159 : i32
        %add3A_161 = arith.constant 0 : i32
        %add3A_162 = arith.addi %add3A_161, %mul3A_160 : i32
        %mul3A_163 = arith.constant 3584 : i32
        %mul3A_164 = arith.muli %add3A_162, %mul3A_163 : i32
        "tpu.region"() ({
          %run_scoped3A = tpu.sem_alloc : memref<!tpu.dma_semaphore, #tpu.memory_space<semaphore_mem>>
          %dma_start3A = tpu.memref_slice %arg6[%arg1, %mul3A_164] : memref<16x50176xi32, #tpu.memory_space<hbm>> -> memref<1x3584xi32, #tpu.memory_space<hbm>>
          %dma_start3A_174 = tpu.memref_squeeze %dma_start3A : memref<1x3584xi32, #tpu.memory_space<hbm>> -> memref<3584xi32, #tpu.memory_space<hbm>>
          %dma_start3A_175 = tpu.memref_slice %arg6[%arg1, %mul3A_164] : memref<16x50176xi32, #tpu.memory_space<hbm>> -> memref<1x3584xi32, #tpu.memory_space<hbm>>
          %dma_start3A_176 = tpu.memref_squeeze %dma_start3A_175 : memref<1x3584xi32, #tpu.memory_space<hbm>> -> memref<3584xi32, #tpu.memory_space<hbm>>
          tpu.enqueue_dma source(%dma_start3A_176 : memref<3584xi32, #tpu.memory_space<hbm>>) target(%arg21 : memref<3584xi32, #tpu.memory_space<vmem>>) target_semaphore(%run_scoped3A : memref<!tpu.dma_semaphore, #tpu.memory_space<semaphore_mem>>)
          %dma_wait3A = tpu.memref_slice %arg6[%arg1, %mul3A_164] : memref<16x50176xi32, #tpu.memory_space<hbm>> -> memref<1x3584xi32, #tpu.memory_space<hbm>>
          %dma_wait3A_177 = tpu.memref_squeeze %dma_wait3A : memref<1x3584xi32, #tpu.memory_space<hbm>> -> memref<3584xi32, #tpu.memory_space<hbm>>
          %dma_wait3A_178 = tpu.memref_slice %arg6[%arg1, %mul3A_164] : memref<16x50176xi32, #tpu.memory_space<hbm>> -> memref<1x3584xi32, #tpu.memory_space<hbm>>
          %dma_wait3A_179 = tpu.memref_squeeze %dma_wait3A_178 : memref<1x3584xi32, #tpu.memory_space<hbm>> -> memref<3584xi32, #tpu.memory_space<hbm>>
          tpu.wait_dma2 semaphore(%run_scoped3A : memref<!tpu.dma_semaphore, #tpu.memory_space<semaphore_mem>>) src(%dma_wait3A_179 : memref<3584xi32, #tpu.memory_space<hbm>>) dst(%arg21 : memref<3584xi32, #tpu.memory_space<vmem>>)
          tpu.yield
        }) : () -> ()
        %mul3A_165 = arith.constant 3584 : i32
        %mul3A_166 = arith.muli %add3A_162, %mul3A_165 : i32
        "tpu.region"() ({
          %run_scoped3A = tpu.sem_alloc : memref<!tpu.dma_semaphore, #tpu.memory_space<semaphore_mem>>
          %dma_start3A = tpu.memref_slice %arg7[%arg1, %mul3A_166] : memref<16x50176xi32, #tpu.memory_space<hbm>> -> memref<1x3584xi32, #tpu.memory_space<hbm>>
          %dma_start3A_174 = tpu.memref_squeeze %dma_start3A : memref<1x3584xi32, #tpu.memory_space<hbm>> -> memref<3584xi32, #tpu.memory_space<hbm>>
          %dma_start3A_175 = tpu.memref_slice %arg7[%arg1, %mul3A_166] : memref<16x50176xi32, #tpu.memory_space<hbm>> -> memref<1x3584xi32, #tpu.memory_space<hbm>>
          %dma_start3A_176 = tpu.memref_squeeze %dma_start3A_175 : memref<1x3584xi32, #tpu.memory_space<hbm>> -> memref<3584xi32, #tpu.memory_space<hbm>>
          tpu.enqueue_dma source(%dma_start3A_176 : memref<3584xi32, #tpu.memory_space<hbm>>) target(%arg22 : memref<3584xi32, #tpu.memory_space<vmem>>) target_semaphore(%run_scoped3A : memref<!tpu.dma_semaphore, #tpu.memory_space<semaphore_mem>>)
          %dma_wait3A = tpu.memref_slice %arg7[%arg1, %mul3A_166] : memref<16x50176xi32, #tpu.memory_space<hbm>> -> memref<1x3584xi32, #tpu.memory_space<hbm>>
          %dma_wait3A_177 = tpu.memref_squeeze %dma_wait3A : memref<1x3584xi32, #tpu.memory_space<hbm>> -> memref<3584xi32, #tpu.memory_space<hbm>>
          %dma_wait3A_178 = tpu.memref_slice %arg7[%arg1, %mul3A_166] : memref<16x50176xi32, #tpu.memory_space<hbm>> -> memref<1x3584xi32, #tpu.memory_space<hbm>>
          %dma_wait3A_179 = tpu.memref_squeeze %dma_wait3A_178 : memref<1x3584xi32, #tpu.memory_space<hbm>> -> memref<3584xi32, #tpu.memory_space<hbm>>
          tpu.wait_dma2 semaphore(%run_scoped3A : memref<!tpu.dma_semaphore, #tpu.memory_space<semaphore_mem>>) src(%dma_wait3A_179 : memref<3584xi32, #tpu.memory_space<hbm>>) dst(%arg22 : memref<3584xi32, #tpu.memory_space<vmem>>)
          tpu.yield
        }) : () -> ()
        %mul3A_167 = arith.constant 3584 : i32
        %mul3A_168 = arith.muli %add3A_162, %mul3A_167 : i32
        "tpu.region"() ({
          %run_scoped3A = tpu.sem_alloc : memref<!tpu.dma_semaphore, #tpu.memory_space<semaphore_mem>>
          %dma_start3A = tpu.memref_slice %arg8[%arg1, %mul3A_168] : memref<16x50176xf32, #tpu.memory_space<hbm>> -> memref<1x3584xf32, #tpu.memory_space<hbm>>
          %dma_start3A_174 = tpu.memref_squeeze %dma_start3A : memref<1x3584xf32, #tpu.memory_space<hbm>> -> memref<3584xf32, #tpu.memory_space<hbm>>
          %dma_start3A_175 = tpu.memref_slice %arg8[%arg1, %mul3A_168] : memref<16x50176xf32, #tpu.memory_space<hbm>> -> memref<1x3584xf32, #tpu.memory_space<hbm>>
          %dma_start3A_176 = tpu.memref_squeeze %dma_start3A_175 : memref<1x3584xf32, #tpu.memory_space<hbm>> -> memref<3584xf32, #tpu.memory_space<hbm>>
          tpu.enqueue_dma source(%dma_start3A_176 : memref<3584xf32, #tpu.memory_space<hbm>>) target(%arg23 : memref<3584xf32, #tpu.memory_space<vmem>>) target_semaphore(%run_scoped3A : memref<!tpu.dma_semaphore, #tpu.memory_space<semaphore_mem>>)
          %dma_wait3A = tpu.memref_slice %arg8[%arg1, %mul3A_168] : memref<16x50176xf32, #tpu.memory_space<hbm>> -> memref<1x3584xf32, #tpu.memory_space<hbm>>
          %dma_wait3A_177 = tpu.memref_squeeze %dma_wait3A : memref<1x3584xf32, #tpu.memory_space<hbm>> -> memref<3584xf32, #tpu.memory_space<hbm>>
          %dma_wait3A_178 = tpu.memref_slice %arg8[%arg1, %mul3A_168] : memref<16x50176xf32, #tpu.memory_space<hbm>> -> memref<1x3584xf32, #tpu.memory_space<hbm>>
          %dma_wait3A_179 = tpu.memref_squeeze %dma_wait3A_178 : memref<1x3584xf32, #tpu.memory_space<hbm>> -> memref<3584xf32, #tpu.memory_space<hbm>>
          tpu.wait_dma2 semaphore(%run_scoped3A : memref<!tpu.dma_semaphore, #tpu.memory_space<semaphore_mem>>) src(%dma_wait3A_179 : memref<3584xf32, #tpu.memory_space<hbm>>) dst(%arg23 : memref<3584xf32, #tpu.memory_space<vmem>>)
          tpu.yield
        }) : () -> ()
        %scan3A_169 = arith.constant 0 : i32
        %scan3A_170 = arith.constant 7 : i32
        %scan3A_171 = arith.addi %scan3A_169, %scan3A_170 : i32
        %scan3A_172 = arith.constant 1 : i32
        scf.for %scan3A_174 = %scan3A_169 to %scan3A_171 step %scan3A_172  : i32 {
          %mul3A_175 = arith.constant 1 : i32
          %mul3A_176 = arith.muli %scan3A_174, %mul3A_175 : i32
          %add3A_177 = arith.constant 0 : i32
          %add3A_178 = arith.addi %add3A_177, %mul3A_176 : i32
          %mul3A_179 = arith.constant 512 : i32
          %mul3A_180 = arith.muli %add3A_178, %mul3A_179 : i32
          %scan3A_181 = arith.constant 0 : i32
          %scan3A_182 = arith.constant 4 : i32
          %scan3A_183 = arith.addi %scan3A_181, %scan3A_182 : i32
          %scan3A_184 = arith.constant 1 : i32
          scf.for %scan3A_191 = %scan3A_181 to %scan3A_183 step %scan3A_184  : i32 {
            %mul3A_192 = arith.constant 1 : i32
            %mul3A_193 = arith.muli %scan3A_191, %mul3A_192 : i32
            %add3A_194 = arith.constant 0 : i32
            %add3A_195 = arith.addi %add3A_194, %mul3A_193 : i32
            %mul3A_196 = arith.constant 128 : i32
            %mul3A_197 = arith.muli %add3A_195, %mul3A_196 : i32
            %add3A_198 = arith.addi %mul3A_180, %mul3A_197 : i32
            %add3A_199 = arith.constant 0 : i32
            %add3A_200 = arith.addi %add3A_198, %add3A_199 : i32
            %get3A = arith.index_cast %add3A_200 : i32 to index
            %get3A_201 = tpu.vector_load %arg21[%get3A] {strides = array<i32>} : memref<3584xi32, #tpu.memory_space<vmem>>, vector<16xi32>,
            %get3A_202 = vector.shape_cast %get3A_201 : vector<16xi32> to vector<16xi32>
            %add3A_203 = vector.broadcast %mul3A_65 : i32 to vector<16xi32>
            %add3A_204 = arith.addi %get3A_202, %add3A_203 : vector<16xi32>
            %swap3A = arith.index_cast %add3A_200 : i32 to index
            %swap3A_205 = tpu.vector_load %arg21[%swap3A] {strides = array<i32>} : memref<3584xi32, #tpu.memory_space<vmem>>, vector<16xi32>,
            %swap3A_206 = vector.shape_cast %swap3A_205 : vector<16xi32> to vector<16xi32>
            %swap3A_207 = vector.shape_cast %add3A_204 : vector<16xi32> to vector<16xi32>
            tpu.vector_store %arg21[%swap3A], %swap3A_207 {strides = array<i32>} : memref<3584xi32, #tpu.memory_space<vmem>>, vector<16xi32>,
            %mul3A_208 = arith.constant 128 : i32
            %mul3A_209 = arith.muli %add3A_195, %mul3A_208 : i32
            %add3A_210 = arith.addi %mul3A_180, %mul3A_209 : i32
            %add3A_211 = arith.constant 16 : i32
            %add3A_212 = arith.addi %add3A_210, %add3A_211 : i32
            %get3A_213 = arith.index_cast %add3A_212 : i32 to index
            %get3A_214 = tpu.vector_load %arg21[%get3A_213] {strides = array<i32>} : memref<3584xi32, #tpu.memory_space<vmem>>, vector<16xi32>,
            %get3A_215 = vector.shape_cast %get3A_214 : vector<16xi32> to vector<16xi32>
            %add3A_216 = vector.broadcast %mul3A_65 : i32 to vector<16xi32>
            %add3A_217 = arith.addi %get3A_215, %add3A_216 : vector<16xi32>
            %swap3A_218 = arith.index_cast %add3A_212 : i32 to index
            %swap3A_219 = tpu.vector_load %arg21[%swap3A_218] {strides = array<i32>} : memref<3584xi32, #tpu.memory_space<vmem>>, vector<16xi32>,
            %swap3A_220 = vector.shape_cast %swap3A_219 : vector<16xi32> to vector<16xi32>
            %swap3A_221 = vector.shape_cast %add3A_217 : vector<16xi32> to vector<16xi32>
            tpu.vector_store %arg21[%swap3A_218], %swap3A_221 {strides = array<i32>} : memref<3584xi32, #tpu.memory_space<vmem>>, vector<16xi32>,
            %mul3A_222 = arith.constant 128 : i32
            %mul3A_223 = arith.muli %add3A_195, %mul3A_222 : i32
            %add3A_224 = arith.addi %mul3A_180, %mul3A_223 : i32
            %add3A_225 = arith.constant 32 : i32
            %add3A_226 = arith.addi %add3A_224, %add3A_225 : i32
            %get3A_227 = arith.index_cast %add3A_226 : i32 to index
            %get3A_228 = tpu.vector_load %arg21[%get3A_227] {strides = array<i32>} : memref<3584xi32, #tpu.memory_space<vmem>>, vector<16xi32>,
            %get3A_229 = vector.shape_cast %get3A_228 : vector<16xi32> to vector<16xi32>
            %add3A_230 = vector.broadcast %mul3A_65 : i32 to vector<16xi32>
            %add3A_231 = arith.addi %get3A_229, %add3A_230 : vector<16xi32>
            %swap3A_232 = arith.index_cast %add3A_226 : i32 to index
            %swap3A_233 = tpu.vector_load %arg21[%swap3A_232] {strides = array<i32>} : memref<3584xi32, #tpu.memory_space<vmem>>, vector<16xi32>,
            %swap3A_234 = vector.shape_cast %swap3A_233 : vector<16xi32> to vector<16xi32>
            %swap3A_235 = vector.shape_cast %add3A_231 : vector<16xi32> to vector<16xi32>
            tpu.vector_store %arg21[%swap3A_232], %swap3A_235 {strides = array<i32>} : memref<3584xi32, #tpu.memory_space<vmem>>, vector<16xi32>,
            %mul3A_236 = arith.constant 128 : i32
            %mul3A_237 = arith.muli %add3A_195, %mul3A_236 : i32
            %add3A_238 = arith.addi %mul3A_180, %mul3A_237 : i32
            %add3A_239 = arith.constant 48 : i32
            %add3A_240 = arith.addi %add3A_238, %add3A_239 : i32
            %get3A_241 = arith.index_cast %add3A_240 : i32 to index
            %get3A_242 = tpu.vector_load %arg21[%get3A_241] {strides = array<i32>} : memref<3584xi32, #tpu.memory_space<vmem>>, vector<16xi32>,
            %get3A_243 = vector.shape_cast %get3A_242 : vector<16xi32> to vector<16xi32>
            %add3A_244 = vector.broadcast %mul3A_65 : i32 to vector<16xi32>
            %add3A_245 = arith.addi %get3A_243, %add3A_244 : vector<16xi32>
            %swap3A_246 = arith.index_cast %add3A_240 : i32 to index
            %swap3A_247 = tpu.vector_load %arg21[%swap3A_246] {strides = array<i32>} : memref<3584xi32, #tpu.memory_space<vmem>>, vector<16xi32>,
            %swap3A_248 = vector.shape_cast %swap3A_247 : vector<16xi32> to vector<16xi32>
            %swap3A_249 = vector.shape_cast %add3A_245 : vector<16xi32> to vector<16xi32>
            tpu.vector_store %arg21[%swap3A_246], %swap3A_249 {strides = array<i32>} : memref<3584xi32, #tpu.memory_space<vmem>>, vector<16xi32>,
            %mul3A_250 = arith.constant 128 : i32
            %mul3A_251 = arith.muli %add3A_195, %mul3A_250 : i32
            %add3A_252 = arith.addi %mul3A_180, %mul3A_251 : i32
            %add3A_253 = arith.constant 64 : i32
            %add3A_254 = arith.addi %add3A_252, %add3A_253 : i32
            %get3A_255 = arith.index_cast %add3A_254 : i32 to index
            %get3A_256 = tpu.vector_load %arg21[%get3A_255] {strides = array<i32>} : memref<3584xi32, #tpu.memory_space<vmem>>, vector<16xi32>,
            %get3A_257 = vector.shape_cast %get3A_256 : vector<16xi32> to vector<16xi32>
            %add3A_258 = vector.broadcast %mul3A_65 : i32 to vector<16xi32>
            %add3A_259 = arith.addi %get3A_257, %add3A_258 : vector<16xi32>
            %swap3A_260 = arith.index_cast %add3A_254 : i32 to index
            %swap3A_261 = tpu.vector_load %arg21[%swap3A_260] {strides = array<i32>} : memref<3584xi32, #tpu.memory_space<vmem>>, vector<16xi32>,
            %swap3A_262 = vector.shape_cast %swap3A_261 : vector<16xi32> to vector<16xi32>
            %swap3A_263 = vector.shape_cast %add3A_259 : vector<16xi32> to vector<16xi32>
            tpu.vector_store %arg21[%swap3A_260], %swap3A_263 {strides = array<i32>} : memref<3584xi32, #tpu.memory_space<vmem>>, vector<16xi32>,
            %mul3A_264 = arith.constant 128 : i32
            %mul3A_265 = arith.muli %add3A_195, %mul3A_264 : i32
            %add3A_266 = arith.addi %mul3A_180, %mul3A_265 : i32
            %add3A_267 = arith.constant 80 : i32
            %add3A_268 = arith.addi %add3A_266, %add3A_267 : i32
            %get3A_269 = arith.index_cast %add3A_268 : i32 to index
            %get3A_270 = tpu.vector_load %arg21[%get3A_269] {strides = array<i32>} : memref<3584xi32, #tpu.memory_space<vmem>>, vector<16xi32>,
            %get3A_271 = vector.shape_cast %get3A_270 : vector<16xi32> to vector<16xi32>
            %add3A_272 = vector.broadcast %mul3A_65 : i32 to vector<16xi32>
            %add3A_273 = arith.addi %get3A_271, %add3A_272 : vector<16xi32>
            %swap3A_274 = arith.index_cast %add3A_268 : i32 to index
            %swap3A_275 = tpu.vector_load %arg21[%swap3A_274] {strides = array<i32>} : memref<3584xi32, #tpu.memory_space<vmem>>, vector<16xi32>,
            %swap3A_276 = vector.shape_cast %swap3A_275 : vector<16xi32> to vector<16xi32>
            %swap3A_277 = vector.shape_cast %add3A_273 : vector<16xi32> to vector<16xi32>
            tpu.vector_store %arg21[%swap3A_274], %swap3A_277 {strides = array<i32>} : memref<3584xi32, #tpu.memory_space<vmem>>, vector<16xi32>,
            %mul3A_278 = arith.constant 128 : i32
            %mul3A_279 = arith.muli %add3A_195, %mul3A_278 : i32
            %add3A_280 = arith.addi %mul3A_180, %mul3A_279 : i32
            %add3A_281 = arith.constant 96 : i32
            %add3A_282 = arith.addi %add3A_280, %add3A_281 : i32
            %get3A_283 = arith.index_cast %add3A_282 : i32 to index
            %get3A_284 = tpu.vector_load %arg21[%get3A_283] {strides = array<i32>} : memref<3584xi32, #tpu.memory_space<vmem>>, vector<16xi32>,
            %get3A_285 = vector.shape_cast %get3A_284 : vector<16xi32> to vector<16xi32>
            %add3A_286 = vector.broadcast %mul3A_65 : i32 to vector<16xi32>
            %add3A_287 = arith.addi %get3A_285, %add3A_286 : vector<16xi32>
            %swap3A_288 = arith.index_cast %add3A_282 : i32 to index
            %swap3A_289 = tpu.vector_load %arg21[%swap3A_288] {strides = array<i32>} : memref<3584xi32, #tpu.memory_space<vmem>>, vector<16xi32>,
            %swap3A_290 = vector.shape_cast %swap3A_289 : vector<16xi32> to vector<16xi32>
            %swap3A_291 = vector.shape_cast %add3A_287 : vector<16xi32> to vector<16xi32>
            tpu.vector_store %arg21[%swap3A_288], %swap3A_291 {strides = array<i32>} : memref<3584xi32, #tpu.memory_space<vmem>>, vector<16xi32>,
            %mul3A_292 = arith.constant 128 : i32
            %mul3A_293 = arith.muli %add3A_195, %mul3A_292 : i32
            %add3A_294 = arith.addi %mul3A_180, %mul3A_293 : i32
            %add3A_295 = arith.constant 112 : i32
            %add3A_296 = arith.addi %add3A_294, %add3A_295 : i32
            %get3A_297 = arith.index_cast %add3A_296 : i32 to index
            %get3A_298 = tpu.vector_load %arg21[%get3A_297] {strides = array<i32>} : memref<3584xi32, #tpu.memory_space<vmem>>, vector<16xi32>,
            %get3A_299 = vector.shape_cast %get3A_298 : vector<16xi32> to vector<16xi32>
            %add3A_300 = vector.broadcast %mul3A_65 : i32 to vector<16xi32>
            %add3A_301 = arith.addi %get3A_299, %add3A_300 : vector<16xi32>
            %swap3A_302 = arith.index_cast %add3A_296 : i32 to index
            %swap3A_303 = tpu.vector_load %arg21[%swap3A_302] {strides = array<i32>} : memref<3584xi32, #tpu.memory_space<vmem>>, vector<16xi32>,
            %swap3A_304 = vector.shape_cast %swap3A_303 : vector<16xi32> to vector<16xi32>
            %swap3A_305 = vector.shape_cast %add3A_301 : vector<16xi32> to vector<16xi32>
            tpu.vector_store %arg21[%swap3A_302], %swap3A_305 {strides = array<i32>} : memref<3584xi32, #tpu.memory_space<vmem>>, vector<16xi32>,
          }
          %scan3A_185 = arith.constant 4 : i32
          "tpu.region"() ({
            %run_scoped3A = tpu.sem_alloc : memref<!tpu.dma_semaphore, #tpu.memory_space<semaphore_mem>>
            %dma_start3A = tpu.memref_slice %arg21[%mul3A_180] : memref<3584xi32, #tpu.memory_space<vmem>> -> memref<512xi32, #tpu.memory_space<vmem>>
            %dma_start3A_191 = arith.constant 0 : i32
            %dma_start3A_192 = arith.constant 0 : i32
            %dma_start3A_193 = tpu.memref_slice %arg18[%dma_start3A_191, %dma_start3A_192] : memref<100000x32xf32, #tpu.memory_space<hbm>> -> memref<100000x32xf32, #tpu.memory_space<hbm>>
            tpu.enqueue_indirect_dma source(%dma_start3A_193 : memref<100000x32xf32, #tpu.memory_space<hbm>>) target(%arg24 : memref<512x32xf32, #tpu.memory_space<vmem>>) offsets(%dma_start3A : memref<512xi32, #tpu.memory_space<vmem>>) semaphore(%run_scoped3A : memref<!tpu.dma_semaphore, #tpu.memory_space<semaphore_mem>>)
            %dma_wait3A = tpu.memref_slice %arg21[%mul3A_180] : memref<3584xi32, #tpu.memory_space<vmem>> -> memref<512xi32, #tpu.memory_space<vmem>>
            %dma_wait3A_194 = arith.constant 0 : i32
            %dma_wait3A_195 = arith.constant 0 : i32
            %dma_wait3A_196 = tpu.memref_slice %arg18[%dma_wait3A_194, %dma_wait3A_195] : memref<100000x32xf32, #tpu.memory_space<hbm>> -> memref<100000x32xf32, #tpu.memory_space<hbm>>
            tpu.wait_indirect_dma semaphore(%run_scoped3A : memref<!tpu.dma_semaphore, #tpu.memory_space<semaphore_mem>>) src(%dma_wait3A_196 : memref<100000x32xf32, #tpu.memory_space<hbm>>) dst(%arg24 : memref<512x32xf32, #tpu.memory_space<vmem>>)
            tpu.yield
          }) : () -> ()
          %scan3A_186 = arith.constant 0 : i32
          %scan3A_187 = arith.constant 32 : i32
          %scan3A_188 = arith.addi %scan3A_186, %scan3A_187 : i32
          %scan3A_189 = arith.constant 1 : i32
          scf.for %scan3A_191 = %scan3A_186 to %scan3A_188 step %scan3A_189  : i32 {
            %mul3A_192 = arith.constant 1 : i32
            %mul3A_193 = arith.muli %scan3A_191, %mul3A_192 : i32
            %add3A_194 = arith.constant 0 : i32
            %add3A_195 = arith.addi %add3A_194, %mul3A_193 : i32
            %mul3A_196 = arith.constant 16 : i32
            %mul3A_197 = arith.muli %add3A_195, %mul3A_196 : i32
            %add3A_198 = arith.addi %mul3A_180, %mul3A_197 : i32
            %get3A = arith.index_cast %add3A_198 : i32 to index
            %get3A_199 = tpu.vector_load %arg23[%get3A] {strides = array<i32>} : memref<3584xf32, #tpu.memory_space<vmem>>, vector<16xf32>,
            %get3A_200 = vector.shape_cast %get3A_199 : vector<16xf32> to vector<16xf32>
            %mul3A_201 = arith.constant 5.000000e-01 : f32
            %mul3A_202 = vector.broadcast %mul3A_201 : f32 to vector<16xf32>
            %mul3A_203 = arith.mulf %get3A_200, %mul3A_202 : vector<16xf32>
            %gather3A = vector.shape_cast %broadcast_in_dim3A : vector<16x1xi32> to vector<16xi32>
            %gather3A_204 = tpu.dynamic_gather %mul3A_203[%gather3A] in [0] : vector<16xf32>, vector<16xi32> -> vector<16xf32>
            %mul3A_205 = arith.constant 16 : i32
            %mul3A_206 = arith.muli %add3A_195, %mul3A_205 : i32
            %add3A_207 = arith.constant 0 : i32
            %add3A_208 = arith.addi %mul3A_206, %add3A_207 : i32
            %get3A_209 = arith.index_cast %add3A_208 : i32 to index
            %get3A_210 = arith.constant 0 : index
            %get3A_211 = tpu.vector_load %arg24[%get3A_209, %get3A_210] {strides = array<i32>} : memref<512x32xf32, #tpu.memory_space<vmem>>, vector<1x16xf32>,
            %get3A_212 = vector.shape_cast %get3A_211 : vector<1x16xf32> to vector<16xf32>
            %mul3A_213 = arith.mulf %get3A_212, %gather3A_204 : vector<16xf32>
            %swap3A = arith.index_cast %add3A_208 : i32 to index
            %swap3A_214 = arith.constant 0 : index
            %swap3A_215 = tpu.vector_load %arg24[%swap3A, %swap3A_214] {strides = array<i32>} : memref<512x32xf32, #tpu.memory_space<vmem>>, vector<1x16xf32>,
            %swap3A_216 = vector.shape_cast %swap3A_215 : vector<1x16xf32> to vector<16xf32>
            %swap3A_217 = vector.shape_cast %mul3A_213 : vector<16xf32> to vector<1x16xf32>
            tpu.vector_store %arg24[%swap3A, %swap3A_214], %swap3A_217 {strides = array<i32>} : memref<512x32xf32, #tpu.memory_space<vmem>>, vector<1x16xf32>,
            %get3A_218 = arith.index_cast %add3A_208 : i32 to index
            %get3A_219 = arith.constant 16 : index
            %get3A_220 = tpu.vector_load %arg24[%get3A_218, %get3A_219] {strides = array<i32>} : memref<512x32xf32, #tpu.memory_space<vmem>>, vector<1x16xf32>,
            %get3A_221 = vector.shape_cast %get3A_220 : vector<1x16xf32> to vector<16xf32>
            %mul3A_222 = arith.mulf %get3A_221, %gather3A_204 : vector<16xf32>
            %swap3A_223 = arith.index_cast %add3A_208 : i32 to index
            %swap3A_224 = arith.constant 16 : index
            %swap3A_225 = tpu.vector_load %arg24[%swap3A_223, %swap3A_224] {strides = array<i32>} : memref<512x32xf32, #tpu.memory_space<vmem>>, vector<1x16xf32>,
            %swap3A_226 = vector.shape_cast %swap3A_225 : vector<1x16xf32> to vector<16xf32>
            %swap3A_227 = vector.shape_cast %mul3A_222 : vector<16xf32> to vector<1x16xf32>
            tpu.vector_store %arg24[%swap3A_223, %swap3A_224], %swap3A_227 {strides = array<i32>} : memref<512x32xf32, #tpu.memory_space<vmem>>, vector<1x16xf32>,
            %gather3A_228 = vector.shape_cast %broadcast_in_dim3A_7 : vector<16x1xi32> to vector<16xi32>
            %gather3A_229 = tpu.dynamic_gather %mul3A_203[%gather3A_228] in [0] : vector<16xf32>, vector<16xi32> -> vector<16xf32>
            %mul3A_230 = arith.constant 16 : i32
            %mul3A_231 = arith.muli %add3A_195, %mul3A_230 : i32
            %add3A_232 = arith.constant 1 : i32
            %add3A_233 = arith.addi %mul3A_231, %add3A_232 : i32
            %get3A_234 = arith.index_cast %add3A_233 : i32 to index
            %get3A_235 = arith.constant 0 : index
            %get3A_236 = tpu.vector_load %arg24[%get3A_234, %get3A_235] {strides = array<i32>} : memref<512x32xf32, #tpu.memory_space<vmem>>, vector<1x16xf32>,
            %get3A_237 = vector.shape_cast %get3A_236 : vector<1x16xf32> to vector<16xf32>
            %mul3A_238 = arith.mulf %get3A_237, %gather3A_229 : vector<16xf32>
            %swap3A_239 = arith.index_cast %add3A_233 : i32 to index
            %swap3A_240 = arith.constant 0 : index
            %swap3A_241 = tpu.vector_load %arg24[%swap3A_239, %swap3A_240] {strides = array<i32>} : memref<512x32xf32, #tpu.memory_space<vmem>>, vector<1x16xf32>,
            %swap3A_242 = vector.shape_cast %swap3A_241 : vector<1x16xf32> to vector<16xf32>
            %swap3A_243 = vector.shape_cast %mul3A_238 : vector<16xf32> to vector<1x16xf32>
            tpu.vector_store %arg24[%swap3A_239, %swap3A_240], %swap3A_243 {strides = array<i32>} : memref<512x32xf32, #tpu.memory_space<vmem>>, vector<1x16xf32>,
            %get3A_244 = arith.index_cast %add3A_233 : i32 to index
            %get3A_245 = arith.constant 16 : index
            %get3A_246 = tpu.vector_load %arg24[%get3A_244, %get3A_245] {strides = array<i32>} : memref<512x32xf32, #tpu.memory_space<vmem>>, vector<1x16xf32>,
            %get3A_247 = vector.shape_cast %get3A_246 : vector<1x16xf32> to vector<16xf32>
            %mul3A_248 = arith.mulf %get3A_247, %gather3A_229 : vector<16xf32>
            %swap3A_249 = arith.index_cast %add3A_233 : i32 to index
            %swap3A_250 = arith.constant 16 : index
            %swap3A_251 = tpu.vector_load %arg24[%swap3A_249, %swap3A_250] {strides = array<i32>} : memref<512x32xf32, #tpu.memory_space<vmem>>, vector<1x16xf32>,
            %swap3A_252 = vector.shape_cast %swap3A_251 : vector<1x16xf32> to vector<16xf32>
            %swap3A_253 = vector.shape_cast %mul3A_248 : vector<16xf32> to vector<1x16xf32>
            tpu.vector_store %arg24[%swap3A_249, %swap3A_250], %swap3A_253 {strides = array<i32>} : memref<512x32xf32, #tpu.memory_space<vmem>>, vector<1x16xf32>,
            %gather3A_254 = vector.shape_cast %broadcast_in_dim3A_11 : vector<16x1xi32> to vector<16xi32>
            %gather3A_255 = tpu.dynamic_gather %mul3A_203[%gather3A_254] in [0] : vector<16xf32>, vector<16xi32> -> vector<16xf32>
            %mul3A_256 = arith.constant 16 : i32
            %mul3A_257 = arith.muli %add3A_195, %mul3A_256 : i32
            %add3A_258 = arith.constant 2 : i32
            %add3A_259 = arith.addi %mul3A_257, %add3A_258 : i32
            %get3A_260 = arith.index_cast %add3A_259 : i32 to index
            %get3A_261 = arith.constant 0 : index
            %get3A_262 = tpu.vector_load %arg24[%get3A_260, %get3A_261] {strides = array<i32>} : memref<512x32xf32, #tpu.memory_space<vmem>>, vector<1x16xf32>,
            %get3A_263 = vector.shape_cast %get3A_262 : vector<1x16xf32> to vector<16xf32>
            %mul3A_264 = arith.mulf %get3A_263, %gather3A_255 : vector<16xf32>
            %swap3A_265 = arith.index_cast %add3A_259 : i32 to index
            %swap3A_266 = arith.constant 0 : index
            %swap3A_267 = tpu.vector_load %arg24[%swap3A_265, %swap3A_266] {strides = array<i32>} : memref<512x32xf32, #tpu.memory_space<vmem>>, vector<1x16xf32>,
            %swap3A_268 = vector.shape_cast %swap3A_267 : vector<1x16xf32> to vector<16xf32>
            %swap3A_269 = vector.shape_cast %mul3A_264 : vector<16xf32> to vector<1x16xf32>
            tpu.vector_store %arg24[%swap3A_265, %swap3A_266], %swap3A_269 {strides = array<i32>} : memref<512x32xf32, #tpu.memory_space<vmem>>, vector<1x16xf32>,
            %get3A_270 = arith.index_cast %add3A_259 : i32 to index
            %get3A_271 = arith.constant 16 : index
            %get3A_272 = tpu.vector_load %arg24[%get3A_270, %get3A_271] {strides = array<i32>} : memref<512x32xf32, #tpu.memory_space<vmem>>, vector<1x16xf32>,
            %get3A_273 = vector.shape_cast %get3A_272 : vector<1x16xf32> to vector<16xf32>
            %mul3A_274 = arith.mulf %get3A_273, %gather3A_255 : vector<16xf32>
            %swap3A_275 = arith.index_cast %add3A_259 : i32 to index
            %swap3A_276 = arith.constant 16 : index
            %swap3A_277 = tpu.vector_load %arg24[%swap3A_275, %swap3A_276] {strides = array<i32>} : memref<512x32xf32, #tpu.memory_space<vmem>>, vector<1x16xf32>,
            %swap3A_278 = vector.shape_cast %swap3A_277 : vector<1x16xf32> to vector<16xf32>
            %swap3A_279 = vector.shape_cast %mul3A_274 : vector<16xf32> to vector<1x16xf32>
            tpu.vector_store %arg24[%swap3A_275, %swap3A_276], %swap3A_279 {strides = array<i32>} : memref<512x32xf32, #tpu.memory_space<vmem>>, vector<1x16xf32>,
            %gather3A_280 = vector.shape_cast %broadcast_in_dim3A_15 : vector<16x1xi32> to vector<16xi32>
            %gather3A_281 = tpu.dynamic_gather %mul3A_203[%gather3A_280] in [0] : vector<16xf32>, vector<16xi32> -> vector<16xf32>
            %mul3A_282 = arith.constant 16 : i32
            %mul3A_283 = arith.muli %add3A_195, %mul3A_282 : i32
            %add3A_284 = arith.constant 3 : i32
            %add3A_285 = arith.addi %mul3A_283, %add3A_284 : i32
            %get3A_286 = arith.index_cast %add3A_285 : i32 to index
            %get3A_287 = arith.constant 0 : index
            %get3A_288 = tpu.vector_load %arg24[%get3A_286, %get3A_287] {strides = array<i32>} : memref<512x32xf32, #tpu.memory_space<vmem>>, vector<1x16xf32>,
            %get3A_289 = vector.shape_cast %get3A_288 : vector<1x16xf32> to vector<16xf32>
            %mul3A_290 = arith.mulf %get3A_289, %gather3A_281 : vector<16xf32>
            %swap3A_291 = arith.index_cast %add3A_285 : i32 to index
            %swap3A_292 = arith.constant 0 : index
            %swap3A_293 = tpu.vector_load %arg24[%swap3A_291, %swap3A_292] {strides = array<i32>} : memref<512x32xf32, #tpu.memory_space<vmem>>, vector<1x16xf32>,
            %swap3A_294 = vector.shape_cast %swap3A_293 : vector<1x16xf32> to vector<16xf32>
            %swap3A_295 = vector.shape_cast %mul3A_290 : vector<16xf32> to vector<1x16xf32>
            tpu.vector_store %arg24[%swap3A_291, %swap3A_292], %swap3A_295 {strides = array<i32>} : memref<512x32xf32, #tpu.memory_space<vmem>>, vector<1x16xf32>,
            %get3A_296 = arith.index_cast %add3A_285 : i32 to index
            %get3A_297 = arith.constant 16 : index
            %get3A_298 = tpu.vector_load %arg24[%get3A_296, %get3A_297] {strides = array<i32>} : memref<512x32xf32, #tpu.memory_space<vmem>>, vector<1x16xf32>,
            %get3A_299 = vector.shape_cast %get3A_298 : vector<1x16xf32> to vector<16xf32>
            %mul3A_300 = arith.mulf %get3A_299, %gather3A_281 : vector<16xf32>
            %swap3A_301 = arith.index_cast %add3A_285 : i32 to index
            %swap3A_302 = arith.constant 16 : index
            %swap3A_303 = tpu.vector_load %arg24[%swap3A_301, %swap3A_302] {strides = array<i32>} : memref<512x32xf32, #tpu.memory_space<vmem>>, vector<1x16xf32>,
            %swap3A_304 = vector.shape_cast %swap3A_303 : vector<1x16xf32> to vector<16xf32>
            %swap3A_305 = vector.shape_cast %mul3A_300 : vector<16xf32> to vector<1x16xf32>
            tpu.vector_store %arg24[%swap3A_301, %swap3A_302], %swap3A_305 {strides = array<i32>} : memref<512x32xf32, #tpu.memory_space<vmem>>, vector<1x16xf32>,
            %gather3A_306 = vector.shape_cast %broadcast_in_dim3A_19 : vector<16x1xi32> to vector<16xi32>
            %gather3A_307 = tpu.dynamic_gather %mul3A_203[%gather3A_306] in [0] : vector<16xf32>, vector<16xi32> -> vector<16xf32>
            %mul3A_308 = arith.constant 16 : i32
            %mul3A_309 = arith.muli %add3A_195, %mul3A_308 : i32
            %add3A_310 = arith.constant 4 : i32
            %add3A_311 = arith.addi %mul3A_309, %add3A_310 : i32
            %get3A_312 = arith.index_cast %add3A_311 : i32 to index
            %get3A_313 = arith.constant 0 : index
            %get3A_314 = tpu.vector_load %arg24[%get3A_312, %get3A_313] {strides = array<i32>} : memref<512x32xf32, #tpu.memory_space<vmem>>, vector<1x16xf32>,
            %get3A_315 = vector.shape_cast %get3A_314 : vector<1x16xf32> to vector<16xf32>
            %mul3A_316 = arith.mulf %get3A_315, %gather3A_307 : vector<16xf32>
            %swap3A_317 = arith.index_cast %add3A_311 : i32 to index
            %swap3A_318 = arith.constant 0 : index
            %swap3A_319 = tpu.vector_load %arg24[%swap3A_317, %swap3A_318] {strides = array<i32>} : memref<512x32xf32, #tpu.memory_space<vmem>>, vector<1x16xf32>,
            %swap3A_320 = vector.shape_cast %swap3A_319 : vector<1x16xf32> to vector<16xf32>
            %swap3A_321 = vector.shape_cast %mul3A_316 : vector<16xf32> to vector<1x16xf32>
            tpu.vector_store %arg24[%swap3A_317, %swap3A_318], %swap3A_321 {strides = array<i32>} : memref<512x32xf32, #tpu.memory_space<vmem>>, vector<1x16xf32>,
            %get3A_322 = arith.index_cast %add3A_311 : i32 to index
            %get3A_323 = arith.constant 16 : index
            %get3A_324 = tpu.vector_load %arg24[%get3A_322, %get3A_323] {strides = array<i32>} : memref<512x32xf32, #tpu.memory_space<vmem>>, vector<1x16xf32>,
            %get3A_325 = vector.shape_cast %get3A_324 : vector<1x16xf32> to vector<16xf32>
            %mul3A_326 = arith.mulf %get3A_325, %gather3A_307 : vector<16xf32>
            %swap3A_327 = arith.index_cast %add3A_311 : i32 to index
            %swap3A_328 = arith.constant 16 : index
            %swap3A_329 = tpu.vector_load %arg24[%swap3A_327, %swap3A_328] {strides = array<i32>} : memref<512x32xf32, #tpu.memory_space<vmem>>, vector<1x16xf32>,
            %swap3A_330 = vector.shape_cast %swap3A_329 : vector<1x16xf32> to vector<16xf32>
            %swap3A_331 = vector.shape_cast %mul3A_326 : vector<16xf32> to vector<1x16xf32>
            tpu.vector_store %arg24[%swap3A_327, %swap3A_328], %swap3A_331 {strides = array<i32>} : memref<512x32xf32, #tpu.memory_space<vmem>>, vector<1x16xf32>,
            %gather3A_332 = vector.shape_cast %broadcast_in_dim3A_23 : vector<16x1xi32> to vector<16xi32>
            %gather3A_333 = tpu.dynamic_gather %mul3A_203[%gather3A_332] in [0] : vector<16xf32>, vector<16xi32> -> vector<16xf32>
            %mul3A_334 = arith.constant 16 : i32
            %mul3A_335 = arith.muli %add3A_195, %mul3A_334 : i32
            %add3A_336 = arith.constant 5 : i32
            %add3A_337 = arith.addi %mul3A_335, %add3A_336 : i32
            %get3A_338 = arith.index_cast %add3A_337 : i32 to index
            %get3A_339 = arith.constant 0 : index
            %get3A_340 = tpu.vector_load %arg24[%get3A_338, %get3A_339] {strides = array<i32>} : memref<512x32xf32, #tpu.memory_space<vmem>>, vector<1x16xf32>,
            %get3A_341 = vector.shape_cast %get3A_340 : vector<1x16xf32> to vector<16xf32>
            %mul3A_342 = arith.mulf %get3A_341, %gather3A_333 : vector<16xf32>
            %swap3A_343 = arith.index_cast %add3A_337 : i32 to index
            %swap3A_344 = arith.constant 0 : index
            %swap3A_345 = tpu.vector_load %arg24[%swap3A_343, %swap3A_344] {strides = array<i32>} : memref<512x32xf32, #tpu.memory_space<vmem>>, vector<1x16xf32>,
            %swap3A_346 = vector.shape_cast %swap3A_345 : vector<1x16xf32> to vector<16xf32>
            %swap3A_347 = vector.shape_cast %mul3A_342 : vector<16xf32> to vector<1x16xf32>
            tpu.vector_store %arg24[%swap3A_343, %swap3A_344], %swap3A_347 {strides = array<i32>} : memref<512x32xf32, #tpu.memory_space<vmem>>, vector<1x16xf32>,
            %get3A_348 = arith.index_cast %add3A_337 : i32 to index
            %get3A_349 = arith.constant 16 : index
            %get3A_350 = tpu.vector_load %arg24[%get3A_348, %get3A_349] {strides = array<i32>} : memref<512x32xf32, #tpu.memory_space<vmem>>, vector<1x16xf32>,
            %get3A_351 = vector.shape_cast %get3A_350 : vector<1x16xf32> to vector<16xf32>
            %mul3A_352 = arith.mulf %get3A_351, %gather3A_333 : vector<16xf32>
            %swap3A_353 = arith.index_cast %add3A_337 : i32 to index
            %swap3A_354 = arith.constant 16 : index
            %swap3A_355 = tpu.vector_load %arg24[%swap3A_353, %swap3A_354] {strides = array<i32>} : memref<512x32xf32, #tpu.memory_space<vmem>>, vector<1x16xf32>,
            %swap3A_356 = vector.shape_cast %swap3A_355 : vector<1x16xf32> to vector<16xf32>
            %swap3A_357 = vector.shape_cast %mul3A_352 : vector<16xf32> to vector<1x16xf32>
            tpu.vector_store %arg24[%swap3A_353, %swap3A_354], %swap3A_357 {strides = array<i32>} : memref<512x32xf32, #tpu.memory_space<vmem>>, vector<1x16xf32>,
            %gather3A_358 = vector.shape_cast %broadcast_in_dim3A_27 : vector<16x1xi32> to vector<16xi32>
            %gather3A_359 = tpu.dynamic_gather %mul3A_203[%gather3A_358] in [0] : vector<16xf32>, vector<16xi32> -> vector<16xf32>
            %mul3A_360 = arith.constant 16 : i32
            %mul3A_361 = arith.muli %add3A_195, %mul3A_360 : i32
            %add3A_362 = arith.constant 6 : i32
            %add3A_363 = arith.addi %mul3A_361, %add3A_362 : i32
            %get3A_364 = arith.index_cast %add3A_363 : i32 to index
            %get3A_365 = arith.constant 0 : index
            %get3A_366 = tpu.vector_load %arg24[%get3A_364, %get3A_365] {strides = array<i32>} : memref<512x32xf32, #tpu.memory_space<vmem>>, vector<1x16xf32>,
            %get3A_367 = vector.shape_cast %get3A_366 : vector<1x16xf32> to vector<16xf32>
            %mul3A_368 = arith.mulf %get3A_367, %gather3A_359 : vector<16xf32>
            %swap3A_369 = arith.index_cast %add3A_363 : i32 to index
            %swap3A_370 = arith.constant 0 : index
            %swap3A_371 = tpu.vector_load %arg24[%swap3A_369, %swap3A_370] {strides = array<i32>} : memref<512x32xf32, #tpu.memory_space<vmem>>, vector<1x16xf32>,
            %swap3A_372 = vector.shape_cast %swap3A_371 : vector<1x16xf32> to vector<16xf32>
            %swap3A_373 = vector.shape_cast %mul3A_368 : vector<16xf32> to vector<1x16xf32>
            tpu.vector_store %arg24[%swap3A_369, %swap3A_370], %swap3A_373 {strides = array<i32>} : memref<512x32xf32, #tpu.memory_space<vmem>>, vector<1x16xf32>,
            %get3A_374 = arith.index_cast %add3A_363 : i32 to index
            %get3A_375 = arith.constant 16 : index
            %get3A_376 = tpu.vector_load %arg24[%get3A_374, %get3A_375] {strides = array<i32>} : memref<512x32xf32, #tpu.memory_space<vmem>>, vector<1x16xf32>,
            %get3A_377 = vector.shape_cast %get3A_376 : vector<1x16xf32> to vector<16xf32>
            %mul3A_378 = arith.mulf %get3A_377, %gather3A_359 : vector<16xf32>
            %swap3A_379 = arith.index_cast %add3A_363 : i32 to index
            %swap3A_380 = arith.constant 16 : index
            %swap3A_381 = tpu.vector_load %arg24[%swap3A_379, %swap3A_380] {strides = array<i32>} : memref<512x32xf32, #tpu.memory_space<vmem>>, vector<1x16xf32>,
            %swap3A_382 = vector.shape_cast %swap3A_381 : vector<1x16xf32> to vector<16xf32>
            %swap3A_383 = vector.shape_cast %mul3A_378 : vector<16xf32> to vector<1x16xf32>
            tpu.vector_store %arg24[%swap3A_379, %swap3A_380], %swap3A_383 {strides = array<i32>} : memref<512x32xf32, #tpu.memory_space<vmem>>, vector<1x16xf32>,
            %gather3A_384 = vector.shape_cast %broadcast_in_dim3A_31 : vector<16x1xi32> to vector<16xi32>
            %gather3A_385 = tpu.dynamic_gather %mul3A_203[%gather3A_384] in [0] : vector<16xf32>, vector<16xi32> -> vector<16xf32>
            %mul3A_386 = arith.constant 16 : i32
            %mul3A_387 = arith.muli %add3A_195, %mul3A_386 : i32
            %add3A_388 = arith.constant 7 : i32
            %add3A_389 = arith.addi %mul3A_387, %add3A_388 : i32
            %get3A_390 = arith.index_cast %add3A_389 : i32 to index
            %get3A_391 = arith.constant 0 : index
            %get3A_392 = tpu.vector_load %arg24[%get3A_390, %get3A_391] {strides = array<i32>} : memref<512x32xf32, #tpu.memory_space<vmem>>, vector<1x16xf32>,
            %get3A_393 = vector.shape_cast %get3A_392 : vector<1x16xf32> to vector<16xf32>
            %mul3A_394 = arith.mulf %get3A_393, %gather3A_385 : vector<16xf32>
            %swap3A_395 = arith.index_cast %add3A_389 : i32 to index
            %swap3A_396 = arith.constant 0 : index
            %swap3A_397 = tpu.vector_load %arg24[%swap3A_395, %swap3A_396] {strides = array<i32>} : memref<512x32xf32, #tpu.memory_space<vmem>>, vector<1x16xf32>,
            %swap3A_398 = vector.shape_cast %swap3A_397 : vector<1x16xf32> to vector<16xf32>
            %swap3A_399 = vector.shape_cast %mul3A_394 : vector<16xf32> to vector<1x16xf32>
            tpu.vector_store %arg24[%swap3A_395, %swap3A_396], %swap3A_399 {strides = array<i32>} : memref<512x32xf32, #tpu.memory_space<vmem>>, vector<1x16xf32>,
            %get3A_400 = arith.index_cast %add3A_389 : i32 to index
            %get3A_401 = arith.constant 16 : index
            %get3A_402 = tpu.vector_load %arg24[%get3A_400, %get3A_401] {strides = array<i32>} : memref<512x32xf32, #tpu.memory_space<vmem>>, vector<1x16xf32>,
            %get3A_403 = vector.shape_cast %get3A_402 : vector<1x16xf32> to vector<16xf32>
            %mul3A_404 = arith.mulf %get3A_403, %gather3A_385 : vector<16xf32>
            %swap3A_405 = arith.index_cast %add3A_389 : i32 to index
            %swap3A_406 = arith.constant 16 : index
            %swap3A_407 = tpu.vector_load %arg24[%swap3A_405, %swap3A_406] {strides = array<i32>} : memref<512x32xf32, #tpu.memory_space<vmem>>, vector<1x16xf32>,
            %swap3A_408 = vector.shape_cast %swap3A_407 : vector<1x16xf32> to vector<16xf32>
            %swap3A_409 = vector.shape_cast %mul3A_404 : vector<16xf32> to vector<1x16xf32>
            tpu.vector_store %arg24[%swap3A_405, %swap3A_406], %swap3A_409 {strides = array<i32>} : memref<512x32xf32, #tpu.memory_space<vmem>>, vector<1x16xf32>,
            %gather3A_410 = vector.shape_cast %broadcast_in_dim3A_35 : vector<16x1xi32> to vector<16xi32>
            %gather3A_411 = tpu.dynamic_gather %mul3A_203[%gather3A_410] in [0] : vector<16xf32>, vector<16xi32> -> vector<16xf32>
            %mul3A_412 = arith.constant 16 : i32
            %mul3A_413 = arith.muli %add3A_195, %mul3A_412 : i32
            %add3A_414 = arith.constant 8 : i32
            %add3A_415 = arith.addi %mul3A_413, %add3A_414 : i32
            %get3A_416 = arith.index_cast %add3A_415 : i32 to index
            %get3A_417 = arith.constant 0 : index
            %get3A_418 = tpu.vector_load %arg24[%get3A_416, %get3A_417] {strides = array<i32>} : memref<512x32xf32, #tpu.memory_space<vmem>>, vector<1x16xf32>,
            %get3A_419 = vector.shape_cast %get3A_418 : vector<1x16xf32> to vector<16xf32>
            %mul3A_420 = arith.mulf %get3A_419, %gather3A_411 : vector<16xf32>
            %swap3A_421 = arith.index_cast %add3A_415 : i32 to index
            %swap3A_422 = arith.constant 0 : index
            %swap3A_423 = tpu.vector_load %arg24[%swap3A_421, %swap3A_422] {strides = array<i32>} : memref<512x32xf32, #tpu.memory_space<vmem>>, vector<1x16xf32>,
            %swap3A_424 = vector.shape_cast %swap3A_423 : vector<1x16xf32> to vector<16xf32>
            %swap3A_425 = vector.shape_cast %mul3A_420 : vector<16xf32> to vector<1x16xf32>
            tpu.vector_store %arg24[%swap3A_421, %swap3A_422], %swap3A_425 {strides = array<i32>} : memref<512x32xf32, #tpu.memory_space<vmem>>, vector<1x16xf32>,
            %get3A_426 = arith.index_cast %add3A_415 : i32 to index
            %get3A_427 = arith.constant 16 : index
            %get3A_428 = tpu.vector_load %arg24[%get3A_426, %get3A_427] {strides = array<i32>} : memref<512x32xf32, #tpu.memory_space<vmem>>, vector<1x16xf32>,
            %get3A_429 = vector.shape_cast %get3A_428 : vector<1x16xf32> to vector<16xf32>
            %mul3A_430 = arith.mulf %get3A_429, %gather3A_411 : vector<16xf32>
            %swap3A_431 = arith.index_cast %add3A_415 : i32 to index
            %swap3A_432 = arith.constant 16 : index
            %swap3A_433 = tpu.vector_load %arg24[%swap3A_431, %swap3A_432] {strides = array<i32>} : memref<512x32xf32, #tpu.memory_space<vmem>>, vector<1x16xf32>,
            %swap3A_434 = vector.shape_cast %swap3A_433 : vector<1x16xf32> to vector<16xf32>
            %swap3A_435 = vector.shape_cast %mul3A_430 : vector<16xf32> to vector<1x16xf32>
            tpu.vector_store %arg24[%swap3A_431, %swap3A_432], %swap3A_435 {strides = array<i32>} : memref<512x32xf32, #tpu.memory_space<vmem>>, vector<1x16xf32>,
            %gather3A_436 = vector.shape_cast %broadcast_in_dim3A_39 : vector<16x1xi32> to vector<16xi32>
            %gather3A_437 = tpu.dynamic_gather %mul3A_203[%gather3A_436] in [0] : vector<16xf32>, vector<16xi32> -> vector<16xf32>
            %mul3A_438 = arith.constant 16 : i32
            %mul3A_439 = arith.muli %add3A_195, %mul3A_438 : i32
            %add3A_440 = arith.constant 9 : i32
            %add3A_441 = arith.addi %mul3A_439, %add3A_440 : i32
            %get3A_442 = arith.index_cast %add3A_441 : i32 to index
            %get3A_443 = arith.constant 0 : index
            %get3A_444 = tpu.vector_load %arg24[%get3A_442, %get3A_443] {strides = array<i32>} : memref<512x32xf32, #tpu.memory_space<vmem>>, vector<1x16xf32>,
            %get3A_445 = vector.shape_cast %get3A_444 : vector<1x16xf32> to vector<16xf32>
            %mul3A_446 = arith.mulf %get3A_445, %gather3A_437 : vector<16xf32>
            %swap3A_447 = arith.index_cast %add3A_441 : i32 to index
            %swap3A_448 = arith.constant 0 : index
            %swap3A_449 = tpu.vector_load %arg24[%swap3A_447, %swap3A_448] {strides = array<i32>} : memref<512x32xf32, #tpu.memory_space<vmem>>, vector<1x16xf32>,
            %swap3A_450 = vector.shape_cast %swap3A_449 : vector<1x16xf32> to vector<16xf32>
            %swap3A_451 = vector.shape_cast %mul3A_446 : vector<16xf32> to vector<1x16xf32>
            tpu.vector_store %arg24[%swap3A_447, %swap3A_448], %swap3A_451 {strides = array<i32>} : memref<512x32xf32, #tpu.memory_space<vmem>>, vector<1x16xf32>,
            %get3A_452 = arith.index_cast %add3A_441 : i32 to index
            %get3A_453 = arith.constant 16 : index
            %get3A_454 = tpu.vector_load %arg24[%get3A_452, %get3A_453] {strides = array<i32>} : memref<512x32xf32, #tpu.memory_space<vmem>>, vector<1x16xf32>,
            %get3A_455 = vector.shape_cast %get3A_454 : vector<1x16xf32> to vector<16xf32>
            %mul3A_456 = arith.mulf %get3A_455, %gather3A_437 : vector<16xf32>
            %swap3A_457 = arith.index_cast %add3A_441 : i32 to index
            %swap3A_458 = arith.constant 16 : index
            %swap3A_459 = tpu.vector_load %arg24[%swap3A_457, %swap3A_458] {strides = array<i32>} : memref<512x32xf32, #tpu.memory_space<vmem>>, vector<1x16xf32>,
            %swap3A_460 = vector.shape_cast %swap3A_459 : vector<1x16xf32> to vector<16xf32>
            %swap3A_461 = vector.shape_cast %mul3A_456 : vector<16xf32> to vector<1x16xf32>
            tpu.vector_store %arg24[%swap3A_457, %swap3A_458], %swap3A_461 {strides = array<i32>} : memref<512x32xf32, #tpu.memory_space<vmem>>, vector<1x16xf32>,
            %gather3A_462 = vector.shape_cast %broadcast_in_dim3A_43 : vector<16x1xi32> to vector<16xi32>
            %gather3A_463 = tpu.dynamic_gather %mul3A_203[%gather3A_462] in [0] : vector<16xf32>, vector<16xi32> -> vector<16xf32>
            %mul3A_464 = arith.constant 16 : i32
            %mul3A_465 = arith.muli %add3A_195, %mul3A_464 : i32
            %add3A_466 = arith.constant 10 : i32
            %add3A_467 = arith.addi %mul3A_465, %add3A_466 : i32
            %get3A_468 = arith.index_cast %add3A_467 : i32 to index
            %get3A_469 = arith.constant 0 : index
            %get3A_470 = tpu.vector_load %arg24[%get3A_468, %get3A_469] {strides = array<i32>} : memref<512x32xf32, #tpu.memory_space<vmem>>, vector<1x16xf32>,
            %get3A_471 = vector.shape_cast %get3A_470 : vector<1x16xf32> to vector<16xf32>
            %mul3A_472 = arith.mulf %get3A_471, %gather3A_463 : vector<16xf32>
            %swap3A_473 = arith.index_cast %add3A_467 : i32 to index
            %swap3A_474 = arith.constant 0 : index
            %swap3A_475 = tpu.vector_load %arg24[%swap3A_473, %swap3A_474] {strides = array<i32>} : memref<512x32xf32, #tpu.memory_space<vmem>>, vector<1x16xf32>,
            %swap3A_476 = vector.shape_cast %swap3A_475 : vector<1x16xf32> to vector<16xf32>
            %swap3A_477 = vector.shape_cast %mul3A_472 : vector<16xf32> to vector<1x16xf32>
            tpu.vector_store %arg24[%swap3A_473, %swap3A_474], %swap3A_477 {strides = array<i32>} : memref<512x32xf32, #tpu.memory_space<vmem>>, vector<1x16xf32>,
            %get3A_478 = arith.index_cast %add3A_467 : i32 to index
            %get3A_479 = arith.constant 16 : index
            %get3A_480 = tpu.vector_load %arg24[%get3A_478, %get3A_479] {strides = array<i32>} : memref<512x32xf32, #tpu.memory_space<vmem>>, vector<1x16xf32>,
            %get3A_481 = vector.shape_cast %get3A_480 : vector<1x16xf32> to vector<16xf32>
            %mul3A_482 = arith.mulf %get3A_481, %gather3A_463 : vector<16xf32>
            %swap3A_483 = arith.index_cast %add3A_467 : i32 to index
            %swap3A_484 = arith.constant 16 : index
            %swap3A_485 = tpu.vector_load %arg24[%swap3A_483, %swap3A_484] {strides = array<i32>} : memref<512x32xf32, #tpu.memory_space<vmem>>, vector<1x16xf32>,
            %swap3A_486 = vector.shape_cast %swap3A_485 : vector<1x16xf32> to vector<16xf32>
            %swap3A_487 = vector.shape_cast %mul3A_482 : vector<16xf32> to vector<1x16xf32>
            tpu.vector_store %arg24[%swap3A_483, %swap3A_484], %swap3A_487 {strides = array<i32>} : memref<512x32xf32, #tpu.memory_space<vmem>>, vector<1x16xf32>,
            %gather3A_488 = vector.shape_cast %broadcast_in_dim3A_47 : vector<16x1xi32> to vector<16xi32>
            %gather3A_489 = tpu.dynamic_gather %mul3A_203[%gather3A_488] in [0] : vector<16xf32>, vector<16xi32> -> vector<16xf32>
            %mul3A_490 = arith.constant 16 : i32
            %mul3A_491 = arith.muli %add3A_195, %mul3A_490 : i32
            %add3A_492 = arith.constant 11 : i32
            %add3A_493 = arith.addi %mul3A_491, %add3A_492 : i32
            %get3A_494 = arith.index_cast %add3A_493 : i32 to index
            %get3A_495 = arith.constant 0 : index
            %get3A_496 = tpu.vector_load %arg24[%get3A_494, %get3A_495] {strides = array<i32>} : memref<512x32xf32, #tpu.memory_space<vmem>>, vector<1x16xf32>,
            %get3A_497 = vector.shape_cast %get3A_496 : vector<1x16xf32> to vector<16xf32>
            %mul3A_498 = arith.mulf %get3A_497, %gather3A_489 : vector<16xf32>
            %swap3A_499 = arith.index_cast %add3A_493 : i32 to index
            %swap3A_500 = arith.constant 0 : index
            %swap3A_501 = tpu.vector_load %arg24[%swap3A_499, %swap3A_500] {strides = array<i32>} : memref<512x32xf32, #tpu.memory_space<vmem>>, vector<1x16xf32>,
            %swap3A_502 = vector.shape_cast %swap3A_501 : vector<1x16xf32> to vector<16xf32>
            %swap3A_503 = vector.shape_cast %mul3A_498 : vector<16xf32> to vector<1x16xf32>
            tpu.vector_store %arg24[%swap3A_499, %swap3A_500], %swap3A_503 {strides = array<i32>} : memref<512x32xf32, #tpu.memory_space<vmem>>, vector<1x16xf32>,
            %get3A_504 = arith.index_cast %add3A_493 : i32 to index
            %get3A_505 = arith.constant 16 : index
            %get3A_506 = tpu.vector_load %arg24[%get3A_504, %get3A_505] {strides = array<i32>} : memref<512x32xf32, #tpu.memory_space<vmem>>, vector<1x16xf32>,
            %get3A_507 = vector.shape_cast %get3A_506 : vector<1x16xf32> to vector<16xf32>
            %mul3A_508 = arith.mulf %get3A_507, %gather3A_489 : vector<16xf32>
            %swap3A_509 = arith.index_cast %add3A_493 : i32 to index
            %swap3A_510 = arith.constant 16 : index
            %swap3A_511 = tpu.vector_load %arg24[%swap3A_509, %swap3A_510] {strides = array<i32>} : memref<512x32xf32, #tpu.memory_space<vmem>>, vector<1x16xf32>,
            %swap3A_512 = vector.shape_cast %swap3A_511 : vector<1x16xf32> to vector<16xf32>
            %swap3A_513 = vector.shape_cast %mul3A_508 : vector<16xf32> to vector<1x16xf32>
            tpu.vector_store %arg24[%swap3A_509, %swap3A_510], %swap3A_513 {strides = array<i32>} : memref<512x32xf32, #tpu.memory_space<vmem>>, vector<1x16xf32>,
            %gather3A_514 = vector.shape_cast %broadcast_in_dim3A_51 : vector<16x1xi32> to vector<16xi32>
            %gather3A_515 = tpu.dynamic_gather %mul3A_203[%gather3A_514] in [0] : vector<16xf32>, vector<16xi32> -> vector<16xf32>
            %mul3A_516 = arith.constant 16 : i32
            %mul3A_517 = arith.muli %add3A_195, %mul3A_516 : i32
            %add3A_518 = arith.constant 12 : i32
            %add3A_519 = arith.addi %mul3A_517, %add3A_518 : i32
            %get3A_520 = arith.index_cast %add3A_519 : i32 to index
            %get3A_521 = arith.constant 0 : index
            %get3A_522 = tpu.vector_load %arg24[%get3A_520, %get3A_521] {strides = array<i32>} : memref<512x32xf32, #tpu.memory_space<vmem>>, vector<1x16xf32>,
            %get3A_523 = vector.shape_cast %get3A_522 : vector<1x16xf32> to vector<16xf32>
            %mul3A_524 = arith.mulf %get3A_523, %gather3A_515 : vector<16xf32>
            %swap3A_525 = arith.index_cast %add3A_519 : i32 to index
            %swap3A_526 = arith.constant 0 : index
            %swap3A_527 = tpu.vector_load %arg24[%swap3A_525, %swap3A_526] {strides = array<i32>} : memref<512x32xf32, #tpu.memory_space<vmem>>, vector<1x16xf32>,
            %swap3A_528 = vector.shape_cast %swap3A_527 : vector<1x16xf32> to vector<16xf32>
            %swap3A_529 = vector.shape_cast %mul3A_524 : vector<16xf32> to vector<1x16xf32>
            tpu.vector_store %arg24[%swap3A_525, %swap3A_526], %swap3A_529 {strides = array<i32>} : memref<512x32xf32, #tpu.memory_space<vmem>>, vector<1x16xf32>,
            %get3A_530 = arith.index_cast %add3A_519 : i32 to index
            %get3A_531 = arith.constant 16 : index
            %get3A_532 = tpu.vector_load %arg24[%get3A_530, %get3A_531] {strides = array<i32>} : memref<512x32xf32, #tpu.memory_space<vmem>>, vector<1x16xf32>,
            %get3A_533 = vector.shape_cast %get3A_532 : vector<1x16xf32> to vector<16xf32>
            %mul3A_534 = arith.mulf %get3A_533, %gather3A_515 : vector<16xf32>
            %swap3A_535 = arith.index_cast %add3A_519 : i32 to index
            %swap3A_536 = arith.constant 16 : index
            %swap3A_537 = tpu.vector_load %arg24[%swap3A_535, %swap3A_536] {strides = array<i32>} : memref<512x32xf32, #tpu.memory_space<vmem>>, vector<1x16xf32>,
            %swap3A_538 = vector.shape_cast %swap3A_537 : vector<1x16xf32> to vector<16xf32>
            %swap3A_539 = vector.shape_cast %mul3A_534 : vector<16xf32> to vector<1x16xf32>
            tpu.vector_store %arg24[%swap3A_535, %swap3A_536], %swap3A_539 {strides = array<i32>} : memref<512x32xf32, #tpu.memory_space<vmem>>, vector<1x16xf32>,
            %gather3A_540 = vector.shape_cast %broadcast_in_dim3A_55 : vector<16x1xi32> to vector<16xi32>
            %gather3A_541 = tpu.dynamic_gather %mul3A_203[%gather3A_540] in [0] : vector<16xf32>, vector<16xi32> -> vector<16xf32>
            %mul3A_542 = arith.constant 16 : i32
            %mul3A_543 = arith.muli %add3A_195, %mul3A_542 : i32
            %add3A_544 = arith.constant 13 : i32
            %add3A_545 = arith.addi %mul3A_543, %add3A_544 : i32
            %get3A_546 = arith.index_cast %add3A_545 : i32 to index
            %get3A_547 = arith.constant 0 : index
            %get3A_548 = tpu.vector_load %arg24[%get3A_546, %get3A_547] {strides = array<i32>} : memref<512x32xf32, #tpu.memory_space<vmem>>, vector<1x16xf32>,
            %get3A_549 = vector.shape_cast %get3A_548 : vector<1x16xf32> to vector<16xf32>
            %mul3A_550 = arith.mulf %get3A_549, %gather3A_541 : vector<16xf32>
            %swap3A_551 = arith.index_cast %add3A_545 : i32 to index
            %swap3A_552 = arith.constant 0 : index
            %swap3A_553 = tpu.vector_load %arg24[%swap3A_551, %swap3A_552] {strides = array<i32>} : memref<512x32xf32, #tpu.memory_space<vmem>>, vector<1x16xf32>,
            %swap3A_554 = vector.shape_cast %swap3A_553 : vector<1x16xf32> to vector<16xf32>
            %swap3A_555 = vector.shape_cast %mul3A_550 : vector<16xf32> to vector<1x16xf32>
            tpu.vector_store %arg24[%swap3A_551, %swap3A_552], %swap3A_555 {strides = array<i32>} : memref<512x32xf32, #tpu.memory_space<vmem>>, vector<1x16xf32>,
            %get3A_556 = arith.index_cast %add3A_545 : i32 to index
            %get3A_557 = arith.constant 16 : index
            %get3A_558 = tpu.vector_load %arg24[%get3A_556, %get3A_557] {strides = array<i32>} : memref<512x32xf32, #tpu.memory_space<vmem>>, vector<1x16xf32>,
            %get3A_559 = vector.shape_cast %get3A_558 : vector<1x16xf32> to vector<16xf32>
            %mul3A_560 = arith.mulf %get3A_559, %gather3A_541 : vector<16xf32>
            %swap3A_561 = arith.index_cast %add3A_545 : i32 to index
            %swap3A_562 = arith.constant 16 : index
            %swap3A_563 = tpu.vector_load %arg24[%swap3A_561, %swap3A_562] {strides = array<i32>} : memref<512x32xf32, #tpu.memory_space<vmem>>, vector<1x16xf32>,
            %swap3A_564 = vector.shape_cast %swap3A_563 : vector<1x16xf32> to vector<16xf32>
            %swap3A_565 = vector.shape_cast %mul3A_560 : vector<16xf32> to vector<1x16xf32>
            tpu.vector_store %arg24[%swap3A_561, %swap3A_562], %swap3A_565 {strides = array<i32>} : memref<512x32xf32, #tpu.memory_space<vmem>>, vector<1x16xf32>,
            %gather3A_566 = vector.shape_cast %broadcast_in_dim3A_59 : vector<16x1xi32> to vector<16xi32>
            %gather3A_567 = tpu.dynamic_gather %mul3A_203[%gather3A_566] in [0] : vector<16xf32>, vector<16xi32> -> vector<16xf32>
            %mul3A_568 = arith.constant 16 : i32
            %mul3A_569 = arith.muli %add3A_195, %mul3A_568 : i32
            %add3A_570 = arith.constant 14 : i32
            %add3A_571 = arith.addi %mul3A_569, %add3A_570 : i32
            %get3A_572 = arith.index_cast %add3A_571 : i32 to index
            %get3A_573 = arith.constant 0 : index
            %get3A_574 = tpu.vector_load %arg24[%get3A_572, %get3A_573] {strides = array<i32>} : memref<512x32xf32, #tpu.memory_space<vmem>>, vector<1x16xf32>,
            %get3A_575 = vector.shape_cast %get3A_574 : vector<1x16xf32> to vector<16xf32>
            %mul3A_576 = arith.mulf %get3A_575, %gather3A_567 : vector<16xf32>
            %swap3A_577 = arith.index_cast %add3A_571 : i32 to index
            %swap3A_578 = arith.constant 0 : index
            %swap3A_579 = tpu.vector_load %arg24[%swap3A_577, %swap3A_578] {strides = array<i32>} : memref<512x32xf32, #tpu.memory_space<vmem>>, vector<1x16xf32>,
            %swap3A_580 = vector.shape_cast %swap3A_579 : vector<1x16xf32> to vector<16xf32>
            %swap3A_581 = vector.shape_cast %mul3A_576 : vector<16xf32> to vector<1x16xf32>
            tpu.vector_store %arg24[%swap3A_577, %swap3A_578], %swap3A_581 {strides = array<i32>} : memref<512x32xf32, #tpu.memory_space<vmem>>, vector<1x16xf32>,
            %get3A_582 = arith.index_cast %add3A_571 : i32 to index
            %get3A_583 = arith.constant 16 : index
            %get3A_584 = tpu.vector_load %arg24[%get3A_582, %get3A_583] {strides = array<i32>} : memref<512x32xf32, #tpu.memory_space<vmem>>, vector<1x16xf32>,
            %get3A_585 = vector.shape_cast %get3A_584 : vector<1x16xf32> to vector<16xf32>
            %mul3A_586 = arith.mulf %get3A_585, %gather3A_567 : vector<16xf32>
            %swap3A_587 = arith.index_cast %add3A_571 : i32 to index
            %swap3A_588 = arith.constant 16 : index
            %swap3A_589 = tpu.vector_load %arg24[%swap3A_587, %swap3A_588] {strides = array<i32>} : memref<512x32xf32, #tpu.memory_space<vmem>>, vector<1x16xf32>,
            %swap3A_590 = vector.shape_cast %swap3A_589 : vector<1x16xf32> to vector<16xf32>
            %swap3A_591 = vector.shape_cast %mul3A_586 : vector<16xf32> to vector<1x16xf32>
            tpu.vector_store %arg24[%swap3A_587, %swap3A_588], %swap3A_591 {strides = array<i32>} : memref<512x32xf32, #tpu.memory_space<vmem>>, vector<1x16xf32>,
            %gather3A_592 = vector.shape_cast %broadcast_in_dim3A_63 : vector<16x1xi32> to vector<16xi32>
            %gather3A_593 = tpu.dynamic_gather %mul3A_203[%gather3A_592] in [0] : vector<16xf32>, vector<16xi32> -> vector<16xf32>
            %mul3A_594 = arith.constant 16 : i32
            %mul3A_595 = arith.muli %add3A_195, %mul3A_594 : i32
            %add3A_596 = arith.constant 15 : i32
            %add3A_597 = arith.addi %mul3A_595, %add3A_596 : i32
            %get3A_598 = arith.index_cast %add3A_597 : i32 to index
            %get3A_599 = arith.constant 0 : index
            %get3A_600 = tpu.vector_load %arg24[%get3A_598, %get3A_599] {strides = array<i32>} : memref<512x32xf32, #tpu.memory_space<vmem>>, vector<1x16xf32>,
            %get3A_601 = vector.shape_cast %get3A_600 : vector<1x16xf32> to vector<16xf32>
            %mul3A_602 = arith.mulf %get3A_601, %gather3A_593 : vector<16xf32>
            %swap3A_603 = arith.index_cast %add3A_597 : i32 to index
            %swap3A_604 = arith.constant 0 : index
            %swap3A_605 = tpu.vector_load %arg24[%swap3A_603, %swap3A_604] {strides = array<i32>} : memref<512x32xf32, #tpu.memory_space<vmem>>, vector<1x16xf32>,
            %swap3A_606 = vector.shape_cast %swap3A_605 : vector<1x16xf32> to vector<16xf32>
            %swap3A_607 = vector.shape_cast %mul3A_602 : vector<16xf32> to vector<1x16xf32>
            tpu.vector_store %arg24[%swap3A_603, %swap3A_604], %swap3A_607 {strides = array<i32>} : memref<512x32xf32, #tpu.memory_space<vmem>>, vector<1x16xf32>,
            %get3A_608 = arith.index_cast %add3A_597 : i32 to index
            %get3A_609 = arith.constant 16 : index
            %get3A_610 = tpu.vector_load %arg24[%get3A_608, %get3A_609] {strides = array<i32>} : memref<512x32xf32, #tpu.memory_space<vmem>>, vector<1x16xf32>,
            %get3A_611 = vector.shape_cast %get3A_610 : vector<1x16xf32> to vector<16xf32>
            %mul3A_612 = arith.mulf %get3A_611, %gather3A_593 : vector<16xf32>
            %swap3A_613 = arith.index_cast %add3A_597 : i32 to index
            %swap3A_614 = arith.constant 16 : index
            %swap3A_615 = tpu.vector_load %arg24[%swap3A_613, %swap3A_614] {strides = array<i32>} : memref<512x32xf32, #tpu.memory_space<vmem>>, vector<1x16xf32>,
            %swap3A_616 = vector.shape_cast %swap3A_615 : vector<1x16xf32> to vector<16xf32>
            %swap3A_617 = vector.shape_cast %mul3A_612 : vector<16xf32> to vector<1x16xf32>
            tpu.vector_store %arg24[%swap3A_613, %swap3A_614], %swap3A_617 {strides = array<i32>} : memref<512x32xf32, #tpu.memory_space<vmem>>, vector<1x16xf32>,
          }
          %scan3A_190 = arith.constant 32 : i32
          "tpu.region"() ({
            %run_scoped3A = tpu.sem_alloc : memref<!tpu.dma_semaphore, #tpu.memory_space<semaphore_mem>>
            %dma_start3A = tpu.memref_slice %arg22[%mul3A_180] : memref<3584xi32, #tpu.memory_space<vmem>> -> memref<512xi32, #tpu.memory_space<vmem>>
            %dma_start3A_191 = arith.constant 0 : i32
            %dma_start3A_192 = arith.constant 0 : i32
            %dma_start3A_193 = tpu.memref_slice %arg20[%dma_start3A_191, %dma_start3A_192] : memref<50000x32xf32, #tpu.memory_space<vmem_shared>> -> memref<50000x32xf32, #tpu.memory_space<vmem_shared>>
            tpu.enqueue_indirect_dma source(%arg24 : memref<512x32xf32, #tpu.memory_space<vmem>>) target(%dma_start3A_193 : memref<50000x32xf32, #tpu.memory_space<vmem_shared>>) offsets(%dma_start3A : memref<512xi32, #tpu.memory_space<vmem>>) semaphore(%run_scoped3A : memref<!tpu.dma_semaphore, #tpu.memory_space<semaphore_mem>>) {add = true}
            %dma_wait3A = tpu.memref_slice %arg22[%mul3A_180] : memref<3584xi32, #tpu.memory_space<vmem>> -> memref<512xi32, #tpu.memory_space<vmem>>
            %dma_wait3A_194 = arith.constant 0 : i32
            %dma_wait3A_195 = arith.constant 0 : i32
            %dma_wait3A_196 = tpu.memref_slice %arg20[%dma_wait3A_194, %dma_wait3A_195] : memref<50000x32xf32, #tpu.memory_space<vmem_shared>> -> memref<50000x32xf32, #tpu.memory_space<vmem_shared>>
            tpu.wait_indirect_dma semaphore(%run_scoped3A : memref<!tpu.dma_semaphore, #tpu.memory_space<semaphore_mem>>) src(%arg24 : memref<512x32xf32, #tpu.memory_space<vmem>>) dst(%dma_wait3A_196 : memref<50000x32xf32, #tpu.memory_space<vmem_shared>>)
            tpu.yield
          }) : () -> ()
        }
        %scan3A_173 = arith.constant 7 : i32
      }
      %scan3A_110 = arith.constant 14 : i32
      %scan3A_111 = arith.constant 0 : i32
      %scan3A_112 = arith.constant 14 : i32
      %scan3A_113 = arith.addi %scan3A_111, %scan3A_112 : i32
      %scan3A_114 = arith.constant 1 : i32
      scf.for %scan3A_158 = %scan3A_111 to %scan3A_113 step %scan3A_114  : i32 {
        %mul3A_159 = arith.constant 1 : i32
        %mul3A_160 = arith.muli %scan3A_158, %mul3A_159 : i32
        %add3A_161 = arith.constant 0 : i32
        %add3A_162 = arith.addi %add3A_161, %mul3A_160 : i32
        %mul3A_163 = arith.constant 3584 : i32
        %mul3A_164 = arith.muli %add3A_162, %mul3A_163 : i32
        "tpu.region"() ({
          %run_scoped3A = tpu.sem_alloc : memref<!tpu.dma_semaphore, #tpu.memory_space<semaphore_mem>>
          %dma_start3A = tpu.memref_slice %arg9[%arg1, %mul3A_164] : memref<16x50176xi32, #tpu.memory_space<hbm>> -> memref<1x3584xi32, #tpu.memory_space<hbm>>
          %dma_start3A_174 = tpu.memref_squeeze %dma_start3A : memref<1x3584xi32, #tpu.memory_space<hbm>> -> memref<3584xi32, #tpu.memory_space<hbm>>
          %dma_start3A_175 = tpu.memref_slice %arg9[%arg1, %mul3A_164] : memref<16x50176xi32, #tpu.memory_space<hbm>> -> memref<1x3584xi32, #tpu.memory_space<hbm>>
          %dma_start3A_176 = tpu.memref_squeeze %dma_start3A_175 : memref<1x3584xi32, #tpu.memory_space<hbm>> -> memref<3584xi32, #tpu.memory_space<hbm>>
          tpu.enqueue_dma source(%dma_start3A_176 : memref<3584xi32, #tpu.memory_space<hbm>>) target(%arg21 : memref<3584xi32, #tpu.memory_space<vmem>>) target_semaphore(%run_scoped3A : memref<!tpu.dma_semaphore, #tpu.memory_space<semaphore_mem>>)
          %dma_wait3A = tpu.memref_slice %arg9[%arg1, %mul3A_164] : memref<16x50176xi32, #tpu.memory_space<hbm>> -> memref<1x3584xi32, #tpu.memory_space<hbm>>
          %dma_wait3A_177 = tpu.memref_squeeze %dma_wait3A : memref<1x3584xi32, #tpu.memory_space<hbm>> -> memref<3584xi32, #tpu.memory_space<hbm>>
          %dma_wait3A_178 = tpu.memref_slice %arg9[%arg1, %mul3A_164] : memref<16x50176xi32, #tpu.memory_space<hbm>> -> memref<1x3584xi32, #tpu.memory_space<hbm>>
          %dma_wait3A_179 = tpu.memref_squeeze %dma_wait3A_178 : memref<1x3584xi32, #tpu.memory_space<hbm>> -> memref<3584xi32, #tpu.memory_space<hbm>>
          tpu.wait_dma2 semaphore(%run_scoped3A : memref<!tpu.dma_semaphore, #tpu.memory_space<semaphore_mem>>) src(%dma_wait3A_179 : memref<3584xi32, #tpu.memory_space<hbm>>) dst(%arg21 : memref<3584xi32, #tpu.memory_space<vmem>>)
          tpu.yield
        }) : () -> ()
        %mul3A_165 = arith.constant 3584 : i32
        %mul3A_166 = arith.muli %add3A_162, %mul3A_165 : i32
        "tpu.region"() ({
          %run_scoped3A = tpu.sem_alloc : memref<!tpu.dma_semaphore, #tpu.memory_space<semaphore_mem>>
          %dma_start3A = tpu.memref_slice %arg10[%arg1, %mul3A_166] : memref<16x50176xi32, #tpu.memory_space<hbm>> -> memref<1x3584xi32, #tpu.memory_space<hbm>>
          %dma_start3A_174 = tpu.memref_squeeze %dma_start3A : memref<1x3584xi32, #tpu.memory_space<hbm>> -> memref<3584xi32, #tpu.memory_space<hbm>>
          %dma_start3A_175 = tpu.memref_slice %arg10[%arg1, %mul3A_166] : memref<16x50176xi32, #tpu.memory_space<hbm>> -> memref<1x3584xi32, #tpu.memory_space<hbm>>
          %dma_start3A_176 = tpu.memref_squeeze %dma_start3A_175 : memref<1x3584xi32, #tpu.memory_space<hbm>> -> memref<3584xi32, #tpu.memory_space<hbm>>
          tpu.enqueue_dma source(%dma_start3A_176 : memref<3584xi32, #tpu.memory_space<hbm>>) target(%arg22 : memref<3584xi32, #tpu.memory_space<vmem>>) target_semaphore(%run_scoped3A : memref<!tpu.dma_semaphore, #tpu.memory_space<semaphore_mem>>)
          %dma_wait3A = tpu.memref_slice %arg10[%arg1, %mul3A_166] : memref<16x50176xi32, #tpu.memory_space<hbm>> -> memref<1x3584xi32, #tpu.memory_space<hbm>>
          %dma_wait3A_177 = tpu.memref_squeeze %dma_wait3A : memref<1x3584xi32, #tpu.memory_space<hbm>> -> memref<3584xi32, #tpu.memory_space<hbm>>
          %dma_wait3A_178 = tpu.memref_slice %arg10[%arg1, %mul3A_166] : memref<16x50176xi32, #tpu.memory_space<hbm>> -> memref<1x3584xi32, #tpu.memory_space<hbm>>
          %dma_wait3A_179 = tpu.memref_squeeze %dma_wait3A_178 : memref<1x3584xi32, #tpu.memory_space<hbm>> -> memref<3584xi32, #tpu.memory_space<hbm>>
          tpu.wait_dma2 semaphore(%run_scoped3A : memref<!tpu.dma_semaphore, #tpu.memory_space<semaphore_mem>>) src(%dma_wait3A_179 : memref<3584xi32, #tpu.memory_space<hbm>>) dst(%arg22 : memref<3584xi32, #tpu.memory_space<vmem>>)
          tpu.yield
        }) : () -> ()
        %mul3A_167 = arith.constant 3584 : i32
        %mul3A_168 = arith.muli %add3A_162, %mul3A_167 : i32
        "tpu.region"() ({
          %run_scoped3A = tpu.sem_alloc : memref<!tpu.dma_semaphore, #tpu.memory_space<semaphore_mem>>
          %dma_start3A = tpu.memref_slice %arg11[%arg1, %mul3A_168] : memref<16x50176xf32, #tpu.memory_space<hbm>> -> memref<1x3584xf32, #tpu.memory_space<hbm>>
          %dma_start3A_174 = tpu.memref_squeeze %dma_start3A : memref<1x3584xf32, #tpu.memory_space<hbm>> -> memref<3584xf32, #tpu.memory_space<hbm>>
          %dma_start3A_175 = tpu.memref_slice %arg11[%arg1, %mul3A_168] : memref<16x50176xf32, #tpu.memory_space<hbm>> -> memref<1x3584xf32, #tpu.memory_space<hbm>>
          %dma_start3A_176 = tpu.memref_squeeze %dma_start3A_175 : memref<1x3584xf32, #tpu.memory_space<hbm>> -> memref<3584xf32, #tpu.memory_space<hbm>>
          tpu.enqueue_dma source(%dma_start3A_176 : memref<3584xf32, #tpu.memory_space<hbm>>) target(%arg23 : memref<3584xf32, #tpu.memory_space<vmem>>) target_semaphore(%run_scoped3A : memref<!tpu.dma_semaphore, #tpu.memory_space<semaphore_mem>>)
          %dma_wait3A = tpu.memref_slice %arg11[%arg1, %mul3A_168] : memref<16x50176xf32, #tpu.memory_space<hbm>> -> memref<1x3584xf32, #tpu.memory_space<hbm>>
          %dma_wait3A_177 = tpu.memref_squeeze %dma_wait3A : memref<1x3584xf32, #tpu.memory_space<hbm>> -> memref<3584xf32, #tpu.memory_space<hbm>>
          %dma_wait3A_178 = tpu.memref_slice %arg11[%arg1, %mul3A_168] : memref<16x50176xf32, #tpu.memory_space<hbm>> -> memref<1x3584xf32, #tpu.memory_space<hbm>>
          %dma_wait3A_179 = tpu.memref_squeeze %dma_wait3A_178 : memref<1x3584xf32, #tpu.memory_space<hbm>> -> memref<3584xf32, #tpu.memory_space<hbm>>
          tpu.wait_dma2 semaphore(%run_scoped3A : memref<!tpu.dma_semaphore, #tpu.memory_space<semaphore_mem>>) src(%dma_wait3A_179 : memref<3584xf32, #tpu.memory_space<hbm>>) dst(%arg23 : memref<3584xf32, #tpu.memory_space<vmem>>)
          tpu.yield
        }) : () -> ()
        %scan3A_169 = arith.constant 0 : i32
        %scan3A_170 = arith.constant 7 : i32
        %scan3A_171 = arith.addi %scan3A_169, %scan3A_170 : i32
        %scan3A_172 = arith.constant 1 : i32
        scf.for %scan3A_174 = %scan3A_169 to %scan3A_171 step %scan3A_172  : i32 {
          %mul3A_175 = arith.constant 1 : i32
          %mul3A_176 = arith.muli %scan3A_174, %mul3A_175 : i32
          %add3A_177 = arith.constant 0 : i32
          %add3A_178 = arith.addi %add3A_177, %mul3A_176 : i32
          %mul3A_179 = arith.constant 512 : i32
          %mul3A_180 = arith.muli %add3A_178, %mul3A_179 : i32
          %scan3A_181 = arith.constant 0 : i32
          %scan3A_182 = arith.constant 4 : i32
          %scan3A_183 = arith.addi %scan3A_181, %scan3A_182 : i32
          %scan3A_184 = arith.constant 1 : i32
          scf.for %scan3A_191 = %scan3A_181 to %scan3A_183 step %scan3A_184  : i32 {
            %mul3A_192 = arith.constant 1 : i32
            %mul3A_193 = arith.muli %scan3A_191, %mul3A_192 : i32
            %add3A_194 = arith.constant 0 : i32
            %add3A_195 = arith.addi %add3A_194, %mul3A_193 : i32
            %mul3A_196 = arith.constant 128 : i32
            %mul3A_197 = arith.muli %add3A_195, %mul3A_196 : i32
            %add3A_198 = arith.addi %mul3A_180, %mul3A_197 : i32
            %add3A_199 = arith.constant 0 : i32
            %add3A_200 = arith.addi %add3A_198, %add3A_199 : i32
            %get3A = arith.index_cast %add3A_200 : i32 to index
            %get3A_201 = tpu.vector_load %arg21[%get3A] {strides = array<i32>} : memref<3584xi32, #tpu.memory_space<vmem>>, vector<16xi32>,
            %get3A_202 = vector.shape_cast %get3A_201 : vector<16xi32> to vector<16xi32>
            %add3A_203 = vector.broadcast %mul3A_65 : i32 to vector<16xi32>
            %add3A_204 = arith.addi %get3A_202, %add3A_203 : vector<16xi32>
            %swap3A = arith.index_cast %add3A_200 : i32 to index
            %swap3A_205 = tpu.vector_load %arg21[%swap3A] {strides = array<i32>} : memref<3584xi32, #tpu.memory_space<vmem>>, vector<16xi32>,
            %swap3A_206 = vector.shape_cast %swap3A_205 : vector<16xi32> to vector<16xi32>
            %swap3A_207 = vector.shape_cast %add3A_204 : vector<16xi32> to vector<16xi32>
            tpu.vector_store %arg21[%swap3A], %swap3A_207 {strides = array<i32>} : memref<3584xi32, #tpu.memory_space<vmem>>, vector<16xi32>,
            %mul3A_208 = arith.constant 128 : i32
            %mul3A_209 = arith.muli %add3A_195, %mul3A_208 : i32
            %add3A_210 = arith.addi %mul3A_180, %mul3A_209 : i32
            %add3A_211 = arith.constant 16 : i32
            %add3A_212 = arith.addi %add3A_210, %add3A_211 : i32
            %get3A_213 = arith.index_cast %add3A_212 : i32 to index
            %get3A_214 = tpu.vector_load %arg21[%get3A_213] {strides = array<i32>} : memref<3584xi32, #tpu.memory_space<vmem>>, vector<16xi32>,
            %get3A_215 = vector.shape_cast %get3A_214 : vector<16xi32> to vector<16xi32>
            %add3A_216 = vector.broadcast %mul3A_65 : i32 to vector<16xi32>
            %add3A_217 = arith.addi %get3A_215, %add3A_216 : vector<16xi32>
            %swap3A_218 = arith.index_cast %add3A_212 : i32 to index
            %swap3A_219 = tpu.vector_load %arg21[%swap3A_218] {strides = array<i32>} : memref<3584xi32, #tpu.memory_space<vmem>>, vector<16xi32>,
            %swap3A_220 = vector.shape_cast %swap3A_219 : vector<16xi32> to vector<16xi32>
            %swap3A_221 = vector.shape_cast %add3A_217 : vector<16xi32> to vector<16xi32>
            tpu.vector_store %arg21[%swap3A_218], %swap3A_221 {strides = array<i32>} : memref<3584xi32, #tpu.memory_space<vmem>>, vector<16xi32>,
            %mul3A_222 = arith.constant 128 : i32
            %mul3A_223 = arith.muli %add3A_195, %mul3A_222 : i32
            %add3A_224 = arith.addi %mul3A_180, %mul3A_223 : i32
            %add3A_225 = arith.constant 32 : i32
            %add3A_226 = arith.addi %add3A_224, %add3A_225 : i32
            %get3A_227 = arith.index_cast %add3A_226 : i32 to index
            %get3A_228 = tpu.vector_load %arg21[%get3A_227] {strides = array<i32>} : memref<3584xi32, #tpu.memory_space<vmem>>, vector<16xi32>,
            %get3A_229 = vector.shape_cast %get3A_228 : vector<16xi32> to vector<16xi32>
            %add3A_230 = vector.broadcast %mul3A_65 : i32 to vector<16xi32>
            %add3A_231 = arith.addi %get3A_229, %add3A_230 : vector<16xi32>
            %swap3A_232 = arith.index_cast %add3A_226 : i32 to index
            %swap3A_233 = tpu.vector_load %arg21[%swap3A_232] {strides = array<i32>} : memref<3584xi32, #tpu.memory_space<vmem>>, vector<16xi32>,
            %swap3A_234 = vector.shape_cast %swap3A_233 : vector<16xi32> to vector<16xi32>
            %swap3A_235 = vector.shape_cast %add3A_231 : vector<16xi32> to vector<16xi32>
            tpu.vector_store %arg21[%swap3A_232], %swap3A_235 {strides = array<i32>} : memref<3584xi32, #tpu.memory_space<vmem>>, vector<16xi32>,
            %mul3A_236 = arith.constant 128 : i32
            %mul3A_237 = arith.muli %add3A_195, %mul3A_236 : i32
            %add3A_238 = arith.addi %mul3A_180, %mul3A_237 : i32
            %add3A_239 = arith.constant 48 : i32
            %add3A_240 = arith.addi %add3A_238, %add3A_239 : i32
            %get3A_241 = arith.index_cast %add3A_240 : i32 to index
            %get3A_242 = tpu.vector_load %arg21[%get3A_241] {strides = array<i32>} : memref<3584xi32, #tpu.memory_space<vmem>>, vector<16xi32>,
            %get3A_243 = vector.shape_cast %get3A_242 : vector<16xi32> to vector<16xi32>
            %add3A_244 = vector.broadcast %mul3A_65 : i32 to vector<16xi32>
            %add3A_245 = arith.addi %get3A_243, %add3A_244 : vector<16xi32>
            %swap3A_246 = arith.index_cast %add3A_240 : i32 to index
            %swap3A_247 = tpu.vector_load %arg21[%swap3A_246] {strides = array<i32>} : memref<3584xi32, #tpu.memory_space<vmem>>, vector<16xi32>,
            %swap3A_248 = vector.shape_cast %swap3A_247 : vector<16xi32> to vector<16xi32>
            %swap3A_249 = vector.shape_cast %add3A_245 : vector<16xi32> to vector<16xi32>
            tpu.vector_store %arg21[%swap3A_246], %swap3A_249 {strides = array<i32>} : memref<3584xi32, #tpu.memory_space<vmem>>, vector<16xi32>,
            %mul3A_250 = arith.constant 128 : i32
            %mul3A_251 = arith.muli %add3A_195, %mul3A_250 : i32
            %add3A_252 = arith.addi %mul3A_180, %mul3A_251 : i32
            %add3A_253 = arith.constant 64 : i32
            %add3A_254 = arith.addi %add3A_252, %add3A_253 : i32
            %get3A_255 = arith.index_cast %add3A_254 : i32 to index
            %get3A_256 = tpu.vector_load %arg21[%get3A_255] {strides = array<i32>} : memref<3584xi32, #tpu.memory_space<vmem>>, vector<16xi32>,
            %get3A_257 = vector.shape_cast %get3A_256 : vector<16xi32> to vector<16xi32>
            %add3A_258 = vector.broadcast %mul3A_65 : i32 to vector<16xi32>
            %add3A_259 = arith.addi %get3A_257, %add3A_258 : vector<16xi32>
            %swap3A_260 = arith.index_cast %add3A_254 : i32 to index
            %swap3A_261 = tpu.vector_load %arg21[%swap3A_260] {strides = array<i32>} : memref<3584xi32, #tpu.memory_space<vmem>>, vector<16xi32>,
            %swap3A_262 = vector.shape_cast %swap3A_261 : vector<16xi32> to vector<16xi32>
            %swap3A_263 = vector.shape_cast %add3A_259 : vector<16xi32> to vector<16xi32>
            tpu.vector_store %arg21[%swap3A_260], %swap3A_263 {strides = array<i32>} : memref<3584xi32, #tpu.memory_space<vmem>>, vector<16xi32>,
            %mul3A_264 = arith.constant 128 : i32
            %mul3A_265 = arith.muli %add3A_195, %mul3A_264 : i32
            %add3A_266 = arith.addi %mul3A_180, %mul3A_265 : i32
            %add3A_267 = arith.constant 80 : i32
            %add3A_268 = arith.addi %add3A_266, %add3A_267 : i32
            %get3A_269 = arith.index_cast %add3A_268 : i32 to index
            %get3A_270 = tpu.vector_load %arg21[%get3A_269] {strides = array<i32>} : memref<3584xi32, #tpu.memory_space<vmem>>, vector<16xi32>,
            %get3A_271 = vector.shape_cast %get3A_270 : vector<16xi32> to vector<16xi32>
            %add3A_272 = vector.broadcast %mul3A_65 : i32 to vector<16xi32>
            %add3A_273 = arith.addi %get3A_271, %add3A_272 : vector<16xi32>
            %swap3A_274 = arith.index_cast %add3A_268 : i32 to index
            %swap3A_275 = tpu.vector_load %arg21[%swap3A_274] {strides = array<i32>} : memref<3584xi32, #tpu.memory_space<vmem>>, vector<16xi32>,
            %swap3A_276 = vector.shape_cast %swap3A_275 : vector<16xi32> to vector<16xi32>
            %swap3A_277 = vector.shape_cast %add3A_273 : vector<16xi32> to vector<16xi32>
            tpu.vector_store %arg21[%swap3A_274], %swap3A_277 {strides = array<i32>} : memref<3584xi32, #tpu.memory_space<vmem>>, vector<16xi32>,
            %mul3A_278 = arith.constant 128 : i32
            %mul3A_279 = arith.muli %add3A_195, %mul3A_278 : i32
            %add3A_280 = arith.addi %mul3A_180, %mul3A_279 : i32
            %add3A_281 = arith.constant 96 : i32
            %add3A_282 = arith.addi %add3A_280, %add3A_281 : i32
            %get3A_283 = arith.index_cast %add3A_282 : i32 to index
            %get3A_284 = tpu.vector_load %arg21[%get3A_283] {strides = array<i32>} : memref<3584xi32, #tpu.memory_space<vmem>>, vector<16xi32>,
            %get3A_285 = vector.shape_cast %get3A_284 : vector<16xi32> to vector<16xi32>
            %add3A_286 = vector.broadcast %mul3A_65 : i32 to vector<16xi32>
            %add3A_287 = arith.addi %get3A_285, %add3A_286 : vector<16xi32>
            %swap3A_288 = arith.index_cast %add3A_282 : i32 to index
            %swap3A_289 = tpu.vector_load %arg21[%swap3A_288] {strides = array<i32>} : memref<3584xi32, #tpu.memory_space<vmem>>, vector<16xi32>,
            %swap3A_290 = vector.shape_cast %swap3A_289 : vector<16xi32> to vector<16xi32>
            %swap3A_291 = vector.shape_cast %add3A_287 : vector<16xi32> to vector<16xi32>
            tpu.vector_store %arg21[%swap3A_288], %swap3A_291 {strides = array<i32>} : memref<3584xi32, #tpu.memory_space<vmem>>, vector<16xi32>,
            %mul3A_292 = arith.constant 128 : i32
            %mul3A_293 = arith.muli %add3A_195, %mul3A_292 : i32
            %add3A_294 = arith.addi %mul3A_180, %mul3A_293 : i32
            %add3A_295 = arith.constant 112 : i32
            %add3A_296 = arith.addi %add3A_294, %add3A_295 : i32
            %get3A_297 = arith.index_cast %add3A_296 : i32 to index
            %get3A_298 = tpu.vector_load %arg21[%get3A_297] {strides = array<i32>} : memref<3584xi32, #tpu.memory_space<vmem>>, vector<16xi32>,
            %get3A_299 = vector.shape_cast %get3A_298 : vector<16xi32> to vector<16xi32>
            %add3A_300 = vector.broadcast %mul3A_65 : i32 to vector<16xi32>
            %add3A_301 = arith.addi %get3A_299, %add3A_300 : vector<16xi32>
            %swap3A_302 = arith.index_cast %add3A_296 : i32 to index
            %swap3A_303 = tpu.vector_load %arg21[%swap3A_302] {strides = array<i32>} : memref<3584xi32, #tpu.memory_space<vmem>>, vector<16xi32>,
            %swap3A_304 = vector.shape_cast %swap3A_303 : vector<16xi32> to vector<16xi32>
            %swap3A_305 = vector.shape_cast %add3A_301 : vector<16xi32> to vector<16xi32>
            tpu.vector_store %arg21[%swap3A_302], %swap3A_305 {strides = array<i32>} : memref<3584xi32, #tpu.memory_space<vmem>>, vector<16xi32>,
          }
          %scan3A_185 = arith.constant 4 : i32
          "tpu.region"() ({
            %run_scoped3A = tpu.sem_alloc : memref<!tpu.dma_semaphore, #tpu.memory_space<semaphore_mem>>
            %dma_start3A = tpu.memref_slice %arg21[%mul3A_180] : memref<3584xi32, #tpu.memory_space<vmem>> -> memref<512xi32, #tpu.memory_space<vmem>>
            %dma_start3A_191 = arith.constant 0 : i32
            %dma_start3A_192 = arith.constant 0 : i32
            %dma_start3A_193 = tpu.memref_slice %arg19[%dma_start3A_191, %dma_start3A_192] : memref<100000x32xf32, #tpu.memory_space<hbm>> -> memref<100000x32xf32, #tpu.memory_space<hbm>>
            tpu.enqueue_indirect_dma source(%dma_start3A_193 : memref<100000x32xf32, #tpu.memory_space<hbm>>) target(%arg24 : memref<512x32xf32, #tpu.memory_space<vmem>>) offsets(%dma_start3A : memref<512xi32, #tpu.memory_space<vmem>>) semaphore(%run_scoped3A : memref<!tpu.dma_semaphore, #tpu.memory_space<semaphore_mem>>)
            %dma_wait3A = tpu.memref_slice %arg21[%mul3A_180] : memref<3584xi32, #tpu.memory_space<vmem>> -> memref<512xi32, #tpu.memory_space<vmem>>
            %dma_wait3A_194 = arith.constant 0 : i32
            %dma_wait3A_195 = arith.constant 0 : i32
            %dma_wait3A_196 = tpu.memref_slice %arg19[%dma_wait3A_194, %dma_wait3A_195] : memref<100000x32xf32, #tpu.memory_space<hbm>> -> memref<100000x32xf32, #tpu.memory_space<hbm>>
            tpu.wait_indirect_dma semaphore(%run_scoped3A : memref<!tpu.dma_semaphore, #tpu.memory_space<semaphore_mem>>) src(%dma_wait3A_196 : memref<100000x32xf32, #tpu.memory_space<hbm>>) dst(%arg24 : memref<512x32xf32, #tpu.memory_space<vmem>>)
            tpu.yield
          }) : () -> ()
          %scan3A_186 = arith.constant 0 : i32
          %scan3A_187 = arith.constant 32 : i32
          %scan3A_188 = arith.addi %scan3A_186, %scan3A_187 : i32
          %scan3A_189 = arith.constant 1 : i32
          scf.for %scan3A_191 = %scan3A_186 to %scan3A_188 step %scan3A_189  : i32 {
            %mul3A_192 = arith.constant 1 : i32
            %mul3A_193 = arith.muli %scan3A_191, %mul3A_192 : i32
            %add3A_194 = arith.constant 0 : i32
            %add3A_195 = arith.addi %add3A_194, %mul3A_193 : i32
            %mul3A_196 = arith.constant 16 : i32
            %mul3A_197 = arith.muli %add3A_195, %mul3A_196 : i32
            %add3A_198 = arith.addi %mul3A_180, %mul3A_197 : i32
            %get3A = arith.index_cast %add3A_198 : i32 to index
            %get3A_199 = tpu.vector_load %arg23[%get3A] {strides = array<i32>} : memref<3584xf32, #tpu.memory_space<vmem>>, vector<16xf32>,
            %get3A_200 = vector.shape_cast %get3A_199 : vector<16xf32> to vector<16xf32>
            %mul3A_201 = arith.constant 5.000000e-01 : f32
            %mul3A_202 = vector.broadcast %mul3A_201 : f32 to vector<16xf32>
            %mul3A_203 = arith.mulf %get3A_200, %mul3A_202 : vector<16xf32>
            %gather3A = vector.shape_cast %broadcast_in_dim3A : vector<16x1xi32> to vector<16xi32>
            %gather3A_204 = tpu.dynamic_gather %mul3A_203[%gather3A] in [0] : vector<16xf32>, vector<16xi32> -> vector<16xf32>
            %mul3A_205 = arith.constant 16 : i32
            %mul3A_206 = arith.muli %add3A_195, %mul3A_205 : i32
            %add3A_207 = arith.constant 0 : i32
            %add3A_208 = arith.addi %mul3A_206, %add3A_207 : i32
            %get3A_209 = arith.index_cast %add3A_208 : i32 to index
            %get3A_210 = arith.constant 0 : index
            %get3A_211 = tpu.vector_load %arg24[%get3A_209, %get3A_210] {strides = array<i32>} : memref<512x32xf32, #tpu.memory_space<vmem>>, vector<1x16xf32>,
            %get3A_212 = vector.shape_cast %get3A_211 : vector<1x16xf32> to vector<16xf32>
            %mul3A_213 = arith.mulf %get3A_212, %gather3A_204 : vector<16xf32>
            %swap3A = arith.index_cast %add3A_208 : i32 to index
            %swap3A_214 = arith.constant 0 : index
            %swap3A_215 = tpu.vector_load %arg24[%swap3A, %swap3A_214] {strides = array<i32>} : memref<512x32xf32, #tpu.memory_space<vmem>>, vector<1x16xf32>,
            %swap3A_216 = vector.shape_cast %swap3A_215 : vector<1x16xf32> to vector<16xf32>
            %swap3A_217 = vector.shape_cast %mul3A_213 : vector<16xf32> to vector<1x16xf32>
            tpu.vector_store %arg24[%swap3A, %swap3A_214], %swap3A_217 {strides = array<i32>} : memref<512x32xf32, #tpu.memory_space<vmem>>, vector<1x16xf32>,
            %get3A_218 = arith.index_cast %add3A_208 : i32 to index
            %get3A_219 = arith.constant 16 : index
            %get3A_220 = tpu.vector_load %arg24[%get3A_218, %get3A_219] {strides = array<i32>} : memref<512x32xf32, #tpu.memory_space<vmem>>, vector<1x16xf32>,
            %get3A_221 = vector.shape_cast %get3A_220 : vector<1x16xf32> to vector<16xf32>
            %mul3A_222 = arith.mulf %get3A_221, %gather3A_204 : vector<16xf32>
            %swap3A_223 = arith.index_cast %add3A_208 : i32 to index
            %swap3A_224 = arith.constant 16 : index
            %swap3A_225 = tpu.vector_load %arg24[%swap3A_223, %swap3A_224] {strides = array<i32>} : memref<512x32xf32, #tpu.memory_space<vmem>>, vector<1x16xf32>,
            %swap3A_226 = vector.shape_cast %swap3A_225 : vector<1x16xf32> to vector<16xf32>
            %swap3A_227 = vector.shape_cast %mul3A_222 : vector<16xf32> to vector<1x16xf32>
            tpu.vector_store %arg24[%swap3A_223, %swap3A_224], %swap3A_227 {strides = array<i32>} : memref<512x32xf32, #tpu.memory_space<vmem>>, vector<1x16xf32>,
            %gather3A_228 = vector.shape_cast %broadcast_in_dim3A_7 : vector<16x1xi32> to vector<16xi32>
            %gather3A_229 = tpu.dynamic_gather %mul3A_203[%gather3A_228] in [0] : vector<16xf32>, vector<16xi32> -> vector<16xf32>
            %mul3A_230 = arith.constant 16 : i32
            %mul3A_231 = arith.muli %add3A_195, %mul3A_230 : i32
            %add3A_232 = arith.constant 1 : i32
            %add3A_233 = arith.addi %mul3A_231, %add3A_232 : i32
            %get3A_234 = arith.index_cast %add3A_233 : i32 to index
            %get3A_235 = arith.constant 0 : index
            %get3A_236 = tpu.vector_load %arg24[%get3A_234, %get3A_235] {strides = array<i32>} : memref<512x32xf32, #tpu.memory_space<vmem>>, vector<1x16xf32>,
            %get3A_237 = vector.shape_cast %get3A_236 : vector<1x16xf32> to vector<16xf32>
            %mul3A_238 = arith.mulf %get3A_237, %gather3A_229 : vector<16xf32>
            %swap3A_239 = arith.index_cast %add3A_233 : i32 to index
            %swap3A_240 = arith.constant 0 : index
            %swap3A_241 = tpu.vector_load %arg24[%swap3A_239, %swap3A_240] {strides = array<i32>} : memref<512x32xf32, #tpu.memory_space<vmem>>, vector<1x16xf32>,
            %swap3A_242 = vector.shape_cast %swap3A_241 : vector<1x16xf32> to vector<16xf32>
            %swap3A_243 = vector.shape_cast %mul3A_238 : vector<16xf32> to vector<1x16xf32>
            tpu.vector_store %arg24[%swap3A_239, %swap3A_240], %swap3A_243 {strides = array<i32>} : memref<512x32xf32, #tpu.memory_space<vmem>>, vector<1x16xf32>,
            %get3A_244 = arith.index_cast %add3A_233 : i32 to index
            %get3A_245 = arith.constant 16 : index
            %get3A_246 = tpu.vector_load %arg24[%get3A_244, %get3A_245] {strides = array<i32>} : memref<512x32xf32, #tpu.memory_space<vmem>>, vector<1x16xf32>,
            %get3A_247 = vector.shape_cast %get3A_246 : vector<1x16xf32> to vector<16xf32>
            %mul3A_248 = arith.mulf %get3A_247, %gather3A_229 : vector<16xf32>
            %swap3A_249 = arith.index_cast %add3A_233 : i32 to index
            %swap3A_250 = arith.constant 16 : index
            %swap3A_251 = tpu.vector_load %arg24[%swap3A_249, %swap3A_250] {strides = array<i32>} : memref<512x32xf32, #tpu.memory_space<vmem>>, vector<1x16xf32>,
            %swap3A_252 = vector.shape_cast %swap3A_251 : vector<1x16xf32> to vector<16xf32>
            %swap3A_253 = vector.shape_cast %mul3A_248 : vector<16xf32> to vector<1x16xf32>
            tpu.vector_store %arg24[%swap3A_249, %swap3A_250], %swap3A_253 {strides = array<i32>} : memref<512x32xf32, #tpu.memory_space<vmem>>, vector<1x16xf32>,
            %gather3A_254 = vector.shape_cast %broadcast_in_dim3A_11 : vector<16x1xi32> to vector<16xi32>
            %gather3A_255 = tpu.dynamic_gather %mul3A_203[%gather3A_254] in [0] : vector<16xf32>, vector<16xi32> -> vector<16xf32>
            %mul3A_256 = arith.constant 16 : i32
            %mul3A_257 = arith.muli %add3A_195, %mul3A_256 : i32
            %add3A_258 = arith.constant 2 : i32
            %add3A_259 = arith.addi %mul3A_257, %add3A_258 : i32
            %get3A_260 = arith.index_cast %add3A_259 : i32 to index
            %get3A_261 = arith.constant 0 : index
            %get3A_262 = tpu.vector_load %arg24[%get3A_260, %get3A_261] {strides = array<i32>} : memref<512x32xf32, #tpu.memory_space<vmem>>, vector<1x16xf32>,
            %get3A_263 = vector.shape_cast %get3A_262 : vector<1x16xf32> to vector<16xf32>
            %mul3A_264 = arith.mulf %get3A_263, %gather3A_255 : vector<16xf32>
            %swap3A_265 = arith.index_cast %add3A_259 : i32 to index
            %swap3A_266 = arith.constant 0 : index
            %swap3A_267 = tpu.vector_load %arg24[%swap3A_265, %swap3A_266] {strides = array<i32>} : memref<512x32xf32, #tpu.memory_space<vmem>>, vector<1x16xf32>,
            %swap3A_268 = vector.shape_cast %swap3A_267 : vector<1x16xf32> to vector<16xf32>
            %swap3A_269 = vector.shape_cast %mul3A_264 : vector<16xf32> to vector<1x16xf32>
            tpu.vector_store %arg24[%swap3A_265, %swap3A_266], %swap3A_269 {strides = array<i32>} : memref<512x32xf32, #tpu.memory_space<vmem>>, vector<1x16xf32>,
            %get3A_270 = arith.index_cast %add3A_259 : i32 to index
            %get3A_271 = arith.constant 16 : index
            %get3A_272 = tpu.vector_load %arg24[%get3A_270, %get3A_271] {strides = array<i32>} : memref<512x32xf32, #tpu.memory_space<vmem>>, vector<1x16xf32>,
            %get3A_273 = vector.shape_cast %get3A_272 : vector<1x16xf32> to vector<16xf32>
            %mul3A_274 = arith.mulf %get3A_273, %gather3A_255 : vector<16xf32>
            %swap3A_275 = arith.index_cast %add3A_259 : i32 to index
            %swap3A_276 = arith.constant 16 : index
            %swap3A_277 = tpu.vector_load %arg24[%swap3A_275, %swap3A_276] {strides = array<i32>} : memref<512x32xf32, #tpu.memory_space<vmem>>, vector<1x16xf32>,
            %swap3A_278 = vector.shape_cast %swap3A_277 : vector<1x16xf32> to vector<16xf32>
            %swap3A_279 = vector.shape_cast %mul3A_274 : vector<16xf32> to vector<1x16xf32>
            tpu.vector_store %arg24[%swap3A_275, %swap3A_276], %swap3A_279 {strides = array<i32>} : memref<512x32xf32, #tpu.memory_space<vmem>>, vector<1x16xf32>,
            %gather3A_280 = vector.shape_cast %broadcast_in_dim3A_15 : vector<16x1xi32> to vector<16xi32>
            %gather3A_281 = tpu.dynamic_gather %mul3A_203[%gather3A_280] in [0] : vector<16xf32>, vector<16xi32> -> vector<16xf32>
            %mul3A_282 = arith.constant 16 : i32
            %mul3A_283 = arith.muli %add3A_195, %mul3A_282 : i32
            %add3A_284 = arith.constant 3 : i32
            %add3A_285 = arith.addi %mul3A_283, %add3A_284 : i32
            %get3A_286 = arith.index_cast %add3A_285 : i32 to index
            %get3A_287 = arith.constant 0 : index
            %get3A_288 = tpu.vector_load %arg24[%get3A_286, %get3A_287] {strides = array<i32>} : memref<512x32xf32, #tpu.memory_space<vmem>>, vector<1x16xf32>,
            %get3A_289 = vector.shape_cast %get3A_288 : vector<1x16xf32> to vector<16xf32>
            %mul3A_290 = arith.mulf %get3A_289, %gather3A_281 : vector<16xf32>
            %swap3A_291 = arith.index_cast %add3A_285 : i32 to index
            %swap3A_292 = arith.constant 0 : index
            %swap3A_293 = tpu.vector_load %arg24[%swap3A_291, %swap3A_292] {strides = array<i32>} : memref<512x32xf32, #tpu.memory_space<vmem>>, vector<1x16xf32>,
            %swap3A_294 = vector.shape_cast %swap3A_293 : vector<1x16xf32> to vector<16xf32>
            %swap3A_295 = vector.shape_cast %mul3A_290 : vector<16xf32> to vector<1x16xf32>
            tpu.vector_store %arg24[%swap3A_291, %swap3A_292], %swap3A_295 {strides = array<i32>} : memref<512x32xf32, #tpu.memory_space<vmem>>, vector<1x16xf32>,
            %get3A_296 = arith.index_cast %add3A_285 : i32 to index
            %get3A_297 = arith.constant 16 : index
            %get3A_298 = tpu.vector_load %arg24[%get3A_296, %get3A_297] {strides = array<i32>} : memref<512x32xf32, #tpu.memory_space<vmem>>, vector<1x16xf32>,
            %get3A_299 = vector.shape_cast %get3A_298 : vector<1x16xf32> to vector<16xf32>
            %mul3A_300 = arith.mulf %get3A_299, %gather3A_281 : vector<16xf32>
            %swap3A_301 = arith.index_cast %add3A_285 : i32 to index
            %swap3A_302 = arith.constant 16 : index
            %swap3A_303 = tpu.vector_load %arg24[%swap3A_301, %swap3A_302] {strides = array<i32>} : memref<512x32xf32, #tpu.memory_space<vmem>>, vector<1x16xf32>,
            %swap3A_304 = vector.shape_cast %swap3A_303 : vector<1x16xf32> to vector<16xf32>
            %swap3A_305 = vector.shape_cast %mul3A_300 : vector<16xf32> to vector<1x16xf32>
            tpu.vector_store %arg24[%swap3A_301, %swap3A_302], %swap3A_305 {strides = array<i32>} : memref<512x32xf32, #tpu.memory_space<vmem>>, vector<1x16xf32>,
            %gather3A_306 = vector.shape_cast %broadcast_in_dim3A_19 : vector<16x1xi32> to vector<16xi32>
            %gather3A_307 = tpu.dynamic_gather %mul3A_203[%gather3A_306] in [0] : vector<16xf32>, vector<16xi32> -> vector<16xf32>
            %mul3A_308 = arith.constant 16 : i32
            %mul3A_309 = arith.muli %add3A_195, %mul3A_308 : i32
            %add3A_310 = arith.constant 4 : i32
            %add3A_311 = arith.addi %mul3A_309, %add3A_310 : i32
            %get3A_312 = arith.index_cast %add3A_311 : i32 to index
            %get3A_313 = arith.constant 0 : index
            %get3A_314 = tpu.vector_load %arg24[%get3A_312, %get3A_313] {strides = array<i32>} : memref<512x32xf32, #tpu.memory_space<vmem>>, vector<1x16xf32>,
            %get3A_315 = vector.shape_cast %get3A_314 : vector<1x16xf32> to vector<16xf32>
            %mul3A_316 = arith.mulf %get3A_315, %gather3A_307 : vector<16xf32>
            %swap3A_317 = arith.index_cast %add3A_311 : i32 to index
            %swap3A_318 = arith.constant 0 : index
            %swap3A_319 = tpu.vector_load %arg24[%swap3A_317, %swap3A_318] {strides = array<i32>} : memref<512x32xf32, #tpu.memory_space<vmem>>, vector<1x16xf32>,
            %swap3A_320 = vector.shape_cast %swap3A_319 : vector<1x16xf32> to vector<16xf32>
            %swap3A_321 = vector.shape_cast %mul3A_316 : vector<16xf32> to vector<1x16xf32>
            tpu.vector_store %arg24[%swap3A_317, %swap3A_318], %swap3A_321 {strides = array<i32>} : memref<512x32xf32, #tpu.memory_space<vmem>>, vector<1x16xf32>,
            %get3A_322 = arith.index_cast %add3A_311 : i32 to index
            %get3A_323 = arith.constant 16 : index
            %get3A_324 = tpu.vector_load %arg24[%get3A_322, %get3A_323] {strides = array<i32>} : memref<512x32xf32, #tpu.memory_space<vmem>>, vector<1x16xf32>,
            %get3A_325 = vector.shape_cast %get3A_324 : vector<1x16xf32> to vector<16xf32>
            %mul3A_326 = arith.mulf %get3A_325, %gather3A_307 : vector<16xf32>
            %swap3A_327 = arith.index_cast %add3A_311 : i32 to index
            %swap3A_328 = arith.constant 16 : index
            %swap3A_329 = tpu.vector_load %arg24[%swap3A_327, %swap3A_328] {strides = array<i32>} : memref<512x32xf32, #tpu.memory_space<vmem>>, vector<1x16xf32>,
            %swap3A_330 = vector.shape_cast %swap3A_329 : vector<1x16xf32> to vector<16xf32>
            %swap3A_331 = vector.shape_cast %mul3A_326 : vector<16xf32> to vector<1x16xf32>
            tpu.vector_store %arg24[%swap3A_327, %swap3A_328], %swap3A_331 {strides = array<i32>} : memref<512x32xf32, #tpu.memory_space<vmem>>, vector<1x16xf32>,
            %gather3A_332 = vector.shape_cast %broadcast_in_dim3A_23 : vector<16x1xi32> to vector<16xi32>
            %gather3A_333 = tpu.dynamic_gather %mul3A_203[%gather3A_332] in [0] : vector<16xf32>, vector<16xi32> -> vector<16xf32>
            %mul3A_334 = arith.constant 16 : i32
            %mul3A_335 = arith.muli %add3A_195, %mul3A_334 : i32
            %add3A_336 = arith.constant 5 : i32
            %add3A_337 = arith.addi %mul3A_335, %add3A_336 : i32
            %get3A_338 = arith.index_cast %add3A_337 : i32 to index
            %get3A_339 = arith.constant 0 : index
            %get3A_340 = tpu.vector_load %arg24[%get3A_338, %get3A_339] {strides = array<i32>} : memref<512x32xf32, #tpu.memory_space<vmem>>, vector<1x16xf32>,
            %get3A_341 = vector.shape_cast %get3A_340 : vector<1x16xf32> to vector<16xf32>
            %mul3A_342 = arith.mulf %get3A_341, %gather3A_333 : vector<16xf32>
            %swap3A_343 = arith.index_cast %add3A_337 : i32 to index
            %swap3A_344 = arith.constant 0 : index
            %swap3A_345 = tpu.vector_load %arg24[%swap3A_343, %swap3A_344] {strides = array<i32>} : memref<512x32xf32, #tpu.memory_space<vmem>>, vector<1x16xf32>,
            %swap3A_346 = vector.shape_cast %swap3A_345 : vector<1x16xf32> to vector<16xf32>
            %swap3A_347 = vector.shape_cast %mul3A_342 : vector<16xf32> to vector<1x16xf32>
            tpu.vector_store %arg24[%swap3A_343, %swap3A_344], %swap3A_347 {strides = array<i32>} : memref<512x32xf32, #tpu.memory_space<vmem>>, vector<1x16xf32>,
            %get3A_348 = arith.index_cast %add3A_337 : i32 to index
            %get3A_349 = arith.constant 16 : index
            %get3A_350 = tpu.vector_load %arg24[%get3A_348, %get3A_349] {strides = array<i32>} : memref<512x32xf32, #tpu.memory_space<vmem>>, vector<1x16xf32>,
            %get3A_351 = vector.shape_cast %get3A_350 : vector<1x16xf32> to vector<16xf32>
            %mul3A_352 = arith.mulf %get3A_351, %gather3A_333 : vector<16xf32>
            %swap3A_353 = arith.index_cast %add3A_337 : i32 to index
            %swap3A_354 = arith.constant 16 : index
            %swap3A_355 = tpu.vector_load %arg24[%swap3A_353, %swap3A_354] {strides = array<i32>} : memref<512x32xf32, #tpu.memory_space<vmem>>, vector<1x16xf32>,
            %swap3A_356 = vector.shape_cast %swap3A_355 : vector<1x16xf32> to vector<16xf32>
            %swap3A_357 = vector.shape_cast %mul3A_352 : vector<16xf32> to vector<1x16xf32>
            tpu.vector_store %arg24[%swap3A_353, %swap3A_354], %swap3A_357 {strides = array<i32>} : memref<512x32xf32, #tpu.memory_space<vmem>>, vector<1x16xf32>,
            %gather3A_358 = vector.shape_cast %broadcast_in_dim3A_27 : vector<16x1xi32> to vector<16xi32>
            %gather3A_359 = tpu.dynamic_gather %mul3A_203[%gather3A_358] in [0] : vector<16xf32>, vector<16xi32> -> vector<16xf32>
            %mul3A_360 = arith.constant 16 : i32
            %mul3A_361 = arith.muli %add3A_195, %mul3A_360 : i32
            %add3A_362 = arith.constant 6 : i32
            %add3A_363 = arith.addi %mul3A_361, %add3A_362 : i32
            %get3A_364 = arith.index_cast %add3A_363 : i32 to index
            %get3A_365 = arith.constant 0 : index
            %get3A_366 = tpu.vector_load %arg24[%get3A_364, %get3A_365] {strides = array<i32>} : memref<512x32xf32, #tpu.memory_space<vmem>>, vector<1x16xf32>,
            %get3A_367 = vector.shape_cast %get3A_366 : vector<1x16xf32> to vector<16xf32>
            %mul3A_368 = arith.mulf %get3A_367, %gather3A_359 : vector<16xf32>
            %swap3A_369 = arith.index_cast %add3A_363 : i32 to index
            %swap3A_370 = arith.constant 0 : index
            %swap3A_371 = tpu.vector_load %arg24[%swap3A_369, %swap3A_370] {strides = array<i32>} : memref<512x32xf32, #tpu.memory_space<vmem>>, vector<1x16xf32>,
            %swap3A_372 = vector.shape_cast %swap3A_371 : vector<1x16xf32> to vector<16xf32>
            %swap3A_373 = vector.shape_cast %mul3A_368 : vector<16xf32> to vector<1x16xf32>
            tpu.vector_store %arg24[%swap3A_369, %swap3A_370], %swap3A_373 {strides = array<i32>} : memref<512x32xf32, #tpu.memory_space<vmem>>, vector<1x16xf32>,
            %get3A_374 = arith.index_cast %add3A_363 : i32 to index
            %get3A_375 = arith.constant 16 : index
            %get3A_376 = tpu.vector_load %arg24[%get3A_374, %get3A_375] {strides = array<i32>} : memref<512x32xf32, #tpu.memory_space<vmem>>, vector<1x16xf32>,
            %get3A_377 = vector.shape_cast %get3A_376 : vector<1x16xf32> to vector<16xf32>
            %mul3A_378 = arith.mulf %get3A_377, %gather3A_359 : vector<16xf32>
            %swap3A_379 = arith.index_cast %add3A_363 : i32 to index
            %swap3A_380 = arith.constant 16 : index
            %swap3A_381 = tpu.vector_load %arg24[%swap3A_379, %swap3A_380] {strides = array<i32>} : memref<512x32xf32, #tpu.memory_space<vmem>>, vector<1x16xf32>,
            %swap3A_382 = vector.shape_cast %swap3A_381 : vector<1x16xf32> to vector<16xf32>
            %swap3A_383 = vector.shape_cast %mul3A_378 : vector<16xf32> to vector<1x16xf32>
            tpu.vector_store %arg24[%swap3A_379, %swap3A_380], %swap3A_383 {strides = array<i32>} : memref<512x32xf32, #tpu.memory_space<vmem>>, vector<1x16xf32>,
            %gather3A_384 = vector.shape_cast %broadcast_in_dim3A_31 : vector<16x1xi32> to vector<16xi32>
            %gather3A_385 = tpu.dynamic_gather %mul3A_203[%gather3A_384] in [0] : vector<16xf32>, vector<16xi32> -> vector<16xf32>
            %mul3A_386 = arith.constant 16 : i32
            %mul3A_387 = arith.muli %add3A_195, %mul3A_386 : i32
            %add3A_388 = arith.constant 7 : i32
            %add3A_389 = arith.addi %mul3A_387, %add3A_388 : i32
            %get3A_390 = arith.index_cast %add3A_389 : i32 to index
            %get3A_391 = arith.constant 0 : index
            %get3A_392 = tpu.vector_load %arg24[%get3A_390, %get3A_391] {strides = array<i32>} : memref<512x32xf32, #tpu.memory_space<vmem>>, vector<1x16xf32>,
            %get3A_393 = vector.shape_cast %get3A_392 : vector<1x16xf32> to vector<16xf32>
            %mul3A_394 = arith.mulf %get3A_393, %gather3A_385 : vector<16xf32>
            %swap3A_395 = arith.index_cast %add3A_389 : i32 to index
            %swap3A_396 = arith.constant 0 : index
            %swap3A_397 = tpu.vector_load %arg24[%swap3A_395, %swap3A_396] {strides = array<i32>} : memref<512x32xf32, #tpu.memory_space<vmem>>, vector<1x16xf32>,
            %swap3A_398 = vector.shape_cast %swap3A_397 : vector<1x16xf32> to vector<16xf32>
            %swap3A_399 = vector.shape_cast %mul3A_394 : vector<16xf32> to vector<1x16xf32>
            tpu.vector_store %arg24[%swap3A_395, %swap3A_396], %swap3A_399 {strides = array<i32>} : memref<512x32xf32, #tpu.memory_space<vmem>>, vector<1x16xf32>,
            %get3A_400 = arith.index_cast %add3A_389 : i32 to index
            %get3A_401 = arith.constant 16 : index
            %get3A_402 = tpu.vector_load %arg24[%get3A_400, %get3A_401] {strides = array<i32>} : memref<512x32xf32, #tpu.memory_space<vmem>>, vector<1x16xf32>,
            %get3A_403 = vector.shape_cast %get3A_402 : vector<1x16xf32> to vector<16xf32>
            %mul3A_404 = arith.mulf %get3A_403, %gather3A_385 : vector<16xf32>
            %swap3A_405 = arith.index_cast %add3A_389 : i32 to index
            %swap3A_406 = arith.constant 16 : index
            %swap3A_407 = tpu.vector_load %arg24[%swap3A_405, %swap3A_406] {strides = array<i32>} : memref<512x32xf32, #tpu.memory_space<vmem>>, vector<1x16xf32>,
            %swap3A_408 = vector.shape_cast %swap3A_407 : vector<1x16xf32> to vector<16xf32>
            %swap3A_409 = vector.shape_cast %mul3A_404 : vector<16xf32> to vector<1x16xf32>
            tpu.vector_store %arg24[%swap3A_405, %swap3A_406], %swap3A_409 {strides = array<i32>} : memref<512x32xf32, #tpu.memory_space<vmem>>, vector<1x16xf32>,
            %gather3A_410 = vector.shape_cast %broadcast_in_dim3A_35 : vector<16x1xi32> to vector<16xi32>
            %gather3A_411 = tpu.dynamic_gather %mul3A_203[%gather3A_410] in [0] : vector<16xf32>, vector<16xi32> -> vector<16xf32>
            %mul3A_412 = arith.constant 16 : i32
            %mul3A_413 = arith.muli %add3A_195, %mul3A_412 : i32
            %add3A_414 = arith.constant 8 : i32
            %add3A_415 = arith.addi %mul3A_413, %add3A_414 : i32
            %get3A_416 = arith.index_cast %add3A_415 : i32 to index
            %get3A_417 = arith.constant 0 : index
            %get3A_418 = tpu.vector_load %arg24[%get3A_416, %get3A_417] {strides = array<i32>} : memref<512x32xf32, #tpu.memory_space<vmem>>, vector<1x16xf32>,
            %get3A_419 = vector.shape_cast %get3A_418 : vector<1x16xf32> to vector<16xf32>
            %mul3A_420 = arith.mulf %get3A_419, %gather3A_411 : vector<16xf32>
            %swap3A_421 = arith.index_cast %add3A_415 : i32 to index
            %swap3A_422 = arith.constant 0 : index
            %swap3A_423 = tpu.vector_load %arg24[%swap3A_421, %swap3A_422] {strides = array<i32>} : memref<512x32xf32, #tpu.memory_space<vmem>>, vector<1x16xf32>,
            %swap3A_424 = vector.shape_cast %swap3A_423 : vector<1x16xf32> to vector<16xf32>
            %swap3A_425 = vector.shape_cast %mul3A_420 : vector<16xf32> to vector<1x16xf32>
            tpu.vector_store %arg24[%swap3A_421, %swap3A_422], %swap3A_425 {strides = array<i32>} : memref<512x32xf32, #tpu.memory_space<vmem>>, vector<1x16xf32>,
            %get3A_426 = arith.index_cast %add3A_415 : i32 to index
            %get3A_427 = arith.constant 16 : index
            %get3A_428 = tpu.vector_load %arg24[%get3A_426, %get3A_427] {strides = array<i32>} : memref<512x32xf32, #tpu.memory_space<vmem>>, vector<1x16xf32>,
            %get3A_429 = vector.shape_cast %get3A_428 : vector<1x16xf32> to vector<16xf32>
            %mul3A_430 = arith.mulf %get3A_429, %gather3A_411 : vector<16xf32>
            %swap3A_431 = arith.index_cast %add3A_415 : i32 to index
            %swap3A_432 = arith.constant 16 : index
            %swap3A_433 = tpu.vector_load %arg24[%swap3A_431, %swap3A_432] {strides = array<i32>} : memref<512x32xf32, #tpu.memory_space<vmem>>, vector<1x16xf32>,
            %swap3A_434 = vector.shape_cast %swap3A_433 : vector<1x16xf32> to vector<16xf32>
            %swap3A_435 = vector.shape_cast %mul3A_430 : vector<16xf32> to vector<1x16xf32>
            tpu.vector_store %arg24[%swap3A_431, %swap3A_432], %swap3A_435 {strides = array<i32>} : memref<512x32xf32, #tpu.memory_space<vmem>>, vector<1x16xf32>,
            %gather3A_436 = vector.shape_cast %broadcast_in_dim3A_39 : vector<16x1xi32> to vector<16xi32>
            %gather3A_437 = tpu.dynamic_gather %mul3A_203[%gather3A_436] in [0] : vector<16xf32>, vector<16xi32> -> vector<16xf32>
            %mul3A_438 = arith.constant 16 : i32
            %mul3A_439 = arith.muli %add3A_195, %mul3A_438 : i32
            %add3A_440 = arith.constant 9 : i32
            %add3A_441 = arith.addi %mul3A_439, %add3A_440 : i32
            %get3A_442 = arith.index_cast %add3A_441 : i32 to index
            %get3A_443 = arith.constant 0 : index
            %get3A_444 = tpu.vector_load %arg24[%get3A_442, %get3A_443] {strides = array<i32>} : memref<512x32xf32, #tpu.memory_space<vmem>>, vector<1x16xf32>,
            %get3A_445 = vector.shape_cast %get3A_444 : vector<1x16xf32> to vector<16xf32>
            %mul3A_446 = arith.mulf %get3A_445, %gather3A_437 : vector<16xf32>
            %swap3A_447 = arith.index_cast %add3A_441 : i32 to index
            %swap3A_448 = arith.constant 0 : index
            %swap3A_449 = tpu.vector_load %arg24[%swap3A_447, %swap3A_448] {strides = array<i32>} : memref<512x32xf32, #tpu.memory_space<vmem>>, vector<1x16xf32>,
            %swap3A_450 = vector.shape_cast %swap3A_449 : vector<1x16xf32> to vector<16xf32>
            %swap3A_451 = vector.shape_cast %mul3A_446 : vector<16xf32> to vector<1x16xf32>
            tpu.vector_store %arg24[%swap3A_447, %swap3A_448], %swap3A_451 {strides = array<i32>} : memref<512x32xf32, #tpu.memory_space<vmem>>, vector<1x16xf32>,
            %get3A_452 = arith.index_cast %add3A_441 : i32 to index
            %get3A_453 = arith.constant 16 : index
            %get3A_454 = tpu.vector_load %arg24[%get3A_452, %get3A_453] {strides = array<i32>} : memref<512x32xf32, #tpu.memory_space<vmem>>, vector<1x16xf32>,
            %get3A_455 = vector.shape_cast %get3A_454 : vector<1x16xf32> to vector<16xf32>
            %mul3A_456 = arith.mulf %get3A_455, %gather3A_437 : vector<16xf32>
            %swap3A_457 = arith.index_cast %add3A_441 : i32 to index
            %swap3A_458 = arith.constant 16 : index
            %swap3A_459 = tpu.vector_load %arg24[%swap3A_457, %swap3A_458] {strides = array<i32>} : memref<512x32xf32, #tpu.memory_space<vmem>>, vector<1x16xf32>,
            %swap3A_460 = vector.shape_cast %swap3A_459 : vector<1x16xf32> to vector<16xf32>
            %swap3A_461 = vector.shape_cast %mul3A_456 : vector<16xf32> to vector<1x16xf32>
            tpu.vector_store %arg24[%swap3A_457, %swap3A_458], %swap3A_461 {strides = array<i32>} : memref<512x32xf32, #tpu.memory_space<vmem>>, vector<1x16xf32>,
            %gather3A_462 = vector.shape_cast %broadcast_in_dim3A_43 : vector<16x1xi32> to vector<16xi32>
            %gather3A_463 = tpu.dynamic_gather %mul3A_203[%gather3A_462] in [0] : vector<16xf32>, vector<16xi32> -> vector<16xf32>
            %mul3A_464 = arith.constant 16 : i32
            %mul3A_465 = arith.muli %add3A_195, %mul3A_464 : i32
            %add3A_466 = arith.constant 10 : i32
            %add3A_467 = arith.addi %mul3A_465, %add3A_466 : i32
            %get3A_468 = arith.index_cast %add3A_467 : i32 to index
            %get3A_469 = arith.constant 0 : index
            %get3A_470 = tpu.vector_load %arg24[%get3A_468, %get3A_469] {strides = array<i32>} : memref<512x32xf32, #tpu.memory_space<vmem>>, vector<1x16xf32>,
            %get3A_471 = vector.shape_cast %get3A_470 : vector<1x16xf32> to vector<16xf32>
            %mul3A_472 = arith.mulf %get3A_471, %gather3A_463 : vector<16xf32>
            %swap3A_473 = arith.index_cast %add3A_467 : i32 to index
            %swap3A_474 = arith.constant 0 : index
            %swap3A_475 = tpu.vector_load %arg24[%swap3A_473, %swap3A_474] {strides = array<i32>} : memref<512x32xf32, #tpu.memory_space<vmem>>, vector<1x16xf32>,
            %swap3A_476 = vector.shape_cast %swap3A_475 : vector<1x16xf32> to vector<16xf32>
            %swap3A_477 = vector.shape_cast %mul3A_472 : vector<16xf32> to vector<1x16xf32>
            tpu.vector_store %arg24[%swap3A_473, %swap3A_474], %swap3A_477 {strides = array<i32>} : memref<512x32xf32, #tpu.memory_space<vmem>>, vector<1x16xf32>,
            %get3A_478 = arith.index_cast %add3A_467 : i32 to index
            %get3A_479 = arith.constant 16 : index
            %get3A_480 = tpu.vector_load %arg24[%get3A_478, %get3A_479] {strides = array<i32>} : memref<512x32xf32, #tpu.memory_space<vmem>>, vector<1x16xf32>,
            %get3A_481 = vector.shape_cast %get3A_480 : vector<1x16xf32> to vector<16xf32>
            %mul3A_482 = arith.mulf %get3A_481, %gather3A_463 : vector<16xf32>
            %swap3A_483 = arith.index_cast %add3A_467 : i32 to index
            %swap3A_484 = arith.constant 16 : index
            %swap3A_485 = tpu.vector_load %arg24[%swap3A_483, %swap3A_484] {strides = array<i32>} : memref<512x32xf32, #tpu.memory_space<vmem>>, vector<1x16xf32>,
            %swap3A_486 = vector.shape_cast %swap3A_485 : vector<1x16xf32> to vector<16xf32>
            %swap3A_487 = vector.shape_cast %mul3A_482 : vector<16xf32> to vector<1x16xf32>
            tpu.vector_store %arg24[%swap3A_483, %swap3A_484], %swap3A_487 {strides = array<i32>} : memref<512x32xf32, #tpu.memory_space<vmem>>, vector<1x16xf32>,
            %gather3A_488 = vector.shape_cast %broadcast_in_dim3A_47 : vector<16x1xi32> to vector<16xi32>
            %gather3A_489 = tpu.dynamic_gather %mul3A_203[%gather3A_488] in [0] : vector<16xf32>, vector<16xi32> -> vector<16xf32>
            %mul3A_490 = arith.constant 16 : i32
            %mul3A_491 = arith.muli %add3A_195, %mul3A_490 : i32
            %add3A_492 = arith.constant 11 : i32
            %add3A_493 = arith.addi %mul3A_491, %add3A_492 : i32
            %get3A_494 = arith.index_cast %add3A_493 : i32 to index
            %get3A_495 = arith.constant 0 : index
            %get3A_496 = tpu.vector_load %arg24[%get3A_494, %get3A_495] {strides = array<i32>} : memref<512x32xf32, #tpu.memory_space<vmem>>, vector<1x16xf32>,
            %get3A_497 = vector.shape_cast %get3A_496 : vector<1x16xf32> to vector<16xf32>
            %mul3A_498 = arith.mulf %get3A_497, %gather3A_489 : vector<16xf32>
            %swap3A_499 = arith.index_cast %add3A_493 : i32 to index
            %swap3A_500 = arith.constant 0 : index
            %swap3A_501 = tpu.vector_load %arg24[%swap3A_499, %swap3A_500] {strides = array<i32>} : memref<512x32xf32, #tpu.memory_space<vmem>>, vector<1x16xf32>,
            %swap3A_502 = vector.shape_cast %swap3A_501 : vector<1x16xf32> to vector<16xf32>
            %swap3A_503 = vector.shape_cast %mul3A_498 : vector<16xf32> to vector<1x16xf32>
            tpu.vector_store %arg24[%swap3A_499, %swap3A_500], %swap3A_503 {strides = array<i32>} : memref<512x32xf32, #tpu.memory_space<vmem>>, vector<1x16xf32>,
            %get3A_504 = arith.index_cast %add3A_493 : i32 to index
            %get3A_505 = arith.constant 16 : index
            %get3A_506 = tpu.vector_load %arg24[%get3A_504, %get3A_505] {strides = array<i32>} : memref<512x32xf32, #tpu.memory_space<vmem>>, vector<1x16xf32>,
            %get3A_507 = vector.shape_cast %get3A_506 : vector<1x16xf32> to vector<16xf32>
            %mul3A_508 = arith.mulf %get3A_507, %gather3A_489 : vector<16xf32>
            %swap3A_509 = arith.index_cast %add3A_493 : i32 to index
            %swap3A_510 = arith.constant 16 : index
            %swap3A_511 = tpu.vector_load %arg24[%swap3A_509, %swap3A_510] {strides = array<i32>} : memref<512x32xf32, #tpu.memory_space<vmem>>, vector<1x16xf32>,
            %swap3A_512 = vector.shape_cast %swap3A_511 : vector<1x16xf32> to vector<16xf32>
            %swap3A_513 = vector.shape_cast %mul3A_508 : vector<16xf32> to vector<1x16xf32>
            tpu.vector_store %arg24[%swap3A_509, %swap3A_510], %swap3A_513 {strides = array<i32>} : memref<512x32xf32, #tpu.memory_space<vmem>>, vector<1x16xf32>,
            %gather3A_514 = vector.shape_cast %broadcast_in_dim3A_51 : vector<16x1xi32> to vector<16xi32>
            %gather3A_515 = tpu.dynamic_gather %mul3A_203[%gather3A_514] in [0] : vector<16xf32>, vector<16xi32> -> vector<16xf32>
            %mul3A_516 = arith.constant 16 : i32
            %mul3A_517 = arith.muli %add3A_195, %mul3A_516 : i32
            %add3A_518 = arith.constant 12 : i32
            %add3A_519 = arith.addi %mul3A_517, %add3A_518 : i32
            %get3A_520 = arith.index_cast %add3A_519 : i32 to index
            %get3A_521 = arith.constant 0 : index
            %get3A_522 = tpu.vector_load %arg24[%get3A_520, %get3A_521] {strides = array<i32>} : memref<512x32xf32, #tpu.memory_space<vmem>>, vector<1x16xf32>,
            %get3A_523 = vector.shape_cast %get3A_522 : vector<1x16xf32> to vector<16xf32>
            %mul3A_524 = arith.mulf %get3A_523, %gather3A_515 : vector<16xf32>
            %swap3A_525 = arith.index_cast %add3A_519 : i32 to index
            %swap3A_526 = arith.constant 0 : index
            %swap3A_527 = tpu.vector_load %arg24[%swap3A_525, %swap3A_526] {strides = array<i32>} : memref<512x32xf32, #tpu.memory_space<vmem>>, vector<1x16xf32>,
            %swap3A_528 = vector.shape_cast %swap3A_527 : vector<1x16xf32> to vector<16xf32>
            %swap3A_529 = vector.shape_cast %mul3A_524 : vector<16xf32> to vector<1x16xf32>
            tpu.vector_store %arg24[%swap3A_525, %swap3A_526], %swap3A_529 {strides = array<i32>} : memref<512x32xf32, #tpu.memory_space<vmem>>, vector<1x16xf32>,
            %get3A_530 = arith.index_cast %add3A_519 : i32 to index
            %get3A_531 = arith.constant 16 : index
            %get3A_532 = tpu.vector_load %arg24[%get3A_530, %get3A_531] {strides = array<i32>} : memref<512x32xf32, #tpu.memory_space<vmem>>, vector<1x16xf32>,
            %get3A_533 = vector.shape_cast %get3A_532 : vector<1x16xf32> to vector<16xf32>
            %mul3A_534 = arith.mulf %get3A_533, %gather3A_515 : vector<16xf32>
            %swap3A_535 = arith.index_cast %add3A_519 : i32 to index
            %swap3A_536 = arith.constant 16 : index
            %swap3A_537 = tpu.vector_load %arg24[%swap3A_535, %swap3A_536] {strides = array<i32>} : memref<512x32xf32, #tpu.memory_space<vmem>>, vector<1x16xf32>,
            %swap3A_538 = vector.shape_cast %swap3A_537 : vector<1x16xf32> to vector<16xf32>
            %swap3A_539 = vector.shape_cast %mul3A_534 : vector<16xf32> to vector<1x16xf32>
            tpu.vector_store %arg24[%swap3A_535, %swap3A_536], %swap3A_539 {strides = array<i32>} : memref<512x32xf32, #tpu.memory_space<vmem>>, vector<1x16xf32>,
            %gather3A_540 = vector.shape_cast %broadcast_in_dim3A_55 : vector<16x1xi32> to vector<16xi32>
            %gather3A_541 = tpu.dynamic_gather %mul3A_203[%gather3A_540] in [0] : vector<16xf32>, vector<16xi32> -> vector<16xf32>
            %mul3A_542 = arith.constant 16 : i32
            %mul3A_543 = arith.muli %add3A_195, %mul3A_542 : i32
            %add3A_544 = arith.constant 13 : i32
            %add3A_545 = arith.addi %mul3A_543, %add3A_544 : i32
            %get3A_546 = arith.index_cast %add3A_545 : i32 to index
            %get3A_547 = arith.constant 0 : index
            %get3A_548 = tpu.vector_load %arg24[%get3A_546, %get3A_547] {strides = array<i32>} : memref<512x32xf32, #tpu.memory_space<vmem>>, vector<1x16xf32>,
            %get3A_549 = vector.shape_cast %get3A_548 : vector<1x16xf32> to vector<16xf32>
            %mul3A_550 = arith.mulf %get3A_549, %gather3A_541 : vector<16xf32>
            %swap3A_551 = arith.index_cast %add3A_545 : i32 to index
            %swap3A_552 = arith.constant 0 : index
            %swap3A_553 = tpu.vector_load %arg24[%swap3A_551, %swap3A_552] {strides = array<i32>} : memref<512x32xf32, #tpu.memory_space<vmem>>, vector<1x16xf32>,
            %swap3A_554 = vector.shape_cast %swap3A_553 : vector<1x16xf32> to vector<16xf32>
            %swap3A_555 = vector.shape_cast %mul3A_550 : vector<16xf32> to vector<1x16xf32>
            tpu.vector_store %arg24[%swap3A_551, %swap3A_552], %swap3A_555 {strides = array<i32>} : memref<512x32xf32, #tpu.memory_space<vmem>>, vector<1x16xf32>,
            %get3A_556 = arith.index_cast %add3A_545 : i32 to index
            %get3A_557 = arith.constant 16 : index
            %get3A_558 = tpu.vector_load %arg24[%get3A_556, %get3A_557] {strides = array<i32>} : memref<512x32xf32, #tpu.memory_space<vmem>>, vector<1x16xf32>,
            %get3A_559 = vector.shape_cast %get3A_558 : vector<1x16xf32> to vector<16xf32>
            %mul3A_560 = arith.mulf %get3A_559, %gather3A_541 : vector<16xf32>
            %swap3A_561 = arith.index_cast %add3A_545 : i32 to index
            %swap3A_562 = arith.constant 16 : index
            %swap3A_563 = tpu.vector_load %arg24[%swap3A_561, %swap3A_562] {strides = array<i32>} : memref<512x32xf32, #tpu.memory_space<vmem>>, vector<1x16xf32>,
            %swap3A_564 = vector.shape_cast %swap3A_563 : vector<1x16xf32> to vector<16xf32>
            %swap3A_565 = vector.shape_cast %mul3A_560 : vector<16xf32> to vector<1x16xf32>
            tpu.vector_store %arg24[%swap3A_561, %swap3A_562], %swap3A_565 {strides = array<i32>} : memref<512x32xf32, #tpu.memory_space<vmem>>, vector<1x16xf32>,
            %gather3A_566 = vector.shape_cast %broadcast_in_dim3A_59 : vector<16x1xi32> to vector<16xi32>
            %gather3A_567 = tpu.dynamic_gather %mul3A_203[%gather3A_566] in [0] : vector<16xf32>, vector<16xi32> -> vector<16xf32>
            %mul3A_568 = arith.constant 16 : i32
            %mul3A_569 = arith.muli %add3A_195, %mul3A_568 : i32
            %add3A_570 = arith.constant 14 : i32
            %add3A_571 = arith.addi %mul3A_569, %add3A_570 : i32
            %get3A_572 = arith.index_cast %add3A_571 : i32 to index
            %get3A_573 = arith.constant 0 : index
            %get3A_574 = tpu.vector_load %arg24[%get3A_572, %get3A_573] {strides = array<i32>} : memref<512x32xf32, #tpu.memory_space<vmem>>, vector<1x16xf32>,
            %get3A_575 = vector.shape_cast %get3A_574 : vector<1x16xf32> to vector<16xf32>
            %mul3A_576 = arith.mulf %get3A_575, %gather3A_567 : vector<16xf32>
            %swap3A_577 = arith.index_cast %add3A_571 : i32 to index
            %swap3A_578 = arith.constant 0 : index
            %swap3A_579 = tpu.vector_load %arg24[%swap3A_577, %swap3A_578] {strides = array<i32>} : memref<512x32xf32, #tpu.memory_space<vmem>>, vector<1x16xf32>,
            %swap3A_580 = vector.shape_cast %swap3A_579 : vector<1x16xf32> to vector<16xf32>
            %swap3A_581 = vector.shape_cast %mul3A_576 : vector<16xf32> to vector<1x16xf32>
            tpu.vector_store %arg24[%swap3A_577, %swap3A_578], %swap3A_581 {strides = array<i32>} : memref<512x32xf32, #tpu.memory_space<vmem>>, vector<1x16xf32>,
            %get3A_582 = arith.index_cast %add3A_571 : i32 to index
            %get3A_583 = arith.constant 16 : index
            %get3A_584 = tpu.vector_load %arg24[%get3A_582, %get3A_583] {strides = array<i32>} : memref<512x32xf32, #tpu.memory_space<vmem>>, vector<1x16xf32>,
            %get3A_585 = vector.shape_cast %get3A_584 : vector<1x16xf32> to vector<16xf32>
            %mul3A_586 = arith.mulf %get3A_585, %gather3A_567 : vector<16xf32>
            %swap3A_587 = arith.index_cast %add3A_571 : i32 to index
            %swap3A_588 = arith.constant 16 : index
            %swap3A_589 = tpu.vector_load %arg24[%swap3A_587, %swap3A_588] {strides = array<i32>} : memref<512x32xf32, #tpu.memory_space<vmem>>, vector<1x16xf32>,
            %swap3A_590 = vector.shape_cast %swap3A_589 : vector<1x16xf32> to vector<16xf32>
            %swap3A_591 = vector.shape_cast %mul3A_586 : vector<16xf32> to vector<1x16xf32>
            tpu.vector_store %arg24[%swap3A_587, %swap3A_588], %swap3A_591 {strides = array<i32>} : memref<512x32xf32, #tpu.memory_space<vmem>>, vector<1x16xf32>,
            %gather3A_592 = vector.shape_cast %broadcast_in_dim3A_63 : vector<16x1xi32> to vector<16xi32>
            %gather3A_593 = tpu.dynamic_gather %mul3A_203[%gather3A_592] in [0] : vector<16xf32>, vector<16xi32> -> vector<16xf32>
            %mul3A_594 = arith.constant 16 : i32
            %mul3A_595 = arith.muli %add3A_195, %mul3A_594 : i32
            %add3A_596 = arith.constant 15 : i32
            %add3A_597 = arith.addi %mul3A_595, %add3A_596 : i32
            %get3A_598 = arith.index_cast %add3A_597 : i32 to index
            %get3A_599 = arith.constant 0 : index
            %get3A_600 = tpu.vector_load %arg24[%get3A_598, %get3A_599] {strides = array<i32>} : memref<512x32xf32, #tpu.memory_space<vmem>>, vector<1x16xf32>,
            %get3A_601 = vector.shape_cast %get3A_600 : vector<1x16xf32> to vector<16xf32>
            %mul3A_602 = arith.mulf %get3A_601, %gather3A_593 : vector<16xf32>
            %swap3A_603 = arith.index_cast %add3A_597 : i32 to index
            %swap3A_604 = arith.constant 0 : index
            %swap3A_605 = tpu.vector_load %arg24[%swap3A_603, %swap3A_604] {strides = array<i32>} : memref<512x32xf32, #tpu.memory_space<vmem>>, vector<1x16xf32>,
            %swap3A_606 = vector.shape_cast %swap3A_605 : vector<1x16xf32> to vector<16xf32>
            %swap3A_607 = vector.shape_cast %mul3A_602 : vector<16xf32> to vector<1x16xf32>
            tpu.vector_store %arg24[%swap3A_603, %swap3A_604], %swap3A_607 {strides = array<i32>} : memref<512x32xf32, #tpu.memory_space<vmem>>, vector<1x16xf32>,
            %get3A_608 = arith.index_cast %add3A_597 : i32 to index
            %get3A_609 = arith.constant 16 : index
            %get3A_610 = tpu.vector_load %arg24[%get3A_608, %get3A_609] {strides = array<i32>} : memref<512x32xf32, #tpu.memory_space<vmem>>, vector<1x16xf32>,
            %get3A_611 = vector.shape_cast %get3A_610 : vector<1x16xf32> to vector<16xf32>
            %mul3A_612 = arith.mulf %get3A_611, %gather3A_593 : vector<16xf32>
            %swap3A_613 = arith.index_cast %add3A_597 : i32 to index
            %swap3A_614 = arith.constant 16 : index
            %swap3A_615 = tpu.vector_load %arg24[%swap3A_613, %swap3A_614] {strides = array<i32>} : memref<512x32xf32, #tpu.memory_space<vmem>>, vector<1x16xf32>,
            %swap3A_616 = vector.shape_cast %swap3A_615 : vector<1x16xf32> to vector<16xf32>
            %swap3A_617 = vector.shape_cast %mul3A_612 : vector<16xf32> to vector<1x16xf32>
            tpu.vector_store %arg24[%swap3A_613, %swap3A_614], %swap3A_617 {strides = array<i32>} : memref<512x32xf32, #tpu.memory_space<vmem>>, vector<1x16xf32>,
          }
          %scan3A_190 = arith.constant 32 : i32
          "tpu.region"() ({
            %run_scoped3A = tpu.sem_alloc : memref<!tpu.dma_semaphore, #tpu.memory_space<semaphore_mem>>
            %dma_start3A = tpu.memref_slice %arg22[%mul3A_180] : memref<3584xi32, #tpu.memory_space<vmem>> -> memref<512xi32, #tpu.memory_space<vmem>>
            %dma_start3A_191 = arith.constant 0 : i32
            %dma_start3A_192 = arith.constant 0 : i32
            %dma_start3A_193 = tpu.memref_slice %arg20[%dma_start3A_191, %dma_start3A_192] : memref<50000x32xf32, #tpu.memory_space<vmem_shared>> -> memref<50000x32xf32, #tpu.memory_space<vmem_shared>>
            tpu.enqueue_indirect_dma source(%arg24 : memref<512x32xf32, #tpu.memory_space<vmem>>) target(%dma_start3A_193 : memref<50000x32xf32, #tpu.memory_space<vmem_shared>>) offsets(%dma_start3A : memref<512xi32, #tpu.memory_space<vmem>>) semaphore(%run_scoped3A : memref<!tpu.dma_semaphore, #tpu.memory_space<semaphore_mem>>) {add = true}
            %dma_wait3A = tpu.memref_slice %arg22[%mul3A_180] : memref<3584xi32, #tpu.memory_space<vmem>> -> memref<512xi32, #tpu.memory_space<vmem>>
            %dma_wait3A_194 = arith.constant 0 : i32
            %dma_wait3A_195 = arith.constant 0 : i32
            %dma_wait3A_196 = tpu.memref_slice %arg20[%dma_wait3A_194, %dma_wait3A_195] : memref<50000x32xf32, #tpu.memory_space<vmem_shared>> -> memref<50000x32xf32, #tpu.memory_space<vmem_shared>>
            tpu.wait_indirect_dma semaphore(%run_scoped3A : memref<!tpu.dma_semaphore, #tpu.memory_space<semaphore_mem>>) src(%arg24 : memref<512x32xf32, #tpu.memory_space<vmem>>) dst(%dma_wait3A_196 : memref<50000x32xf32, #tpu.memory_space<vmem_shared>>)
            tpu.yield
          }) : () -> ()
        }
        %scan3A_173 = arith.constant 7 : i32
      }
      %scan3A_115 = arith.constant 14 : i32
      %barrier3A_116 = arith.constant 0 : index
      tpu.barrier barrier_id(%barrier3A_116)
      %scan3A_117 = arith.constant 0 : i32
      %scan3A_118 = arith.constant 6 : i32
      %scan3A_119 = arith.addi %scan3A_117, %scan3A_118 : i32
      %scan3A_120 = arith.constant 1 : i32
      scf.for %scan3A_158 = %scan3A_117 to %scan3A_119 step %scan3A_120  : i32 {
        %mul3A_159 = arith.constant 1 : i32
        %mul3A_160 = arith.muli %scan3A_158, %mul3A_159 : i32
        %add3A_161 = arith.constant 0 : i32
        %add3A_162 = arith.addi %add3A_161, %mul3A_160 : i32
        %mul3A_163 = arith.constant 512 : i32
        %mul3A_164 = arith.muli %add3A_162, %mul3A_163 : i32
        %add3A_165 = arith.addi %mul3A_67, %mul3A_164 : i32
        "tpu.region"() ({
          %run_scoped3A = tpu.sem_alloc : memref<!tpu.dma_semaphore, #tpu.memory_space<semaphore_mem>>
          %dma_start3A = arith.constant 0 : i32
          %dma_start3A_169 = tpu.memref_slice %arg20[%add3A_165, %dma_start3A] : memref<50000x32xf32, #tpu.memory_space<vmem_shared>> -> memref<512x32xf32, #tpu.memory_space<vmem_shared>>
          %dma_start3A_170 = arith.constant 0 : i32
          %dma_start3A_171 = tpu.memref_slice %arg20[%add3A_165, %dma_start3A_170] : memref<50000x32xf32, #tpu.memory_space<vmem_shared>> -> memref<512x32xf32, #tpu.memory_space<vmem_shared>>
          tpu.enqueue_dma source(%dma_start3A_171 : memref<512x32xf32, #tpu.memory_space<vmem_shared>>) target(%arg24 : memref<512x32xf32, #tpu.memory_space<vmem>>) target_semaphore(%run_scoped3A : memref<!tpu.dma_semaphore, #tpu.memory_space<semaphore_mem>>)
          %dma_wait3A = arith.constant 0 : i32
          %dma_wait3A_172 = tpu.memref_slice %arg20[%add3A_165, %dma_wait3A] : memref<50000x32xf32, #tpu.memory_space<vmem_shared>> -> memref<512x32xf32, #tpu.memory_space<vmem_shared>>
          %dma_wait3A_173 = arith.constant 0 : i32
          %dma_wait3A_174 = tpu.memref_slice %arg20[%add3A_165, %dma_wait3A_173] : memref<50000x32xf32, #tpu.memory_space<vmem_shared>> -> memref<512x32xf32, #tpu.memory_space<vmem_shared>>
          tpu.wait_dma2 semaphore(%run_scoped3A : memref<!tpu.dma_semaphore, #tpu.memory_space<semaphore_mem>>) src(%dma_wait3A_174 : memref<512x32xf32, #tpu.memory_space<vmem_shared>>) dst(%arg24 : memref<512x32xf32, #tpu.memory_space<vmem>>)
          tpu.yield
        }) : () -> ()
        %mul3A_166 = arith.constant 512 : i32
        %mul3A_167 = arith.muli %add3A_162, %mul3A_166 : i32
        %add3A_168 = arith.addi %add3A_68, %mul3A_167 : i32
        "tpu.region"() ({
          %run_scoped3A = tpu.sem_alloc : memref<!tpu.dma_semaphore, #tpu.memory_space<semaphore_mem>>
          %dma_start3A = arith.constant 0 : i32
          %dma_start3A_169 = tpu.memref_slice %arg18[%add3A_168, %dma_start3A] : memref<100000x32xf32, #tpu.memory_space<hbm>> -> memref<512x32xf32, #tpu.memory_space<hbm>>
          %dma_start3A_170 = arith.constant 0 : i32
          %dma_start3A_171 = tpu.memref_slice %arg18[%add3A_168, %dma_start3A_170] : memref<100000x32xf32, #tpu.memory_space<hbm>> -> memref<512x32xf32, #tpu.memory_space<hbm>>
          tpu.enqueue_dma source(%arg24 : memref<512x32xf32, #tpu.memory_space<vmem>>) target(%dma_start3A_171 : memref<512x32xf32, #tpu.memory_space<hbm>>) target_semaphore(%run_scoped3A : memref<!tpu.dma_semaphore, #tpu.memory_space<semaphore_mem>>)
          %dma_wait3A = arith.constant 0 : i32
          %dma_wait3A_172 = tpu.memref_slice %arg18[%add3A_168, %dma_wait3A] : memref<100000x32xf32, #tpu.memory_space<hbm>> -> memref<512x32xf32, #tpu.memory_space<hbm>>
          %dma_wait3A_173 = arith.constant 0 : i32
          %dma_wait3A_174 = tpu.memref_slice %arg18[%add3A_168, %dma_wait3A_173] : memref<100000x32xf32, #tpu.memory_space<hbm>> -> memref<512x32xf32, #tpu.memory_space<hbm>>
          tpu.wait_dma2 semaphore(%run_scoped3A : memref<!tpu.dma_semaphore, #tpu.memory_space<semaphore_mem>>) src(%arg24 : memref<512x32xf32, #tpu.memory_space<vmem>>) dst(%dma_wait3A_174 : memref<512x32xf32, #tpu.memory_space<hbm>>)
          tpu.yield
        }) : () -> ()
      }
      %scan3A_121 = arith.constant 6 : i32
      %add3A_122 = arith.constant 3072 : i32
      %add3A_123 = arith.addi %mul3A_67, %add3A_122 : i32
      "tpu.region"() ({
        %run_scoped3A = tpu.sem_alloc : memref<!tpu.dma_semaphore, #tpu.memory_space<semaphore_mem>>
        %dma_start3A = arith.constant 0 : i32
        %dma_start3A_158 = arith.constant 0 : i32
        %dma_start3A_159 = tpu.memref_slice %arg24[%dma_start3A, %dma_start3A_158] : memref<512x32xf32, #tpu.memory_space<vmem>> -> memref<53x32xf32, #tpu.memory_space<vmem>>
        %dma_start3A_160 = arith.constant 0 : i32
        %dma_start3A_161 = tpu.memref_slice %arg20[%add3A_123, %dma_start3A_160] : memref<50000x32xf32, #tpu.memory_space<vmem_shared>> -> memref<53x32xf32, #tpu.memory_space<vmem_shared>>
        %dma_start3A_162 = arith.constant 0 : i32
        %dma_start3A_163 = arith.constant 0 : i32
        %dma_start3A_164 = tpu.memref_slice %arg24[%dma_start3A_162, %dma_start3A_163] : memref<512x32xf32, #tpu.memory_space<vmem>> -> memref<53x32xf32, #tpu.memory_space<vmem>>
        %dma_start3A_165 = arith.constant 0 : i32
        %dma_start3A_166 = tpu.memref_slice %arg20[%add3A_123, %dma_start3A_165] : memref<50000x32xf32, #tpu.memory_space<vmem_shared>> -> memref<53x32xf32, #tpu.memory_space<vmem_shared>>
        tpu.enqueue_dma source(%dma_start3A_166 : memref<53x32xf32, #tpu.memory_space<vmem_shared>>) target(%dma_start3A_164 : memref<53x32xf32, #tpu.memory_space<vmem>>) target_semaphore(%run_scoped3A : memref<!tpu.dma_semaphore, #tpu.memory_space<semaphore_mem>>)
        %dma_wait3A = arith.constant 0 : i32
        %dma_wait3A_167 = arith.constant 0 : i32
        %dma_wait3A_168 = tpu.memref_slice %arg24[%dma_wait3A, %dma_wait3A_167] : memref<512x32xf32, #tpu.memory_space<vmem>> -> memref<53x32xf32, #tpu.memory_space<vmem>>
        %dma_wait3A_169 = arith.constant 0 : i32
        %dma_wait3A_170 = tpu.memref_slice %arg20[%add3A_123, %dma_wait3A_169] : memref<50000x32xf32, #tpu.memory_space<vmem_shared>> -> memref<53x32xf32, #tpu.memory_space<vmem_shared>>
        %dma_wait3A_171 = arith.constant 0 : i32
        %dma_wait3A_172 = arith.constant 0 : i32
        %dma_wait3A_173 = tpu.memref_slice %arg24[%dma_wait3A_171, %dma_wait3A_172] : memref<512x32xf32, #tpu.memory_space<vmem>> -> memref<53x32xf32, #tpu.memory_space<vmem>>
        %dma_wait3A_174 = arith.constant 0 : i32
        %dma_wait3A_175 = tpu.memref_slice %arg20[%add3A_123, %dma_wait3A_174] : memref<50000x32xf32, #tpu.memory_space<vmem_shared>> -> memref<53x32xf32, #tpu.memory_space<vmem_shared>>
        tpu.wait_dma2 semaphore(%run_scoped3A : memref<!tpu.dma_semaphore, #tpu.memory_space<semaphore_mem>>) src(%dma_wait3A_175 : memref<53x32xf32, #tpu.memory_space<vmem_shared>>) dst(%dma_wait3A_173 : memref<53x32xf32, #tpu.memory_space<vmem>>)
        tpu.yield
      }) : () -> ()
      %add3A_124 = arith.constant 3072 : i32
      %add3A_125 = arith.addi %add3A_68, %add3A_124 : i32
      "tpu.region"() ({
        %run_scoped3A = tpu.sem_alloc : memref<!tpu.dma_semaphore, #tpu.memory_space<semaphore_mem>>
        %dma_start3A = arith.constant 0 : i32
        %dma_start3A_158 = arith.constant 0 : i32
        %dma_start3A_159 = tpu.memref_slice %arg24[%dma_start3A, %dma_start3A_158] : memref<512x32xf32, #tpu.memory_space<vmem>> -> memref<53x32xf32, #tpu.memory_space<vmem>>
        %dma_start3A_160 = arith.constant 0 : i32
        %dma_start3A_161 = tpu.memref_slice %arg18[%add3A_125, %dma_start3A_160] : memref<100000x32xf32, #tpu.memory_space<hbm>> -> memref<53x32xf32, #tpu.memory_space<hbm>>
        %dma_start3A_162 = arith.constant 0 : i32
        %dma_start3A_163 = tpu.memref_slice %arg18[%add3A_125, %dma_start3A_162] : memref<100000x32xf32, #tpu.memory_space<hbm>> -> memref<53x32xf32, #tpu.memory_space<hbm>>
        %dma_start3A_164 = arith.constant 0 : i32
        %dma_start3A_165 = arith.constant 0 : i32
        %dma_start3A_166 = tpu.memref_slice %arg24[%dma_start3A_164, %dma_start3A_165] : memref<512x32xf32, #tpu.memory_space<vmem>> -> memref<53x32xf32, #tpu.memory_space<vmem>>
        tpu.enqueue_dma source(%dma_start3A_166 : memref<53x32xf32, #tpu.memory_space<vmem>>) target(%dma_start3A_163 : memref<53x32xf32, #tpu.memory_space<hbm>>) target_semaphore(%run_scoped3A : memref<!tpu.dma_semaphore, #tpu.memory_space<semaphore_mem>>)
        %dma_wait3A = arith.constant 0 : i32
        %dma_wait3A_167 = arith.constant 0 : i32
        %dma_wait3A_168 = tpu.memref_slice %arg24[%dma_wait3A, %dma_wait3A_167] : memref<512x32xf32, #tpu.memory_space<vmem>> -> memref<53x32xf32, #tpu.memory_space<vmem>>
        %dma_wait3A_169 = arith.constant 0 : i32
        %dma_wait3A_170 = tpu.memref_slice %arg18[%add3A_125, %dma_wait3A_169] : memref<100000x32xf32, #tpu.memory_space<hbm>> -> memref<53x32xf32, #tpu.memory_space<hbm>>
        %dma_wait3A_171 = arith.constant 0 : i32
        %dma_wait3A_172 = tpu.memref_slice %arg18[%add3A_125, %dma_wait3A_171] : memref<100000x32xf32, #tpu.memory_space<hbm>> -> memref<53x32xf32, #tpu.memory_space<hbm>>
        %dma_wait3A_173 = arith.constant 0 : i32
        %dma_wait3A_174 = arith.constant 0 : i32
        %dma_wait3A_175 = tpu.memref_slice %arg24[%dma_wait3A_173, %dma_wait3A_174] : memref<512x32xf32, #tpu.memory_space<vmem>> -> memref<53x32xf32, #tpu.memory_space<vmem>>
        tpu.wait_dma2 semaphore(%run_scoped3A : memref<!tpu.dma_semaphore, #tpu.memory_space<semaphore_mem>>) src(%dma_wait3A_175 : memref<53x32xf32, #tpu.memory_space<vmem>>) dst(%dma_wait3A_172 : memref<53x32xf32, #tpu.memory_space<hbm>>)
        tpu.yield
      }) : () -> ()
      %barrier3A_126 = arith.constant 0 : index
      tpu.barrier barrier_id(%barrier3A_126)
      %scan3A_127 = arith.constant 0 : i32
      %scan3A_128 = arith.constant 6 : i32
      %scan3A_129 = arith.addi %scan3A_127, %scan3A_128 : i32
      %scan3A_130 = arith.constant 1 : i32
      scf.for %scan3A_158 = %scan3A_127 to %scan3A_129 step %scan3A_130  : i32 {
        %mul3A_159 = arith.constant 1 : i32
        %mul3A_160 = arith.muli %scan3A_158, %mul3A_159 : i32
        %add3A_161 = arith.constant 0 : i32
        %add3A_162 = arith.addi %add3A_161, %mul3A_160 : i32
        %mul3A_163 = arith.constant 512 : i32
        %mul3A_164 = arith.muli %add3A_162, %mul3A_163 : i32
        %add3A_165 = arith.addi %add3A_68, %mul3A_164 : i32
        "tpu.region"() ({
          %run_scoped3A = tpu.sem_alloc : memref<!tpu.dma_semaphore, #tpu.memory_space<semaphore_mem>>
          %dma_start3A = arith.constant 0 : i32
          %dma_start3A_169 = tpu.memref_slice %arg5[%add3A_165, %dma_start3A] : memref<100000x32xf32, #tpu.memory_space<hbm>> -> memref<512x32xf32, #tpu.memory_space<hbm>>
          %dma_start3A_170 = arith.constant 0 : i32
          %dma_start3A_171 = tpu.memref_slice %arg5[%add3A_165, %dma_start3A_170] : memref<100000x32xf32, #tpu.memory_space<hbm>> -> memref<512x32xf32, #tpu.memory_space<hbm>>
          tpu.enqueue_dma source(%dma_start3A_171 : memref<512x32xf32, #tpu.memory_space<hbm>>) target(%arg24 : memref<512x32xf32, #tpu.memory_space<vmem>>) target_semaphore(%run_scoped3A : memref<!tpu.dma_semaphore, #tpu.memory_space<semaphore_mem>>)
          %dma_wait3A = arith.constant 0 : i32
          %dma_wait3A_172 = tpu.memref_slice %arg5[%add3A_165, %dma_wait3A] : memref<100000x32xf32, #tpu.memory_space<hbm>> -> memref<512x32xf32, #tpu.memory_space<hbm>>
          %dma_wait3A_173 = arith.constant 0 : i32
          %dma_wait3A_174 = tpu.memref_slice %arg5[%add3A_165, %dma_wait3A_173] : memref<100000x32xf32, #tpu.memory_space<hbm>> -> memref<512x32xf32, #tpu.memory_space<hbm>>
          tpu.wait_dma2 semaphore(%run_scoped3A : memref<!tpu.dma_semaphore, #tpu.memory_space<semaphore_mem>>) src(%dma_wait3A_174 : memref<512x32xf32, #tpu.memory_space<hbm>>) dst(%arg24 : memref<512x32xf32, #tpu.memory_space<vmem>>)
          tpu.yield
        }) : () -> ()
        %mul3A_166 = arith.constant 512 : i32
        %mul3A_167 = arith.muli %add3A_162, %mul3A_166 : i32
        %add3A_168 = arith.addi %mul3A_67, %mul3A_167 : i32
        "tpu.region"() ({
          %run_scoped3A = tpu.sem_alloc : memref<!tpu.dma_semaphore, #tpu.memory_space<semaphore_mem>>
          %dma_start3A = arith.constant 0 : i32
          %dma_start3A_169 = tpu.memref_slice %arg20[%add3A_168, %dma_start3A] : memref<50000x32xf32, #tpu.memory_space<vmem_shared>> -> memref<512x32xf32, #tpu.memory_space<vmem_shared>>
          %dma_start3A_170 = arith.constant 0 : i32
          %dma_start3A_171 = tpu.memref_slice %arg20[%add3A_168, %dma_start3A_170] : memref<50000x32xf32, #tpu.memory_space<vmem_shared>> -> memref<512x32xf32, #tpu.memory_space<vmem_shared>>
          tpu.enqueue_dma source(%arg24 : memref<512x32xf32, #tpu.memory_space<vmem>>) target(%dma_start3A_171 : memref<512x32xf32, #tpu.memory_space<vmem_shared>>) target_semaphore(%run_scoped3A : memref<!tpu.dma_semaphore, #tpu.memory_space<semaphore_mem>>)
          %dma_wait3A = arith.constant 0 : i32
          %dma_wait3A_172 = tpu.memref_slice %arg20[%add3A_168, %dma_wait3A] : memref<50000x32xf32, #tpu.memory_space<vmem_shared>> -> memref<512x32xf32, #tpu.memory_space<vmem_shared>>
          %dma_wait3A_173 = arith.constant 0 : i32
          %dma_wait3A_174 = tpu.memref_slice %arg20[%add3A_168, %dma_wait3A_173] : memref<50000x32xf32, #tpu.memory_space<vmem_shared>> -> memref<512x32xf32, #tpu.memory_space<vmem_shared>>
          tpu.wait_dma2 semaphore(%run_scoped3A : memref<!tpu.dma_semaphore, #tpu.memory_space<semaphore_mem>>) src(%arg24 : memref<512x32xf32, #tpu.memory_space<vmem>>) dst(%dma_wait3A_174 : memref<512x32xf32, #tpu.memory_space<vmem_shared>>)
          tpu.yield
        }) : () -> ()
      }
      %scan3A_131 = arith.constant 6 : i32
      %add3A_132 = arith.constant 3072 : i32
      %add3A_133 = arith.addi %add3A_68, %add3A_132 : i32
      "tpu.region"() ({
        %run_scoped3A = tpu.sem_alloc : memref<!tpu.dma_semaphore, #tpu.memory_space<semaphore_mem>>
        %dma_start3A = arith.constant 0 : i32
        %dma_start3A_158 = arith.constant 0 : i32
        %dma_start3A_159 = tpu.memref_slice %arg24[%dma_start3A, %dma_start3A_158] : memref<512x32xf32, #tpu.memory_space<vmem>> -> memref<53x32xf32, #tpu.memory_space<vmem>>
        %dma_start3A_160 = arith.constant 0 : i32
        %dma_start3A_161 = tpu.memref_slice %arg5[%add3A_133, %dma_start3A_160] : memref<100000x32xf32, #tpu.memory_space<hbm>> -> memref<53x32xf32, #tpu.memory_space<hbm>>
        %dma_start3A_162 = arith.constant 0 : i32
        %dma_start3A_163 = arith.constant 0 : i32
        %dma_start3A_164 = tpu.memref_slice %arg24[%dma_start3A_162, %dma_start3A_163] : memref<512x32xf32, #tpu.memory_space<vmem>> -> memref<53x32xf32, #tpu.memory_space<vmem>>
        %dma_start3A_165 = arith.constant 0 : i32
        %dma_start3A_166 = tpu.memref_slice %arg5[%add3A_133, %dma_start3A_165] : memref<100000x32xf32, #tpu.memory_space<hbm>> -> memref<53x32xf32, #tpu.memory_space<hbm>>
        tpu.enqueue_dma source(%dma_start3A_166 : memref<53x32xf32, #tpu.memory_space<hbm>>) target(%dma_start3A_164 : memref<53x32xf32, #tpu.memory_space<vmem>>) target_semaphore(%run_scoped3A : memref<!tpu.dma_semaphore, #tpu.memory_space<semaphore_mem>>)
        %dma_wait3A = arith.constant 0 : i32
        %dma_wait3A_167 = arith.constant 0 : i32
        %dma_wait3A_168 = tpu.memref_slice %arg24[%dma_wait3A, %dma_wait3A_167] : memref<512x32xf32, #tpu.memory_space<vmem>> -> memref<53x32xf32, #tpu.memory_space<vmem>>
        %dma_wait3A_169 = arith.constant 0 : i32
        %dma_wait3A_170 = tpu.memref_slice %arg5[%add3A_133, %dma_wait3A_169] : memref<100000x32xf32, #tpu.memory_space<hbm>> -> memref<53x32xf32, #tpu.memory_space<hbm>>
        %dma_wait3A_171 = arith.constant 0 : i32
        %dma_wait3A_172 = arith.constant 0 : i32
        %dma_wait3A_173 = tpu.memref_slice %arg24[%dma_wait3A_171, %dma_wait3A_172] : memref<512x32xf32, #tpu.memory_space<vmem>> -> memref<53x32xf32, #tpu.memory_space<vmem>>
        %dma_wait3A_174 = arith.constant 0 : i32
        %dma_wait3A_175 = tpu.memref_slice %arg5[%add3A_133, %dma_wait3A_174] : memref<100000x32xf32, #tpu.memory_space<hbm>> -> memref<53x32xf32, #tpu.memory_space<hbm>>
        tpu.wait_dma2 semaphore(%run_scoped3A : memref<!tpu.dma_semaphore, #tpu.memory_space<semaphore_mem>>) src(%dma_wait3A_175 : memref<53x32xf32, #tpu.memory_space<hbm>>) dst(%dma_wait3A_173 : memref<53x32xf32, #tpu.memory_space<vmem>>)
        tpu.yield
      }) : () -> ()
      %add3A_134 = arith.constant 3072 : i32
      %add3A_135 = arith.addi %mul3A_67, %add3A_134 : i32
      "tpu.region"() ({
        %run_scoped3A = tpu.sem_alloc : memref<!tpu.dma_semaphore, #tpu.memory_space<semaphore_mem>>
        %dma_start3A = arith.constant 0 : i32
        %dma_start3A_158 = arith.constant 0 : i32
        %dma_start3A_159 = tpu.memref_slice %arg24[%dma_start3A, %dma_start3A_158] : memref<512x32xf32, #tpu.memory_space<vmem>> -> memref<53x32xf32, #tpu.memory_space<vmem>>
        %dma_start3A_160 = arith.constant 0 : i32
        %dma_start3A_161 = tpu.memref_slice %arg20[%add3A_135, %dma_start3A_160] : memref<50000x32xf32, #tpu.memory_space<vmem_shared>> -> memref<53x32xf32, #tpu.memory_space<vmem_shared>>
        %dma_start3A_162 = arith.constant 0 : i32
        %dma_start3A_163 = tpu.memref_slice %arg20[%add3A_135, %dma_start3A_162] : memref<50000x32xf32, #tpu.memory_space<vmem_shared>> -> memref<53x32xf32, #tpu.memory_space<vmem_shared>>
        %dma_start3A_164 = arith.constant 0 : i32
        %dma_start3A_165 = arith.constant 0 : i32
        %dma_start3A_166 = tpu.memref_slice %arg24[%dma_start3A_164, %dma_start3A_165] : memref<512x32xf32, #tpu.memory_space<vmem>> -> memref<53x32xf32, #tpu.memory_space<vmem>>
        tpu.enqueue_dma source(%dma_start3A_166 : memref<53x32xf32, #tpu.memory_space<vmem>>) target(%dma_start3A_163 : memref<53x32xf32, #tpu.memory_space<vmem_shared>>) target_semaphore(%run_scoped3A : memref<!tpu.dma_semaphore, #tpu.memory_space<semaphore_mem>>)
        %dma_wait3A = arith.constant 0 : i32
        %dma_wait3A_167 = arith.constant 0 : i32
        %dma_wait3A_168 = tpu.memref_slice %arg24[%dma_wait3A, %dma_wait3A_167] : memref<512x32xf32, #tpu.memory_space<vmem>> -> memref<53x32xf32, #tpu.memory_space<vmem>>
        %dma_wait3A_169 = arith.constant 0 : i32
        %dma_wait3A_170 = tpu.memref_slice %arg20[%add3A_135, %dma_wait3A_169] : memref<50000x32xf32, #tpu.memory_space<vmem_shared>> -> memref<53x32xf32, #tpu.memory_space<vmem_shared>>
        %dma_wait3A_171 = arith.constant 0 : i32
        %dma_wait3A_172 = tpu.memref_slice %arg20[%add3A_135, %dma_wait3A_171] : memref<50000x32xf32, #tpu.memory_space<vmem_shared>> -> memref<53x32xf32, #tpu.memory_space<vmem_shared>>
        %dma_wait3A_173 = arith.constant 0 : i32
        %dma_wait3A_174 = arith.constant 0 : i32
        %dma_wait3A_175 = tpu.memref_slice %arg24[%dma_wait3A_173, %dma_wait3A_174] : memref<512x32xf32, #tpu.memory_space<vmem>> -> memref<53x32xf32, #tpu.memory_space<vmem>>
        tpu.wait_dma2 semaphore(%run_scoped3A : memref<!tpu.dma_semaphore, #tpu.memory_space<semaphore_mem>>) src(%dma_wait3A_175 : memref<53x32xf32, #tpu.memory_space<vmem>>) dst(%dma_wait3A_172 : memref<53x32xf32, #tpu.memory_space<vmem_shared>>)
        tpu.yield
      }) : () -> ()
      %barrier3A_136 = arith.constant 0 : index
      tpu.barrier barrier_id(%barrier3A_136)
      %scan3A_137 = arith.constant 0 : i32
      %scan3A_138 = arith.constant 14 : i32
      %scan3A_139 = arith.addi %scan3A_137, %scan3A_138 : i32
      %scan3A_140 = arith.constant 1 : i32
      scf.for %scan3A_158 = %scan3A_137 to %scan3A_139 step %scan3A_140  : i32 {
        %mul3A_159 = arith.constant 1 : i32
        %mul3A_160 = arith.muli %scan3A_158, %mul3A_159 : i32
        %add3A_161 = arith.constant 0 : i32
        %add3A_162 = arith.addi %add3A_161, %mul3A_160 : i32
        %mul3A_163 = arith.constant 3584 : i32
        %mul3A_164 = arith.muli %add3A_162, %mul3A_163 : i32
        "tpu.region"() ({
          %run_scoped3A = tpu.sem_alloc : memref<!tpu.dma_semaphore, #tpu.memory_space<semaphore_mem>>
          %dma_start3A = tpu.memref_slice %arg12[%arg1, %mul3A_164] : memref<16x50176xi32, #tpu.memory_space<hbm>> -> memref<1x3584xi32, #tpu.memory_space<hbm>>
          %dma_start3A_174 = tpu.memref_squeeze %dma_start3A : memref<1x3584xi32, #tpu.memory_space<hbm>> -> memref<3584xi32, #tpu.memory_space<hbm>>
          %dma_start3A_175 = tpu.memref_slice %arg12[%arg1, %mul3A_164] : memref<16x50176xi32, #tpu.memory_space<hbm>> -> memref<1x3584xi32, #tpu.memory_space<hbm>>
          %dma_start3A_176 = tpu.memref_squeeze %dma_start3A_175 : memref<1x3584xi32, #tpu.memory_space<hbm>> -> memref<3584xi32, #tpu.memory_space<hbm>>
          tpu.enqueue_dma source(%dma_start3A_176 : memref<3584xi32, #tpu.memory_space<hbm>>) target(%arg21 : memref<3584xi32, #tpu.memory_space<vmem>>) target_semaphore(%run_scoped3A : memref<!tpu.dma_semaphore, #tpu.memory_space<semaphore_mem>>)
          %dma_wait3A = tpu.memref_slice %arg12[%arg1, %mul3A_164] : memref<16x50176xi32, #tpu.memory_space<hbm>> -> memref<1x3584xi32, #tpu.memory_space<hbm>>
          %dma_wait3A_177 = tpu.memref_squeeze %dma_wait3A : memref<1x3584xi32, #tpu.memory_space<hbm>> -> memref<3584xi32, #tpu.memory_space<hbm>>
          %dma_wait3A_178 = tpu.memref_slice %arg12[%arg1, %mul3A_164] : memref<16x50176xi32, #tpu.memory_space<hbm>> -> memref<1x3584xi32, #tpu.memory_space<hbm>>
          %dma_wait3A_179 = tpu.memref_squeeze %dma_wait3A_178 : memref<1x3584xi32, #tpu.memory_space<hbm>> -> memref<3584xi32, #tpu.memory_space<hbm>>
          tpu.wait_dma2 semaphore(%run_scoped3A : memref<!tpu.dma_semaphore, #tpu.memory_space<semaphore_mem>>) src(%dma_wait3A_179 : memref<3584xi32, #tpu.memory_space<hbm>>) dst(%arg21 : memref<3584xi32, #tpu.memory_space<vmem>>)
          tpu.yield
        }) : () -> ()
        %mul3A_165 = arith.constant 3584 : i32
        %mul3A_166 = arith.muli %add3A_162, %mul3A_165 : i32
        "tpu.region"() ({
          %run_scoped3A = tpu.sem_alloc : memref<!tpu.dma_semaphore, #tpu.memory_space<semaphore_mem>>
          %dma_start3A = tpu.memref_slice %arg13[%arg1, %mul3A_166] : memref<16x50176xi32, #tpu.memory_space<hbm>> -> memref<1x3584xi32, #tpu.memory_space<hbm>>
          %dma_start3A_174 = tpu.memref_squeeze %dma_start3A : memref<1x3584xi32, #tpu.memory_space<hbm>> -> memref<3584xi32, #tpu.memory_space<hbm>>
          %dma_start3A_175 = tpu.memref_slice %arg13[%arg1, %mul3A_166] : memref<16x50176xi32, #tpu.memory_space<hbm>> -> memref<1x3584xi32, #tpu.memory_space<hbm>>
          %dma_start3A_176 = tpu.memref_squeeze %dma_start3A_175 : memref<1x3584xi32, #tpu.memory_space<hbm>> -> memref<3584xi32, #tpu.memory_space<hbm>>
          tpu.enqueue_dma source(%dma_start3A_176 : memref<3584xi32, #tpu.memory_space<hbm>>) target(%arg22 : memref<3584xi32, #tpu.memory_space<vmem>>) target_semaphore(%run_scoped3A : memref<!tpu.dma_semaphore, #tpu.memory_space<semaphore_mem>>)
          %dma_wait3A = tpu.memref_slice %arg13[%arg1, %mul3A_166] : memref<16x50176xi32, #tpu.memory_space<hbm>> -> memref<1x3584xi32, #tpu.memory_space<hbm>>
          %dma_wait3A_177 = tpu.memref_squeeze %dma_wait3A : memref<1x3584xi32, #tpu.memory_space<hbm>> -> memref<3584xi32, #tpu.memory_space<hbm>>
          %dma_wait3A_178 = tpu.memref_slice %arg13[%arg1, %mul3A_166] : memref<16x50176xi32, #tpu.memory_space<hbm>> -> memref<1x3584xi32, #tpu.memory_space<hbm>>
          %dma_wait3A_179 = tpu.memref_squeeze %dma_wait3A_178 : memref<1x3584xi32, #tpu.memory_space<hbm>> -> memref<3584xi32, #tpu.memory_space<hbm>>
          tpu.wait_dma2 semaphore(%run_scoped3A : memref<!tpu.dma_semaphore, #tpu.memory_space<semaphore_mem>>) src(%dma_wait3A_179 : memref<3584xi32, #tpu.memory_space<hbm>>) dst(%arg22 : memref<3584xi32, #tpu.memory_space<vmem>>)
          tpu.yield
        }) : () -> ()
        %mul3A_167 = arith.constant 3584 : i32
        %mul3A_168 = arith.muli %add3A_162, %mul3A_167 : i32
        "tpu.region"() ({
          %run_scoped3A = tpu.sem_alloc : memref<!tpu.dma_semaphore, #tpu.memory_space<semaphore_mem>>
          %dma_start3A = tpu.memref_slice %arg14[%arg1, %mul3A_168] : memref<16x50176xf32, #tpu.memory_space<hbm>> -> memref<1x3584xf32, #tpu.memory_space<hbm>>
          %dma_start3A_174 = tpu.memref_squeeze %dma_start3A : memref<1x3584xf32, #tpu.memory_space<hbm>> -> memref<3584xf32, #tpu.memory_space<hbm>>
          %dma_start3A_175 = tpu.memref_slice %arg14[%arg1, %mul3A_168] : memref<16x50176xf32, #tpu.memory_space<hbm>> -> memref<1x3584xf32, #tpu.memory_space<hbm>>
          %dma_start3A_176 = tpu.memref_squeeze %dma_start3A_175 : memref<1x3584xf32, #tpu.memory_space<hbm>> -> memref<3584xf32, #tpu.memory_space<hbm>>
          tpu.enqueue_dma source(%dma_start3A_176 : memref<3584xf32, #tpu.memory_space<hbm>>) target(%arg23 : memref<3584xf32, #tpu.memory_space<vmem>>) target_semaphore(%run_scoped3A : memref<!tpu.dma_semaphore, #tpu.memory_space<semaphore_mem>>)
          %dma_wait3A = tpu.memref_slice %arg14[%arg1, %mul3A_168] : memref<16x50176xf32, #tpu.memory_space<hbm>> -> memref<1x3584xf32, #tpu.memory_space<hbm>>
          %dma_wait3A_177 = tpu.memref_squeeze %dma_wait3A : memref<1x3584xf32, #tpu.memory_space<hbm>> -> memref<3584xf32, #tpu.memory_space<hbm>>
          %dma_wait3A_178 = tpu.memref_slice %arg14[%arg1, %mul3A_168] : memref<16x50176xf32, #tpu.memory_space<hbm>> -> memref<1x3584xf32, #tpu.memory_space<hbm>>
          %dma_wait3A_179 = tpu.memref_squeeze %dma_wait3A_178 : memref<1x3584xf32, #tpu.memory_space<hbm>> -> memref<3584xf32, #tpu.memory_space<hbm>>
          tpu.wait_dma2 semaphore(%run_scoped3A : memref<!tpu.dma_semaphore, #tpu.memory_space<semaphore_mem>>) src(%dma_wait3A_179 : memref<3584xf32, #tpu.memory_space<hbm>>) dst(%arg23 : memref<3584xf32, #tpu.memory_space<vmem>>)
          tpu.yield
        }) : () -> ()
        %scan3A_169 = arith.constant 0 : i32
        %scan3A_170 = arith.constant 7 : i32
        %scan3A_171 = arith.addi %scan3A_169, %scan3A_170 : i32
        %scan3A_172 = arith.constant 1 : i32
        scf.for %scan3A_174 = %scan3A_169 to %scan3A_171 step %scan3A_172  : i32 {
          %mul3A_175 = arith.constant 1 : i32
          %mul3A_176 = arith.muli %scan3A_174, %mul3A_175 : i32
          %add3A_177 = arith.constant 0 : i32
          %add3A_178 = arith.addi %add3A_177, %mul3A_176 : i32
          %mul3A_179 = arith.constant 512 : i32
          %mul3A_180 = arith.muli %add3A_178, %mul3A_179 : i32
          %scan3A_181 = arith.constant 0 : i32
          %scan3A_182 = arith.constant 4 : i32
          %scan3A_183 = arith.addi %scan3A_181, %scan3A_182 : i32
          %scan3A_184 = arith.constant 1 : i32
          scf.for %scan3A_191 = %scan3A_181 to %scan3A_183 step %scan3A_184  : i32 {
            %mul3A_192 = arith.constant 1 : i32
            %mul3A_193 = arith.muli %scan3A_191, %mul3A_192 : i32
            %add3A_194 = arith.constant 0 : i32
            %add3A_195 = arith.addi %add3A_194, %mul3A_193 : i32
            %mul3A_196 = arith.constant 128 : i32
            %mul3A_197 = arith.muli %add3A_195, %mul3A_196 : i32
            %add3A_198 = arith.addi %mul3A_180, %mul3A_197 : i32
            %add3A_199 = arith.constant 0 : i32
            %add3A_200 = arith.addi %add3A_198, %add3A_199 : i32
            %get3A = arith.index_cast %add3A_200 : i32 to index
            %get3A_201 = tpu.vector_load %arg21[%get3A] {strides = array<i32>} : memref<3584xi32, #tpu.memory_space<vmem>>, vector<16xi32>,
            %get3A_202 = vector.shape_cast %get3A_201 : vector<16xi32> to vector<16xi32>
            %add3A_203 = vector.broadcast %mul3A_65 : i32 to vector<16xi32>
            %add3A_204 = arith.addi %get3A_202, %add3A_203 : vector<16xi32>
            %swap3A = arith.index_cast %add3A_200 : i32 to index
            %swap3A_205 = tpu.vector_load %arg21[%swap3A] {strides = array<i32>} : memref<3584xi32, #tpu.memory_space<vmem>>, vector<16xi32>,
            %swap3A_206 = vector.shape_cast %swap3A_205 : vector<16xi32> to vector<16xi32>
            %swap3A_207 = vector.shape_cast %add3A_204 : vector<16xi32> to vector<16xi32>
            tpu.vector_store %arg21[%swap3A], %swap3A_207 {strides = array<i32>} : memref<3584xi32, #tpu.memory_space<vmem>>, vector<16xi32>,
            %mul3A_208 = arith.constant 128 : i32
            %mul3A_209 = arith.muli %add3A_195, %mul3A_208 : i32
            %add3A_210 = arith.addi %mul3A_180, %mul3A_209 : i32
            %add3A_211 = arith.constant 16 : i32
            %add3A_212 = arith.addi %add3A_210, %add3A_211 : i32
            %get3A_213 = arith.index_cast %add3A_212 : i32 to index
            %get3A_214 = tpu.vector_load %arg21[%get3A_213] {strides = array<i32>} : memref<3584xi32, #tpu.memory_space<vmem>>, vector<16xi32>,
            %get3A_215 = vector.shape_cast %get3A_214 : vector<16xi32> to vector<16xi32>
            %add3A_216 = vector.broadcast %mul3A_65 : i32 to vector<16xi32>
            %add3A_217 = arith.addi %get3A_215, %add3A_216 : vector<16xi32>
            %swap3A_218 = arith.index_cast %add3A_212 : i32 to index
            %swap3A_219 = tpu.vector_load %arg21[%swap3A_218] {strides = array<i32>} : memref<3584xi32, #tpu.memory_space<vmem>>, vector<16xi32>,
            %swap3A_220 = vector.shape_cast %swap3A_219 : vector<16xi32> to vector<16xi32>
            %swap3A_221 = vector.shape_cast %add3A_217 : vector<16xi32> to vector<16xi32>
            tpu.vector_store %arg21[%swap3A_218], %swap3A_221 {strides = array<i32>} : memref<3584xi32, #tpu.memory_space<vmem>>, vector<16xi32>,
            %mul3A_222 = arith.constant 128 : i32
            %mul3A_223 = arith.muli %add3A_195, %mul3A_222 : i32
            %add3A_224 = arith.addi %mul3A_180, %mul3A_223 : i32
            %add3A_225 = arith.constant 32 : i32
            %add3A_226 = arith.addi %add3A_224, %add3A_225 : i32
            %get3A_227 = arith.index_cast %add3A_226 : i32 to index
            %get3A_228 = tpu.vector_load %arg21[%get3A_227] {strides = array<i32>} : memref<3584xi32, #tpu.memory_space<vmem>>, vector<16xi32>,
            %get3A_229 = vector.shape_cast %get3A_228 : vector<16xi32> to vector<16xi32>
            %add3A_230 = vector.broadcast %mul3A_65 : i32 to vector<16xi32>
            %add3A_231 = arith.addi %get3A_229, %add3A_230 : vector<16xi32>
            %swap3A_232 = arith.index_cast %add3A_226 : i32 to index
            %swap3A_233 = tpu.vector_load %arg21[%swap3A_232] {strides = array<i32>} : memref<3584xi32, #tpu.memory_space<vmem>>, vector<16xi32>,
            %swap3A_234 = vector.shape_cast %swap3A_233 : vector<16xi32> to vector<16xi32>
            %swap3A_235 = vector.shape_cast %add3A_231 : vector<16xi32> to vector<16xi32>
            tpu.vector_store %arg21[%swap3A_232], %swap3A_235 {strides = array<i32>} : memref<3584xi32, #tpu.memory_space<vmem>>, vector<16xi32>,
            %mul3A_236 = arith.constant 128 : i32
            %mul3A_237 = arith.muli %add3A_195, %mul3A_236 : i32
            %add3A_238 = arith.addi %mul3A_180, %mul3A_237 : i32
            %add3A_239 = arith.constant 48 : i32
            %add3A_240 = arith.addi %add3A_238, %add3A_239 : i32
            %get3A_241 = arith.index_cast %add3A_240 : i32 to index
            %get3A_242 = tpu.vector_load %arg21[%get3A_241] {strides = array<i32>} : memref<3584xi32, #tpu.memory_space<vmem>>, vector<16xi32>,
            %get3A_243 = vector.shape_cast %get3A_242 : vector<16xi32> to vector<16xi32>
            %add3A_244 = vector.broadcast %mul3A_65 : i32 to vector<16xi32>
            %add3A_245 = arith.addi %get3A_243, %add3A_244 : vector<16xi32>
            %swap3A_246 = arith.index_cast %add3A_240 : i32 to index
            %swap3A_247 = tpu.vector_load %arg21[%swap3A_246] {strides = array<i32>} : memref<3584xi32, #tpu.memory_space<vmem>>, vector<16xi32>,
            %swap3A_248 = vector.shape_cast %swap3A_247 : vector<16xi32> to vector<16xi32>
            %swap3A_249 = vector.shape_cast %add3A_245 : vector<16xi32> to vector<16xi32>
            tpu.vector_store %arg21[%swap3A_246], %swap3A_249 {strides = array<i32>} : memref<3584xi32, #tpu.memory_space<vmem>>, vector<16xi32>,
            %mul3A_250 = arith.constant 128 : i32
            %mul3A_251 = arith.muli %add3A_195, %mul3A_250 : i32
            %add3A_252 = arith.addi %mul3A_180, %mul3A_251 : i32
            %add3A_253 = arith.constant 64 : i32
            %add3A_254 = arith.addi %add3A_252, %add3A_253 : i32
            %get3A_255 = arith.index_cast %add3A_254 : i32 to index
            %get3A_256 = tpu.vector_load %arg21[%get3A_255] {strides = array<i32>} : memref<3584xi32, #tpu.memory_space<vmem>>, vector<16xi32>,
            %get3A_257 = vector.shape_cast %get3A_256 : vector<16xi32> to vector<16xi32>
            %add3A_258 = vector.broadcast %mul3A_65 : i32 to vector<16xi32>
            %add3A_259 = arith.addi %get3A_257, %add3A_258 : vector<16xi32>
            %swap3A_260 = arith.index_cast %add3A_254 : i32 to index
            %swap3A_261 = tpu.vector_load %arg21[%swap3A_260] {strides = array<i32>} : memref<3584xi32, #tpu.memory_space<vmem>>, vector<16xi32>,
            %swap3A_262 = vector.shape_cast %swap3A_261 : vector<16xi32> to vector<16xi32>
            %swap3A_263 = vector.shape_cast %add3A_259 : vector<16xi32> to vector<16xi32>
            tpu.vector_store %arg21[%swap3A_260], %swap3A_263 {strides = array<i32>} : memref<3584xi32, #tpu.memory_space<vmem>>, vector<16xi32>,
            %mul3A_264 = arith.constant 128 : i32
            %mul3A_265 = arith.muli %add3A_195, %mul3A_264 : i32
            %add3A_266 = arith.addi %mul3A_180, %mul3A_265 : i32
            %add3A_267 = arith.constant 80 : i32
            %add3A_268 = arith.addi %add3A_266, %add3A_267 : i32
            %get3A_269 = arith.index_cast %add3A_268 : i32 to index
            %get3A_270 = tpu.vector_load %arg21[%get3A_269] {strides = array<i32>} : memref<3584xi32, #tpu.memory_space<vmem>>, vector<16xi32>,
            %get3A_271 = vector.shape_cast %get3A_270 : vector<16xi32> to vector<16xi32>
            %add3A_272 = vector.broadcast %mul3A_65 : i32 to vector<16xi32>
            %add3A_273 = arith.addi %get3A_271, %add3A_272 : vector<16xi32>
            %swap3A_274 = arith.index_cast %add3A_268 : i32 to index
            %swap3A_275 = tpu.vector_load %arg21[%swap3A_274] {strides = array<i32>} : memref<3584xi32, #tpu.memory_space<vmem>>, vector<16xi32>,
            %swap3A_276 = vector.shape_cast %swap3A_275 : vector<16xi32> to vector<16xi32>
            %swap3A_277 = vector.shape_cast %add3A_273 : vector<16xi32> to vector<16xi32>
            tpu.vector_store %arg21[%swap3A_274], %swap3A_277 {strides = array<i32>} : memref<3584xi32, #tpu.memory_space<vmem>>, vector<16xi32>,
            %mul3A_278 = arith.constant 128 : i32
            %mul3A_279 = arith.muli %add3A_195, %mul3A_278 : i32
            %add3A_280 = arith.addi %mul3A_180, %mul3A_279 : i32
            %add3A_281 = arith.constant 96 : i32
            %add3A_282 = arith.addi %add3A_280, %add3A_281 : i32
            %get3A_283 = arith.index_cast %add3A_282 : i32 to index
            %get3A_284 = tpu.vector_load %arg21[%get3A_283] {strides = array<i32>} : memref<3584xi32, #tpu.memory_space<vmem>>, vector<16xi32>,
            %get3A_285 = vector.shape_cast %get3A_284 : vector<16xi32> to vector<16xi32>
            %add3A_286 = vector.broadcast %mul3A_65 : i32 to vector<16xi32>
            %add3A_287 = arith.addi %get3A_285, %add3A_286 : vector<16xi32>
            %swap3A_288 = arith.index_cast %add3A_282 : i32 to index
            %swap3A_289 = tpu.vector_load %arg21[%swap3A_288] {strides = array<i32>} : memref<3584xi32, #tpu.memory_space<vmem>>, vector<16xi32>,
            %swap3A_290 = vector.shape_cast %swap3A_289 : vector<16xi32> to vector<16xi32>
            %swap3A_291 = vector.shape_cast %add3A_287 : vector<16xi32> to vector<16xi32>
            tpu.vector_store %arg21[%swap3A_288], %swap3A_291 {strides = array<i32>} : memref<3584xi32, #tpu.memory_space<vmem>>, vector<16xi32>,
            %mul3A_292 = arith.constant 128 : i32
            %mul3A_293 = arith.muli %add3A_195, %mul3A_292 : i32
            %add3A_294 = arith.addi %mul3A_180, %mul3A_293 : i32
            %add3A_295 = arith.constant 112 : i32
            %add3A_296 = arith.addi %add3A_294, %add3A_295 : i32
            %get3A_297 = arith.index_cast %add3A_296 : i32 to index
            %get3A_298 = tpu.vector_load %arg21[%get3A_297] {strides = array<i32>} : memref<3584xi32, #tpu.memory_space<vmem>>, vector<16xi32>,
            %get3A_299 = vector.shape_cast %get3A_298 : vector<16xi32> to vector<16xi32>
            %add3A_300 = vector.broadcast %mul3A_65 : i32 to vector<16xi32>
            %add3A_301 = arith.addi %get3A_299, %add3A_300 : vector<16xi32>
            %swap3A_302 = arith.index_cast %add3A_296 : i32 to index
            %swap3A_303 = tpu.vector_load %arg21[%swap3A_302] {strides = array<i32>} : memref<3584xi32, #tpu.memory_space<vmem>>, vector<16xi32>,
            %swap3A_304 = vector.shape_cast %swap3A_303 : vector<16xi32> to vector<16xi32>
            %swap3A_305 = vector.shape_cast %add3A_301 : vector<16xi32> to vector<16xi32>
            tpu.vector_store %arg21[%swap3A_302], %swap3A_305 {strides = array<i32>} : memref<3584xi32, #tpu.memory_space<vmem>>, vector<16xi32>,
          }
          %scan3A_185 = arith.constant 4 : i32
          "tpu.region"() ({
            %run_scoped3A = tpu.sem_alloc : memref<!tpu.dma_semaphore, #tpu.memory_space<semaphore_mem>>
            %dma_start3A = tpu.memref_slice %arg21[%mul3A_180] : memref<3584xi32, #tpu.memory_space<vmem>> -> memref<512xi32, #tpu.memory_space<vmem>>
            %dma_start3A_191 = arith.constant 0 : i32
            %dma_start3A_192 = arith.constant 0 : i32
            %dma_start3A_193 = tpu.memref_slice %arg18[%dma_start3A_191, %dma_start3A_192] : memref<100000x32xf32, #tpu.memory_space<hbm>> -> memref<100000x32xf32, #tpu.memory_space<hbm>>
            tpu.enqueue_indirect_dma source(%dma_start3A_193 : memref<100000x32xf32, #tpu.memory_space<hbm>>) target(%arg24 : memref<512x32xf32, #tpu.memory_space<vmem>>) offsets(%dma_start3A : memref<512xi32, #tpu.memory_space<vmem>>) semaphore(%run_scoped3A : memref<!tpu.dma_semaphore, #tpu.memory_space<semaphore_mem>>)
            %dma_wait3A = tpu.memref_slice %arg21[%mul3A_180] : memref<3584xi32, #tpu.memory_space<vmem>> -> memref<512xi32, #tpu.memory_space<vmem>>
            %dma_wait3A_194 = arith.constant 0 : i32
            %dma_wait3A_195 = arith.constant 0 : i32
            %dma_wait3A_196 = tpu.memref_slice %arg18[%dma_wait3A_194, %dma_wait3A_195] : memref<100000x32xf32, #tpu.memory_space<hbm>> -> memref<100000x32xf32, #tpu.memory_space<hbm>>
            tpu.wait_indirect_dma semaphore(%run_scoped3A : memref<!tpu.dma_semaphore, #tpu.memory_space<semaphore_mem>>) src(%dma_wait3A_196 : memref<100000x32xf32, #tpu.memory_space<hbm>>) dst(%arg24 : memref<512x32xf32, #tpu.memory_space<vmem>>)
            tpu.yield
          }) : () -> ()
          %scan3A_186 = arith.constant 0 : i32
          %scan3A_187 = arith.constant 32 : i32
          %scan3A_188 = arith.addi %scan3A_186, %scan3A_187 : i32
          %scan3A_189 = arith.constant 1 : i32
          scf.for %scan3A_191 = %scan3A_186 to %scan3A_188 step %scan3A_189  : i32 {
            %mul3A_192 = arith.constant 1 : i32
            %mul3A_193 = arith.muli %scan3A_191, %mul3A_192 : i32
            %add3A_194 = arith.constant 0 : i32
            %add3A_195 = arith.addi %add3A_194, %mul3A_193 : i32
            %mul3A_196 = arith.constant 16 : i32
            %mul3A_197 = arith.muli %add3A_195, %mul3A_196 : i32
            %add3A_198 = arith.addi %mul3A_180, %mul3A_197 : i32
            %get3A = arith.index_cast %add3A_198 : i32 to index
            %get3A_199 = tpu.vector_load %arg23[%get3A] {strides = array<i32>} : memref<3584xf32, #tpu.memory_space<vmem>>, vector<16xf32>,
            %get3A_200 = vector.shape_cast %get3A_199 : vector<16xf32> to vector<16xf32>
            %mul3A_201 = arith.constant 5.000000e-01 : f32
            %mul3A_202 = vector.broadcast %mul3A_201 : f32 to vector<16xf32>
            %mul3A_203 = arith.mulf %get3A_200, %mul3A_202 : vector<16xf32>
            %gather3A = vector.shape_cast %broadcast_in_dim3A : vector<16x1xi32> to vector<16xi32>
            %gather3A_204 = tpu.dynamic_gather %mul3A_203[%gather3A] in [0] : vector<16xf32>, vector<16xi32> -> vector<16xf32>
            %mul3A_205 = arith.constant 16 : i32
            %mul3A_206 = arith.muli %add3A_195, %mul3A_205 : i32
            %add3A_207 = arith.constant 0 : i32
            %add3A_208 = arith.addi %mul3A_206, %add3A_207 : i32
            %get3A_209 = arith.index_cast %add3A_208 : i32 to index
            %get3A_210 = arith.constant 0 : index
            %get3A_211 = tpu.vector_load %arg24[%get3A_209, %get3A_210] {strides = array<i32>} : memref<512x32xf32, #tpu.memory_space<vmem>>, vector<1x16xf32>,
            %get3A_212 = vector.shape_cast %get3A_211 : vector<1x16xf32> to vector<16xf32>
            %mul3A_213 = arith.mulf %get3A_212, %gather3A_204 : vector<16xf32>
            %swap3A = arith.index_cast %add3A_208 : i32 to index
            %swap3A_214 = arith.constant 0 : index
            %swap3A_215 = tpu.vector_load %arg24[%swap3A, %swap3A_214] {strides = array<i32>} : memref<512x32xf32, #tpu.memory_space<vmem>>, vector<1x16xf32>,
            %swap3A_216 = vector.shape_cast %swap3A_215 : vector<1x16xf32> to vector<16xf32>
            %swap3A_217 = vector.shape_cast %mul3A_213 : vector<16xf32> to vector<1x16xf32>
            tpu.vector_store %arg24[%swap3A, %swap3A_214], %swap3A_217 {strides = array<i32>} : memref<512x32xf32, #tpu.memory_space<vmem>>, vector<1x16xf32>,
            %get3A_218 = arith.index_cast %add3A_208 : i32 to index
            %get3A_219 = arith.constant 16 : index
            %get3A_220 = tpu.vector_load %arg24[%get3A_218, %get3A_219] {strides = array<i32>} : memref<512x32xf32, #tpu.memory_space<vmem>>, vector<1x16xf32>,
            %get3A_221 = vector.shape_cast %get3A_220 : vector<1x16xf32> to vector<16xf32>
            %mul3A_222 = arith.mulf %get3A_221, %gather3A_204 : vector<16xf32>
            %swap3A_223 = arith.index_cast %add3A_208 : i32 to index
            %swap3A_224 = arith.constant 16 : index
            %swap3A_225 = tpu.vector_load %arg24[%swap3A_223, %swap3A_224] {strides = array<i32>} : memref<512x32xf32, #tpu.memory_space<vmem>>, vector<1x16xf32>,
            %swap3A_226 = vector.shape_cast %swap3A_225 : vector<1x16xf32> to vector<16xf32>
            %swap3A_227 = vector.shape_cast %mul3A_222 : vector<16xf32> to vector<1x16xf32>
            tpu.vector_store %arg24[%swap3A_223, %swap3A_224], %swap3A_227 {strides = array<i32>} : memref<512x32xf32, #tpu.memory_space<vmem>>, vector<1x16xf32>,
            %gather3A_228 = vector.shape_cast %broadcast_in_dim3A_7 : vector<16x1xi32> to vector<16xi32>
            %gather3A_229 = tpu.dynamic_gather %mul3A_203[%gather3A_228] in [0] : vector<16xf32>, vector<16xi32> -> vector<16xf32>
            %mul3A_230 = arith.constant 16 : i32
            %mul3A_231 = arith.muli %add3A_195, %mul3A_230 : i32
            %add3A_232 = arith.constant 1 : i32
            %add3A_233 = arith.addi %mul3A_231, %add3A_232 : i32
            %get3A_234 = arith.index_cast %add3A_233 : i32 to index
            %get3A_235 = arith.constant 0 : index
            %get3A_236 = tpu.vector_load %arg24[%get3A_234, %get3A_235] {strides = array<i32>} : memref<512x32xf32, #tpu.memory_space<vmem>>, vector<1x16xf32>,
            %get3A_237 = vector.shape_cast %get3A_236 : vector<1x16xf32> to vector<16xf32>
            %mul3A_238 = arith.mulf %get3A_237, %gather3A_229 : vector<16xf32>
            %swap3A_239 = arith.index_cast %add3A_233 : i32 to index
            %swap3A_240 = arith.constant 0 : index
            %swap3A_241 = tpu.vector_load %arg24[%swap3A_239, %swap3A_240] {strides = array<i32>} : memref<512x32xf32, #tpu.memory_space<vmem>>, vector<1x16xf32>,
            %swap3A_242 = vector.shape_cast %swap3A_241 : vector<1x16xf32> to vector<16xf32>
            %swap3A_243 = vector.shape_cast %mul3A_238 : vector<16xf32> to vector<1x16xf32>
            tpu.vector_store %arg24[%swap3A_239, %swap3A_240], %swap3A_243 {strides = array<i32>} : memref<512x32xf32, #tpu.memory_space<vmem>>, vector<1x16xf32>,
            %get3A_244 = arith.index_cast %add3A_233 : i32 to index
            %get3A_245 = arith.constant 16 : index
            %get3A_246 = tpu.vector_load %arg24[%get3A_244, %get3A_245] {strides = array<i32>} : memref<512x32xf32, #tpu.memory_space<vmem>>, vector<1x16xf32>,
            %get3A_247 = vector.shape_cast %get3A_246 : vector<1x16xf32> to vector<16xf32>
            %mul3A_248 = arith.mulf %get3A_247, %gather3A_229 : vector<16xf32>
            %swap3A_249 = arith.index_cast %add3A_233 : i32 to index
            %swap3A_250 = arith.constant 16 : index
            %swap3A_251 = tpu.vector_load %arg24[%swap3A_249, %swap3A_250] {strides = array<i32>} : memref<512x32xf32, #tpu.memory_space<vmem>>, vector<1x16xf32>,
            %swap3A_252 = vector.shape_cast %swap3A_251 : vector<1x16xf32> to vector<16xf32>
            %swap3A_253 = vector.shape_cast %mul3A_248 : vector<16xf32> to vector<1x16xf32>
            tpu.vector_store %arg24[%swap3A_249, %swap3A_250], %swap3A_253 {strides = array<i32>} : memref<512x32xf32, #tpu.memory_space<vmem>>, vector<1x16xf32>,
            %gather3A_254 = vector.shape_cast %broadcast_in_dim3A_11 : vector<16x1xi32> to vector<16xi32>
            %gather3A_255 = tpu.dynamic_gather %mul3A_203[%gather3A_254] in [0] : vector<16xf32>, vector<16xi32> -> vector<16xf32>
            %mul3A_256 = arith.constant 16 : i32
            %mul3A_257 = arith.muli %add3A_195, %mul3A_256 : i32
            %add3A_258 = arith.constant 2 : i32
            %add3A_259 = arith.addi %mul3A_257, %add3A_258 : i32
            %get3A_260 = arith.index_cast %add3A_259 : i32 to index
            %get3A_261 = arith.constant 0 : index
            %get3A_262 = tpu.vector_load %arg24[%get3A_260, %get3A_261] {strides = array<i32>} : memref<512x32xf32, #tpu.memory_space<vmem>>, vector<1x16xf32>,
            %get3A_263 = vector.shape_cast %get3A_262 : vector<1x16xf32> to vector<16xf32>
            %mul3A_264 = arith.mulf %get3A_263, %gather3A_255 : vector<16xf32>
            %swap3A_265 = arith.index_cast %add3A_259 : i32 to index
            %swap3A_266 = arith.constant 0 : index
            %swap3A_267 = tpu.vector_load %arg24[%swap3A_265, %swap3A_266] {strides = array<i32>} : memref<512x32xf32, #tpu.memory_space<vmem>>, vector<1x16xf32>,
            %swap3A_268 = vector.shape_cast %swap3A_267 : vector<1x16xf32> to vector<16xf32>
            %swap3A_269 = vector.shape_cast %mul3A_264 : vector<16xf32> to vector<1x16xf32>
            tpu.vector_store %arg24[%swap3A_265, %swap3A_266], %swap3A_269 {strides = array<i32>} : memref<512x32xf32, #tpu.memory_space<vmem>>, vector<1x16xf32>,
            %get3A_270 = arith.index_cast %add3A_259 : i32 to index
            %get3A_271 = arith.constant 16 : index
            %get3A_272 = tpu.vector_load %arg24[%get3A_270, %get3A_271] {strides = array<i32>} : memref<512x32xf32, #tpu.memory_space<vmem>>, vector<1x16xf32>,
            %get3A_273 = vector.shape_cast %get3A_272 : vector<1x16xf32> to vector<16xf32>
            %mul3A_274 = arith.mulf %get3A_273, %gather3A_255 : vector<16xf32>
            %swap3A_275 = arith.index_cast %add3A_259 : i32 to index
            %swap3A_276 = arith.constant 16 : index
            %swap3A_277 = tpu.vector_load %arg24[%swap3A_275, %swap3A_276] {strides = array<i32>} : memref<512x32xf32, #tpu.memory_space<vmem>>, vector<1x16xf32>,
            %swap3A_278 = vector.shape_cast %swap3A_277 : vector<1x16xf32> to vector<16xf32>
            %swap3A_279 = vector.shape_cast %mul3A_274 : vector<16xf32> to vector<1x16xf32>
            tpu.vector_store %arg24[%swap3A_275, %swap3A_276], %swap3A_279 {strides = array<i32>} : memref<512x32xf32, #tpu.memory_space<vmem>>, vector<1x16xf32>,
            %gather3A_280 = vector.shape_cast %broadcast_in_dim3A_15 : vector<16x1xi32> to vector<16xi32>
            %gather3A_281 = tpu.dynamic_gather %mul3A_203[%gather3A_280] in [0] : vector<16xf32>, vector<16xi32> -> vector<16xf32>
            %mul3A_282 = arith.constant 16 : i32
            %mul3A_283 = arith.muli %add3A_195, %mul3A_282 : i32
            %add3A_284 = arith.constant 3 : i32
            %add3A_285 = arith.addi %mul3A_283, %add3A_284 : i32
            %get3A_286 = arith.index_cast %add3A_285 : i32 to index
            %get3A_287 = arith.constant 0 : index
            %get3A_288 = tpu.vector_load %arg24[%get3A_286, %get3A_287] {strides = array<i32>} : memref<512x32xf32, #tpu.memory_space<vmem>>, vector<1x16xf32>,
            %get3A_289 = vector.shape_cast %get3A_288 : vector<1x16xf32> to vector<16xf32>
            %mul3A_290 = arith.mulf %get3A_289, %gather3A_281 : vector<16xf32>
            %swap3A_291 = arith.index_cast %add3A_285 : i32 to index
            %swap3A_292 = arith.constant 0 : index
            %swap3A_293 = tpu.vector_load %arg24[%swap3A_291, %swap3A_292] {strides = array<i32>} : memref<512x32xf32, #tpu.memory_space<vmem>>, vector<1x16xf32>,
            %swap3A_294 = vector.shape_cast %swap3A_293 : vector<1x16xf32> to vector<16xf32>
            %swap3A_295 = vector.shape_cast %mul3A_290 : vector<16xf32> to vector<1x16xf32>
            tpu.vector_store %arg24[%swap3A_291, %swap3A_292], %swap3A_295 {strides = array<i32>} : memref<512x32xf32, #tpu.memory_space<vmem>>, vector<1x16xf32>,
            %get3A_296 = arith.index_cast %add3A_285 : i32 to index
            %get3A_297 = arith.constant 16 : index
            %get3A_298 = tpu.vector_load %arg24[%get3A_296, %get3A_297] {strides = array<i32>} : memref<512x32xf32, #tpu.memory_space<vmem>>, vector<1x16xf32>,
            %get3A_299 = vector.shape_cast %get3A_298 : vector<1x16xf32> to vector<16xf32>
            %mul3A_300 = arith.mulf %get3A_299, %gather3A_281 : vector<16xf32>
            %swap3A_301 = arith.index_cast %add3A_285 : i32 to index
            %swap3A_302 = arith.constant 16 : index
            %swap3A_303 = tpu.vector_load %arg24[%swap3A_301, %swap3A_302] {strides = array<i32>} : memref<512x32xf32, #tpu.memory_space<vmem>>, vector<1x16xf32>,
            %swap3A_304 = vector.shape_cast %swap3A_303 : vector<1x16xf32> to vector<16xf32>
            %swap3A_305 = vector.shape_cast %mul3A_300 : vector<16xf32> to vector<1x16xf32>
            tpu.vector_store %arg24[%swap3A_301, %swap3A_302], %swap3A_305 {strides = array<i32>} : memref<512x32xf32, #tpu.memory_space<vmem>>, vector<1x16xf32>,
            %gather3A_306 = vector.shape_cast %broadcast_in_dim3A_19 : vector<16x1xi32> to vector<16xi32>
            %gather3A_307 = tpu.dynamic_gather %mul3A_203[%gather3A_306] in [0] : vector<16xf32>, vector<16xi32> -> vector<16xf32>
            %mul3A_308 = arith.constant 16 : i32
            %mul3A_309 = arith.muli %add3A_195, %mul3A_308 : i32
            %add3A_310 = arith.constant 4 : i32
            %add3A_311 = arith.addi %mul3A_309, %add3A_310 : i32
            %get3A_312 = arith.index_cast %add3A_311 : i32 to index
            %get3A_313 = arith.constant 0 : index
            %get3A_314 = tpu.vector_load %arg24[%get3A_312, %get3A_313] {strides = array<i32>} : memref<512x32xf32, #tpu.memory_space<vmem>>, vector<1x16xf32>,
            %get3A_315 = vector.shape_cast %get3A_314 : vector<1x16xf32> to vector<16xf32>
            %mul3A_316 = arith.mulf %get3A_315, %gather3A_307 : vector<16xf32>
            %swap3A_317 = arith.index_cast %add3A_311 : i32 to index
            %swap3A_318 = arith.constant 0 : index
            %swap3A_319 = tpu.vector_load %arg24[%swap3A_317, %swap3A_318] {strides = array<i32>} : memref<512x32xf32, #tpu.memory_space<vmem>>, vector<1x16xf32>,
            %swap3A_320 = vector.shape_cast %swap3A_319 : vector<1x16xf32> to vector<16xf32>
            %swap3A_321 = vector.shape_cast %mul3A_316 : vector<16xf32> to vector<1x16xf32>
            tpu.vector_store %arg24[%swap3A_317, %swap3A_318], %swap3A_321 {strides = array<i32>} : memref<512x32xf32, #tpu.memory_space<vmem>>, vector<1x16xf32>,
            %get3A_322 = arith.index_cast %add3A_311 : i32 to index
            %get3A_323 = arith.constant 16 : index
            %get3A_324 = tpu.vector_load %arg24[%get3A_322, %get3A_323] {strides = array<i32>} : memref<512x32xf32, #tpu.memory_space<vmem>>, vector<1x16xf32>,
            %get3A_325 = vector.shape_cast %get3A_324 : vector<1x16xf32> to vector<16xf32>
            %mul3A_326 = arith.mulf %get3A_325, %gather3A_307 : vector<16xf32>
            %swap3A_327 = arith.index_cast %add3A_311 : i32 to index
            %swap3A_328 = arith.constant 16 : index
            %swap3A_329 = tpu.vector_load %arg24[%swap3A_327, %swap3A_328] {strides = array<i32>} : memref<512x32xf32, #tpu.memory_space<vmem>>, vector<1x16xf32>,
            %swap3A_330 = vector.shape_cast %swap3A_329 : vector<1x16xf32> to vector<16xf32>
            %swap3A_331 = vector.shape_cast %mul3A_326 : vector<16xf32> to vector<1x16xf32>
            tpu.vector_store %arg24[%swap3A_327, %swap3A_328], %swap3A_331 {strides = array<i32>} : memref<512x32xf32, #tpu.memory_space<vmem>>, vector<1x16xf32>,
            %gather3A_332 = vector.shape_cast %broadcast_in_dim3A_23 : vector<16x1xi32> to vector<16xi32>
            %gather3A_333 = tpu.dynamic_gather %mul3A_203[%gather3A_332] in [0] : vector<16xf32>, vector<16xi32> -> vector<16xf32>
            %mul3A_334 = arith.constant 16 : i32
            %mul3A_335 = arith.muli %add3A_195, %mul3A_334 : i32
            %add3A_336 = arith.constant 5 : i32
            %add3A_337 = arith.addi %mul3A_335, %add3A_336 : i32
            %get3A_338 = arith.index_cast %add3A_337 : i32 to index
            %get3A_339 = arith.constant 0 : index
            %get3A_340 = tpu.vector_load %arg24[%get3A_338, %get3A_339] {strides = array<i32>} : memref<512x32xf32, #tpu.memory_space<vmem>>, vector<1x16xf32>,
            %get3A_341 = vector.shape_cast %get3A_340 : vector<1x16xf32> to vector<16xf32>
            %mul3A_342 = arith.mulf %get3A_341, %gather3A_333 : vector<16xf32>
            %swap3A_343 = arith.index_cast %add3A_337 : i32 to index
            %swap3A_344 = arith.constant 0 : index
            %swap3A_345 = tpu.vector_load %arg24[%swap3A_343, %swap3A_344] {strides = array<i32>} : memref<512x32xf32, #tpu.memory_space<vmem>>, vector<1x16xf32>,
            %swap3A_346 = vector.shape_cast %swap3A_345 : vector<1x16xf32> to vector<16xf32>
            %swap3A_347 = vector.shape_cast %mul3A_342 : vector<16xf32> to vector<1x16xf32>
            tpu.vector_store %arg24[%swap3A_343, %swap3A_344], %swap3A_347 {strides = array<i32>} : memref<512x32xf32, #tpu.memory_space<vmem>>, vector<1x16xf32>,
            %get3A_348 = arith.index_cast %add3A_337 : i32 to index
            %get3A_349 = arith.constant 16 : index
            %get3A_350 = tpu.vector_load %arg24[%get3A_348, %get3A_349] {strides = array<i32>} : memref<512x32xf32, #tpu.memory_space<vmem>>, vector<1x16xf32>,
            %get3A_351 = vector.shape_cast %get3A_350 : vector<1x16xf32> to vector<16xf32>
            %mul3A_352 = arith.mulf %get3A_351, %gather3A_333 : vector<16xf32>
            %swap3A_353 = arith.index_cast %add3A_337 : i32 to index
            %swap3A_354 = arith.constant 16 : index
            %swap3A_355 = tpu.vector_load %arg24[%swap3A_353, %swap3A_354] {strides = array<i32>} : memref<512x32xf32, #tpu.memory_space<vmem>>, vector<1x16xf32>,
            %swap3A_356 = vector.shape_cast %swap3A_355 : vector<1x16xf32> to vector<16xf32>
            %swap3A_357 = vector.shape_cast %mul3A_352 : vector<16xf32> to vector<1x16xf32>
            tpu.vector_store %arg24[%swap3A_353, %swap3A_354], %swap3A_357 {strides = array<i32>} : memref<512x32xf32, #tpu.memory_space<vmem>>, vector<1x16xf32>,
            %gather3A_358 = vector.shape_cast %broadcast_in_dim3A_27 : vector<16x1xi32> to vector<16xi32>
            %gather3A_359 = tpu.dynamic_gather %mul3A_203[%gather3A_358] in [0] : vector<16xf32>, vector<16xi32> -> vector<16xf32>
            %mul3A_360 = arith.constant 16 : i32
            %mul3A_361 = arith.muli %add3A_195, %mul3A_360 : i32
            %add3A_362 = arith.constant 6 : i32
            %add3A_363 = arith.addi %mul3A_361, %add3A_362 : i32
            %get3A_364 = arith.index_cast %add3A_363 : i32 to index
            %get3A_365 = arith.constant 0 : index
            %get3A_366 = tpu.vector_load %arg24[%get3A_364, %get3A_365] {strides = array<i32>} : memref<512x32xf32, #tpu.memory_space<vmem>>, vector<1x16xf32>,
            %get3A_367 = vector.shape_cast %get3A_366 : vector<1x16xf32> to vector<16xf32>
            %mul3A_368 = arith.mulf %get3A_367, %gather3A_359 : vector<16xf32>
            %swap3A_369 = arith.index_cast %add3A_363 : i32 to index
            %swap3A_370 = arith.constant 0 : index
            %swap3A_371 = tpu.vector_load %arg24[%swap3A_369, %swap3A_370] {strides = array<i32>} : memref<512x32xf32, #tpu.memory_space<vmem>>, vector<1x16xf32>,
            %swap3A_372 = vector.shape_cast %swap3A_371 : vector<1x16xf32> to vector<16xf32>
            %swap3A_373 = vector.shape_cast %mul3A_368 : vector<16xf32> to vector<1x16xf32>
            tpu.vector_store %arg24[%swap3A_369, %swap3A_370], %swap3A_373 {strides = array<i32>} : memref<512x32xf32, #tpu.memory_space<vmem>>, vector<1x16xf32>,
            %get3A_374 = arith.index_cast %add3A_363 : i32 to index
            %get3A_375 = arith.constant 16 : index
            %get3A_376 = tpu.vector_load %arg24[%get3A_374, %get3A_375] {strides = array<i32>} : memref<512x32xf32, #tpu.memory_space<vmem>>, vector<1x16xf32>,
            %get3A_377 = vector.shape_cast %get3A_376 : vector<1x16xf32> to vector<16xf32>
            %mul3A_378 = arith.mulf %get3A_377, %gather3A_359 : vector<16xf32>
            %swap3A_379 = arith.index_cast %add3A_363 : i32 to index
            %swap3A_380 = arith.constant 16 : index
            %swap3A_381 = tpu.vector_load %arg24[%swap3A_379, %swap3A_380] {strides = array<i32>} : memref<512x32xf32, #tpu.memory_space<vmem>>, vector<1x16xf32>,
            %swap3A_382 = vector.shape_cast %swap3A_381 : vector<1x16xf32> to vector<16xf32>
            %swap3A_383 = vector.shape_cast %mul3A_378 : vector<16xf32> to vector<1x16xf32>
            tpu.vector_store %arg24[%swap3A_379, %swap3A_380], %swap3A_383 {strides = array<i32>} : memref<512x32xf32, #tpu.memory_space<vmem>>, vector<1x16xf32>,
            %gather3A_384 = vector.shape_cast %broadcast_in_dim3A_31 : vector<16x1xi32> to vector<16xi32>
            %gather3A_385 = tpu.dynamic_gather %mul3A_203[%gather3A_384] in [0] : vector<16xf32>, vector<16xi32> -> vector<16xf32>
            %mul3A_386 = arith.constant 16 : i32
            %mul3A_387 = arith.muli %add3A_195, %mul3A_386 : i32
            %add3A_388 = arith.constant 7 : i32
            %add3A_389 = arith.addi %mul3A_387, %add3A_388 : i32
            %get3A_390 = arith.index_cast %add3A_389 : i32 to index
            %get3A_391 = arith.constant 0 : index
            %get3A_392 = tpu.vector_load %arg24[%get3A_390, %get3A_391] {strides = array<i32>} : memref<512x32xf32, #tpu.memory_space<vmem>>, vector<1x16xf32>,
            %get3A_393 = vector.shape_cast %get3A_392 : vector<1x16xf32> to vector<16xf32>
            %mul3A_394 = arith.mulf %get3A_393, %gather3A_385 : vector<16xf32>
            %swap3A_395 = arith.index_cast %add3A_389 : i32 to index
            %swap3A_396 = arith.constant 0 : index
            %swap3A_397 = tpu.vector_load %arg24[%swap3A_395, %swap3A_396] {strides = array<i32>} : memref<512x32xf32, #tpu.memory_space<vmem>>, vector<1x16xf32>,
            %swap3A_398 = vector.shape_cast %swap3A_397 : vector<1x16xf32> to vector<16xf32>
            %swap3A_399 = vector.shape_cast %mul3A_394 : vector<16xf32> to vector<1x16xf32>
            tpu.vector_store %arg24[%swap3A_395, %swap3A_396], %swap3A_399 {strides = array<i32>} : memref<512x32xf32, #tpu.memory_space<vmem>>, vector<1x16xf32>,
            %get3A_400 = arith.index_cast %add3A_389 : i32 to index
            %get3A_401 = arith.constant 16 : index
            %get3A_402 = tpu.vector_load %arg24[%get3A_400, %get3A_401] {strides = array<i32>} : memref<512x32xf32, #tpu.memory_space<vmem>>, vector<1x16xf32>,
            %get3A_403 = vector.shape_cast %get3A_402 : vector<1x16xf32> to vector<16xf32>
            %mul3A_404 = arith.mulf %get3A_403, %gather3A_385 : vector<16xf32>
            %swap3A_405 = arith.index_cast %add3A_389 : i32 to index
            %swap3A_406 = arith.constant 16 : index
            %swap3A_407 = tpu.vector_load %arg24[%swap3A_405, %swap3A_406] {strides = array<i32>} : memref<512x32xf32, #tpu.memory_space<vmem>>, vector<1x16xf32>,
            %swap3A_408 = vector.shape_cast %swap3A_407 : vector<1x16xf32> to vector<16xf32>
            %swap3A_409 = vector.shape_cast %mul3A_404 : vector<16xf32> to vector<1x16xf32>
            tpu.vector_store %arg24[%swap3A_405, %swap3A_406], %swap3A_409 {strides = array<i32>} : memref<512x32xf32, #tpu.memory_space<vmem>>, vector<1x16xf32>,
            %gather3A_410 = vector.shape_cast %broadcast_in_dim3A_35 : vector<16x1xi32> to vector<16xi32>
            %gather3A_411 = tpu.dynamic_gather %mul3A_203[%gather3A_410] in [0] : vector<16xf32>, vector<16xi32> -> vector<16xf32>
            %mul3A_412 = arith.constant 16 : i32
            %mul3A_413 = arith.muli %add3A_195, %mul3A_412 : i32
            %add3A_414 = arith.constant 8 : i32
            %add3A_415 = arith.addi %mul3A_413, %add3A_414 : i32
            %get3A_416 = arith.index_cast %add3A_415 : i32 to index
            %get3A_417 = arith.constant 0 : index
            %get3A_418 = tpu.vector_load %arg24[%get3A_416, %get3A_417] {strides = array<i32>} : memref<512x32xf32, #tpu.memory_space<vmem>>, vector<1x16xf32>,
            %get3A_419 = vector.shape_cast %get3A_418 : vector<1x16xf32> to vector<16xf32>
            %mul3A_420 = arith.mulf %get3A_419, %gather3A_411 : vector<16xf32>
            %swap3A_421 = arith.index_cast %add3A_415 : i32 to index
            %swap3A_422 = arith.constant 0 : index
            %swap3A_423 = tpu.vector_load %arg24[%swap3A_421, %swap3A_422] {strides = array<i32>} : memref<512x32xf32, #tpu.memory_space<vmem>>, vector<1x16xf32>,
            %swap3A_424 = vector.shape_cast %swap3A_423 : vector<1x16xf32> to vector<16xf32>
            %swap3A_425 = vector.shape_cast %mul3A_420 : vector<16xf32> to vector<1x16xf32>
            tpu.vector_store %arg24[%swap3A_421, %swap3A_422], %swap3A_425 {strides = array<i32>} : memref<512x32xf32, #tpu.memory_space<vmem>>, vector<1x16xf32>,
            %get3A_426 = arith.index_cast %add3A_415 : i32 to index
            %get3A_427 = arith.constant 16 : index
            %get3A_428 = tpu.vector_load %arg24[%get3A_426, %get3A_427] {strides = array<i32>} : memref<512x32xf32, #tpu.memory_space<vmem>>, vector<1x16xf32>,
            %get3A_429 = vector.shape_cast %get3A_428 : vector<1x16xf32> to vector<16xf32>
            %mul3A_430 = arith.mulf %get3A_429, %gather3A_411 : vector<16xf32>
            %swap3A_431 = arith.index_cast %add3A_415 : i32 to index
            %swap3A_432 = arith.constant 16 : index
            %swap3A_433 = tpu.vector_load %arg24[%swap3A_431, %swap3A_432] {strides = array<i32>} : memref<512x32xf32, #tpu.memory_space<vmem>>, vector<1x16xf32>,
            %swap3A_434 = vector.shape_cast %swap3A_433 : vector<1x16xf32> to vector<16xf32>
            %swap3A_435 = vector.shape_cast %mul3A_430 : vector<16xf32> to vector<1x16xf32>
            tpu.vector_store %arg24[%swap3A_431, %swap3A_432], %swap3A_435 {strides = array<i32>} : memref<512x32xf32, #tpu.memory_space<vmem>>, vector<1x16xf32>,
            %gather3A_436 = vector.shape_cast %broadcast_in_dim3A_39 : vector<16x1xi32> to vector<16xi32>
            %gather3A_437 = tpu.dynamic_gather %mul3A_203[%gather3A_436] in [0] : vector<16xf32>, vector<16xi32> -> vector<16xf32>
            %mul3A_438 = arith.constant 16 : i32
            %mul3A_439 = arith.muli %add3A_195, %mul3A_438 : i32
            %add3A_440 = arith.constant 9 : i32
            %add3A_441 = arith.addi %mul3A_439, %add3A_440 : i32
            %get3A_442 = arith.index_cast %add3A_441 : i32 to index
            %get3A_443 = arith.constant 0 : index
            %get3A_444 = tpu.vector_load %arg24[%get3A_442, %get3A_443] {strides = array<i32>} : memref<512x32xf32, #tpu.memory_space<vmem>>, vector<1x16xf32>,
            %get3A_445 = vector.shape_cast %get3A_444 : vector<1x16xf32> to vector<16xf32>
            %mul3A_446 = arith.mulf %get3A_445, %gather3A_437 : vector<16xf32>
            %swap3A_447 = arith.index_cast %add3A_441 : i32 to index
            %swap3A_448 = arith.constant 0 : index
            %swap3A_449 = tpu.vector_load %arg24[%swap3A_447, %swap3A_448] {strides = array<i32>} : memref<512x32xf32, #tpu.memory_space<vmem>>, vector<1x16xf32>,
            %swap3A_450 = vector.shape_cast %swap3A_449 : vector<1x16xf32> to vector<16xf32>
            %swap3A_451 = vector.shape_cast %mul3A_446 : vector<16xf32> to vector<1x16xf32>
            tpu.vector_store %arg24[%swap3A_447, %swap3A_448], %swap3A_451 {strides = array<i32>} : memref<512x32xf32, #tpu.memory_space<vmem>>, vector<1x16xf32>,
            %get3A_452 = arith.index_cast %add3A_441 : i32 to index
            %get3A_453 = arith.constant 16 : index
            %get3A_454 = tpu.vector_load %arg24[%get3A_452, %get3A_453] {strides = array<i32>} : memref<512x32xf32, #tpu.memory_space<vmem>>, vector<1x16xf32>,
            %get3A_455 = vector.shape_cast %get3A_454 : vector<1x16xf32> to vector<16xf32>
            %mul3A_456 = arith.mulf %get3A_455, %gather3A_437 : vector<16xf32>
            %swap3A_457 = arith.index_cast %add3A_441 : i32 to index
            %swap3A_458 = arith.constant 16 : index
            %swap3A_459 = tpu.vector_load %arg24[%swap3A_457, %swap3A_458] {strides = array<i32>} : memref<512x32xf32, #tpu.memory_space<vmem>>, vector<1x16xf32>,
            %swap3A_460 = vector.shape_cast %swap3A_459 : vector<1x16xf32> to vector<16xf32>
            %swap3A_461 = vector.shape_cast %mul3A_456 : vector<16xf32> to vector<1x16xf32>
            tpu.vector_store %arg24[%swap3A_457, %swap3A_458], %swap3A_461 {strides = array<i32>} : memref<512x32xf32, #tpu.memory_space<vmem>>, vector<1x16xf32>,
            %gather3A_462 = vector.shape_cast %broadcast_in_dim3A_43 : vector<16x1xi32> to vector<16xi32>
            %gather3A_463 = tpu.dynamic_gather %mul3A_203[%gather3A_462] in [0] : vector<16xf32>, vector<16xi32> -> vector<16xf32>
            %mul3A_464 = arith.constant 16 : i32
            %mul3A_465 = arith.muli %add3A_195, %mul3A_464 : i32
            %add3A_466 = arith.constant 10 : i32
            %add3A_467 = arith.addi %mul3A_465, %add3A_466 : i32
            %get3A_468 = arith.index_cast %add3A_467 : i32 to index
            %get3A_469 = arith.constant 0 : index
            %get3A_470 = tpu.vector_load %arg24[%get3A_468, %get3A_469] {strides = array<i32>} : memref<512x32xf32, #tpu.memory_space<vmem>>, vector<1x16xf32>,
            %get3A_471 = vector.shape_cast %get3A_470 : vector<1x16xf32> to vector<16xf32>
            %mul3A_472 = arith.mulf %get3A_471, %gather3A_463 : vector<16xf32>
            %swap3A_473 = arith.index_cast %add3A_467 : i32 to index
            %swap3A_474 = arith.constant 0 : index
            %swap3A_475 = tpu.vector_load %arg24[%swap3A_473, %swap3A_474] {strides = array<i32>} : memref<512x32xf32, #tpu.memory_space<vmem>>, vector<1x16xf32>,
            %swap3A_476 = vector.shape_cast %swap3A_475 : vector<1x16xf32> to vector<16xf32>
            %swap3A_477 = vector.shape_cast %mul3A_472 : vector<16xf32> to vector<1x16xf32>
            tpu.vector_store %arg24[%swap3A_473, %swap3A_474], %swap3A_477 {strides = array<i32>} : memref<512x32xf32, #tpu.memory_space<vmem>>, vector<1x16xf32>,
            %get3A_478 = arith.index_cast %add3A_467 : i32 to index
            %get3A_479 = arith.constant 16 : index
            %get3A_480 = tpu.vector_load %arg24[%get3A_478, %get3A_479] {strides = array<i32>} : memref<512x32xf32, #tpu.memory_space<vmem>>, vector<1x16xf32>,
            %get3A_481 = vector.shape_cast %get3A_480 : vector<1x16xf32> to vector<16xf32>
            %mul3A_482 = arith.mulf %get3A_481, %gather3A_463 : vector<16xf32>
            %swap3A_483 = arith.index_cast %add3A_467 : i32 to index
            %swap3A_484 = arith.constant 16 : index
            %swap3A_485 = tpu.vector_load %arg24[%swap3A_483, %swap3A_484] {strides = array<i32>} : memref<512x32xf32, #tpu.memory_space<vmem>>, vector<1x16xf32>,
            %swap3A_486 = vector.shape_cast %swap3A_485 : vector<1x16xf32> to vector<16xf32>
            %swap3A_487 = vector.shape_cast %mul3A_482 : vector<16xf32> to vector<1x16xf32>
            tpu.vector_store %arg24[%swap3A_483, %swap3A_484], %swap3A_487 {strides = array<i32>} : memref<512x32xf32, #tpu.memory_space<vmem>>, vector<1x16xf32>,
            %gather3A_488 = vector.shape_cast %broadcast_in_dim3A_47 : vector<16x1xi32> to vector<16xi32>
            %gather3A_489 = tpu.dynamic_gather %mul3A_203[%gather3A_488] in [0] : vector<16xf32>, vector<16xi32> -> vector<16xf32>
            %mul3A_490 = arith.constant 16 : i32
            %mul3A_491 = arith.muli %add3A_195, %mul3A_490 : i32
            %add3A_492 = arith.constant 11 : i32
            %add3A_493 = arith.addi %mul3A_491, %add3A_492 : i32
            %get3A_494 = arith.index_cast %add3A_493 : i32 to index
            %get3A_495 = arith.constant 0 : index
            %get3A_496 = tpu.vector_load %arg24[%get3A_494, %get3A_495] {strides = array<i32>} : memref<512x32xf32, #tpu.memory_space<vmem>>, vector<1x16xf32>,
            %get3A_497 = vector.shape_cast %get3A_496 : vector<1x16xf32> to vector<16xf32>
            %mul3A_498 = arith.mulf %get3A_497, %gather3A_489 : vector<16xf32>
            %swap3A_499 = arith.index_cast %add3A_493 : i32 to index
            %swap3A_500 = arith.constant 0 : index
            %swap3A_501 = tpu.vector_load %arg24[%swap3A_499, %swap3A_500] {strides = array<i32>} : memref<512x32xf32, #tpu.memory_space<vmem>>, vector<1x16xf32>,
            %swap3A_502 = vector.shape_cast %swap3A_501 : vector<1x16xf32> to vector<16xf32>
            %swap3A_503 = vector.shape_cast %mul3A_498 : vector<16xf32> to vector<1x16xf32>
            tpu.vector_store %arg24[%swap3A_499, %swap3A_500], %swap3A_503 {strides = array<i32>} : memref<512x32xf32, #tpu.memory_space<vmem>>, vector<1x16xf32>,
            %get3A_504 = arith.index_cast %add3A_493 : i32 to index
            %get3A_505 = arith.constant 16 : index
            %get3A_506 = tpu.vector_load %arg24[%get3A_504, %get3A_505] {strides = array<i32>} : memref<512x32xf32, #tpu.memory_space<vmem>>, vector<1x16xf32>,
            %get3A_507 = vector.shape_cast %get3A_506 : vector<1x16xf32> to vector<16xf32>
            %mul3A_508 = arith.mulf %get3A_507, %gather3A_489 : vector<16xf32>
            %swap3A_509 = arith.index_cast %add3A_493 : i32 to index
            %swap3A_510 = arith.constant 16 : index
            %swap3A_511 = tpu.vector_load %arg24[%swap3A_509, %swap3A_510] {strides = array<i32>} : memref<512x32xf32, #tpu.memory_space<vmem>>, vector<1x16xf32>,
            %swap3A_512 = vector.shape_cast %swap3A_511 : vector<1x16xf32> to vector<16xf32>
            %swap3A_513 = vector.shape_cast %mul3A_508 : vector<16xf32> to vector<1x16xf32>
            tpu.vector_store %arg24[%swap3A_509, %swap3A_510], %swap3A_513 {strides = array<i32>} : memref<512x32xf32, #tpu.memory_space<vmem>>, vector<1x16xf32>,
            %gather3A_514 = vector.shape_cast %broadcast_in_dim3A_51 : vector<16x1xi32> to vector<16xi32>
            %gather3A_515 = tpu.dynamic_gather %mul3A_203[%gather3A_514] in [0] : vector<16xf32>, vector<16xi32> -> vector<16xf32>
            %mul3A_516 = arith.constant 16 : i32
            %mul3A_517 = arith.muli %add3A_195, %mul3A_516 : i32
            %add3A_518 = arith.constant 12 : i32
            %add3A_519 = arith.addi %mul3A_517, %add3A_518 : i32
            %get3A_520 = arith.index_cast %add3A_519 : i32 to index
            %get3A_521 = arith.constant 0 : index
            %get3A_522 = tpu.vector_load %arg24[%get3A_520, %get3A_521] {strides = array<i32>} : memref<512x32xf32, #tpu.memory_space<vmem>>, vector<1x16xf32>,
            %get3A_523 = vector.shape_cast %get3A_522 : vector<1x16xf32> to vector<16xf32>
            %mul3A_524 = arith.mulf %get3A_523, %gather3A_515 : vector<16xf32>
            %swap3A_525 = arith.index_cast %add3A_519 : i32 to index
            %swap3A_526 = arith.constant 0 : index
            %swap3A_527 = tpu.vector_load %arg24[%swap3A_525, %swap3A_526] {strides = array<i32>} : memref<512x32xf32, #tpu.memory_space<vmem>>, vector<1x16xf32>,
            %swap3A_528 = vector.shape_cast %swap3A_527 : vector<1x16xf32> to vector<16xf32>
            %swap3A_529 = vector.shape_cast %mul3A_524 : vector<16xf32> to vector<1x16xf32>
            tpu.vector_store %arg24[%swap3A_525, %swap3A_526], %swap3A_529 {strides = array<i32>} : memref<512x32xf32, #tpu.memory_space<vmem>>, vector<1x16xf32>,
            %get3A_530 = arith.index_cast %add3A_519 : i32 to index
            %get3A_531 = arith.constant 16 : index
            %get3A_532 = tpu.vector_load %arg24[%get3A_530, %get3A_531] {strides = array<i32>} : memref<512x32xf32, #tpu.memory_space<vmem>>, vector<1x16xf32>,
            %get3A_533 = vector.shape_cast %get3A_532 : vector<1x16xf32> to vector<16xf32>
            %mul3A_534 = arith.mulf %get3A_533, %gather3A_515 : vector<16xf32>
            %swap3A_535 = arith.index_cast %add3A_519 : i32 to index
            %swap3A_536 = arith.constant 16 : index
            %swap3A_537 = tpu.vector_load %arg24[%swap3A_535, %swap3A_536] {strides = array<i32>} : memref<512x32xf32, #tpu.memory_space<vmem>>, vector<1x16xf32>,
            %swap3A_538 = vector.shape_cast %swap3A_537 : vector<1x16xf32> to vector<16xf32>
            %swap3A_539 = vector.shape_cast %mul3A_534 : vector<16xf32> to vector<1x16xf32>
            tpu.vector_store %arg24[%swap3A_535, %swap3A_536], %swap3A_539 {strides = array<i32>} : memref<512x32xf32, #tpu.memory_space<vmem>>, vector<1x16xf32>,
            %gather3A_540 = vector.shape_cast %broadcast_in_dim3A_55 : vector<16x1xi32> to vector<16xi32>
            %gather3A_541 = tpu.dynamic_gather %mul3A_203[%gather3A_540] in [0] : vector<16xf32>, vector<16xi32> -> vector<16xf32>
            %mul3A_542 = arith.constant 16 : i32
            %mul3A_543 = arith.muli %add3A_195, %mul3A_542 : i32
            %add3A_544 = arith.constant 13 : i32
            %add3A_545 = arith.addi %mul3A_543, %add3A_544 : i32
            %get3A_546 = arith.index_cast %add3A_545 : i32 to index
            %get3A_547 = arith.constant 0 : index
            %get3A_548 = tpu.vector_load %arg24[%get3A_546, %get3A_547] {strides = array<i32>} : memref<512x32xf32, #tpu.memory_space<vmem>>, vector<1x16xf32>,
            %get3A_549 = vector.shape_cast %get3A_548 : vector<1x16xf32> to vector<16xf32>
            %mul3A_550 = arith.mulf %get3A_549, %gather3A_541 : vector<16xf32>
            %swap3A_551 = arith.index_cast %add3A_545 : i32 to index
            %swap3A_552 = arith.constant 0 : index
            %swap3A_553 = tpu.vector_load %arg24[%swap3A_551, %swap3A_552] {strides = array<i32>} : memref<512x32xf32, #tpu.memory_space<vmem>>, vector<1x16xf32>,
            %swap3A_554 = vector.shape_cast %swap3A_553 : vector<1x16xf32> to vector<16xf32>
            %swap3A_555 = vector.shape_cast %mul3A_550 : vector<16xf32> to vector<1x16xf32>
            tpu.vector_store %arg24[%swap3A_551, %swap3A_552], %swap3A_555 {strides = array<i32>} : memref<512x32xf32, #tpu.memory_space<vmem>>, vector<1x16xf32>,
            %get3A_556 = arith.index_cast %add3A_545 : i32 to index
            %get3A_557 = arith.constant 16 : index
            %get3A_558 = tpu.vector_load %arg24[%get3A_556, %get3A_557] {strides = array<i32>} : memref<512x32xf32, #tpu.memory_space<vmem>>, vector<1x16xf32>,
            %get3A_559 = vector.shape_cast %get3A_558 : vector<1x16xf32> to vector<16xf32>
            %mul3A_560 = arith.mulf %get3A_559, %gather3A_541 : vector<16xf32>
            %swap3A_561 = arith.index_cast %add3A_545 : i32 to index
            %swap3A_562 = arith.constant 16 : index
            %swap3A_563 = tpu.vector_load %arg24[%swap3A_561, %swap3A_562] {strides = array<i32>} : memref<512x32xf32, #tpu.memory_space<vmem>>, vector<1x16xf32>,
            %swap3A_564 = vector.shape_cast %swap3A_563 : vector<1x16xf32> to vector<16xf32>
            %swap3A_565 = vector.shape_cast %mul3A_560 : vector<16xf32> to vector<1x16xf32>
            tpu.vector_store %arg24[%swap3A_561, %swap3A_562], %swap3A_565 {strides = array<i32>} : memref<512x32xf32, #tpu.memory_space<vmem>>, vector<1x16xf32>,
            %gather3A_566 = vector.shape_cast %broadcast_in_dim3A_59 : vector<16x1xi32> to vector<16xi32>
            %gather3A_567 = tpu.dynamic_gather %mul3A_203[%gather3A_566] in [0] : vector<16xf32>, vector<16xi32> -> vector<16xf32>
            %mul3A_568 = arith.constant 16 : i32
            %mul3A_569 = arith.muli %add3A_195, %mul3A_568 : i32
            %add3A_570 = arith.constant 14 : i32
            %add3A_571 = arith.addi %mul3A_569, %add3A_570 : i32
            %get3A_572 = arith.index_cast %add3A_571 : i32 to index
            %get3A_573 = arith.constant 0 : index
            %get3A_574 = tpu.vector_load %arg24[%get3A_572, %get3A_573] {strides = array<i32>} : memref<512x32xf32, #tpu.memory_space<vmem>>, vector<1x16xf32>,
            %get3A_575 = vector.shape_cast %get3A_574 : vector<1x16xf32> to vector<16xf32>
            %mul3A_576 = arith.mulf %get3A_575, %gather3A_567 : vector<16xf32>
            %swap3A_577 = arith.index_cast %add3A_571 : i32 to index
            %swap3A_578 = arith.constant 0 : index
            %swap3A_579 = tpu.vector_load %arg24[%swap3A_577, %swap3A_578] {strides = array<i32>} : memref<512x32xf32, #tpu.memory_space<vmem>>, vector<1x16xf32>,
            %swap3A_580 = vector.shape_cast %swap3A_579 : vector<1x16xf32> to vector<16xf32>
            %swap3A_581 = vector.shape_cast %mul3A_576 : vector<16xf32> to vector<1x16xf32>
            tpu.vector_store %arg24[%swap3A_577, %swap3A_578], %swap3A_581 {strides = array<i32>} : memref<512x32xf32, #tpu.memory_space<vmem>>, vector<1x16xf32>,
            %get3A_582 = arith.index_cast %add3A_571 : i32 to index
            %get3A_583 = arith.constant 16 : index
            %get3A_584 = tpu.vector_load %arg24[%get3A_582, %get3A_583] {strides = array<i32>} : memref<512x32xf32, #tpu.memory_space<vmem>>, vector<1x16xf32>,
            %get3A_585 = vector.shape_cast %get3A_584 : vector<1x16xf32> to vector<16xf32>
            %mul3A_586 = arith.mulf %get3A_585, %gather3A_567 : vector<16xf32>
            %swap3A_587 = arith.index_cast %add3A_571 : i32 to index
            %swap3A_588 = arith.constant 16 : index
            %swap3A_589 = tpu.vector_load %arg24[%swap3A_587, %swap3A_588] {strides = array<i32>} : memref<512x32xf32, #tpu.memory_space<vmem>>, vector<1x16xf32>,
            %swap3A_590 = vector.shape_cast %swap3A_589 : vector<1x16xf32> to vector<16xf32>
            %swap3A_591 = vector.shape_cast %mul3A_586 : vector<16xf32> to vector<1x16xf32>
            tpu.vector_store %arg24[%swap3A_587, %swap3A_588], %swap3A_591 {strides = array<i32>} : memref<512x32xf32, #tpu.memory_space<vmem>>, vector<1x16xf32>,
            %gather3A_592 = vector.shape_cast %broadcast_in_dim3A_63 : vector<16x1xi32> to vector<16xi32>
            %gather3A_593 = tpu.dynamic_gather %mul3A_203[%gather3A_592] in [0] : vector<16xf32>, vector<16xi32> -> vector<16xf32>
            %mul3A_594 = arith.constant 16 : i32
            %mul3A_595 = arith.muli %add3A_195, %mul3A_594 : i32
            %add3A_596 = arith.constant 15 : i32
            %add3A_597 = arith.addi %mul3A_595, %add3A_596 : i32
            %get3A_598 = arith.index_cast %add3A_597 : i32 to index
            %get3A_599 = arith.constant 0 : index
            %get3A_600 = tpu.vector_load %arg24[%get3A_598, %get3A_599] {strides = array<i32>} : memref<512x32xf32, #tpu.memory_space<vmem>>, vector<1x16xf32>,
            %get3A_601 = vector.shape_cast %get3A_600 : vector<1x16xf32> to vector<16xf32>
            %mul3A_602 = arith.mulf %get3A_601, %gather3A_593 : vector<16xf32>
            %swap3A_603 = arith.index_cast %add3A_597 : i32 to index
            %swap3A_604 = arith.constant 0 : index
            %swap3A_605 = tpu.vector_load %arg24[%swap3A_603, %swap3A_604] {strides = array<i32>} : memref<512x32xf32, #tpu.memory_space<vmem>>, vector<1x16xf32>,
            %swap3A_606 = vector.shape_cast %swap3A_605 : vector<1x16xf32> to vector<16xf32>
            %swap3A_607 = vector.shape_cast %mul3A_602 : vector<16xf32> to vector<1x16xf32>
            tpu.vector_store %arg24[%swap3A_603, %swap3A_604], %swap3A_607 {strides = array<i32>} : memref<512x32xf32, #tpu.memory_space<vmem>>, vector<1x16xf32>,
            %get3A_608 = arith.index_cast %add3A_597 : i32 to index
            %get3A_609 = arith.constant 16 : index
            %get3A_610 = tpu.vector_load %arg24[%get3A_608, %get3A_609] {strides = array<i32>} : memref<512x32xf32, #tpu.memory_space<vmem>>, vector<1x16xf32>,
            %get3A_611 = vector.shape_cast %get3A_610 : vector<1x16xf32> to vector<16xf32>
            %mul3A_612 = arith.mulf %get3A_611, %gather3A_593 : vector<16xf32>
            %swap3A_613 = arith.index_cast %add3A_597 : i32 to index
            %swap3A_614 = arith.constant 16 : index
            %swap3A_615 = tpu.vector_load %arg24[%swap3A_613, %swap3A_614] {strides = array<i32>} : memref<512x32xf32, #tpu.memory_space<vmem>>, vector<1x16xf32>,
            %swap3A_616 = vector.shape_cast %swap3A_615 : vector<1x16xf32> to vector<16xf32>
            %swap3A_617 = vector.shape_cast %mul3A_612 : vector<16xf32> to vector<1x16xf32>
            tpu.vector_store %arg24[%swap3A_613, %swap3A_614], %swap3A_617 {strides = array<i32>} : memref<512x32xf32, #tpu.memory_space<vmem>>, vector<1x16xf32>,
          }
          %scan3A_190 = arith.constant 32 : i32
          "tpu.region"() ({
            %run_scoped3A = tpu.sem_alloc : memref<!tpu.dma_semaphore, #tpu.memory_space<semaphore_mem>>
            %dma_start3A = tpu.memref_slice %arg22[%mul3A_180] : memref<3584xi32, #tpu.memory_space<vmem>> -> memref<512xi32, #tpu.memory_space<vmem>>
            %dma_start3A_191 = arith.constant 0 : i32
            %dma_start3A_192 = arith.constant 0 : i32
            %dma_start3A_193 = tpu.memref_slice %arg20[%dma_start3A_191, %dma_start3A_192] : memref<50000x32xf32, #tpu.memory_space<vmem_shared>> -> memref<50000x32xf32, #tpu.memory_space<vmem_shared>>
            tpu.enqueue_indirect_dma source(%arg24 : memref<512x32xf32, #tpu.memory_space<vmem>>) target(%dma_start3A_193 : memref<50000x32xf32, #tpu.memory_space<vmem_shared>>) offsets(%dma_start3A : memref<512xi32, #tpu.memory_space<vmem>>) semaphore(%run_scoped3A : memref<!tpu.dma_semaphore, #tpu.memory_space<semaphore_mem>>) {add = true}
            %dma_wait3A = tpu.memref_slice %arg22[%mul3A_180] : memref<3584xi32, #tpu.memory_space<vmem>> -> memref<512xi32, #tpu.memory_space<vmem>>
            %dma_wait3A_194 = arith.constant 0 : i32
            %dma_wait3A_195 = arith.constant 0 : i32
            %dma_wait3A_196 = tpu.memref_slice %arg20[%dma_wait3A_194, %dma_wait3A_195] : memref<50000x32xf32, #tpu.memory_space<vmem_shared>> -> memref<50000x32xf32, #tpu.memory_space<vmem_shared>>
            tpu.wait_indirect_dma semaphore(%run_scoped3A : memref<!tpu.dma_semaphore, #tpu.memory_space<semaphore_mem>>) src(%arg24 : memref<512x32xf32, #tpu.memory_space<vmem>>) dst(%dma_wait3A_196 : memref<50000x32xf32, #tpu.memory_space<vmem_shared>>)
            tpu.yield
          }) : () -> ()
        }
        %scan3A_173 = arith.constant 7 : i32
      }
      %scan3A_141 = arith.constant 14 : i32
      %scan3A_142 = arith.constant 0 : i32
      %scan3A_143 = arith.constant 14 : i32
      %scan3A_144 = arith.addi %scan3A_142, %scan3A_143 : i32
      %scan3A_145 = arith.constant 1 : i32
      scf.for %scan3A_158 = %scan3A_142 to %scan3A_144 step %scan3A_145  : i32 {
        %mul3A_159 = arith.constant 1 : i32
        %mul3A_160 = arith.muli %scan3A_158, %mul3A_159 : i32
        %add3A_161 = arith.constant 0 : i32
        %add3A_162 = arith.addi %add3A_161, %mul3A_160 : i32
        %mul3A_163 = arith.constant 3584 : i32
        %mul3A_164 = arith.muli %add3A_162, %mul3A_163 : i32
        "tpu.region"() ({
          %run_scoped3A = tpu.sem_alloc : memref<!tpu.dma_semaphore, #tpu.memory_space<semaphore_mem>>
          %dma_start3A = tpu.memref_slice %arg15[%arg1, %mul3A_164] : memref<16x50176xi32, #tpu.memory_space<hbm>> -> memref<1x3584xi32, #tpu.memory_space<hbm>>
          %dma_start3A_174 = tpu.memref_squeeze %dma_start3A : memref<1x3584xi32, #tpu.memory_space<hbm>> -> memref<3584xi32, #tpu.memory_space<hbm>>
          %dma_start3A_175 = tpu.memref_slice %arg15[%arg1, %mul3A_164] : memref<16x50176xi32, #tpu.memory_space<hbm>> -> memref<1x3584xi32, #tpu.memory_space<hbm>>
          %dma_start3A_176 = tpu.memref_squeeze %dma_start3A_175 : memref<1x3584xi32, #tpu.memory_space<hbm>> -> memref<3584xi32, #tpu.memory_space<hbm>>
          tpu.enqueue_dma source(%dma_start3A_176 : memref<3584xi32, #tpu.memory_space<hbm>>) target(%arg21 : memref<3584xi32, #tpu.memory_space<vmem>>) target_semaphore(%run_scoped3A : memref<!tpu.dma_semaphore, #tpu.memory_space<semaphore_mem>>)
          %dma_wait3A = tpu.memref_slice %arg15[%arg1, %mul3A_164] : memref<16x50176xi32, #tpu.memory_space<hbm>> -> memref<1x3584xi32, #tpu.memory_space<hbm>>
          %dma_wait3A_177 = tpu.memref_squeeze %dma_wait3A : memref<1x3584xi32, #tpu.memory_space<hbm>> -> memref<3584xi32, #tpu.memory_space<hbm>>
          %dma_wait3A_178 = tpu.memref_slice %arg15[%arg1, %mul3A_164] : memref<16x50176xi32, #tpu.memory_space<hbm>> -> memref<1x3584xi32, #tpu.memory_space<hbm>>
          %dma_wait3A_179 = tpu.memref_squeeze %dma_wait3A_178 : memref<1x3584xi32, #tpu.memory_space<hbm>> -> memref<3584xi32, #tpu.memory_space<hbm>>
          tpu.wait_dma2 semaphore(%run_scoped3A : memref<!tpu.dma_semaphore, #tpu.memory_space<semaphore_mem>>) src(%dma_wait3A_179 : memref<3584xi32, #tpu.memory_space<hbm>>) dst(%arg21 : memref<3584xi32, #tpu.memory_space<vmem>>)
          tpu.yield
        }) : () -> ()
        %mul3A_165 = arith.constant 3584 : i32
        %mul3A_166 = arith.muli %add3A_162, %mul3A_165 : i32
        "tpu.region"() ({
          %run_scoped3A = tpu.sem_alloc : memref<!tpu.dma_semaphore, #tpu.memory_space<semaphore_mem>>
          %dma_start3A = tpu.memref_slice %arg16[%arg1, %mul3A_166] : memref<16x50176xi32, #tpu.memory_space<hbm>> -> memref<1x3584xi32, #tpu.memory_space<hbm>>
          %dma_start3A_174 = tpu.memref_squeeze %dma_start3A : memref<1x3584xi32, #tpu.memory_space<hbm>> -> memref<3584xi32, #tpu.memory_space<hbm>>
          %dma_start3A_175 = tpu.memref_slice %arg16[%arg1, %mul3A_166] : memref<16x50176xi32, #tpu.memory_space<hbm>> -> memref<1x3584xi32, #tpu.memory_space<hbm>>
          %dma_start3A_176 = tpu.memref_squeeze %dma_start3A_175 : memref<1x3584xi32, #tpu.memory_space<hbm>> -> memref<3584xi32, #tpu.memory_space<hbm>>
          tpu.enqueue_dma source(%dma_start3A_176 : memref<3584xi32, #tpu.memory_space<hbm>>) target(%arg22 : memref<3584xi32, #tpu.memory_space<vmem>>) target_semaphore(%run_scoped3A : memref<!tpu.dma_semaphore, #tpu.memory_space<semaphore_mem>>)
          %dma_wait3A = tpu.memref_slice %arg16[%arg1, %mul3A_166] : memref<16x50176xi32, #tpu.memory_space<hbm>> -> memref<1x3584xi32, #tpu.memory_space<hbm>>
          %dma_wait3A_177 = tpu.memref_squeeze %dma_wait3A : memref<1x3584xi32, #tpu.memory_space<hbm>> -> memref<3584xi32, #tpu.memory_space<hbm>>
          %dma_wait3A_178 = tpu.memref_slice %arg16[%arg1, %mul3A_166] : memref<16x50176xi32, #tpu.memory_space<hbm>> -> memref<1x3584xi32, #tpu.memory_space<hbm>>
          %dma_wait3A_179 = tpu.memref_squeeze %dma_wait3A_178 : memref<1x3584xi32, #tpu.memory_space<hbm>> -> memref<3584xi32, #tpu.memory_space<hbm>>
          tpu.wait_dma2 semaphore(%run_scoped3A : memref<!tpu.dma_semaphore, #tpu.memory_space<semaphore_mem>>) src(%dma_wait3A_179 : memref<3584xi32, #tpu.memory_space<hbm>>) dst(%arg22 : memref<3584xi32, #tpu.memory_space<vmem>>)
          tpu.yield
        }) : () -> ()
        %mul3A_167 = arith.constant 3584 : i32
        %mul3A_168 = arith.muli %add3A_162, %mul3A_167 : i32
        "tpu.region"() ({
          %run_scoped3A = tpu.sem_alloc : memref<!tpu.dma_semaphore, #tpu.memory_space<semaphore_mem>>
          %dma_start3A = tpu.memref_slice %arg17[%arg1, %mul3A_168] : memref<16x50176xf32, #tpu.memory_space<hbm>> -> memref<1x3584xf32, #tpu.memory_space<hbm>>
          %dma_start3A_174 = tpu.memref_squeeze %dma_start3A : memref<1x3584xf32, #tpu.memory_space<hbm>> -> memref<3584xf32, #tpu.memory_space<hbm>>
          %dma_start3A_175 = tpu.memref_slice %arg17[%arg1, %mul3A_168] : memref<16x50176xf32, #tpu.memory_space<hbm>> -> memref<1x3584xf32, #tpu.memory_space<hbm>>
          %dma_start3A_176 = tpu.memref_squeeze %dma_start3A_175 : memref<1x3584xf32, #tpu.memory_space<hbm>> -> memref<3584xf32, #tpu.memory_space<hbm>>
          tpu.enqueue_dma source(%dma_start3A_176 : memref<3584xf32, #tpu.memory_space<hbm>>) target(%arg23 : memref<3584xf32, #tpu.memory_space<vmem>>) target_semaphore(%run_scoped3A : memref<!tpu.dma_semaphore, #tpu.memory_space<semaphore_mem>>)
          %dma_wait3A = tpu.memref_slice %arg17[%arg1, %mul3A_168] : memref<16x50176xf32, #tpu.memory_space<hbm>> -> memref<1x3584xf32, #tpu.memory_space<hbm>>
          %dma_wait3A_177 = tpu.memref_squeeze %dma_wait3A : memref<1x3584xf32, #tpu.memory_space<hbm>> -> memref<3584xf32, #tpu.memory_space<hbm>>
          %dma_wait3A_178 = tpu.memref_slice %arg17[%arg1, %mul3A_168] : memref<16x50176xf32, #tpu.memory_space<hbm>> -> memref<1x3584xf32, #tpu.memory_space<hbm>>
          %dma_wait3A_179 = tpu.memref_squeeze %dma_wait3A_178 : memref<1x3584xf32, #tpu.memory_space<hbm>> -> memref<3584xf32, #tpu.memory_space<hbm>>
          tpu.wait_dma2 semaphore(%run_scoped3A : memref<!tpu.dma_semaphore, #tpu.memory_space<semaphore_mem>>) src(%dma_wait3A_179 : memref<3584xf32, #tpu.memory_space<hbm>>) dst(%arg23 : memref<3584xf32, #tpu.memory_space<vmem>>)
          tpu.yield
        }) : () -> ()
        %scan3A_169 = arith.constant 0 : i32
        %scan3A_170 = arith.constant 7 : i32
        %scan3A_171 = arith.addi %scan3A_169, %scan3A_170 : i32
        %scan3A_172 = arith.constant 1 : i32
        scf.for %scan3A_174 = %scan3A_169 to %scan3A_171 step %scan3A_172  : i32 {
          %mul3A_175 = arith.constant 1 : i32
          %mul3A_176 = arith.muli %scan3A_174, %mul3A_175 : i32
          %add3A_177 = arith.constant 0 : i32
          %add3A_178 = arith.addi %add3A_177, %mul3A_176 : i32
          %mul3A_179 = arith.constant 512 : i32
          %mul3A_180 = arith.muli %add3A_178, %mul3A_179 : i32
          %scan3A_181 = arith.constant 0 : i32
          %scan3A_182 = arith.constant 4 : i32
          %scan3A_183 = arith.addi %scan3A_181, %scan3A_182 : i32
          %scan3A_184 = arith.constant 1 : i32
          scf.for %scan3A_191 = %scan3A_181 to %scan3A_183 step %scan3A_184  : i32 {
            %mul3A_192 = arith.constant 1 : i32
            %mul3A_193 = arith.muli %scan3A_191, %mul3A_192 : i32
            %add3A_194 = arith.constant 0 : i32
            %add3A_195 = arith.addi %add3A_194, %mul3A_193 : i32
            %mul3A_196 = arith.constant 128 : i32
            %mul3A_197 = arith.muli %add3A_195, %mul3A_196 : i32
            %add3A_198 = arith.addi %mul3A_180, %mul3A_197 : i32
            %add3A_199 = arith.constant 0 : i32
            %add3A_200 = arith.addi %add3A_198, %add3A_199 : i32
            %get3A = arith.index_cast %add3A_200 : i32 to index
            %get3A_201 = tpu.vector_load %arg21[%get3A] {strides = array<i32>} : memref<3584xi32, #tpu.memory_space<vmem>>, vector<16xi32>,
            %get3A_202 = vector.shape_cast %get3A_201 : vector<16xi32> to vector<16xi32>
            %add3A_203 = vector.broadcast %mul3A_65 : i32 to vector<16xi32>
            %add3A_204 = arith.addi %get3A_202, %add3A_203 : vector<16xi32>
            %swap3A = arith.index_cast %add3A_200 : i32 to index
            %swap3A_205 = tpu.vector_load %arg21[%swap3A] {strides = array<i32>} : memref<3584xi32, #tpu.memory_space<vmem>>, vector<16xi32>,
            %swap3A_206 = vector.shape_cast %swap3A_205 : vector<16xi32> to vector<16xi32>
            %swap3A_207 = vector.shape_cast %add3A_204 : vector<16xi32> to vector<16xi32>
            tpu.vector_store %arg21[%swap3A], %swap3A_207 {strides = array<i32>} : memref<3584xi32, #tpu.memory_space<vmem>>, vector<16xi32>,
            %mul3A_208 = arith.constant 128 : i32
            %mul3A_209 = arith.muli %add3A_195, %mul3A_208 : i32
            %add3A_210 = arith.addi %mul3A_180, %mul3A_209 : i32
            %add3A_211 = arith.constant 16 : i32
            %add3A_212 = arith.addi %add3A_210, %add3A_211 : i32
            %get3A_213 = arith.index_cast %add3A_212 : i32 to index
            %get3A_214 = tpu.vector_load %arg21[%get3A_213] {strides = array<i32>} : memref<3584xi32, #tpu.memory_space<vmem>>, vector<16xi32>,
            %get3A_215 = vector.shape_cast %get3A_214 : vector<16xi32> to vector<16xi32>
            %add3A_216 = vector.broadcast %mul3A_65 : i32 to vector<16xi32>
            %add3A_217 = arith.addi %get3A_215, %add3A_216 : vector<16xi32>
            %swap3A_218 = arith.index_cast %add3A_212 : i32 to index
            %swap3A_219 = tpu.vector_load %arg21[%swap3A_218] {strides = array<i32>} : memref<3584xi32, #tpu.memory_space<vmem>>, vector<16xi32>,
            %swap3A_220 = vector.shape_cast %swap3A_219 : vector<16xi32> to vector<16xi32>
            %swap3A_221 = vector.shape_cast %add3A_217 : vector<16xi32> to vector<16xi32>
            tpu.vector_store %arg21[%swap3A_218], %swap3A_221 {strides = array<i32>} : memref<3584xi32, #tpu.memory_space<vmem>>, vector<16xi32>,
            %mul3A_222 = arith.constant 128 : i32
            %mul3A_223 = arith.muli %add3A_195, %mul3A_222 : i32
            %add3A_224 = arith.addi %mul3A_180, %mul3A_223 : i32
            %add3A_225 = arith.constant 32 : i32
            %add3A_226 = arith.addi %add3A_224, %add3A_225 : i32
            %get3A_227 = arith.index_cast %add3A_226 : i32 to index
            %get3A_228 = tpu.vector_load %arg21[%get3A_227] {strides = array<i32>} : memref<3584xi32, #tpu.memory_space<vmem>>, vector<16xi32>,
            %get3A_229 = vector.shape_cast %get3A_228 : vector<16xi32> to vector<16xi32>
            %add3A_230 = vector.broadcast %mul3A_65 : i32 to vector<16xi32>
            %add3A_231 = arith.addi %get3A_229, %add3A_230 : vector<16xi32>
            %swap3A_232 = arith.index_cast %add3A_226 : i32 to index
            %swap3A_233 = tpu.vector_load %arg21[%swap3A_232] {strides = array<i32>} : memref<3584xi32, #tpu.memory_space<vmem>>, vector<16xi32>,
            %swap3A_234 = vector.shape_cast %swap3A_233 : vector<16xi32> to vector<16xi32>
            %swap3A_235 = vector.shape_cast %add3A_231 : vector<16xi32> to vector<16xi32>
            tpu.vector_store %arg21[%swap3A_232], %swap3A_235 {strides = array<i32>} : memref<3584xi32, #tpu.memory_space<vmem>>, vector<16xi32>,
            %mul3A_236 = arith.constant 128 : i32
            %mul3A_237 = arith.muli %add3A_195, %mul3A_236 : i32
            %add3A_238 = arith.addi %mul3A_180, %mul3A_237 : i32
            %add3A_239 = arith.constant 48 : i32
            %add3A_240 = arith.addi %add3A_238, %add3A_239 : i32
            %get3A_241 = arith.index_cast %add3A_240 : i32 to index
            %get3A_242 = tpu.vector_load %arg21[%get3A_241] {strides = array<i32>} : memref<3584xi32, #tpu.memory_space<vmem>>, vector<16xi32>,
            %get3A_243 = vector.shape_cast %get3A_242 : vector<16xi32> to vector<16xi32>
            %add3A_244 = vector.broadcast %mul3A_65 : i32 to vector<16xi32>
            %add3A_245 = arith.addi %get3A_243, %add3A_244 : vector<16xi32>
            %swap3A_246 = arith.index_cast %add3A_240 : i32 to index
            %swap3A_247 = tpu.vector_load %arg21[%swap3A_246] {strides = array<i32>} : memref<3584xi32, #tpu.memory_space<vmem>>, vector<16xi32>,
            %swap3A_248 = vector.shape_cast %swap3A_247 : vector<16xi32> to vector<16xi32>
            %swap3A_249 = vector.shape_cast %add3A_245 : vector<16xi32> to vector<16xi32>
            tpu.vector_store %arg21[%swap3A_246], %swap3A_249 {strides = array<i32>} : memref<3584xi32, #tpu.memory_space<vmem>>, vector<16xi32>,
            %mul3A_250 = arith.constant 128 : i32
            %mul3A_251 = arith.muli %add3A_195, %mul3A_250 : i32
            %add3A_252 = arith.addi %mul3A_180, %mul3A_251 : i32
            %add3A_253 = arith.constant 64 : i32
            %add3A_254 = arith.addi %add3A_252, %add3A_253 : i32
            %get3A_255 = arith.index_cast %add3A_254 : i32 to index
            %get3A_256 = tpu.vector_load %arg21[%get3A_255] {strides = array<i32>} : memref<3584xi32, #tpu.memory_space<vmem>>, vector<16xi32>,
            %get3A_257 = vector.shape_cast %get3A_256 : vector<16xi32> to vector<16xi32>
            %add3A_258 = vector.broadcast %mul3A_65 : i32 to vector<16xi32>
            %add3A_259 = arith.addi %get3A_257, %add3A_258 : vector<16xi32>
            %swap3A_260 = arith.index_cast %add3A_254 : i32 to index
            %swap3A_261 = tpu.vector_load %arg21[%swap3A_260] {strides = array<i32>} : memref<3584xi32, #tpu.memory_space<vmem>>, vector<16xi32>,
            %swap3A_262 = vector.shape_cast %swap3A_261 : vector<16xi32> to vector<16xi32>
            %swap3A_263 = vector.shape_cast %add3A_259 : vector<16xi32> to vector<16xi32>
            tpu.vector_store %arg21[%swap3A_260], %swap3A_263 {strides = array<i32>} : memref<3584xi32, #tpu.memory_space<vmem>>, vector<16xi32>,
            %mul3A_264 = arith.constant 128 : i32
            %mul3A_265 = arith.muli %add3A_195, %mul3A_264 : i32
            %add3A_266 = arith.addi %mul3A_180, %mul3A_265 : i32
            %add3A_267 = arith.constant 80 : i32
            %add3A_268 = arith.addi %add3A_266, %add3A_267 : i32
            %get3A_269 = arith.index_cast %add3A_268 : i32 to index
            %get3A_270 = tpu.vector_load %arg21[%get3A_269] {strides = array<i32>} : memref<3584xi32, #tpu.memory_space<vmem>>, vector<16xi32>,
            %get3A_271 = vector.shape_cast %get3A_270 : vector<16xi32> to vector<16xi32>
            %add3A_272 = vector.broadcast %mul3A_65 : i32 to vector<16xi32>
            %add3A_273 = arith.addi %get3A_271, %add3A_272 : vector<16xi32>
            %swap3A_274 = arith.index_cast %add3A_268 : i32 to index
            %swap3A_275 = tpu.vector_load %arg21[%swap3A_274] {strides = array<i32>} : memref<3584xi32, #tpu.memory_space<vmem>>, vector<16xi32>,
            %swap3A_276 = vector.shape_cast %swap3A_275 : vector<16xi32> to vector<16xi32>
            %swap3A_277 = vector.shape_cast %add3A_273 : vector<16xi32> to vector<16xi32>
            tpu.vector_store %arg21[%swap3A_274], %swap3A_277 {strides = array<i32>} : memref<3584xi32, #tpu.memory_space<vmem>>, vector<16xi32>,
            %mul3A_278 = arith.constant 128 : i32
            %mul3A_279 = arith.muli %add3A_195, %mul3A_278 : i32
            %add3A_280 = arith.addi %mul3A_180, %mul3A_279 : i32
            %add3A_281 = arith.constant 96 : i32
            %add3A_282 = arith.addi %add3A_280, %add3A_281 : i32
            %get3A_283 = arith.index_cast %add3A_282 : i32 to index
            %get3A_284 = tpu.vector_load %arg21[%get3A_283] {strides = array<i32>} : memref<3584xi32, #tpu.memory_space<vmem>>, vector<16xi32>,
            %get3A_285 = vector.shape_cast %get3A_284 : vector<16xi32> to vector<16xi32>
            %add3A_286 = vector.broadcast %mul3A_65 : i32 to vector<16xi32>
            %add3A_287 = arith.addi %get3A_285, %add3A_286 : vector<16xi32>
            %swap3A_288 = arith.index_cast %add3A_282 : i32 to index
            %swap3A_289 = tpu.vector_load %arg21[%swap3A_288] {strides = array<i32>} : memref<3584xi32, #tpu.memory_space<vmem>>, vector<16xi32>,
            %swap3A_290 = vector.shape_cast %swap3A_289 : vector<16xi32> to vector<16xi32>
            %swap3A_291 = vector.shape_cast %add3A_287 : vector<16xi32> to vector<16xi32>
            tpu.vector_store %arg21[%swap3A_288], %swap3A_291 {strides = array<i32>} : memref<3584xi32, #tpu.memory_space<vmem>>, vector<16xi32>,
            %mul3A_292 = arith.constant 128 : i32
            %mul3A_293 = arith.muli %add3A_195, %mul3A_292 : i32
            %add3A_294 = arith.addi %mul3A_180, %mul3A_293 : i32
            %add3A_295 = arith.constant 112 : i32
            %add3A_296 = arith.addi %add3A_294, %add3A_295 : i32
            %get3A_297 = arith.index_cast %add3A_296 : i32 to index
            %get3A_298 = tpu.vector_load %arg21[%get3A_297] {strides = array<i32>} : memref<3584xi32, #tpu.memory_space<vmem>>, vector<16xi32>,
            %get3A_299 = vector.shape_cast %get3A_298 : vector<16xi32> to vector<16xi32>
            %add3A_300 = vector.broadcast %mul3A_65 : i32 to vector<16xi32>
            %add3A_301 = arith.addi %get3A_299, %add3A_300 : vector<16xi32>
            %swap3A_302 = arith.index_cast %add3A_296 : i32 to index
            %swap3A_303 = tpu.vector_load %arg21[%swap3A_302] {strides = array<i32>} : memref<3584xi32, #tpu.memory_space<vmem>>, vector<16xi32>,
            %swap3A_304 = vector.shape_cast %swap3A_303 : vector<16xi32> to vector<16xi32>
            %swap3A_305 = vector.shape_cast %add3A_301 : vector<16xi32> to vector<16xi32>
            tpu.vector_store %arg21[%swap3A_302], %swap3A_305 {strides = array<i32>} : memref<3584xi32, #tpu.memory_space<vmem>>, vector<16xi32>,
          }
          %scan3A_185 = arith.constant 4 : i32
          "tpu.region"() ({
            %run_scoped3A = tpu.sem_alloc : memref<!tpu.dma_semaphore, #tpu.memory_space<semaphore_mem>>
            %dma_start3A = tpu.memref_slice %arg21[%mul3A_180] : memref<3584xi32, #tpu.memory_space<vmem>> -> memref<512xi32, #tpu.memory_space<vmem>>
            %dma_start3A_191 = arith.constant 0 : i32
            %dma_start3A_192 = arith.constant 0 : i32
            %dma_start3A_193 = tpu.memref_slice %arg19[%dma_start3A_191, %dma_start3A_192] : memref<100000x32xf32, #tpu.memory_space<hbm>> -> memref<100000x32xf32, #tpu.memory_space<hbm>>
            tpu.enqueue_indirect_dma source(%dma_start3A_193 : memref<100000x32xf32, #tpu.memory_space<hbm>>) target(%arg24 : memref<512x32xf32, #tpu.memory_space<vmem>>) offsets(%dma_start3A : memref<512xi32, #tpu.memory_space<vmem>>) semaphore(%run_scoped3A : memref<!tpu.dma_semaphore, #tpu.memory_space<semaphore_mem>>)
            %dma_wait3A = tpu.memref_slice %arg21[%mul3A_180] : memref<3584xi32, #tpu.memory_space<vmem>> -> memref<512xi32, #tpu.memory_space<vmem>>
            %dma_wait3A_194 = arith.constant 0 : i32
            %dma_wait3A_195 = arith.constant 0 : i32
            %dma_wait3A_196 = tpu.memref_slice %arg19[%dma_wait3A_194, %dma_wait3A_195] : memref<100000x32xf32, #tpu.memory_space<hbm>> -> memref<100000x32xf32, #tpu.memory_space<hbm>>
            tpu.wait_indirect_dma semaphore(%run_scoped3A : memref<!tpu.dma_semaphore, #tpu.memory_space<semaphore_mem>>) src(%dma_wait3A_196 : memref<100000x32xf32, #tpu.memory_space<hbm>>) dst(%arg24 : memref<512x32xf32, #tpu.memory_space<vmem>>)
            tpu.yield
          }) : () -> ()
          %scan3A_186 = arith.constant 0 : i32
          %scan3A_187 = arith.constant 32 : i32
          %scan3A_188 = arith.addi %scan3A_186, %scan3A_187 : i32
          %scan3A_189 = arith.constant 1 : i32
          scf.for %scan3A_191 = %scan3A_186 to %scan3A_188 step %scan3A_189  : i32 {
            %mul3A_192 = arith.constant 1 : i32
            %mul3A_193 = arith.muli %scan3A_191, %mul3A_192 : i32
            %add3A_194 = arith.constant 0 : i32
            %add3A_195 = arith.addi %add3A_194, %mul3A_193 : i32
            %mul3A_196 = arith.constant 16 : i32
            %mul3A_197 = arith.muli %add3A_195, %mul3A_196 : i32
            %add3A_198 = arith.addi %mul3A_180, %mul3A_197 : i32
            %get3A = arith.index_cast %add3A_198 : i32 to index
            %get3A_199 = tpu.vector_load %arg23[%get3A] {strides = array<i32>} : memref<3584xf32, #tpu.memory_space<vmem>>, vector<16xf32>,
            %get3A_200 = vector.shape_cast %get3A_199 : vector<16xf32> to vector<16xf32>
            %mul3A_201 = arith.constant 5.000000e-01 : f32
            %mul3A_202 = vector.broadcast %mul3A_201 : f32 to vector<16xf32>
            %mul3A_203 = arith.mulf %get3A_200, %mul3A_202 : vector<16xf32>
            %gather3A = vector.shape_cast %broadcast_in_dim3A : vector<16x1xi32> to vector<16xi32>
            %gather3A_204 = tpu.dynamic_gather %mul3A_203[%gather3A] in [0] : vector<16xf32>, vector<16xi32> -> vector<16xf32>
            %mul3A_205 = arith.constant 16 : i32
            %mul3A_206 = arith.muli %add3A_195, %mul3A_205 : i32
            %add3A_207 = arith.constant 0 : i32
            %add3A_208 = arith.addi %mul3A_206, %add3A_207 : i32
            %get3A_209 = arith.index_cast %add3A_208 : i32 to index
            %get3A_210 = arith.constant 0 : index
            %get3A_211 = tpu.vector_load %arg24[%get3A_209, %get3A_210] {strides = array<i32>} : memref<512x32xf32, #tpu.memory_space<vmem>>, vector<1x16xf32>,
            %get3A_212 = vector.shape_cast %get3A_211 : vector<1x16xf32> to vector<16xf32>
            %mul3A_213 = arith.mulf %get3A_212, %gather3A_204 : vector<16xf32>
            %swap3A = arith.index_cast %add3A_208 : i32 to index
            %swap3A_214 = arith.constant 0 : index
            %swap3A_215 = tpu.vector_load %arg24[%swap3A, %swap3A_214] {strides = array<i32>} : memref<512x32xf32, #tpu.memory_space<vmem>>, vector<1x16xf32>,
            %swap3A_216 = vector.shape_cast %swap3A_215 : vector<1x16xf32> to vector<16xf32>
            %swap3A_217 = vector.shape_cast %mul3A_213 : vector<16xf32> to vector<1x16xf32>
            tpu.vector_store %arg24[%swap3A, %swap3A_214], %swap3A_217 {strides = array<i32>} : memref<512x32xf32, #tpu.memory_space<vmem>>, vector<1x16xf32>,
            %get3A_218 = arith.index_cast %add3A_208 : i32 to index
            %get3A_219 = arith.constant 16 : index
            %get3A_220 = tpu.vector_load %arg24[%get3A_218, %get3A_219] {strides = array<i32>} : memref<512x32xf32, #tpu.memory_space<vmem>>, vector<1x16xf32>,
            %get3A_221 = vector.shape_cast %get3A_220 : vector<1x16xf32> to vector<16xf32>
            %mul3A_222 = arith.mulf %get3A_221, %gather3A_204 : vector<16xf32>
            %swap3A_223 = arith.index_cast %add3A_208 : i32 to index
            %swap3A_224 = arith.constant 16 : index
            %swap3A_225 = tpu.vector_load %arg24[%swap3A_223, %swap3A_224] {strides = array<i32>} : memref<512x32xf32, #tpu.memory_space<vmem>>, vector<1x16xf32>,
            %swap3A_226 = vector.shape_cast %swap3A_225 : vector<1x16xf32> to vector<16xf32>
            %swap3A_227 = vector.shape_cast %mul3A_222 : vector<16xf32> to vector<1x16xf32>
            tpu.vector_store %arg24[%swap3A_223, %swap3A_224], %swap3A_227 {strides = array<i32>} : memref<512x32xf32, #tpu.memory_space<vmem>>, vector<1x16xf32>,
            %gather3A_228 = vector.shape_cast %broadcast_in_dim3A_7 : vector<16x1xi32> to vector<16xi32>
            %gather3A_229 = tpu.dynamic_gather %mul3A_203[%gather3A_228] in [0] : vector<16xf32>, vector<16xi32> -> vector<16xf32>
            %mul3A_230 = arith.constant 16 : i32
            %mul3A_231 = arith.muli %add3A_195, %mul3A_230 : i32
            %add3A_232 = arith.constant 1 : i32
            %add3A_233 = arith.addi %mul3A_231, %add3A_232 : i32
            %get3A_234 = arith.index_cast %add3A_233 : i32 to index
            %get3A_235 = arith.constant 0 : index
            %get3A_236 = tpu.vector_load %arg24[%get3A_234, %get3A_235] {strides = array<i32>} : memref<512x32xf32, #tpu.memory_space<vmem>>, vector<1x16xf32>,
            %get3A_237 = vector.shape_cast %get3A_236 : vector<1x16xf32> to vector<16xf32>
            %mul3A_238 = arith.mulf %get3A_237, %gather3A_229 : vector<16xf32>
            %swap3A_239 = arith.index_cast %add3A_233 : i32 to index
            %swap3A_240 = arith.constant 0 : index
            %swap3A_241 = tpu.vector_load %arg24[%swap3A_239, %swap3A_240] {strides = array<i32>} : memref<512x32xf32, #tpu.memory_space<vmem>>, vector<1x16xf32>,
            %swap3A_242 = vector.shape_cast %swap3A_241 : vector<1x16xf32> to vector<16xf32>
            %swap3A_243 = vector.shape_cast %mul3A_238 : vector<16xf32> to vector<1x16xf32>
            tpu.vector_store %arg24[%swap3A_239, %swap3A_240], %swap3A_243 {strides = array<i32>} : memref<512x32xf32, #tpu.memory_space<vmem>>, vector<1x16xf32>,
            %get3A_244 = arith.index_cast %add3A_233 : i32 to index
            %get3A_245 = arith.constant 16 : index
            %get3A_246 = tpu.vector_load %arg24[%get3A_244, %get3A_245] {strides = array<i32>} : memref<512x32xf32, #tpu.memory_space<vmem>>, vector<1x16xf32>,
            %get3A_247 = vector.shape_cast %get3A_246 : vector<1x16xf32> to vector<16xf32>
            %mul3A_248 = arith.mulf %get3A_247, %gather3A_229 : vector<16xf32>
            %swap3A_249 = arith.index_cast %add3A_233 : i32 to index
            %swap3A_250 = arith.constant 16 : index
            %swap3A_251 = tpu.vector_load %arg24[%swap3A_249, %swap3A_250] {strides = array<i32>} : memref<512x32xf32, #tpu.memory_space<vmem>>, vector<1x16xf32>,
            %swap3A_252 = vector.shape_cast %swap3A_251 : vector<1x16xf32> to vector<16xf32>
            %swap3A_253 = vector.shape_cast %mul3A_248 : vector<16xf32> to vector<1x16xf32>
            tpu.vector_store %arg24[%swap3A_249, %swap3A_250], %swap3A_253 {strides = array<i32>} : memref<512x32xf32, #tpu.memory_space<vmem>>, vector<1x16xf32>,
            %gather3A_254 = vector.shape_cast %broadcast_in_dim3A_11 : vector<16x1xi32> to vector<16xi32>
            %gather3A_255 = tpu.dynamic_gather %mul3A_203[%gather3A_254] in [0] : vector<16xf32>, vector<16xi32> -> vector<16xf32>
            %mul3A_256 = arith.constant 16 : i32
            %mul3A_257 = arith.muli %add3A_195, %mul3A_256 : i32
            %add3A_258 = arith.constant 2 : i32
            %add3A_259 = arith.addi %mul3A_257, %add3A_258 : i32
            %get3A_260 = arith.index_cast %add3A_259 : i32 to index
            %get3A_261 = arith.constant 0 : index
            %get3A_262 = tpu.vector_load %arg24[%get3A_260, %get3A_261] {strides = array<i32>} : memref<512x32xf32, #tpu.memory_space<vmem>>, vector<1x16xf32>,
            %get3A_263 = vector.shape_cast %get3A_262 : vector<1x16xf32> to vector<16xf32>
            %mul3A_264 = arith.mulf %get3A_263, %gather3A_255 : vector<16xf32>
            %swap3A_265 = arith.index_cast %add3A_259 : i32 to index
            %swap3A_266 = arith.constant 0 : index
            %swap3A_267 = tpu.vector_load %arg24[%swap3A_265, %swap3A_266] {strides = array<i32>} : memref<512x32xf32, #tpu.memory_space<vmem>>, vector<1x16xf32>,
            %swap3A_268 = vector.shape_cast %swap3A_267 : vector<1x16xf32> to vector<16xf32>
            %swap3A_269 = vector.shape_cast %mul3A_264 : vector<16xf32> to vector<1x16xf32>
            tpu.vector_store %arg24[%swap3A_265, %swap3A_266], %swap3A_269 {strides = array<i32>} : memref<512x32xf32, #tpu.memory_space<vmem>>, vector<1x16xf32>,
            %get3A_270 = arith.index_cast %add3A_259 : i32 to index
            %get3A_271 = arith.constant 16 : index
            %get3A_272 = tpu.vector_load %arg24[%get3A_270, %get3A_271] {strides = array<i32>} : memref<512x32xf32, #tpu.memory_space<vmem>>, vector<1x16xf32>,
            %get3A_273 = vector.shape_cast %get3A_272 : vector<1x16xf32> to vector<16xf32>
            %mul3A_274 = arith.mulf %get3A_273, %gather3A_255 : vector<16xf32>
            %swap3A_275 = arith.index_cast %add3A_259 : i32 to index
            %swap3A_276 = arith.constant 16 : index
            %swap3A_277 = tpu.vector_load %arg24[%swap3A_275, %swap3A_276] {strides = array<i32>} : memref<512x32xf32, #tpu.memory_space<vmem>>, vector<1x16xf32>,
            %swap3A_278 = vector.shape_cast %swap3A_277 : vector<1x16xf32> to vector<16xf32>
            %swap3A_279 = vector.shape_cast %mul3A_274 : vector<16xf32> to vector<1x16xf32>
            tpu.vector_store %arg24[%swap3A_275, %swap3A_276], %swap3A_279 {strides = array<i32>} : memref<512x32xf32, #tpu.memory_space<vmem>>, vector<1x16xf32>,
            %gather3A_280 = vector.shape_cast %broadcast_in_dim3A_15 : vector<16x1xi32> to vector<16xi32>
            %gather3A_281 = tpu.dynamic_gather %mul3A_203[%gather3A_280] in [0] : vector<16xf32>, vector<16xi32> -> vector<16xf32>
            %mul3A_282 = arith.constant 16 : i32
            %mul3A_283 = arith.muli %add3A_195, %mul3A_282 : i32
            %add3A_284 = arith.constant 3 : i32
            %add3A_285 = arith.addi %mul3A_283, %add3A_284 : i32
            %get3A_286 = arith.index_cast %add3A_285 : i32 to index
            %get3A_287 = arith.constant 0 : index
            %get3A_288 = tpu.vector_load %arg24[%get3A_286, %get3A_287] {strides = array<i32>} : memref<512x32xf32, #tpu.memory_space<vmem>>, vector<1x16xf32>,
            %get3A_289 = vector.shape_cast %get3A_288 : vector<1x16xf32> to vector<16xf32>
            %mul3A_290 = arith.mulf %get3A_289, %gather3A_281 : vector<16xf32>
            %swap3A_291 = arith.index_cast %add3A_285 : i32 to index
            %swap3A_292 = arith.constant 0 : index
            %swap3A_293 = tpu.vector_load %arg24[%swap3A_291, %swap3A_292] {strides = array<i32>} : memref<512x32xf32, #tpu.memory_space<vmem>>, vector<1x16xf32>,
            %swap3A_294 = vector.shape_cast %swap3A_293 : vector<1x16xf32> to vector<16xf32>
            %swap3A_295 = vector.shape_cast %mul3A_290 : vector<16xf32> to vector<1x16xf32>
            tpu.vector_store %arg24[%swap3A_291, %swap3A_292], %swap3A_295 {strides = array<i32>} : memref<512x32xf32, #tpu.memory_space<vmem>>, vector<1x16xf32>,
            %get3A_296 = arith.index_cast %add3A_285 : i32 to index
            %get3A_297 = arith.constant 16 : index
            %get3A_298 = tpu.vector_load %arg24[%get3A_296, %get3A_297] {strides = array<i32>} : memref<512x32xf32, #tpu.memory_space<vmem>>, vector<1x16xf32>,
            %get3A_299 = vector.shape_cast %get3A_298 : vector<1x16xf32> to vector<16xf32>
            %mul3A_300 = arith.mulf %get3A_299, %gather3A_281 : vector<16xf32>
            %swap3A_301 = arith.index_cast %add3A_285 : i32 to index
            %swap3A_302 = arith.constant 16 : index
            %swap3A_303 = tpu.vector_load %arg24[%swap3A_301, %swap3A_302] {strides = array<i32>} : memref<512x32xf32, #tpu.memory_space<vmem>>, vector<1x16xf32>,
            %swap3A_304 = vector.shape_cast %swap3A_303 : vector<1x16xf32> to vector<16xf32>
            %swap3A_305 = vector.shape_cast %mul3A_300 : vector<16xf32> to vector<1x16xf32>
            tpu.vector_store %arg24[%swap3A_301, %swap3A_302], %swap3A_305 {strides = array<i32>} : memref<512x32xf32, #tpu.memory_space<vmem>>, vector<1x16xf32>,
            %gather3A_306 = vector.shape_cast %broadcast_in_dim3A_19 : vector<16x1xi32> to vector<16xi32>
            %gather3A_307 = tpu.dynamic_gather %mul3A_203[%gather3A_306] in [0] : vector<16xf32>, vector<16xi32> -> vector<16xf32>
            %mul3A_308 = arith.constant 16 : i32
            %mul3A_309 = arith.muli %add3A_195, %mul3A_308 : i32
            %add3A_310 = arith.constant 4 : i32
            %add3A_311 = arith.addi %mul3A_309, %add3A_310 : i32
            %get3A_312 = arith.index_cast %add3A_311 : i32 to index
            %get3A_313 = arith.constant 0 : index
            %get3A_314 = tpu.vector_load %arg24[%get3A_312, %get3A_313] {strides = array<i32>} : memref<512x32xf32, #tpu.memory_space<vmem>>, vector<1x16xf32>,
            %get3A_315 = vector.shape_cast %get3A_314 : vector<1x16xf32> to vector<16xf32>
            %mul3A_316 = arith.mulf %get3A_315, %gather3A_307 : vector<16xf32>
            %swap3A_317 = arith.index_cast %add3A_311 : i32 to index
            %swap3A_318 = arith.constant 0 : index
            %swap3A_319 = tpu.vector_load %arg24[%swap3A_317, %swap3A_318] {strides = array<i32>} : memref<512x32xf32, #tpu.memory_space<vmem>>, vector<1x16xf32>,
            %swap3A_320 = vector.shape_cast %swap3A_319 : vector<1x16xf32> to vector<16xf32>
            %swap3A_321 = vector.shape_cast %mul3A_316 : vector<16xf32> to vector<1x16xf32>
            tpu.vector_store %arg24[%swap3A_317, %swap3A_318], %swap3A_321 {strides = array<i32>} : memref<512x32xf32, #tpu.memory_space<vmem>>, vector<1x16xf32>,
            %get3A_322 = arith.index_cast %add3A_311 : i32 to index
            %get3A_323 = arith.constant 16 : index
            %get3A_324 = tpu.vector_load %arg24[%get3A_322, %get3A_323] {strides = array<i32>} : memref<512x32xf32, #tpu.memory_space<vmem>>, vector<1x16xf32>,
            %get3A_325 = vector.shape_cast %get3A_324 : vector<1x16xf32> to vector<16xf32>
            %mul3A_326 = arith.mulf %get3A_325, %gather3A_307 : vector<16xf32>
            %swap3A_327 = arith.index_cast %add3A_311 : i32 to index
            %swap3A_328 = arith.constant 16 : index
            %swap3A_329 = tpu.vector_load %arg24[%swap3A_327, %swap3A_328] {strides = array<i32>} : memref<512x32xf32, #tpu.memory_space<vmem>>, vector<1x16xf32>,
            %swap3A_330 = vector.shape_cast %swap3A_329 : vector<1x16xf32> to vector<16xf32>
            %swap3A_331 = vector.shape_cast %mul3A_326 : vector<16xf32> to vector<1x16xf32>
            tpu.vector_store %arg24[%swap3A_327, %swap3A_328], %swap3A_331 {strides = array<i32>} : memref<512x32xf32, #tpu.memory_space<vmem>>, vector<1x16xf32>,
            %gather3A_332 = vector.shape_cast %broadcast_in_dim3A_23 : vector<16x1xi32> to vector<16xi32>
            %gather3A_333 = tpu.dynamic_gather %mul3A_203[%gather3A_332] in [0] : vector<16xf32>, vector<16xi32> -> vector<16xf32>
            %mul3A_334 = arith.constant 16 : i32
            %mul3A_335 = arith.muli %add3A_195, %mul3A_334 : i32
            %add3A_336 = arith.constant 5 : i32
            %add3A_337 = arith.addi %mul3A_335, %add3A_336 : i32
            %get3A_338 = arith.index_cast %add3A_337 : i32 to index
            %get3A_339 = arith.constant 0 : index
            %get3A_340 = tpu.vector_load %arg24[%get3A_338, %get3A_339] {strides = array<i32>} : memref<512x32xf32, #tpu.memory_space<vmem>>, vector<1x16xf32>,
            %get3A_341 = vector.shape_cast %get3A_340 : vector<1x16xf32> to vector<16xf32>
            %mul3A_342 = arith.mulf %get3A_341, %gather3A_333 : vector<16xf32>
            %swap3A_343 = arith.index_cast %add3A_337 : i32 to index
            %swap3A_344 = arith.constant 0 : index
            %swap3A_345 = tpu.vector_load %arg24[%swap3A_343, %swap3A_344] {strides = array<i32>} : memref<512x32xf32, #tpu.memory_space<vmem>>, vector<1x16xf32>,
            %swap3A_346 = vector.shape_cast %swap3A_345 : vector<1x16xf32> to vector<16xf32>
            %swap3A_347 = vector.shape_cast %mul3A_342 : vector<16xf32> to vector<1x16xf32>
            tpu.vector_store %arg24[%swap3A_343, %swap3A_344], %swap3A_347 {strides = array<i32>} : memref<512x32xf32, #tpu.memory_space<vmem>>, vector<1x16xf32>,
            %get3A_348 = arith.index_cast %add3A_337 : i32 to index
            %get3A_349 = arith.constant 16 : index
            %get3A_350 = tpu.vector_load %arg24[%get3A_348, %get3A_349] {strides = array<i32>} : memref<512x32xf32, #tpu.memory_space<vmem>>, vector<1x16xf32>,
            %get3A_351 = vector.shape_cast %get3A_350 : vector<1x16xf32> to vector<16xf32>
            %mul3A_352 = arith.mulf %get3A_351, %gather3A_333 : vector<16xf32>
            %swap3A_353 = arith.index_cast %add3A_337 : i32 to index
            %swap3A_354 = arith.constant 16 : index
            %swap3A_355 = tpu.vector_load %arg24[%swap3A_353, %swap3A_354] {strides = array<i32>} : memref<512x32xf32, #tpu.memory_space<vmem>>, vector<1x16xf32>,
            %swap3A_356 = vector.shape_cast %swap3A_355 : vector<1x16xf32> to vector<16xf32>
            %swap3A_357 = vector.shape_cast %mul3A_352 : vector<16xf32> to vector<1x16xf32>
            tpu.vector_store %arg24[%swap3A_353, %swap3A_354], %swap3A_357 {strides = array<i32>} : memref<512x32xf32, #tpu.memory_space<vmem>>, vector<1x16xf32>,
            %gather3A_358 = vector.shape_cast %broadcast_in_dim3A_27 : vector<16x1xi32> to vector<16xi32>
            %gather3A_359 = tpu.dynamic_gather %mul3A_203[%gather3A_358] in [0] : vector<16xf32>, vector<16xi32> -> vector<16xf32>
            %mul3A_360 = arith.constant 16 : i32
            %mul3A_361 = arith.muli %add3A_195, %mul3A_360 : i32
            %add3A_362 = arith.constant 6 : i32
            %add3A_363 = arith.addi %mul3A_361, %add3A_362 : i32
            %get3A_364 = arith.index_cast %add3A_363 : i32 to index
            %get3A_365 = arith.constant 0 : index
            %get3A_366 = tpu.vector_load %arg24[%get3A_364, %get3A_365] {strides = array<i32>} : memref<512x32xf32, #tpu.memory_space<vmem>>, vector<1x16xf32>,
            %get3A_367 = vector.shape_cast %get3A_366 : vector<1x16xf32> to vector<16xf32>
            %mul3A_368 = arith.mulf %get3A_367, %gather3A_359 : vector<16xf32>
            %swap3A_369 = arith.index_cast %add3A_363 : i32 to index
            %swap3A_370 = arith.constant 0 : index
            %swap3A_371 = tpu.vector_load %arg24[%swap3A_369, %swap3A_370] {strides = array<i32>} : memref<512x32xf32, #tpu.memory_space<vmem>>, vector<1x16xf32>,
            %swap3A_372 = vector.shape_cast %swap3A_371 : vector<1x16xf32> to vector<16xf32>
            %swap3A_373 = vector.shape_cast %mul3A_368 : vector<16xf32> to vector<1x16xf32>
            tpu.vector_store %arg24[%swap3A_369, %swap3A_370], %swap3A_373 {strides = array<i32>} : memref<512x32xf32, #tpu.memory_space<vmem>>, vector<1x16xf32>,
            %get3A_374 = arith.index_cast %add3A_363 : i32 to index
            %get3A_375 = arith.constant 16 : index
            %get3A_376 = tpu.vector_load %arg24[%get3A_374, %get3A_375] {strides = array<i32>} : memref<512x32xf32, #tpu.memory_space<vmem>>, vector<1x16xf32>,
            %get3A_377 = vector.shape_cast %get3A_376 : vector<1x16xf32> to vector<16xf32>
            %mul3A_378 = arith.mulf %get3A_377, %gather3A_359 : vector<16xf32>
            %swap3A_379 = arith.index_cast %add3A_363 : i32 to index
            %swap3A_380 = arith.constant 16 : index
            %swap3A_381 = tpu.vector_load %arg24[%swap3A_379, %swap3A_380] {strides = array<i32>} : memref<512x32xf32, #tpu.memory_space<vmem>>, vector<1x16xf32>,
            %swap3A_382 = vector.shape_cast %swap3A_381 : vector<1x16xf32> to vector<16xf32>
            %swap3A_383 = vector.shape_cast %mul3A_378 : vector<16xf32> to vector<1x16xf32>
            tpu.vector_store %arg24[%swap3A_379, %swap3A_380], %swap3A_383 {strides = array<i32>} : memref<512x32xf32, #tpu.memory_space<vmem>>, vector<1x16xf32>,
            %gather3A_384 = vector.shape_cast %broadcast_in_dim3A_31 : vector<16x1xi32> to vector<16xi32>
            %gather3A_385 = tpu.dynamic_gather %mul3A_203[%gather3A_384] in [0] : vector<16xf32>, vector<16xi32> -> vector<16xf32>
            %mul3A_386 = arith.constant 16 : i32
            %mul3A_387 = arith.muli %add3A_195, %mul3A_386 : i32
            %add3A_388 = arith.constant 7 : i32
            %add3A_389 = arith.addi %mul3A_387, %add3A_388 : i32
            %get3A_390 = arith.index_cast %add3A_389 : i32 to index
            %get3A_391 = arith.constant 0 : index
            %get3A_392 = tpu.vector_load %arg24[%get3A_390, %get3A_391] {strides = array<i32>} : memref<512x32xf32, #tpu.memory_space<vmem>>, vector<1x16xf32>,
            %get3A_393 = vector.shape_cast %get3A_392 : vector<1x16xf32> to vector<16xf32>
            %mul3A_394 = arith.mulf %get3A_393, %gather3A_385 : vector<16xf32>
            %swap3A_395 = arith.index_cast %add3A_389 : i32 to index
            %swap3A_396 = arith.constant 0 : index
            %swap3A_397 = tpu.vector_load %arg24[%swap3A_395, %swap3A_396] {strides = array<i32>} : memref<512x32xf32, #tpu.memory_space<vmem>>, vector<1x16xf32>,
            %swap3A_398 = vector.shape_cast %swap3A_397 : vector<1x16xf32> to vector<16xf32>
            %swap3A_399 = vector.shape_cast %mul3A_394 : vector<16xf32> to vector<1x16xf32>
            tpu.vector_store %arg24[%swap3A_395, %swap3A_396], %swap3A_399 {strides = array<i32>} : memref<512x32xf32, #tpu.memory_space<vmem>>, vector<1x16xf32>,
            %get3A_400 = arith.index_cast %add3A_389 : i32 to index
            %get3A_401 = arith.constant 16 : index
            %get3A_402 = tpu.vector_load %arg24[%get3A_400, %get3A_401] {strides = array<i32>} : memref<512x32xf32, #tpu.memory_space<vmem>>, vector<1x16xf32>,
            %get3A_403 = vector.shape_cast %get3A_402 : vector<1x16xf32> to vector<16xf32>
            %mul3A_404 = arith.mulf %get3A_403, %gather3A_385 : vector<16xf32>
            %swap3A_405 = arith.index_cast %add3A_389 : i32 to index
            %swap3A_406 = arith.constant 16 : index
            %swap3A_407 = tpu.vector_load %arg24[%swap3A_405, %swap3A_406] {strides = array<i32>} : memref<512x32xf32, #tpu.memory_space<vmem>>, vector<1x16xf32>,
            %swap3A_408 = vector.shape_cast %swap3A_407 : vector<1x16xf32> to vector<16xf32>
            %swap3A_409 = vector.shape_cast %mul3A_404 : vector<16xf32> to vector<1x16xf32>
            tpu.vector_store %arg24[%swap3A_405, %swap3A_406], %swap3A_409 {strides = array<i32>} : memref<512x32xf32, #tpu.memory_space<vmem>>, vector<1x16xf32>,
            %gather3A_410 = vector.shape_cast %broadcast_in_dim3A_35 : vector<16x1xi32> to vector<16xi32>
            %gather3A_411 = tpu.dynamic_gather %mul3A_203[%gather3A_410] in [0] : vector<16xf32>, vector<16xi32> -> vector<16xf32>
            %mul3A_412 = arith.constant 16 : i32
            %mul3A_413 = arith.muli %add3A_195, %mul3A_412 : i32
            %add3A_414 = arith.constant 8 : i32
            %add3A_415 = arith.addi %mul3A_413, %add3A_414 : i32
            %get3A_416 = arith.index_cast %add3A_415 : i32 to index
            %get3A_417 = arith.constant 0 : index
            %get3A_418 = tpu.vector_load %arg24[%get3A_416, %get3A_417] {strides = array<i32>} : memref<512x32xf32, #tpu.memory_space<vmem>>, vector<1x16xf32>,
            %get3A_419 = vector.shape_cast %get3A_418 : vector<1x16xf32> to vector<16xf32>
            %mul3A_420 = arith.mulf %get3A_419, %gather3A_411 : vector<16xf32>
            %swap3A_421 = arith.index_cast %add3A_415 : i32 to index
            %swap3A_422 = arith.constant 0 : index
            %swap3A_423 = tpu.vector_load %arg24[%swap3A_421, %swap3A_422] {strides = array<i32>} : memref<512x32xf32, #tpu.memory_space<vmem>>, vector<1x16xf32>,
            %swap3A_424 = vector.shape_cast %swap3A_423 : vector<1x16xf32> to vector<16xf32>
            %swap3A_425 = vector.shape_cast %mul3A_420 : vector<16xf32> to vector<1x16xf32>
            tpu.vector_store %arg24[%swap3A_421, %swap3A_422], %swap3A_425 {strides = array<i32>} : memref<512x32xf32, #tpu.memory_space<vmem>>, vector<1x16xf32>,
            %get3A_426 = arith.index_cast %add3A_415 : i32 to index
            %get3A_427 = arith.constant 16 : index
            %get3A_428 = tpu.vector_load %arg24[%get3A_426, %get3A_427] {strides = array<i32>} : memref<512x32xf32, #tpu.memory_space<vmem>>, vector<1x16xf32>,
            %get3A_429 = vector.shape_cast %get3A_428 : vector<1x16xf32> to vector<16xf32>
            %mul3A_430 = arith.mulf %get3A_429, %gather3A_411 : vector<16xf32>
            %swap3A_431 = arith.index_cast %add3A_415 : i32 to index
            %swap3A_432 = arith.constant 16 : index
            %swap3A_433 = tpu.vector_load %arg24[%swap3A_431, %swap3A_432] {strides = array<i32>} : memref<512x32xf32, #tpu.memory_space<vmem>>, vector<1x16xf32>,
            %swap3A_434 = vector.shape_cast %swap3A_433 : vector<1x16xf32> to vector<16xf32>
            %swap3A_435 = vector.shape_cast %mul3A_430 : vector<16xf32> to vector<1x16xf32>
            tpu.vector_store %arg24[%swap3A_431, %swap3A_432], %swap3A_435 {strides = array<i32>} : memref<512x32xf32, #tpu.memory_space<vmem>>, vector<1x16xf32>,
            %gather3A_436 = vector.shape_cast %broadcast_in_dim3A_39 : vector<16x1xi32> to vector<16xi32>
            %gather3A_437 = tpu.dynamic_gather %mul3A_203[%gather3A_436] in [0] : vector<16xf32>, vector<16xi32> -> vector<16xf32>
            %mul3A_438 = arith.constant 16 : i32
            %mul3A_439 = arith.muli %add3A_195, %mul3A_438 : i32
            %add3A_440 = arith.constant 9 : i32
            %add3A_441 = arith.addi %mul3A_439, %add3A_440 : i32
            %get3A_442 = arith.index_cast %add3A_441 : i32 to index
            %get3A_443 = arith.constant 0 : index
            %get3A_444 = tpu.vector_load %arg24[%get3A_442, %get3A_443] {strides = array<i32>} : memref<512x32xf32, #tpu.memory_space<vmem>>, vector<1x16xf32>,
            %get3A_445 = vector.shape_cast %get3A_444 : vector<1x16xf32> to vector<16xf32>
            %mul3A_446 = arith.mulf %get3A_445, %gather3A_437 : vector<16xf32>
            %swap3A_447 = arith.index_cast %add3A_441 : i32 to index
            %swap3A_448 = arith.constant 0 : index
            %swap3A_449 = tpu.vector_load %arg24[%swap3A_447, %swap3A_448] {strides = array<i32>} : memref<512x32xf32, #tpu.memory_space<vmem>>, vector<1x16xf32>,
            %swap3A_450 = vector.shape_cast %swap3A_449 : vector<1x16xf32> to vector<16xf32>
            %swap3A_451 = vector.shape_cast %mul3A_446 : vector<16xf32> to vector<1x16xf32>
            tpu.vector_store %arg24[%swap3A_447, %swap3A_448], %swap3A_451 {strides = array<i32>} : memref<512x32xf32, #tpu.memory_space<vmem>>, vector<1x16xf32>,
            %get3A_452 = arith.index_cast %add3A_441 : i32 to index
            %get3A_453 = arith.constant 16 : index
            %get3A_454 = tpu.vector_load %arg24[%get3A_452, %get3A_453] {strides = array<i32>} : memref<512x32xf32, #tpu.memory_space<vmem>>, vector<1x16xf32>,
            %get3A_455 = vector.shape_cast %get3A_454 : vector<1x16xf32> to vector<16xf32>
            %mul3A_456 = arith.mulf %get3A_455, %gather3A_437 : vector<16xf32>
            %swap3A_457 = arith.index_cast %add3A_441 : i32 to index
            %swap3A_458 = arith.constant 16 : index
            %swap3A_459 = tpu.vector_load %arg24[%swap3A_457, %swap3A_458] {strides = array<i32>} : memref<512x32xf32, #tpu.memory_space<vmem>>, vector<1x16xf32>,
            %swap3A_460 = vector.shape_cast %swap3A_459 : vector<1x16xf32> to vector<16xf32>
            %swap3A_461 = vector.shape_cast %mul3A_456 : vector<16xf32> to vector<1x16xf32>
            tpu.vector_store %arg24[%swap3A_457, %swap3A_458], %swap3A_461 {strides = array<i32>} : memref<512x32xf32, #tpu.memory_space<vmem>>, vector<1x16xf32>,
            %gather3A_462 = vector.shape_cast %broadcast_in_dim3A_43 : vector<16x1xi32> to vector<16xi32>
            %gather3A_463 = tpu.dynamic_gather %mul3A_203[%gather3A_462] in [0] : vector<16xf32>, vector<16xi32> -> vector<16xf32>
            %mul3A_464 = arith.constant 16 : i32
            %mul3A_465 = arith.muli %add3A_195, %mul3A_464 : i32
            %add3A_466 = arith.constant 10 : i32
            %add3A_467 = arith.addi %mul3A_465, %add3A_466 : i32
            %get3A_468 = arith.index_cast %add3A_467 : i32 to index
            %get3A_469 = arith.constant 0 : index
            %get3A_470 = tpu.vector_load %arg24[%get3A_468, %get3A_469] {strides = array<i32>} : memref<512x32xf32, #tpu.memory_space<vmem>>, vector<1x16xf32>,
            %get3A_471 = vector.shape_cast %get3A_470 : vector<1x16xf32> to vector<16xf32>
            %mul3A_472 = arith.mulf %get3A_471, %gather3A_463 : vector<16xf32>
            %swap3A_473 = arith.index_cast %add3A_467 : i32 to index
            %swap3A_474 = arith.constant 0 : index
            %swap3A_475 = tpu.vector_load %arg24[%swap3A_473, %swap3A_474] {strides = array<i32>} : memref<512x32xf32, #tpu.memory_space<vmem>>, vector<1x16xf32>,
            %swap3A_476 = vector.shape_cast %swap3A_475 : vector<1x16xf32> to vector<16xf32>
            %swap3A_477 = vector.shape_cast %mul3A_472 : vector<16xf32> to vector<1x16xf32>
            tpu.vector_store %arg24[%swap3A_473, %swap3A_474], %swap3A_477 {strides = array<i32>} : memref<512x32xf32, #tpu.memory_space<vmem>>, vector<1x16xf32>,
            %get3A_478 = arith.index_cast %add3A_467 : i32 to index
            %get3A_479 = arith.constant 16 : index
            %get3A_480 = tpu.vector_load %arg24[%get3A_478, %get3A_479] {strides = array<i32>} : memref<512x32xf32, #tpu.memory_space<vmem>>, vector<1x16xf32>,
            %get3A_481 = vector.shape_cast %get3A_480 : vector<1x16xf32> to vector<16xf32>
            %mul3A_482 = arith.mulf %get3A_481, %gather3A_463 : vector<16xf32>
            %swap3A_483 = arith.index_cast %add3A_467 : i32 to index
            %swap3A_484 = arith.constant 16 : index
            %swap3A_485 = tpu.vector_load %arg24[%swap3A_483, %swap3A_484] {strides = array<i32>} : memref<512x32xf32, #tpu.memory_space<vmem>>, vector<1x16xf32>,
            %swap3A_486 = vector.shape_cast %swap3A_485 : vector<1x16xf32> to vector<16xf32>
            %swap3A_487 = vector.shape_cast %mul3A_482 : vector<16xf32> to vector<1x16xf32>
            tpu.vector_store %arg24[%swap3A_483, %swap3A_484], %swap3A_487 {strides = array<i32>} : memref<512x32xf32, #tpu.memory_space<vmem>>, vector<1x16xf32>,
            %gather3A_488 = vector.shape_cast %broadcast_in_dim3A_47 : vector<16x1xi32> to vector<16xi32>
            %gather3A_489 = tpu.dynamic_gather %mul3A_203[%gather3A_488] in [0] : vector<16xf32>, vector<16xi32> -> vector<16xf32>
            %mul3A_490 = arith.constant 16 : i32
            %mul3A_491 = arith.muli %add3A_195, %mul3A_490 : i32
            %add3A_492 = arith.constant 11 : i32
            %add3A_493 = arith.addi %mul3A_491, %add3A_492 : i32
            %get3A_494 = arith.index_cast %add3A_493 : i32 to index
            %get3A_495 = arith.constant 0 : index
            %get3A_496 = tpu.vector_load %arg24[%get3A_494, %get3A_495] {strides = array<i32>} : memref<512x32xf32, #tpu.memory_space<vmem>>, vector<1x16xf32>,
            %get3A_497 = vector.shape_cast %get3A_496 : vector<1x16xf32> to vector<16xf32>
            %mul3A_498 = arith.mulf %get3A_497, %gather3A_489 : vector<16xf32>
            %swap3A_499 = arith.index_cast %add3A_493 : i32 to index
            %swap3A_500 = arith.constant 0 : index
            %swap3A_501 = tpu.vector_load %arg24[%swap3A_499, %swap3A_500] {strides = array<i32>} : memref<512x32xf32, #tpu.memory_space<vmem>>, vector<1x16xf32>,
            %swap3A_502 = vector.shape_cast %swap3A_501 : vector<1x16xf32> to vector<16xf32>
            %swap3A_503 = vector.shape_cast %mul3A_498 : vector<16xf32> to vector<1x16xf32>
            tpu.vector_store %arg24[%swap3A_499, %swap3A_500], %swap3A_503 {strides = array<i32>} : memref<512x32xf32, #tpu.memory_space<vmem>>, vector<1x16xf32>,
            %get3A_504 = arith.index_cast %add3A_493 : i32 to index
            %get3A_505 = arith.constant 16 : index
            %get3A_506 = tpu.vector_load %arg24[%get3A_504, %get3A_505] {strides = array<i32>} : memref<512x32xf32, #tpu.memory_space<vmem>>, vector<1x16xf32>,
            %get3A_507 = vector.shape_cast %get3A_506 : vector<1x16xf32> to vector<16xf32>
            %mul3A_508 = arith.mulf %get3A_507, %gather3A_489 : vector<16xf32>
            %swap3A_509 = arith.index_cast %add3A_493 : i32 to index
            %swap3A_510 = arith.constant 16 : index
            %swap3A_511 = tpu.vector_load %arg24[%swap3A_509, %swap3A_510] {strides = array<i32>} : memref<512x32xf32, #tpu.memory_space<vmem>>, vector<1x16xf32>,
            %swap3A_512 = vector.shape_cast %swap3A_511 : vector<1x16xf32> to vector<16xf32>
            %swap3A_513 = vector.shape_cast %mul3A_508 : vector<16xf32> to vector<1x16xf32>
            tpu.vector_store %arg24[%swap3A_509, %swap3A_510], %swap3A_513 {strides = array<i32>} : memref<512x32xf32, #tpu.memory_space<vmem>>, vector<1x16xf32>,
            %gather3A_514 = vector.shape_cast %broadcast_in_dim3A_51 : vector<16x1xi32> to vector<16xi32>
            %gather3A_515 = tpu.dynamic_gather %mul3A_203[%gather3A_514] in [0] : vector<16xf32>, vector<16xi32> -> vector<16xf32>
            %mul3A_516 = arith.constant 16 : i32
            %mul3A_517 = arith.muli %add3A_195, %mul3A_516 : i32
            %add3A_518 = arith.constant 12 : i32
            %add3A_519 = arith.addi %mul3A_517, %add3A_518 : i32
            %get3A_520 = arith.index_cast %add3A_519 : i32 to index
            %get3A_521 = arith.constant 0 : index
            %get3A_522 = tpu.vector_load %arg24[%get3A_520, %get3A_521] {strides = array<i32>} : memref<512x32xf32, #tpu.memory_space<vmem>>, vector<1x16xf32>,
            %get3A_523 = vector.shape_cast %get3A_522 : vector<1x16xf32> to vector<16xf32>
            %mul3A_524 = arith.mulf %get3A_523, %gather3A_515 : vector<16xf32>
            %swap3A_525 = arith.index_cast %add3A_519 : i32 to index
            %swap3A_526 = arith.constant 0 : index
            %swap3A_527 = tpu.vector_load %arg24[%swap3A_525, %swap3A_526] {strides = array<i32>} : memref<512x32xf32, #tpu.memory_space<vmem>>, vector<1x16xf32>,
            %swap3A_528 = vector.shape_cast %swap3A_527 : vector<1x16xf32> to vector<16xf32>
            %swap3A_529 = vector.shape_cast %mul3A_524 : vector<16xf32> to vector<1x16xf32>
            tpu.vector_store %arg24[%swap3A_525, %swap3A_526], %swap3A_529 {strides = array<i32>} : memref<512x32xf32, #tpu.memory_space<vmem>>, vector<1x16xf32>,
            %get3A_530 = arith.index_cast %add3A_519 : i32 to index
            %get3A_531 = arith.constant 16 : index
            %get3A_532 = tpu.vector_load %arg24[%get3A_530, %get3A_531] {strides = array<i32>} : memref<512x32xf32, #tpu.memory_space<vmem>>, vector<1x16xf32>,
            %get3A_533 = vector.shape_cast %get3A_532 : vector<1x16xf32> to vector<16xf32>
            %mul3A_534 = arith.mulf %get3A_533, %gather3A_515 : vector<16xf32>
            %swap3A_535 = arith.index_cast %add3A_519 : i32 to index
            %swap3A_536 = arith.constant 16 : index
            %swap3A_537 = tpu.vector_load %arg24[%swap3A_535, %swap3A_536] {strides = array<i32>} : memref<512x32xf32, #tpu.memory_space<vmem>>, vector<1x16xf32>,
            %swap3A_538 = vector.shape_cast %swap3A_537 : vector<1x16xf32> to vector<16xf32>
            %swap3A_539 = vector.shape_cast %mul3A_534 : vector<16xf32> to vector<1x16xf32>
            tpu.vector_store %arg24[%swap3A_535, %swap3A_536], %swap3A_539 {strides = array<i32>} : memref<512x32xf32, #tpu.memory_space<vmem>>, vector<1x16xf32>,
            %gather3A_540 = vector.shape_cast %broadcast_in_dim3A_55 : vector<16x1xi32> to vector<16xi32>
            %gather3A_541 = tpu.dynamic_gather %mul3A_203[%gather3A_540] in [0] : vector<16xf32>, vector<16xi32> -> vector<16xf32>
            %mul3A_542 = arith.constant 16 : i32
            %mul3A_543 = arith.muli %add3A_195, %mul3A_542 : i32
            %add3A_544 = arith.constant 13 : i32
            %add3A_545 = arith.addi %mul3A_543, %add3A_544 : i32
            %get3A_546 = arith.index_cast %add3A_545 : i32 to index
            %get3A_547 = arith.constant 0 : index
            %get3A_548 = tpu.vector_load %arg24[%get3A_546, %get3A_547] {strides = array<i32>} : memref<512x32xf32, #tpu.memory_space<vmem>>, vector<1x16xf32>,
            %get3A_549 = vector.shape_cast %get3A_548 : vector<1x16xf32> to vector<16xf32>
            %mul3A_550 = arith.mulf %get3A_549, %gather3A_541 : vector<16xf32>
            %swap3A_551 = arith.index_cast %add3A_545 : i32 to index
            %swap3A_552 = arith.constant 0 : index
            %swap3A_553 = tpu.vector_load %arg24[%swap3A_551, %swap3A_552] {strides = array<i32>} : memref<512x32xf32, #tpu.memory_space<vmem>>, vector<1x16xf32>,
            %swap3A_554 = vector.shape_cast %swap3A_553 : vector<1x16xf32> to vector<16xf32>
            %swap3A_555 = vector.shape_cast %mul3A_550 : vector<16xf32> to vector<1x16xf32>
            tpu.vector_store %arg24[%swap3A_551, %swap3A_552], %swap3A_555 {strides = array<i32>} : memref<512x32xf32, #tpu.memory_space<vmem>>, vector<1x16xf32>,
            %get3A_556 = arith.index_cast %add3A_545 : i32 to index
            %get3A_557 = arith.constant 16 : index
            %get3A_558 = tpu.vector_load %arg24[%get3A_556, %get3A_557] {strides = array<i32>} : memref<512x32xf32, #tpu.memory_space<vmem>>, vector<1x16xf32>,
            %get3A_559 = vector.shape_cast %get3A_558 : vector<1x16xf32> to vector<16xf32>
            %mul3A_560 = arith.mulf %get3A_559, %gather3A_541 : vector<16xf32>
            %swap3A_561 = arith.index_cast %add3A_545 : i32 to index
            %swap3A_562 = arith.constant 16 : index
            %swap3A_563 = tpu.vector_load %arg24[%swap3A_561, %swap3A_562] {strides = array<i32>} : memref<512x32xf32, #tpu.memory_space<vmem>>, vector<1x16xf32>,
            %swap3A_564 = vector.shape_cast %swap3A_563 : vector<1x16xf32> to vector<16xf32>
            %swap3A_565 = vector.shape_cast %mul3A_560 : vector<16xf32> to vector<1x16xf32>
            tpu.vector_store %arg24[%swap3A_561, %swap3A_562], %swap3A_565 {strides = array<i32>} : memref<512x32xf32, #tpu.memory_space<vmem>>, vector<1x16xf32>,
            %gather3A_566 = vector.shape_cast %broadcast_in_dim3A_59 : vector<16x1xi32> to vector<16xi32>
            %gather3A_567 = tpu.dynamic_gather %mul3A_203[%gather3A_566] in [0] : vector<16xf32>, vector<16xi32> -> vector<16xf32>
            %mul3A_568 = arith.constant 16 : i32
            %mul3A_569 = arith.muli %add3A_195, %mul3A_568 : i32
            %add3A_570 = arith.constant 14 : i32
            %add3A_571 = arith.addi %mul3A_569, %add3A_570 : i32
            %get3A_572 = arith.index_cast %add3A_571 : i32 to index
            %get3A_573 = arith.constant 0 : index
            %get3A_574 = tpu.vector_load %arg24[%get3A_572, %get3A_573] {strides = array<i32>} : memref<512x32xf32, #tpu.memory_space<vmem>>, vector<1x16xf32>,
            %get3A_575 = vector.shape_cast %get3A_574 : vector<1x16xf32> to vector<16xf32>
            %mul3A_576 = arith.mulf %get3A_575, %gather3A_567 : vector<16xf32>
            %swap3A_577 = arith.index_cast %add3A_571 : i32 to index
            %swap3A_578 = arith.constant 0 : index
            %swap3A_579 = tpu.vector_load %arg24[%swap3A_577, %swap3A_578] {strides = array<i32>} : memref<512x32xf32, #tpu.memory_space<vmem>>, vector<1x16xf32>,
            %swap3A_580 = vector.shape_cast %swap3A_579 : vector<1x16xf32> to vector<16xf32>
            %swap3A_581 = vector.shape_cast %mul3A_576 : vector<16xf32> to vector<1x16xf32>
            tpu.vector_store %arg24[%swap3A_577, %swap3A_578], %swap3A_581 {strides = array<i32>} : memref<512x32xf32, #tpu.memory_space<vmem>>, vector<1x16xf32>,
            %get3A_582 = arith.index_cast %add3A_571 : i32 to index
            %get3A_583 = arith.constant 16 : index
            %get3A_584 = tpu.vector_load %arg24[%get3A_582, %get3A_583] {strides = array<i32>} : memref<512x32xf32, #tpu.memory_space<vmem>>, vector<1x16xf32>,
            %get3A_585 = vector.shape_cast %get3A_584 : vector<1x16xf32> to vector<16xf32>
            %mul3A_586 = arith.mulf %get3A_585, %gather3A_567 : vector<16xf32>
            %swap3A_587 = arith.index_cast %add3A_571 : i32 to index
            %swap3A_588 = arith.constant 16 : index
            %swap3A_589 = tpu.vector_load %arg24[%swap3A_587, %swap3A_588] {strides = array<i32>} : memref<512x32xf32, #tpu.memory_space<vmem>>, vector<1x16xf32>,
            %swap3A_590 = vector.shape_cast %swap3A_589 : vector<1x16xf32> to vector<16xf32>
            %swap3A_591 = vector.shape_cast %mul3A_586 : vector<16xf32> to vector<1x16xf32>
            tpu.vector_store %arg24[%swap3A_587, %swap3A_588], %swap3A_591 {strides = array<i32>} : memref<512x32xf32, #tpu.memory_space<vmem>>, vector<1x16xf32>,
            %gather3A_592 = vector.shape_cast %broadcast_in_dim3A_63 : vector<16x1xi32> to vector<16xi32>
            %gather3A_593 = tpu.dynamic_gather %mul3A_203[%gather3A_592] in [0] : vector<16xf32>, vector<16xi32> -> vector<16xf32>
            %mul3A_594 = arith.constant 16 : i32
            %mul3A_595 = arith.muli %add3A_195, %mul3A_594 : i32
            %add3A_596 = arith.constant 15 : i32
            %add3A_597 = arith.addi %mul3A_595, %add3A_596 : i32
            %get3A_598 = arith.index_cast %add3A_597 : i32 to index
            %get3A_599 = arith.constant 0 : index
            %get3A_600 = tpu.vector_load %arg24[%get3A_598, %get3A_599] {strides = array<i32>} : memref<512x32xf32, #tpu.memory_space<vmem>>, vector<1x16xf32>,
            %get3A_601 = vector.shape_cast %get3A_600 : vector<1x16xf32> to vector<16xf32>
            %mul3A_602 = arith.mulf %get3A_601, %gather3A_593 : vector<16xf32>
            %swap3A_603 = arith.index_cast %add3A_597 : i32 to index
            %swap3A_604 = arith.constant 0 : index
            %swap3A_605 = tpu.vector_load %arg24[%swap3A_603, %swap3A_604] {strides = array<i32>} : memref<512x32xf32, #tpu.memory_space<vmem>>, vector<1x16xf32>,
            %swap3A_606 = vector.shape_cast %swap3A_605 : vector<1x16xf32> to vector<16xf32>
            %swap3A_607 = vector.shape_cast %mul3A_602 : vector<16xf32> to vector<1x16xf32>
            tpu.vector_store %arg24[%swap3A_603, %swap3A_604], %swap3A_607 {strides = array<i32>} : memref<512x32xf32, #tpu.memory_space<vmem>>, vector<1x16xf32>,
            %get3A_608 = arith.index_cast %add3A_597 : i32 to index
            %get3A_609 = arith.constant 16 : index
            %get3A_610 = tpu.vector_load %arg24[%get3A_608, %get3A_609] {strides = array<i32>} : memref<512x32xf32, #tpu.memory_space<vmem>>, vector<1x16xf32>,
            %get3A_611 = vector.shape_cast %get3A_610 : vector<1x16xf32> to vector<16xf32>
            %mul3A_612 = arith.mulf %get3A_611, %gather3A_593 : vector<16xf32>
            %swap3A_613 = arith.index_cast %add3A_597 : i32 to index
            %swap3A_614 = arith.constant 16 : index
            %swap3A_615 = tpu.vector_load %arg24[%swap3A_613, %swap3A_614] {strides = array<i32>} : memref<512x32xf32, #tpu.memory_space<vmem>>, vector<1x16xf32>,
            %swap3A_616 = vector.shape_cast %swap3A_615 : vector<1x16xf32> to vector<16xf32>
            %swap3A_617 = vector.shape_cast %mul3A_612 : vector<16xf32> to vector<1x16xf32>
            tpu.vector_store %arg24[%swap3A_613, %swap3A_614], %swap3A_617 {strides = array<i32>} : memref<512x32xf32, #tpu.memory_space<vmem>>, vector<1x16xf32>,
          }
          %scan3A_190 = arith.constant 32 : i32
          "tpu.region"() ({
            %run_scoped3A = tpu.sem_alloc : memref<!tpu.dma_semaphore, #tpu.memory_space<semaphore_mem>>
            %dma_start3A = tpu.memref_slice %arg22[%mul3A_180] : memref<3584xi32, #tpu.memory_space<vmem>> -> memref<512xi32, #tpu.memory_space<vmem>>
            %dma_start3A_191 = arith.constant 0 : i32
            %dma_start3A_192 = arith.constant 0 : i32
            %dma_start3A_193 = tpu.memref_slice %arg20[%dma_start3A_191, %dma_start3A_192] : memref<50000x32xf32, #tpu.memory_space<vmem_shared>> -> memref<50000x32xf32, #tpu.memory_space<vmem_shared>>
            tpu.enqueue_indirect_dma source(%arg24 : memref<512x32xf32, #tpu.memory_space<vmem>>) target(%dma_start3A_193 : memref<50000x32xf32, #tpu.memory_space<vmem_shared>>) offsets(%dma_start3A : memref<512xi32, #tpu.memory_space<vmem>>) semaphore(%run_scoped3A : memref<!tpu.dma_semaphore, #tpu.memory_space<semaphore_mem>>) {add = true}
            %dma_wait3A = tpu.memref_slice %arg22[%mul3A_180] : memref<3584xi32, #tpu.memory_space<vmem>> -> memref<512xi32, #tpu.memory_space<vmem>>
            %dma_wait3A_194 = arith.constant 0 : i32
            %dma_wait3A_195 = arith.constant 0 : i32
            %dma_wait3A_196 = tpu.memref_slice %arg20[%dma_wait3A_194, %dma_wait3A_195] : memref<50000x32xf32, #tpu.memory_space<vmem_shared>> -> memref<50000x32xf32, #tpu.memory_space<vmem_shared>>
            tpu.wait_indirect_dma semaphore(%run_scoped3A : memref<!tpu.dma_semaphore, #tpu.memory_space<semaphore_mem>>) src(%arg24 : memref<512x32xf32, #tpu.memory_space<vmem>>) dst(%dma_wait3A_196 : memref<50000x32xf32, #tpu.memory_space<vmem_shared>>)
            tpu.yield
          }) : () -> ()
        }
        %scan3A_173 = arith.constant 7 : i32
      }
      %scan3A_146 = arith.constant 14 : i32
      %barrier3A_147 = arith.constant 0 : index
      tpu.barrier barrier_id(%barrier3A_147)
      %scan3A_148 = arith.constant 0 : i32
      %scan3A_149 = arith.constant 6 : i32
      %scan3A_150 = arith.addi %scan3A_148, %scan3A_149 : i32
      %scan3A_151 = arith.constant 1 : i32
      scf.for %scan3A_158 = %scan3A_148 to %scan3A_150 step %scan3A_151  : i32 {
        %mul3A_159 = arith.constant 1 : i32
        %mul3A_160 = arith.muli %scan3A_158, %mul3A_159 : i32
        %add3A_161 = arith.constant 0 : i32
        %add3A_162 = arith.addi %add3A_161, %mul3A_160 : i32
        %mul3A_163 = arith.constant 512 : i32
        %mul3A_164 = arith.muli %add3A_162, %mul3A_163 : i32
        %add3A_165 = arith.addi %mul3A_67, %mul3A_164 : i32
        "tpu.region"() ({
          %run_scoped3A = tpu.sem_alloc : memref<!tpu.dma_semaphore, #tpu.memory_space<semaphore_mem>>
          %dma_start3A = arith.constant 0 : i32
          %dma_start3A_169 = tpu.memref_slice %arg20[%add3A_165, %dma_start3A] : memref<50000x32xf32, #tpu.memory_space<vmem_shared>> -> memref<512x32xf32, #tpu.memory_space<vmem_shared>>
          %dma_start3A_170 = arith.constant 0 : i32
          %dma_start3A_171 = tpu.memref_slice %arg20[%add3A_165, %dma_start3A_170] : memref<50000x32xf32, #tpu.memory_space<vmem_shared>> -> memref<512x32xf32, #tpu.memory_space<vmem_shared>>
          tpu.enqueue_dma source(%dma_start3A_171 : memref<512x32xf32, #tpu.memory_space<vmem_shared>>) target(%arg24 : memref<512x32xf32, #tpu.memory_space<vmem>>) target_semaphore(%run_scoped3A : memref<!tpu.dma_semaphore, #tpu.memory_space<semaphore_mem>>)
          %dma_wait3A = arith.constant 0 : i32
          %dma_wait3A_172 = tpu.memref_slice %arg20[%add3A_165, %dma_wait3A] : memref<50000x32xf32, #tpu.memory_space<vmem_shared>> -> memref<512x32xf32, #tpu.memory_space<vmem_shared>>
          %dma_wait3A_173 = arith.constant 0 : i32
          %dma_wait3A_174 = tpu.memref_slice %arg20[%add3A_165, %dma_wait3A_173] : memref<50000x32xf32, #tpu.memory_space<vmem_shared>> -> memref<512x32xf32, #tpu.memory_space<vmem_shared>>
          tpu.wait_dma2 semaphore(%run_scoped3A : memref<!tpu.dma_semaphore, #tpu.memory_space<semaphore_mem>>) src(%dma_wait3A_174 : memref<512x32xf32, #tpu.memory_space<vmem_shared>>) dst(%arg24 : memref<512x32xf32, #tpu.memory_space<vmem>>)
          tpu.yield
        }) : () -> ()
        %mul3A_166 = arith.constant 512 : i32
        %mul3A_167 = arith.muli %add3A_162, %mul3A_166 : i32
        %add3A_168 = arith.addi %add3A_68, %mul3A_167 : i32
        "tpu.region"() ({
          %run_scoped3A = tpu.sem_alloc : memref<!tpu.dma_semaphore, #tpu.memory_space<semaphore_mem>>
          %dma_start3A = arith.constant 0 : i32
          %dma_start3A_169 = tpu.memref_slice %arg19[%add3A_168, %dma_start3A] : memref<100000x32xf32, #tpu.memory_space<hbm>> -> memref<512x32xf32, #tpu.memory_space<hbm>>
          %dma_start3A_170 = arith.constant 0 : i32
          %dma_start3A_171 = tpu.memref_slice %arg19[%add3A_168, %dma_start3A_170] : memref<100000x32xf32, #tpu.memory_space<hbm>> -> memref<512x32xf32, #tpu.memory_space<hbm>>
          tpu.enqueue_dma source(%arg24 : memref<512x32xf32, #tpu.memory_space<vmem>>) target(%dma_start3A_171 : memref<512x32xf32, #tpu.memory_space<hbm>>) target_semaphore(%run_scoped3A : memref<!tpu.dma_semaphore, #tpu.memory_space<semaphore_mem>>)
          %dma_wait3A = arith.constant 0 : i32
          %dma_wait3A_172 = tpu.memref_slice %arg19[%add3A_168, %dma_wait3A] : memref<100000x32xf32, #tpu.memory_space<hbm>> -> memref<512x32xf32, #tpu.memory_space<hbm>>
          %dma_wait3A_173 = arith.constant 0 : i32
          %dma_wait3A_174 = tpu.memref_slice %arg19[%add3A_168, %dma_wait3A_173] : memref<100000x32xf32, #tpu.memory_space<hbm>> -> memref<512x32xf32, #tpu.memory_space<hbm>>
          tpu.wait_dma2 semaphore(%run_scoped3A : memref<!tpu.dma_semaphore, #tpu.memory_space<semaphore_mem>>) src(%arg24 : memref<512x32xf32, #tpu.memory_space<vmem>>) dst(%dma_wait3A_174 : memref<512x32xf32, #tpu.memory_space<hbm>>)
          tpu.yield
        }) : () -> ()
      }
      %scan3A_152 = arith.constant 6 : i32
      %add3A_153 = arith.constant 3072 : i32
      %add3A_154 = arith.addi %mul3A_67, %add3A_153 : i32
      "tpu.region"() ({
        %run_scoped3A = tpu.sem_alloc : memref<!tpu.dma_semaphore, #tpu.memory_space<semaphore_mem>>
        %dma_start3A = arith.constant 0 : i32
        %dma_start3A_158 = arith.constant 0 : i32
        %dma_start3A_159 = tpu.memref_slice %arg24[%dma_start3A, %dma_start3A_158] : memref<512x32xf32, #tpu.memory_space<vmem>> -> memref<53x32xf32, #tpu.memory_space<vmem>>
        %dma_start3A_160 = arith.constant 0 : i32
        %dma_start3A_161 = tpu.memref_slice %arg20[%add3A_154, %dma_start3A_160] : memref<50000x32xf32, #tpu.memory_space<vmem_shared>> -> memref<53x32xf32, #tpu.memory_space<vmem_shared>>
        %dma_start3A_162 = arith.constant 0 : i32
        %dma_start3A_163 = arith.constant 0 : i32
        %dma_start3A_164 = tpu.memref_slice %arg24[%dma_start3A_162, %dma_start3A_163] : memref<512x32xf32, #tpu.memory_space<vmem>> -> memref<53x32xf32, #tpu.memory_space<vmem>>
        %dma_start3A_165 = arith.constant 0 : i32
        %dma_start3A_166 = tpu.memref_slice %arg20[%add3A_154, %dma_start3A_165] : memref<50000x32xf32, #tpu.memory_space<vmem_shared>> -> memref<53x32xf32, #tpu.memory_space<vmem_shared>>
        tpu.enqueue_dma source(%dma_start3A_166 : memref<53x32xf32, #tpu.memory_space<vmem_shared>>) target(%dma_start3A_164 : memref<53x32xf32, #tpu.memory_space<vmem>>) target_semaphore(%run_scoped3A : memref<!tpu.dma_semaphore, #tpu.memory_space<semaphore_mem>>)
        %dma_wait3A = arith.constant 0 : i32
        %dma_wait3A_167 = arith.constant 0 : i32
        %dma_wait3A_168 = tpu.memref_slice %arg24[%dma_wait3A, %dma_wait3A_167] : memref<512x32xf32, #tpu.memory_space<vmem>> -> memref<53x32xf32, #tpu.memory_space<vmem>>
        %dma_wait3A_169 = arith.constant 0 : i32
        %dma_wait3A_170 = tpu.memref_slice %arg20[%add3A_154, %dma_wait3A_169] : memref<50000x32xf32, #tpu.memory_space<vmem_shared>> -> memref<53x32xf32, #tpu.memory_space<vmem_shared>>
        %dma_wait3A_171 = arith.constant 0 : i32
        %dma_wait3A_172 = arith.constant 0 : i32
        %dma_wait3A_173 = tpu.memref_slice %arg24[%dma_wait3A_171, %dma_wait3A_172] : memref<512x32xf32, #tpu.memory_space<vmem>> -> memref<53x32xf32, #tpu.memory_space<vmem>>
        %dma_wait3A_174 = arith.constant 0 : i32
        %dma_wait3A_175 = tpu.memref_slice %arg20[%add3A_154, %dma_wait3A_174] : memref<50000x32xf32, #tpu.memory_space<vmem_shared>> -> memref<53x32xf32, #tpu.memory_space<vmem_shared>>
        tpu.wait_dma2 semaphore(%run_scoped3A : memref<!tpu.dma_semaphore, #tpu.memory_space<semaphore_mem>>) src(%dma_wait3A_175 : memref<53x32xf32, #tpu.memory_space<vmem_shared>>) dst(%dma_wait3A_173 : memref<53x32xf32, #tpu.memory_space<vmem>>)
        tpu.yield
      }) : () -> ()
      %add3A_155 = arith.constant 3072 : i32
      %add3A_156 = arith.addi %add3A_68, %add3A_155 : i32
      "tpu.region"() ({
        %run_scoped3A = tpu.sem_alloc : memref<!tpu.dma_semaphore, #tpu.memory_space<semaphore_mem>>
        %dma_start3A = arith.constant 0 : i32
        %dma_start3A_158 = arith.constant 0 : i32
        %dma_start3A_159 = tpu.memref_slice %arg24[%dma_start3A, %dma_start3A_158] : memref<512x32xf32, #tpu.memory_space<vmem>> -> memref<53x32xf32, #tpu.memory_space<vmem>>
        %dma_start3A_160 = arith.constant 0 : i32
        %dma_start3A_161 = tpu.memref_slice %arg19[%add3A_156, %dma_start3A_160] : memref<100000x32xf32, #tpu.memory_space<hbm>> -> memref<53x32xf32, #tpu.memory_space<hbm>>
        %dma_start3A_162 = arith.constant 0 : i32
        %dma_start3A_163 = tpu.memref_slice %arg19[%add3A_156, %dma_start3A_162] : memref<100000x32xf32, #tpu.memory_space<hbm>> -> memref<53x32xf32, #tpu.memory_space<hbm>>
        %dma_start3A_164 = arith.constant 0 : i32
        %dma_start3A_165 = arith.constant 0 : i32
        %dma_start3A_166 = tpu.memref_slice %arg24[%dma_start3A_164, %dma_start3A_165] : memref<512x32xf32, #tpu.memory_space<vmem>> -> memref<53x32xf32, #tpu.memory_space<vmem>>
        tpu.enqueue_dma source(%dma_start3A_166 : memref<53x32xf32, #tpu.memory_space<vmem>>) target(%dma_start3A_163 : memref<53x32xf32, #tpu.memory_space<hbm>>) target_semaphore(%run_scoped3A : memref<!tpu.dma_semaphore, #tpu.memory_space<semaphore_mem>>)
        %dma_wait3A = arith.constant 0 : i32
        %dma_wait3A_167 = arith.constant 0 : i32
        %dma_wait3A_168 = tpu.memref_slice %arg24[%dma_wait3A, %dma_wait3A_167] : memref<512x32xf32, #tpu.memory_space<vmem>> -> memref<53x32xf32, #tpu.memory_space<vmem>>
        %dma_wait3A_169 = arith.constant 0 : i32
        %dma_wait3A_170 = tpu.memref_slice %arg19[%add3A_156, %dma_wait3A_169] : memref<100000x32xf32, #tpu.memory_space<hbm>> -> memref<53x32xf32, #tpu.memory_space<hbm>>
        %dma_wait3A_171 = arith.constant 0 : i32
        %dma_wait3A_172 = tpu.memref_slice %arg19[%add3A_156, %dma_wait3A_171] : memref<100000x32xf32, #tpu.memory_space<hbm>> -> memref<53x32xf32, #tpu.memory_space<hbm>>
        %dma_wait3A_173 = arith.constant 0 : i32
        %dma_wait3A_174 = arith.constant 0 : i32
        %dma_wait3A_175 = tpu.memref_slice %arg24[%dma_wait3A_173, %dma_wait3A_174] : memref<512x32xf32, #tpu.memory_space<vmem>> -> memref<53x32xf32, #tpu.memory_space<vmem>>
        tpu.wait_dma2 semaphore(%run_scoped3A : memref<!tpu.dma_semaphore, #tpu.memory_space<semaphore_mem>>) src(%dma_wait3A_175 : memref<53x32xf32, #tpu.memory_space<vmem>>) dst(%dma_wait3A_172 : memref<53x32xf32, #tpu.memory_space<hbm>>)
        tpu.yield
      }) : () -> ()
      %barrier3A_157 = arith.constant 0 : index
      tpu.barrier barrier_id(%barrier3A_157)
    }
    %scan3A_90 = arith.constant 5 : i32
    return
  }
}

module attributes {stable_mosaic.version = 14 : i64} {
  func.func @body(%arg0: i32, %arg1: memref<2000x256xf32, #tpu.memory_space<vmem>>, %arg2: memref<256x64xf32, #tpu.memory_space<vmem>>, %arg3: memref<1x64xf32, #tpu.memory_space<vmem>>, %arg4: memref<2000x1xf32, #tpu.memory_space<vmem>>, %arg5: memref<2000x1xf32, #tpu.memory_space<vmem>>, %arg6: memref<2x2000x32xf32, #tpu.memory_space<vmem>>, %arg7: memref<2x2000x32xf32, #tpu.memory_space<vmem>>) attributes {dimension_semantics = [#tpu.dimension_semantics<arbitrary>], iteration_bounds = array<i64: 25>, scalar_prefetch = 0 : i64, scratch_operands = 0 : i64, tpu.core_type = #tpu.core_type<tc>, window_params = [{transform_indices = @transform_0, window_bounds = array<i64: 2000, 256>}, {pipeline_mode = #tpu.pipeline_mode<synchronous>, transform_indices = @transform_1, window_bounds = array<i64: 256, 64>}, {pipeline_mode = #tpu.pipeline_mode<synchronous>, transform_indices = @transform_2, window_bounds = array<i64: 1, 64>}, {transform_indices = @transform_3, window_bounds = array<i64: 2000, 1>}, {transform_indices = @transform_4, window_bounds = array<i64: 2000, 1>}, {transform_indices = @transform_5, window_bounds = array<i64: 2, 2000, 32>}, {transform_indices = @transform_6, window_bounds = array<i64: 2, 2000, 32>}]} {
    %get3A = arith.constant 0 : index
    %get3A_0 = arith.constant 0 : index
    %get3A_1 = vector.load %arg1[%get3A, %get3A_0] : memref<2000x256xf32, #tpu.memory_space<vmem>>, vector<2000x256xf32>
    %get3A_2 = arith.constant 0 : index
    %get3A_3 = arith.constant 0 : index
    %get3A_4 = vector.load %arg2[%get3A_2, %get3A_3] : memref<256x64xf32, #tpu.memory_space<vmem>>, vector<256x64xf32>
    %dot_general3A = arith.constant dense<0.000000e+00> : vector<2000x64xf32>
    %dot_general3A_5 = tpu.matmul %get3A_1, %get3A_4, %dot_general3A {dimension_numbers = #tpu.dot_dimension_numbers<[1], [0], [0], [1], [0, 0, 1, 1], [], []>, transpose_lhs_hint = false} : vector<2000x256xf32>, vector<256x64xf32>, vector<2000x64xf32> -> vector<2000x64xf32>
    %get3A_6 = arith.constant 0 : index
    %get3A_7 = arith.constant 0 : index
    %get3A_8 = vector.load %arg3[%get3A_6, %get3A_7] : memref<1x64xf32, #tpu.memory_space<vmem>>, vector<1x64xf32>
    %add3A = vector.broadcast %get3A_8 : vector<1x64xf32> to vector<2000x64xf32>
    %add3A_9 = arith.addf %dot_general3A_5, %add3A : vector<2000x64xf32>
    %max3A = arith.constant 0.000000e+00 : f32
    %max3A_10 = vector.broadcast %max3A : f32 to vector<2000x64xf32>
    %max3A_11 = arith.maximumf %add3A_9, %max3A_10 : vector<2000x64xf32>
    %get3A_12 = arith.constant 0 : index
    %get3A_13 = arith.constant 0 : index
    %get3A_14 = vector.load %arg4[%get3A_12, %get3A_13] : memref<2000x1xf32, #tpu.memory_space<vmem>>, vector<2000x1xf32>
    %get3A_15 = arith.constant 0 : index
    %get3A_16 = arith.constant 0 : index
    %get3A_17 = vector.load %arg5[%get3A_15, %get3A_16] : memref<2000x1xf32, #tpu.memory_space<vmem>>, vector<2000x1xf32>
    %add3A_18 = arith.addf %get3A_14, %get3A_17 : vector<2000x1xf32>
    %mul3A = arith.constant 5.000000e-01 : f32
    %mul3A_19 = vector.broadcast %mul3A : f32 to vector<2000x1xf32>
    %mul3A_20 = arith.mulf %mul3A_19, %add3A_18 : vector<2000x1xf32>
    %mul3A_21 = vector.broadcast %mul3A_20 : vector<2000x1xf32> to vector<2000x64xf32>
    %mul3A_22 = arith.mulf %mul3A_21, %max3A_11 : vector<2000x64xf32>
    %slice3A = vector.extract_strided_slice %max3A_11 {offsets = [0, 0], sizes = [2000, 32], strides = [1, 1]} : vector<2000x64xf32> to vector<2000x32xf32>
    %swap3A = arith.constant 0 : index
    %swap3A_23 = arith.constant 0 : index
    %swap3A_24 = arith.constant 0 : index
    %swap3A_25 = vector.load %arg6[%swap3A, %swap3A_23, %swap3A_24] : memref<2x2000x32xf32, #tpu.memory_space<vmem>>, vector<1x2000x32xf32>
    %swap3A_26 = vector.shape_cast %swap3A_25 : vector<1x2000x32xf32> to vector<2000x32xf32>
    %swap3A_27 = vector.shape_cast %slice3A : vector<2000x32xf32> to vector<1x2000x32xf32>
    tpu.vector_store %arg6[%swap3A, %swap3A_23, %swap3A_24], %swap3A_27 {strides = array<i32>} : memref<2x2000x32xf32, #tpu.memory_space<vmem>>, vector<1x2000x32xf32>,
    %slice3A_28 = vector.extract_strided_slice %max3A_11 {offsets = [0, 32], sizes = [2000, 32], strides = [1, 1]} : vector<2000x64xf32> to vector<2000x32xf32>
    %swap3A_29 = arith.constant 1 : index
    %swap3A_30 = arith.constant 0 : index
    %swap3A_31 = arith.constant 0 : index
    %swap3A_32 = vector.load %arg6[%swap3A_29, %swap3A_30, %swap3A_31] : memref<2x2000x32xf32, #tpu.memory_space<vmem>>, vector<1x2000x32xf32>
    %swap3A_33 = vector.shape_cast %swap3A_32 : vector<1x2000x32xf32> to vector<2000x32xf32>
    %swap3A_34 = vector.shape_cast %slice3A_28 : vector<2000x32xf32> to vector<1x2000x32xf32>
    tpu.vector_store %arg6[%swap3A_29, %swap3A_30, %swap3A_31], %swap3A_34 {strides = array<i32>} : memref<2x2000x32xf32, #tpu.memory_space<vmem>>, vector<1x2000x32xf32>,
    %slice3A_35 = vector.extract_strided_slice %mul3A_22 {offsets = [0, 0], sizes = [2000, 32], strides = [1, 1]} : vector<2000x64xf32> to vector<2000x32xf32>
    %swap3A_36 = arith.constant 0 : index
    %swap3A_37 = arith.constant 0 : index
    %swap3A_38 = arith.constant 0 : index
    %swap3A_39 = vector.load %arg7[%swap3A_36, %swap3A_37, %swap3A_38] : memref<2x2000x32xf32, #tpu.memory_space<vmem>>, vector<1x2000x32xf32>
    %swap3A_40 = vector.shape_cast %swap3A_39 : vector<1x2000x32xf32> to vector<2000x32xf32>
    %swap3A_41 = vector.shape_cast %slice3A_35 : vector<2000x32xf32> to vector<1x2000x32xf32>
    tpu.vector_store %arg7[%swap3A_36, %swap3A_37, %swap3A_38], %swap3A_41 {strides = array<i32>} : memref<2x2000x32xf32, #tpu.memory_space<vmem>>, vector<1x2000x32xf32>,
    %slice3A_42 = vector.extract_strided_slice %mul3A_22 {offsets = [0, 32], sizes = [2000, 32], strides = [1, 1]} : vector<2000x64xf32> to vector<2000x32xf32>
    %swap3A_43 = arith.constant 1 : index
    %swap3A_44 = arith.constant 0 : index
    %swap3A_45 = arith.constant 0 : index
    %swap3A_46 = vector.load %arg7[%swap3A_43, %swap3A_44, %swap3A_45] : memref<2x2000x32xf32, #tpu.memory_space<vmem>>, vector<1x2000x32xf32>
    %swap3A_47 = vector.shape_cast %swap3A_46 : vector<1x2000x32xf32> to vector<2000x32xf32>
    %swap3A_48 = vector.shape_cast %slice3A_42 : vector<2000x32xf32> to vector<1x2000x32xf32>
    tpu.vector_store %arg7[%swap3A_43, %swap3A_44, %swap3A_45], %swap3A_48 {strides = array<i32>} : memref<2x2000x32xf32, #tpu.memory_space<vmem>>, vector<1x2000x32xf32>,
    return
  }
  func.func @transform_0(%arg0: i32) -> (i32, i32) {
    %c0_i32 = arith.constant 0 : i32
    %c0_i32_0 = arith.constant 0 : i32
    return %arg0, %c0_i32 : i32, i32
  }
  func.func @transform_1(%arg0: i32) -> (i32, i32) {
    %c0_i32 = arith.constant 0 : i32
    %c0_i32_0 = arith.constant 0 : i32
    %c0_i32_1 = arith.constant 0 : i32
    return %c0_i32, %c0_i32_0 : i32, i32
  }
  func.func @transform_2(%arg0: i32) -> (i32, i32) {
    %c0_i32 = arith.constant 0 : i32
    %c0_i32_0 = arith.constant 0 : i32
    %c0_i32_1 = arith.constant 0 : i32
    return %c0_i32, %c0_i32_0 : i32, i32
  }
  func.func @transform_3(%arg0: i32) -> (i32, i32) {
    %c0_i32 = arith.constant 0 : i32
    %c0_i32_0 = arith.constant 0 : i32
    return %arg0, %c0_i32 : i32, i32
  }
  func.func @transform_4(%arg0: i32) -> (i32, i32) {
    %c0_i32 = arith.constant 0 : i32
    %c0_i32_0 = arith.constant 0 : i32
    return %arg0, %c0_i32 : i32, i32
  }
  func.func @transform_5(%arg0: i32) -> (i32, i32, i32) {
    %c0_i32 = arith.constant 0 : i32
    %c0_i32_0 = arith.constant 0 : i32
    %c0_i32_1 = arith.constant 0 : i32
    return %c0_i32, %arg0, %c0_i32_0 : i32, i32, i32
  }
  func.func @transform_6(%arg0: i32) -> (i32, i32, i32) {
    %c0_i32 = arith.constant 0 : i32
    %c0_i32_0 = arith.constant 0 : i32
    %c0_i32_1 = arith.constant 0 : i32
    return %c0_i32, %arg0, %c0_i32_0 : i32, i32, i32
  }
}

module attributes {stable_mosaic.version = 14 : i64} {
  func.func @body(%arg0: i32, %arg1: memref<2000x128xf32, #tpu.memory_space<vmem>>, %arg2: memref<128x64xf32, #tpu.memory_space<vmem>>, %arg3: memref<1x64xf32, #tpu.memory_space<vmem>>, %arg4: memref<2000x1xf32, #tpu.memory_space<vmem>>, %arg5: memref<2000x1xf32, #tpu.memory_space<vmem>>, %arg6: memref<2x2000x32xf32, #tpu.memory_space<vmem>>, %arg7: memref<2x2000x32xf32, #tpu.memory_space<vmem>>) attributes {dimension_semantics = [#tpu.dimension_semantics<arbitrary>], iteration_bounds = array<i64: 25>, scalar_prefetch = 0 : i64, scratch_operands = 0 : i64, tpu.core_type = #tpu.core_type<tc>, window_params = [{transform_indices = @transform_0, window_bounds = array<i64: 2000, 128>}, {pipeline_mode = #tpu.pipeline_mode<synchronous>, transform_indices = @transform_1, window_bounds = array<i64: 128, 64>}, {pipeline_mode = #tpu.pipeline_mode<synchronous>, transform_indices = @transform_2, window_bounds = array<i64: 1, 64>}, {transform_indices = @transform_3, window_bounds = array<i64: 2000, 1>}, {transform_indices = @transform_4, window_bounds = array<i64: 2000, 1>}, {transform_indices = @transform_5, window_bounds = array<i64: 2, 2000, 32>}, {transform_indices = @transform_6, window_bounds = array<i64: 2, 2000, 32>}]} {
    %get3A = arith.constant 0 : index
    %get3A_0 = arith.constant 0 : index
    %get3A_1 = vector.load %arg1[%get3A, %get3A_0] : memref<2000x128xf32, #tpu.memory_space<vmem>>, vector<2000x128xf32>
    %get3A_2 = arith.constant 0 : index
    %get3A_3 = arith.constant 0 : index
    %get3A_4 = vector.load %arg2[%get3A_2, %get3A_3] : memref<128x64xf32, #tpu.memory_space<vmem>>, vector<128x64xf32>
    %dot_general3A = arith.constant dense<0.000000e+00> : vector<2000x64xf32>
    %dot_general3A_5 = tpu.matmul %get3A_1, %get3A_4, %dot_general3A {dimension_numbers = #tpu.dot_dimension_numbers<[1], [0], [0], [1], [0, 0, 1, 1], [], []>, transpose_lhs_hint = false} : vector<2000x128xf32>, vector<128x64xf32>, vector<2000x64xf32> -> vector<2000x64xf32>
    %get3A_6 = arith.constant 0 : index
    %get3A_7 = arith.constant 0 : index
    %get3A_8 = vector.load %arg3[%get3A_6, %get3A_7] : memref<1x64xf32, #tpu.memory_space<vmem>>, vector<1x64xf32>
    %add3A = vector.broadcast %get3A_8 : vector<1x64xf32> to vector<2000x64xf32>
    %add3A_9 = arith.addf %dot_general3A_5, %add3A : vector<2000x64xf32>
    %max3A = arith.constant 0.000000e+00 : f32
    %max3A_10 = vector.broadcast %max3A : f32 to vector<2000x64xf32>
    %max3A_11 = arith.maximumf %add3A_9, %max3A_10 : vector<2000x64xf32>
    %get3A_12 = arith.constant 0 : index
    %get3A_13 = arith.constant 0 : index
    %get3A_14 = vector.load %arg4[%get3A_12, %get3A_13] : memref<2000x1xf32, #tpu.memory_space<vmem>>, vector<2000x1xf32>
    %get3A_15 = arith.constant 0 : index
    %get3A_16 = arith.constant 0 : index
    %get3A_17 = vector.load %arg5[%get3A_15, %get3A_16] : memref<2000x1xf32, #tpu.memory_space<vmem>>, vector<2000x1xf32>
    %add3A_18 = arith.addf %get3A_14, %get3A_17 : vector<2000x1xf32>
    %mul3A = arith.constant 5.000000e-01 : f32
    %mul3A_19 = vector.broadcast %mul3A : f32 to vector<2000x1xf32>
    %mul3A_20 = arith.mulf %mul3A_19, %add3A_18 : vector<2000x1xf32>
    %mul3A_21 = vector.broadcast %mul3A_20 : vector<2000x1xf32> to vector<2000x64xf32>
    %mul3A_22 = arith.mulf %mul3A_21, %max3A_11 : vector<2000x64xf32>
    %slice3A = vector.extract_strided_slice %max3A_11 {offsets = [0, 0], sizes = [2000, 32], strides = [1, 1]} : vector<2000x64xf32> to vector<2000x32xf32>
    %swap3A = arith.constant 0 : index
    %swap3A_23 = arith.constant 0 : index
    %swap3A_24 = arith.constant 0 : index
    %swap3A_25 = vector.load %arg6[%swap3A, %swap3A_23, %swap3A_24] : memref<2x2000x32xf32, #tpu.memory_space<vmem>>, vector<1x2000x32xf32>
    %swap3A_26 = vector.shape_cast %swap3A_25 : vector<1x2000x32xf32> to vector<2000x32xf32>
    %swap3A_27 = vector.shape_cast %slice3A : vector<2000x32xf32> to vector<1x2000x32xf32>
    tpu.vector_store %arg6[%swap3A, %swap3A_23, %swap3A_24], %swap3A_27 {strides = array<i32>} : memref<2x2000x32xf32, #tpu.memory_space<vmem>>, vector<1x2000x32xf32>,
    %slice3A_28 = vector.extract_strided_slice %max3A_11 {offsets = [0, 32], sizes = [2000, 32], strides = [1, 1]} : vector<2000x64xf32> to vector<2000x32xf32>
    %swap3A_29 = arith.constant 1 : index
    %swap3A_30 = arith.constant 0 : index
    %swap3A_31 = arith.constant 0 : index
    %swap3A_32 = vector.load %arg6[%swap3A_29, %swap3A_30, %swap3A_31] : memref<2x2000x32xf32, #tpu.memory_space<vmem>>, vector<1x2000x32xf32>
    %swap3A_33 = vector.shape_cast %swap3A_32 : vector<1x2000x32xf32> to vector<2000x32xf32>
    %swap3A_34 = vector.shape_cast %slice3A_28 : vector<2000x32xf32> to vector<1x2000x32xf32>
    tpu.vector_store %arg6[%swap3A_29, %swap3A_30, %swap3A_31], %swap3A_34 {strides = array<i32>} : memref<2x2000x32xf32, #tpu.memory_space<vmem>>, vector<1x2000x32xf32>,
    %slice3A_35 = vector.extract_strided_slice %mul3A_22 {offsets = [0, 0], sizes = [2000, 32], strides = [1, 1]} : vector<2000x64xf32> to vector<2000x32xf32>
    %swap3A_36 = arith.constant 0 : index
    %swap3A_37 = arith.constant 0 : index
    %swap3A_38 = arith.constant 0 : index
    %swap3A_39 = vector.load %arg7[%swap3A_36, %swap3A_37, %swap3A_38] : memref<2x2000x32xf32, #tpu.memory_space<vmem>>, vector<1x2000x32xf32>
    %swap3A_40 = vector.shape_cast %swap3A_39 : vector<1x2000x32xf32> to vector<2000x32xf32>
    %swap3A_41 = vector.shape_cast %slice3A_35 : vector<2000x32xf32> to vector<1x2000x32xf32>
    tpu.vector_store %arg7[%swap3A_36, %swap3A_37, %swap3A_38], %swap3A_41 {strides = array<i32>} : memref<2x2000x32xf32, #tpu.memory_space<vmem>>, vector<1x2000x32xf32>,
    %slice3A_42 = vector.extract_strided_slice %mul3A_22 {offsets = [0, 32], sizes = [2000, 32], strides = [1, 1]} : vector<2000x64xf32> to vector<2000x32xf32>
    %swap3A_43 = arith.constant 1 : index
    %swap3A_44 = arith.constant 0 : index
    %swap3A_45 = arith.constant 0 : index
    %swap3A_46 = vector.load %arg7[%swap3A_43, %swap3A_44, %swap3A_45] : memref<2x2000x32xf32, #tpu.memory_space<vmem>>, vector<1x2000x32xf32>
    %swap3A_47 = vector.shape_cast %swap3A_46 : vector<1x2000x32xf32> to vector<2000x32xf32>
    %swap3A_48 = vector.shape_cast %slice3A_42 : vector<2000x32xf32> to vector<1x2000x32xf32>
    tpu.vector_store %arg7[%swap3A_43, %swap3A_44, %swap3A_45], %swap3A_48 {strides = array<i32>} : memref<2x2000x32xf32, #tpu.memory_space<vmem>>, vector<1x2000x32xf32>,
    return
  }
  func.func @transform_0(%arg0: i32) -> (i32, i32) {
    %c0_i32 = arith.constant 0 : i32
    %c0_i32_0 = arith.constant 0 : i32
    return %arg0, %c0_i32 : i32, i32
  }
  func.func @transform_1(%arg0: i32) -> (i32, i32) {
    %c0_i32 = arith.constant 0 : i32
    %c0_i32_0 = arith.constant 0 : i32
    %c0_i32_1 = arith.constant 0 : i32
    return %c0_i32, %c0_i32_0 : i32, i32
  }
  func.func @transform_2(%arg0: i32) -> (i32, i32) {
    %c0_i32 = arith.constant 0 : i32
    %c0_i32_0 = arith.constant 0 : i32
    %c0_i32_1 = arith.constant 0 : i32
    return %c0_i32, %c0_i32_0 : i32, i32
  }
  func.func @transform_3(%arg0: i32) -> (i32, i32) {
    %c0_i32 = arith.constant 0 : i32
    %c0_i32_0 = arith.constant 0 : i32
    return %arg0, %c0_i32 : i32, i32
  }
  func.func @transform_4(%arg0: i32) -> (i32, i32) {
    %c0_i32 = arith.constant 0 : i32
    %c0_i32_0 = arith.constant 0 : i32
    return %arg0, %c0_i32 : i32, i32
  }
  func.func @transform_5(%arg0: i32) -> (i32, i32, i32) {
    %c0_i32 = arith.constant 0 : i32
    %c0_i32_0 = arith.constant 0 : i32
    %c0_i32_1 = arith.constant 0 : i32
    return %c0_i32, %arg0, %c0_i32_0 : i32, i32, i32
  }
  func.func @transform_6(%arg0: i32) -> (i32, i32, i32) {
    %c0_i32 = arith.constant 0 : i32
    %c0_i32_0 = arith.constant 0 : i32
    %c0_i32_1 = arith.constant 0 : i32
    return %c0_i32, %arg0, %c0_i32_0 : i32, i32, i32
  }
}

module attributes {stable_mosaic.version = 14 : i64} {
  func.func @body(%arg0: i32, %arg1: memref<2000x32xf32, #tpu.memory_space<vmem>>, %arg2: memref<2000x32xf32, #tpu.memory_space<vmem>>, %arg3: memref<64x16xf32, #tpu.memory_space<vmem>>, %arg4: memref<1x16xf32, #tpu.memory_space<vmem>>, %arg5: memref<2000x16xf32, #tpu.memory_space<vmem>>) attributes {dimension_semantics = [#tpu.dimension_semantics<arbitrary>], iteration_bounds = array<i64: 25>, scalar_prefetch = 0 : i64, scratch_operands = 0 : i64, tpu.core_type = #tpu.core_type<tc>, window_params = [{transform_indices = @transform_0, window_bounds = array<i64: 2000, 32>}, {transform_indices = @transform_1, window_bounds = array<i64: 2000, 32>}, {pipeline_mode = #tpu.pipeline_mode<synchronous>, transform_indices = @transform_2, window_bounds = array<i64: 64, 16>}, {pipeline_mode = #tpu.pipeline_mode<synchronous>, transform_indices = @transform_3, window_bounds = array<i64: 1, 16>}, {transform_indices = @transform_4, window_bounds = array<i64: 2000, 16>}]} {
    %get3A = arith.constant 0 : index
    %get3A_0 = arith.constant 0 : index
    %get3A_1 = vector.load %arg1[%get3A, %get3A_0] : memref<2000x32xf32, #tpu.memory_space<vmem>>, vector<2000x32xf32>
    %get3A_2 = arith.constant 0 : index
    %get3A_3 = arith.constant 0 : index
    %get3A_4 = vector.load %arg3[%get3A_2, %get3A_3] : memref<64x16xf32, #tpu.memory_space<vmem>>, vector<32x16xf32>
    %dot_general3A = arith.constant dense<0.000000e+00> : vector<2000x16xf32>
    %dot_general3A_5 = tpu.matmul %get3A_1, %get3A_4, %dot_general3A {dimension_numbers = #tpu.dot_dimension_numbers<[1], [0], [0], [1], [0, 0, 1, 1], [], []>, transpose_lhs_hint = false} : vector<2000x32xf32>, vector<32x16xf32>, vector<2000x16xf32> -> vector<2000x16xf32>
    %get3A_6 = arith.constant 0 : index
    %get3A_7 = arith.constant 0 : index
    %get3A_8 = vector.load %arg2[%get3A_6, %get3A_7] : memref<2000x32xf32, #tpu.memory_space<vmem>>, vector<2000x32xf32>
    %get3A_9 = arith.constant 32 : index
    %get3A_10 = arith.constant 0 : index
    %get3A_11 = vector.load %arg3[%get3A_9, %get3A_10] : memref<64x16xf32, #tpu.memory_space<vmem>>, vector<32x16xf32>
    %dot_general3A_12 = arith.constant dense<0.000000e+00> : vector<2000x16xf32>
    %dot_general3A_13 = tpu.matmul %get3A_8, %get3A_11, %dot_general3A_12 {dimension_numbers = #tpu.dot_dimension_numbers<[1], [0], [0], [1], [0, 0, 1, 1], [], []>, transpose_lhs_hint = false} : vector<2000x32xf32>, vector<32x16xf32>, vector<2000x16xf32> -> vector<2000x16xf32>
    %add3A = arith.addf %dot_general3A_5, %dot_general3A_13 : vector<2000x16xf32>
    %get3A_14 = arith.constant 0 : index
    %get3A_15 = arith.constant 0 : index
    %get3A_16 = vector.load %arg4[%get3A_14, %get3A_15] : memref<1x16xf32, #tpu.memory_space<vmem>>, vector<1x16xf32>
    %add3A_17 = vector.broadcast %get3A_16 : vector<1x16xf32> to vector<2000x16xf32>
    %add3A_18 = arith.addf %add3A, %add3A_17 : vector<2000x16xf32>
    %swap3A = arith.constant 0 : index
    %swap3A_19 = arith.constant 0 : index
    %swap3A_20 = vector.load %arg5[%swap3A, %swap3A_19] : memref<2000x16xf32, #tpu.memory_space<vmem>>, vector<2000x16xf32>
    tpu.vector_store %arg5[%swap3A, %swap3A_19], %add3A_18 {strides = array<i32>} : memref<2000x16xf32, #tpu.memory_space<vmem>>, vector<2000x16xf32>,
    return
  }
  func.func @transform_0(%arg0: i32) -> (i32, i32) {
    %c0_i32 = arith.constant 0 : i32
    %c0_i32_0 = arith.constant 0 : i32
    return %arg0, %c0_i32 : i32, i32
  }
  func.func @transform_1(%arg0: i32) -> (i32, i32) {
    %add3A = arith.constant 25 : i32
    %add3A_0 = arith.addi %arg0, %add3A : i32
    %c0_i32 = arith.constant 0 : i32
    %c0_i32_1 = arith.constant 0 : i32
    return %add3A_0, %c0_i32 : i32, i32
  }
  func.func @transform_2(%arg0: i32) -> (i32, i32) {
    %c0_i32 = arith.constant 0 : i32
    %c0_i32_0 = arith.constant 0 : i32
    %c0_i32_1 = arith.constant 0 : i32
    return %c0_i32, %c0_i32_0 : i32, i32
  }
  func.func @transform_3(%arg0: i32) -> (i32, i32) {
    %c0_i32 = arith.constant 0 : i32
    %c0_i32_0 = arith.constant 0 : i32
    %c0_i32_1 = arith.constant 0 : i32
    return %c0_i32, %c0_i32_0 : i32, i32
  }
  func.func @transform_4(%arg0: i32) -> (i32, i32) {
    %c0_i32 = arith.constant 0 : i32
    %c0_i32_0 = arith.constant 0 : i32
    return %arg0, %c0_i32 : i32, i32
  }
}

</mosaic_0001>

<sc_bundles>
// kernel: kernel.6.cloned.1.call-start
scs
__scs_entry_jumppad:
0x0: {  	(pc) =	sbr.rel $0x88, $3  }
0x1: {  	(tag) =	ssettag $0x0;
	lr =	simm.s32 $0x1  }
0x2: {  	[smem:$0x3F8D] =	sst lr;
	_ =	strace $0xD0000000  }
0x3: {  	_ = 	snop  }
0x4: {  	_ = 	snop  }
0x5: {  	_ = 	snop  }
0x6: {  	_ = 	snop  }
0x7: {  	_ = 	snop  }
__scs_overlays_trampoline_lowered:
0x8: {  	[smem:$0x3F9C] =	sst s0  }
0x9: {  	[smem:$0x3F9D] =	sst s1  }
0xa: {  	[smem:$0x3F9E] =	sst s2  }
0xb: {  	[smem:$0x3F9F] =	sst s3  }
0xc: {  	[smem:$0x3FA0] =	sst s4  }
0xd: {  	[smem:$0x3FA1] =	sst s5  }
0xe: {  	[smem:$0x3FA2] =	sst s6  }
0xf: {  	[smem:$0x3FA3] =	sst s7  }
0x10: {  	[smem:$0x3FA4] =	sst s8  }
0x11: {  	[smem:$0x3FA5] =	sst s9;
	s0 =	simm.s32 @!p0 $0x0  }
0x12: {  	s1 =	sld [smem:$0x3F8B];
	s0 =	simm.s32 @p0 $0x1  }
0x13: {  	[smem:$0x3FA6] =	sst s0;
	s0 =	simm.s32 @!p1 $0x0  }
0x14: {  	s2 =	sld [smem:$0x3F8A];
	s0 =	simm.s32 @p1 $0x1  }
0x15: {  	[smem:$0x3FA7] =	sst s0;
	s0 =	simm.s32 @!p2 $0x0  }
0x16: {  	s3 =	sld [smem:$0x3FDB];
	s0 =	simm.s32 @p2 $0x1  }
0x17: {  	s4 =	simm.s32 $0x1BF5;
	[smem:$0x3FA9] =	sst s0  }
0x18: {  	s0 =	sld [smem:$0x3F8C];
	_ =	swait.ge [sflag:s4], $0x0  }
0x19: {  	s7 =	sld [smem:$0x3F8D]  }
0x1a: {  	s8 =	sadd.s32 $0xFFFFE003, lr  }
0x1b: {  	s9 =	sadd.s32 $0xFFFFFEF7, lr;
	s5 =	simm.s32 $0xFFFFFFFF;
	p2 =	slt.u32 s8, $0xFFFFF086  }
0x1c: {  	p1 =	slt.u32 s9, $0xF7A;
	s5 =	simm.s32 @!p2 $0x0  }
0x1d: {  	s5 =	simm.s32 @p1 $0x1;
	p0 =	seq.s32 s7, s2  }
0x1e: {  	s7 =	smul.u32 @!p0 $0xF7A, s2;
	p2 =	seq.s32 @!p0 s5, $0x0  }
0x1f: {  	s9 =	smul.u32 $0xF7A, s1;
	s8 =	simm.s32 @!p0 $0x1BF5;
	p2 =	por !p2, p0  }
0x20: {  	[sflag:s8] =	ssyncset.s32 @!p0 $0xFFFFF086;
	s6 =	sadd.s32 @!p0 s3, s7;
	s7 =	simm.s32 @!p0 $0x108  }
0x21: {  	s3 =	sadd.s32 s3, s9;
	s6 =	sadd.s32 @!p0 $0x88, s6;
	s7 =	simm.s32 @p2 $0x1082  }
0x22: {  	[simem:s7], [sflag:s8] =	dma.local @!p0 [hbm:s6], $0xF7A  }
0x23: {  	s9 =	sor.u32 $0xD0000000, s2;
	s6 =	simm.s32 $0x108;
	_ =	swait.ge @!p0 [sflag:s8], $0x0  }
0x24: {  	s3 =	sadd.s32 $0x88, s3;
	s6 =	simm.s32 @!p1 $0x1082;
	[sflag:s4] =	ssyncset.s32 $0xFFFFF086  }
0x25: {  	[simem:s6], [sflag:s4] =	dma.local [hbm:s3], $0xF7A  }
0x26: {  	[smem:$0x3F8D] =	sst s1;
	(tag) =	ssettag s2;
	_ =	strace s9  }
0x27: {  	s1 =	sld [smem:$0x3F9D]  }
0x28: {  	s2 =	sld [smem:$0x3F9E]  }
0x29: {  	s4 =	sld [smem:$0x3FA0]  }
0x2a: {  	p0 =	seq.s32 s5, $0x0;
	s5 =	sld [smem:$0x3FA1]  }
0x2b: {  	s6 =	sld [smem:$0x3FA2]  }
0x2c: {  	s7 =	sld [smem:$0x3FA3]  }
0x2d: {  	s3 =	simm.s32 $0x108;
	s8 =	sld [smem:$0x3FA4]  }
0x2e: {  	s3 =	simm.s32 @!p0 $0x1082;
	s9 =	sld [smem:$0x3FA5]  }
0x2f: {  	lr =	sadd.s32 s0, s3;
	s0 =	sld [smem:$0x3F9C]  }
0x30: {  	s3 =	sld [smem:$0x3F9F]  }
0x31: {  	[smem:$0x3FA8] =	sst s10  }
0x32: {  	s10 =	sld [smem:$0x3FA6];
	_ =	sdelay $0x3  }
0x33: {  	p0 =	seq.s32 s10, $0x1;
	s10 =	sld [smem:$0x3FA8];
	_ =	sdelay $0x3  }
0x34: {  	[smem:$0x3FA8] =	sst s10  }
0x35: {  	s10 =	sld [smem:$0x3FA7];
	_ =	sdelay $0x3  }
0x36: {  	p1 =	seq.s32 s10, $0x1;
	s10 =	sld [smem:$0x3FA8];
	_ =	sdelay $0x3  }
0x37: {  	[smem:$0x3FA8] =	sst s10  }
0x38: {  	s10 =	sld [smem:$0x3FA9]  }
0x39: {  	_ = 	snop;
	(pc) =	sbr.ind lr, $3  }
0x3a: {  	_ = 	snop  }
0x3b: {  	_ = 	snop  }
0x3c: {  	p2 =	seq.s32 s10, $0x1;
	s10 =	sld [smem:$0x3FA8]  }
0x3d: {  	_ =	shalt  }
0x3e: {  	_ =	shalt  }
0x3f: {  	_ =	shalt  }
0x40: {  	_ =	shalt  }
0x41: {  	_ =	shalt  }
0x42: {  	_ =	shalt  }
0x43: {  	_ =	shalt  }
0x44: {  	_ =	shalt  }
0x45: {  	_ =	shalt  }
0x46: {  	_ =	shalt  }
0x47: {  	_ =	shalt  }
0x48: {  	_ =	shalt  }
0x49: {  	_ =	shalt  }
0x4a: {  	_ =	shalt  }
0x4b: {  	_ =	shalt  }
0x4c: {  	_ =	shalt  }
0x4d: {  	_ =	shalt  }
0x4e: {  	_ =	shalt  }
0x4f: {  	_ =	shalt  }
0x50: {  	_ =	shalt  }
0x51: {  	_ =	shalt  }
0x52: {  	_ =	shalt  }
0x53: {  	_ =	shalt  }
0x54: {  	_ =	shalt  }
0x55: {  	_ =	shalt  }
0x56: {  	_ =	shalt  }
0x57: {  	_ =	shalt  }
0x58: {  	_ =	shalt  }
0x59: {  	_ =	shalt  }
0x5a: {  	_ =	shalt  }
0x5b: {  	_ =	shalt  }
0x5c: {  	_ =	shalt  }
0x5d: {  	_ =	shalt  }
0x5e: {  	_ =	shalt  }
0x5f: {  	_ =	shalt  }
0x60: {  	_ =	shalt  }
0x61: {  	_ =	shalt  }
0x62: {  	_ =	shalt  }
0x63: {  	_ =	shalt  }
0x64: {  	_ =	shalt  }
0x65: {  	_ =	shalt  }
0x66: {  	_ =	shalt  }
0x67: {  	_ =	shalt  }
0x68: {  	_ =	shalt  }
0x69: {  	_ =	shalt  }
0x6a: {  	_ =	shalt  }
0x6b: {  	_ =	shalt  }
0x6c: {  	_ =	shalt  }
0x6d: {  	_ =	shalt  }
0x6e: {  	_ =	shalt  }
0x6f: {  	_ =	shalt  }
0x70: {  	_ =	shalt  }
0x71: {  	_ =	shalt  }
0x72: {  	_ =	shalt  }
0x73: {  	_ =	shalt  }
0x74: {  	_ =	shalt  }
0x75: {  	_ =	shalt  }
0x76: {  	_ =	shalt  }
0x77: {  	_ =	shalt  }
0x78: {  	_ =	shalt  }
0x79: {  	_ =	shalt  }
0x7a: {  	_ =	shalt  }
0x7b: {  	_ =	shalt  }
0x7c: {  	_ =	shalt  }
0x7d: {  	_ =	shalt  }
0x7e: {  	_ =	shalt  }
0x7f: {  	_ =	shalt  }
0x80: {  	_ =	shalt  }
0x81: {  	_ =	shalt  }
0x82: {  	_ =	shalt  }
0x83: {  	_ =	shalt  }
0x84: {  	_ =	shalt  }
0x85: {  	_ =	shalt  }
0x86: {  	_ =	shalt  }
0x87: {  	_ =	shalt  }
.Lfunc_end0:
.L_simem_size_0:
called_computation_lowered:
.L_overlay_start_0:
0x88: {  	s2 =	sld [smem:$0x3FD9]  }
0x89: {  	s3 =	sld [smem:$0x3FFE];
	_ =	sdelay $0x1  }
0x8a: {  	s1 =	srdreg.scid  }
0x8b: {  	s0 =	sand.u32 $0x1, s1  }
0x8c: {  	s16 =	sshll.u32 s0, $0xA;
	s2 =	sadd.s32 s3, s2  }
0x8d: {  	s2 =	sadd.s32 s2, s16  }
0x8e: {  	[smem:$0x3FB4] =	sst s2  }
0x8f: {  	_ = 	snop  }
0x90: {  	(tm) =	ssettm $0x1  }
0x91: {  	s17 =	sld [smem:$0x3FFB];
	_ =	sdelay $0x3  }
0x92: {  	_ =	strace s17  }
0x93: {  	s2 =	sld [smem:$0x3FFC];
	_ =	sdelay $0x3  }
0x94: {  	_ =	strace s2  }
0x95: {  	s2 =	sld [smem:$0x3FFD];
	_ =	sdelay $0x3  }
0x96: {  	_ =	strace s2  }
0x97: {  	_ =	strace $0x8FFFFFFF  }
0x98: {  	s18 =	sld [smem:$0x3FDB];
	_ =	sdelay $0x1  }
0x99: {  	s19 =	simm.s32 $_scs_section_size  }
0x9a: {  	s4 =	simm.s32 $_size__tile_overlayer_lowered;
	s5 =	simm.s32 $_tile_overlayer_lowered  }
0x9b: {  	s22 =	simm.s32 $0x1BFF;
	s21 =	sshll.u32 s5, $0x1;
	s2 =	sadd.s32 s19, s18  }
0x9c: {  	s6 =	simm.s32 $0x0;
	s20 =	sshll.u32 s4, $0x1;
	s4 =	sadd.s32 s21, s2  }
0x9d: {  	[timem:s6], [sflag:s22] =	dma.local [hbm:s4], s20  }
0x9e: {  	_ =	swait.ge [sflag:s22], s20  }
0x9f: {  	s3 =	ssub.s32 $0x0, s20;
	[sflag:s22] =	ssyncset.done $0x0  }
0xa0: {  	[sflag:s22] =	ssyncadd.s32 s3;
	_ =	sdelay $0x1  }
0xa1: {  	s23 =	simm.s32 $0x1B8B  }
0xa2: {  	_ =	swait.ge [sflag:s23], $0x1  }
0xa3: {  	[sflag:s23] =	ssyncset.done $0x0  }
0xa4: {  	s25 =	simm.s32 $0x1B8E;
	s24 =	sld [smem:$0x3FFE];
	[sflag:s23] =	ssyncadd.s32 $0xFFFFFFFF  }
0xa5: {  	s26 =	simm.s32 $execute0_lowered;
	[smem:$0x3FD2] =	sst s25  }
0xa6: {  	s4 =	sshll.u32 s26, $0x1;
	_ =	strace $0x80000046;
	[dreg:$0x1] =	wrdreg $0xFFFFFFFF  }
0xa7: {  	s28 =	simm.s32 $_size_execute0_lowered;
	s2 =	sadd.s32 s2, s4;
	[dreg:$0x0] =	wrdreg $0x0  }
0xa8: {  	s4 =	sshll.u32 s28, $0x1;
	[dreg:$0x2] =	wrdreg s2  }
0xa9: {  	[dreg:$0x3] =	wrdreg s4  }
0xaa: {  	[dreg:$0x4] =	wrdreg $0xC0  }
0xab: {  	_ =	task [dreg:s6], $0x5FFFF  }
0xac: {  	[dreg:$0x1] =	wrdreg $0xFFFFFFFF  }
0xad: {  	[dreg:$0x0] =	wrdreg $0x60  }
0xae: {  	[dreg:$0x2] =	wrdreg s24  }
0xaf: {  	[dreg:$0x3] =	wrdreg $0x0  }
0xb0: {  	[dreg:$0x4] =	wrdreg $0x9  }
0xb1: {  	_ =	task.clear_ibuf [dreg:s6], $0x5FFFF;
	_ =	strace $0x90000046  }
0xb2: {  	s29 =	simm.s32 $0x9;
	_ =	strace $0x80000048  }
0xb3: {  	_ =	swait.ge [sflag:s29], $0x1  }
0xb4: {  	[sflag:s29] =	ssyncadd.s32 $0xFFFFFFFF  }
0xb5: {  	_ =	strace $0x90000048  }
0xb6: {  	_ =	sfence  }
0xb7: {  	s30 =	sld [smem:$0x0];
	_ =	sdelay $0x2  }
0xb8: {  	s31 =	sshll.u32 s1, $0xD;
	s1 =	sshrl.u32 s1, $0x2  }
0xb9: {  	s3 =	sand.u32 $0x4000, s31;
	s1 =	sadd.s32 s1, s30  }
0xba: {  	s0 =	sor.u32 s3, s0;
	s1 =	sshll.u32 s1, $0x11  }
0xbb: {  	s0 =	sor.u32 s1, s0  }
0xbc: {  	s0 =	sadd.s32 $0x8F2B, s0  }
0xbd: {  	[sflag:s0] =	ssyncadd.remote.s32 $0x1  }
0xbe: {  	_ =	sfence.sel $0xFFFF  }
0xbf: {  	[dreg:$0x0] =	wrdreg $0xFFFFFFFF;
	(pc) =	sbr.abs _section_cstart, $3  }
0xc0: {  	[dreg:$0x1] =	wrdreg $0xFFFFFFFF  }
0xc1: {  	_ =	task.clear_ibuf [dreg:s6], $0x2FFFF;
	_ =	strace $0x9FFFFFFF  }
0xc2: {  	(tm) =	ssettm $0x7FFFFFFF  }
0xc3: {  	_ =	shalt  }
tec
execute0_lowered:
.L_overlay_start_1:
0x0: {  	(tag) =	ssettag $0x1  }
0x1: {  	s2 =	rddreg [dreg:$0x0]  }
0x2: {  	s1 =	rddreg [dreg:$0x1];
	s0 =	simm.s32 $0x0  }
0x3: {  	s10 =	srdreg.scid;
	[smem:$0x7FF] =	sst s0  }
0x4: {  	s7 =	sadd.s32 $0x127400, s2;
	s18 =	sadd.s32 $0x63C00, s2;
	s19 =	sadd.s32 $0xC5800, s2  }
0x5: {  	s26 =	stileid.u32;
	s3 =	sadd.s32 $0x1A1800, s2;
	s5 =	sadd.s32 $0x265800, s2  }
0x6: {  	s0 =	sadd.s32 $0x2000, s2;
	s6 =	sadd.s32 $0x234800, s2;
	s16 =	smul.u32 $0xC35, s26  }
0x7: {  	s9 =	sadd.s32 $0x296800, s2;
	s15 =	sand.u32 $0x1, s10;
	s22 =	smul.u32 $0x61A80, s26  }
0x8: {  	s4 =	sadd.s32 $0x189000, s2;
	s10 =	sadd.s32 $0x203800, s2;
	s20 =	smul.u32 $0xC350, s15  }
0x9: {  	s8 =	sadd.s32 $0x21C000, s2;
	s11 =	sadd.s32 $0x1EB000, s2;
	_ =	strace $0x80000047  }
0xa: {  	s17 =	ssub.s32 $0x2, s15;
	s22 =	sshrl.u32 s22, $0x2;
	s16 =	sadd.s32 s16, s20  }
0xb: {  	s21 =	sshrl.u32 s17, $0x1;
	s28 =	sadd.s32 s22, s1;
	s23 =	sshll.u32 s16, $0x2  }
0xc: {  	v0 =	vmov s20;
	s20 =	sadd.s32 $0x18000, s28;
	[dreg:$0x3] =	wrdreg s28;
	s24 =	sadd.s32 $0x3000, s23  }
0xd: {  	s16 =	sadd.s32 $0x310C00, s2;
	[smem:$0x7F8] =	sst s20;
	s25 =	sadd.s32 s7, s24  }
0xe: {  	s21 =	ssub.s32 s17, s21;
	s31 =	sadd.s32 s16, s24;
	[dreg:$0x4] =	wrdreg s25  }
0xf: {  	s17 =	sadd.s32 $0x2AF000, s2;
	s22 =	sadd.s32 s18, s24;
	[dreg:$0x5] =	wrdreg s31  }
0x10: {  	s12 =	sadd.s32 $0x27E000, s2;
	[dreg:$0x6] =	wrdreg s22;
	s25 =	sadd.s32 s17, s24  }
0x11: {  	s13 =	sadd.s32 $0x1D2800, s2;
	s31 =	sadd.s32 s19, s24;
	[dreg:$0x7] =	wrdreg s25  }
0x12: {  	s14 =	sadd.s32 $0x1BA000, s2;
	s22 =	sadd.s32 s0, s24;
	[dreg:$0x8] =	wrdreg s31  }
0x13: {  	s15 =	sadd.s32 $0x24D000, s2;
	s24 =	smax.u32 s21, $0x1;
	[dreg:$0x9] =	wrdreg s22  }
0x14: {  	s2 =	sadd.s32 $0x800, s23;
	[dreg:$0xa] =	wrdreg s24;
	s25 =	sadd.s32 s7, s23  }
0x15: {  	s21 =	sadd.s32 $0x1000, s23;
	s31 =	sadd.s32 s7, s2;
	[dreg:$0xb] =	wrdreg s25  }
0x16: {  	s24 =	sadd.s32 s7, s21;
	s22 =	sadd.s32 $0x1800, s23;
	[dreg:$0xc] =	wrdreg s31  }
0x17: {  	[dreg:$0xd] =	wrdreg s24;
	s25 =	sadd.s32 s7, s22  }
0x18: {  	s24 =	sadd.s32 $0x2000, s23;
	s31 =	sadd.s32 s18, s23;
	[dreg:$0xe] =	wrdreg s25  }
0x19: {  	s29 =	sadd.s32 s7, s24;
	[dreg:$0x11] =	wrdreg s31  }
0x1a: {  	s25 =	sadd.s32 $0x2800, s23;
	s31 =	sadd.s32 s18, s2;
	[dreg:$0xf] =	wrdreg s29  }
0x1b: {  	s7 =	sadd.s32 s7, s25;
	[dreg:$0x12] =	wrdreg s31  }
0x1c: {  	s31 =	sadd.s32 s18, s21;
	[dreg:$0x10] =	wrdreg s7  }
0x1d: {  	s29 =	sadd.s32 $0x10000, s28;
	[dreg:$0x13] =	wrdreg s31  }
0x1e: {  	s31 =	sadd.s32 s18, s22;
	[smem:$0x7FC] =	sst s29  }
0x1f: {  	s7 =	sadd.s32 s16, s22;
	[dreg:$0x14] =	wrdreg s31  }
0x20: {  	s31 =	sadd.s32 s18, s24;
	[smem:$0x7EF] =	sst s7  }
0x21: {  	[dreg:$0x15] =	wrdreg s31;
	s31 =	sadd.s32 s18, s25  }
0x22: {  	s18 =	sadd.s32 s19, s23;
	[dreg:$0x16] =	wrdreg s31  }
0x23: {  	[dreg:$0x17] =	wrdreg s18;
	s31 =	sadd.s32 s19, s2  }
0x24: {  	s18 =	sadd.s32 s19, s21;
	[dreg:$0x18] =	wrdreg s31  }
0x25: {  	[dreg:$0x19] =	wrdreg s18;
	s31 =	sadd.s32 s19, s22  }
0x26: {  	s18 =	sadd.s32 s19, s24;
	[dreg:$0x1a] =	wrdreg s31  }
0x27: {  	[dreg:$0x1b] =	wrdreg s18;
	s31 =	sadd.s32 s19, s25  }
0x28: {  	s18 =	sadd.s32 s16, s23;
	[dreg:$0x1c] =	wrdreg s31  }
0x29: {  	s19 =	sadd.s32 s17, s23;
	[dreg:$0x1d] =	wrdreg s18  }
0x2a: {  	s23 =	sadd.s32 s0, s23;
	[dreg:$0x1e] =	wrdreg s19  }
0x2b: {  	[dreg:$0x1f] =	wrdreg s23;
	s31 =	sadd.s32 s16, s2  }
0x2c: {  	s18 =	sadd.s32 s17, s2;
	[smem:$0x7E9] =	sst s31  }
0x2d: {  	s2 =	sadd.s32 s0, s2;
	[smem:$0x7EA] =	sst s18  }
0x2e: {  	s19 =	sadd.s32 s16, s21;
	[smem:$0x7EB] =	sst s2  }
0x2f: {  	s23 =	sadd.s32 s17, s21;
	[smem:$0x7EC] =	sst s19  }
0x30: {  	[smem:$0x7ED] =	sst s23;
	s31 =	sadd.s32 s0, s21  }
0x31: {  	s18 =	sadd.s32 s17, s22;
	[smem:$0x7EE] =	sst s31  }
0x32: {  	s19 =	sadd.s32 s0, s22;
	[smem:$0x7F0] =	sst s18  }
0x33: {  	s21 =	sadd.s32 s16, s24;
	[smem:$0x7F1] =	sst s19  }
0x34: {  	s22 =	sadd.s32 s17, s24;
	[smem:$0x7F2] =	sst s21  }
0x35: {  	s23 =	sadd.s32 s0, s24;
	[smem:$0x7F3] =	sst s22  }
0x36: {  	s0 =	sadd.s32 s0, s25;
	[smem:$0x7F4] =	sst s23  }
0x37: {  	s24 =	sadd.s32 s16, s25;
	[smem:$0x7F5] =	sst s0  }
0x38: {  	v1 =	vimm.s32 $0x0;
	s30 =	simm.s32 $0x1B0A0;
	[smem:$0x7F6] =	sst s24;
	s31 =	sadd.s32 s17, s25  }
0x39: {  	v2 =	vimm.s32 $0x1;
	v3 =	vimm.s32 $0x2;
	v4 =	vimm.s32 $0x3;
	s7 =	simm.s32 $0x186A0;
	s21 =	sadd.s32 $0x4000, s28;
	[smem:$0x7F7] =	sst s31  }
0x3a: {  	v5 =	vimm.s32 $0x4;
	v6 =	vimm.s32 $0x5;
	v7 =	vimm.s32 $0x6;
	s22 =	smul.u32 $0xC400, s26;
	s23 =	sadd.s32 $0x8000, s28;
	[smem:$0x7F9] =	sst s21  }
0x3b: {  	v8 =	vimm.s32 $0x7;
	v9 =	vimm.s32 $0x8;
	v10 =	vimm.s32 $0x9;
	s25 =	sadd.s32 $0xC000, s28;
	s19 =	sadd.s32 $0x14000, s28;
	[smem:$0x7FA] =	sst s23  }
0x3c: {  	v11 =	vimm.s32 $0xA;
	v12 =	vimm.s32 $0xB;
	v13 =	vimm.s32 $0xC;
	s0 =	simm.s32 $0x1;
	s26 =	simm.s32 $0x194A0;
	[smem:$0x7FB] =	sst s25  }
0x3d: {  	v14 =	vimm.s32 $0xD;
	v15 =	vimm.s32 $0xE;
	v16 =	vimm.s32 $0xF;
	s24 =	simm.s32 $0x200;
	s18 =	simm.s32 $0x0;
	[smem:$0x7FD] =	sst s19  }
.LBB2_1:
0x3e: {  	[smem:$0x7E8] =	sst s18  }
0x3f: {  	s2 =	simm.s32 $0x0;
	s18 =	rddreg [dreg:$0xb]  }
0x40: {  	[tilespmem:s30], [sflag:$0x1] =	stream.linear.gather [hbm4b:s18+s2], $0x4000, $0x38;
	[tilespmem:$0x1F0A0] =	vst v63  }
0x41: {  	_ =	swait.ge [sflag:s0], $0x4000  }
0x42: {  	[sflag:s0] =	ssyncset.done $0x0  }
0x43: {  	s18 =	rddreg [dreg:$0x1d];
	[sflag:s0] =	ssyncadd.s32 $0xFFFFC000  }
0x44: {  	[hbm4b:s18+s2] =	stream.linear.scatter [tilespmem:s30], [sflag:$0x1], $0x4000, $0x38;
	[tilespmem:$0x1F0A0] =	vst v63  }
0x45: {  	_ =	swait.ge [sflag:s0], $0x4000  }
0x46: {  	[sflag:s0] =	ssyncset.done $0x0  }
0x47: {  	s18 =	rddreg [dreg:$0xc];
	[sflag:s0] =	ssyncadd.s32 $0xFFFFC000  }
0x48: {  	[tilespmem:s30], [sflag:$0x1] =	stream.linear.gather [hbm4b:s18+s2], $0x4000, $0x38;
	[tilespmem:$0x1F0A0] =	vst v63  }
0x49: {  	_ =	swait.ge [sflag:s0], $0x4000  }
0x4a: {  	s18 =	sld [smem:$0x7E9]  }
0x4b: {  	[sflag:s0] =	ssyncset.done $0x0  }
0x4c: {  	[sflag:s0] =	ssyncadd.s32 $0xFFFFC000  }
0x4d: {  	[hbm4b:s18+s2] =	stream.linear.scatter [tilespmem:s30], [sflag:$0x1], $0x4000, $0x38;
	[tilespmem:$0x1F0A0] =	vst v63  }
0x4e: {  	_ =	swait.ge [sflag:s0], $0x4000  }
0x4f: {  	[sflag:s0] =	ssyncset.done $0x0  }
0x50: {  	s18 =	rddreg [dreg:$0xd];
	[sflag:s0] =	ssyncadd.s32 $0xFFFFC000  }
0x51: {  	[tilespmem:s30], [sflag:$0x1] =	stream.linear.gather [hbm4b:s18+s2], $0x4000, $0x38;
	[tilespmem:$0x1F0A0] =	vst v63  }
0x52: {  	_ =	swait.ge [sflag:s0], $0x4000  }
0x53: {  	s18 =	sld [smem:$0x7EC]  }
0x54: {  	[sflag:s0] =	ssyncset.done $0x0  }
0x55: {  	[sflag:s0] =	ssyncadd.s32 $0xFFFFC000  }
0x56: {  	[hbm4b:s18+s2] =	stream.linear.scatter [tilespmem:s30], [sflag:$0x1], $0x4000, $0x38;
	[tilespmem:$0x1F0A0] =	vst v63  }
0x57: {  	_ =	swait.ge [sflag:s0], $0x4000  }
0x58: {  	[sflag:s0] =	ssyncset.done $0x0  }
0x59: {  	s18 =	rddreg [dreg:$0xe];
	[sflag:s0] =	ssyncadd.s32 $0xFFFFC000  }
0x5a: {  	[tilespmem:s30], [sflag:$0x1] =	stream.linear.gather [hbm4b:s18+s2], $0x4000, $0x38;
	[tilespmem:$0x1F0A0] =	vst v63  }
0x5b: {  	_ =	swait.ge [sflag:s0], $0x4000  }
0x5c: {  	s18 =	sld [smem:$0x7EF]  }
0x5d: {  	[sflag:s0] =	ssyncset.done $0x0  }
0x5e: {  	[sflag:s0] =	ssyncadd.s32 $0xFFFFC000  }
0x5f: {  	[hbm4b:s18+s2] =	stream.linear.scatter [tilespmem:s30], [sflag:$0x1], $0x4000, $0x38;
	[tilespmem:$0x1F0A0] =	vst v63  }
0x60: {  	_ =	swait.ge [sflag:s0], $0x4000  }
0x61: {  	[sflag:s0] =	ssyncset.done $0x0  }
0x62: {  	s18 =	rddreg [dreg:$0xf];
	[sflag:s0] =	ssyncadd.s32 $0xFFFFC000  }
0x63: {  	[tilespmem:s30], [sflag:$0x1] =	stream.linear.gather [hbm4b:s18+s2], $0x4000, $0x38;
	[tilespmem:$0x1F0A0] =	vst v63  }
0x64: {  	_ =	swait.ge [sflag:s0], $0x4000  }
0x65: {  	s18 =	sld [smem:$0x7F2]  }
0x66: {  	[sflag:s0] =	ssyncset.done $0x0  }
0x67: {  	[sflag:s0] =	ssyncadd.s32 $0xFFFFC000  }
0x68: {  	[hbm4b:s18+s2] =	stream.linear.scatter [tilespmem:s30], [sflag:$0x1], $0x4000, $0x38;
	[tilespmem:$0x1F0A0] =	vst v63  }
0x69: {  	_ =	swait.ge [sflag:s0], $0x4000  }
0x6a: {  	[sflag:s0] =	ssyncset.done $0x0  }
0x6b: {  	s18 =	rddreg [dreg:$0x10];
	[sflag:s0] =	ssyncadd.s32 $0xFFFFC000  }
0x6c: {  	[tilespmem:s30], [sflag:$0x1] =	stream.linear.gather [hbm4b:s18+s2], $0x4000, $0x38;
	[tilespmem:$0x1F0A0] =	vst v63  }
0x6d: {  	_ =	swait.ge [sflag:s0], $0x4000  }
0x6e: {  	s18 =	sld [smem:$0x7F6]  }
0x6f: {  	[sflag:s0] =	ssyncset.done $0x0  }
0x70: {  	[sflag:s0] =	ssyncadd.s32 $0xFFFFC000  }
0x71: {  	[hbm4b:s18+s2] =	stream.linear.scatter [tilespmem:s30], [sflag:$0x1], $0x4000, $0x38;
	[tilespmem:$0x1F0A0] =	vst v63  }
0x72: {  	_ =	swait.ge [sflag:s0], $0x4000  }
0x73: {  	[sflag:s0] =	ssyncset.done $0x0  }
0x74: {  	s18 =	rddreg [dreg:$0x4];
	[sflag:s0] =	ssyncadd.s32 $0xFFFFC000  }
0x75: {  	[tilespmem:s30], [sflag:$0x1] =	stream.linear.gather [hbm4b:s18+s2], $0x6A0, $0x38;
	[tilespmem:$0x1F0A0] =	vst v63  }
0x76: {  	_ =	swait.ge [sflag:s0], $0x6A0  }
0x77: {  	[sflag:s0] =	ssyncset.done $0x0  }
0x78: {  	s18 =	rddreg [dreg:$0x5];
	[sflag:s0] =	ssyncadd.s32 $0xFFFFF960  }
0x79: {  	[hbm4b:s18+s2] =	stream.linear.scatter [tilespmem:s30], [sflag:$0x1], $0x6A0, $0x38;
	[tilespmem:$0x1F0A0] =	vst v63  }
0x7a: {  	_ =	swait.ge [sflag:s0], $0x6A0  }
0x7b: {  	[sflag:s0] =	ssyncset.done $0x0  }
0x7c: {  	s18 =	rddreg [dreg:$0x11];
	[sflag:s0] =	ssyncadd.s32 $0xFFFFF960  }
0x7d: {  	[tilespmem:s30], [sflag:$0x1] =	stream.linear.gather [hbm4b:s18+s2], $0x4000, $0x38;
	[tilespmem:$0x1F0A0] =	vst v63  }
0x7e: {  	_ =	swait.ge [sflag:s0], $0x4000  }
0x7f: {  	[sflag:s0] =	ssyncset.done $0x0  }
0x80: {  	s18 =	rddreg [dreg:$0x1e];
	[sflag:s0] =	ssyncadd.s32 $0xFFFFC000  }
0x81: {  	[hbm4b:s18+s2] =	stream.linear.scatter [tilespmem:s30], [sflag:$0x1], $0x4000, $0x38;
	[tilespmem:$0x1F0A0] =	vst v63  }
0x82: {  	_ =	swait.ge [sflag:s0], $0x4000  }
0x83: {  	[sflag:s0] =	ssyncset.done $0x0  }
0x84: {  	s18 =	rddreg [dreg:$0x12];
	[sflag:s0] =	ssyncadd.s32 $0xFFFFC000  }
0x85: {  	[tilespmem:s30], [sflag:$0x1] =	stream.linear.gather [hbm4b:s18+s2], $0x4000, $0x38;
	[tilespmem:$0x1F0A0] =	vst v63  }
0x86: {  	_ =	swait.ge [sflag:s0], $0x4000  }
0x87: {  	s18 =	sld [smem:$0x7EA]  }
0x88: {  	[sflag:s0] =	ssyncset.done $0x0  }
0x89: {  	[sflag:s0] =	ssyncadd.s32 $0xFFFFC000  }
0x8a: {  	[hbm4b:s18+s2] =	stream.linear.scatter [tilespmem:s30], [sflag:$0x1], $0x4000, $0x38;
	[tilespmem:$0x1F0A0] =	vst v63  }
0x8b: {  	_ =	swait.ge [sflag:s0], $0x4000  }
0x8c: {  	[sflag:s0] =	ssyncset.done $0x0  }
0x8d: {  	s18 =	rddreg [dreg:$0x13];
	[sflag:s0] =	ssyncadd.s32 $0xFFFFC000  }
0x8e: {  	[tilespmem:s30], [sflag:$0x1] =	stream.linear.gather [hbm4b:s18+s2], $0x4000, $0x38;
	[tilespmem:$0x1F0A0] =	vst v63  }
0x8f: {  	_ =	swait.ge [sflag:s0], $0x4000  }
0x90: {  	s18 =	sld [smem:$0x7ED]  }
0x91: {  	[sflag:s0] =	ssyncset.done $0x0  }
0x92: {  	[sflag:s0] =	ssyncadd.s32 $0xFFFFC000  }
0x93: {  	[hbm4b:s18+s2] =	stream.linear.scatter [tilespmem:s30], [sflag:$0x1], $0x4000, $0x38;
	[tilespmem:$0x1F0A0] =	vst v63  }
0x94: {  	_ =	swait.ge [sflag:s0], $0x4000  }
0x95: {  	[sflag:s0] =	ssyncset.done $0x0  }
0x96: {  	s18 =	rddreg [dreg:$0x14];
	[sflag:s0] =	ssyncadd.s32 $0xFFFFC000  }
0x97: {  	[tilespmem:s30], [sflag:$0x1] =	stream.linear.gather [hbm4b:s18+s2], $0x4000, $0x38;
	[tilespmem:$0x1F0A0] =	vst v63  }
0x98: {  	_ =	swait.ge [sflag:s0], $0x4000  }
0x99: {  	s18 =	sld [smem:$0x7F0]  }
0x9a: {  	[sflag:s0] =	ssyncset.done $0x0  }
0x9b: {  	[sflag:s0] =	ssyncadd.s32 $0xFFFFC000  }
0x9c: {  	[hbm4b:s18+s2] =	stream.linear.scatter [tilespmem:s30], [sflag:$0x1], $0x4000, $0x38;
	[tilespmem:$0x1F0A0] =	vst v63  }
0x9d: {  	_ =	swait.ge [sflag:s0], $0x4000  }
0x9e: {  	[sflag:s0] =	ssyncset.done $0x0  }
0x9f: {  	s18 =	rddreg [dreg:$0x15];
	[sflag:s0] =	ssyncadd.s32 $0xFFFFC000  }
0xa0: {  	[tilespmem:s30], [sflag:$0x1] =	stream.linear.gather [hbm4b:s18+s2], $0x4000, $0x38;
	[tilespmem:$0x1F0A0] =	vst v63  }
0xa1: {  	_ =	swait.ge [sflag:s0], $0x4000  }
0xa2: {  	s18 =	sld [smem:$0x7F3]  }
0xa3: {  	[sflag:s0] =	ssyncset.done $0x0  }
0xa4: {  	[sflag:s0] =	ssyncadd.s32 $0xFFFFC000  }
0xa5: {  	[hbm4b:s18+s2] =	stream.linear.scatter [tilespmem:s30], [sflag:$0x1], $0x4000, $0x38;
	[tilespmem:$0x1F0A0] =	vst v63  }
0xa6: {  	_ =	swait.ge [sflag:s0], $0x4000  }
0xa7: {  	[sflag:s0] =	ssyncset.done $0x0  }
0xa8: {  	s18 =	rddreg [dreg:$0x16];
	[sflag:s0] =	ssyncadd.s32 $0xFFFFC000  }
0xa9: {  	[tilespmem:s30], [sflag:$0x1] =	stream.linear.gather [hbm4b:s18+s2], $0x4000, $0x38;
	[tilespmem:$0x1F0A0] =	vst v63  }
0xaa: {  	_ =	swait.ge [sflag:s0], $0x4000  }
0xab: {  	s18 =	sld [smem:$0x7F7]  }
0xac: {  	[sflag:s0] =	ssyncset.done $0x0  }
0xad: {  	[sflag:s0] =	ssyncadd.s32 $0xFFFFC000  }
0xae: {  	[hbm4b:s18+s2] =	stream.linear.scatter [tilespmem:s30], [sflag:$0x1], $0x4000, $0x38;
	[tilespmem:$0x1F0A0] =	vst v63  }
0xaf: {  	_ =	swait.ge [sflag:s0], $0x4000  }
0xb0: {  	[sflag:s0] =	ssyncset.done $0x0  }
0xb1: {  	s18 =	rddreg [dreg:$0x6];
	[sflag:s0] =	ssyncadd.s32 $0xFFFFC000  }
0xb2: {  	[tilespmem:s30], [sflag:$0x1] =	stream.linear.gather [hbm4b:s18+s2], $0x6A0, $0x38;
	[tilespmem:$0x1F0A0] =	vst v63  }
0xb3: {  	_ =	swait.ge [sflag:s0], $0x6A0  }
0xb4: {  	[sflag:s0] =	ssyncset.done $0x0  }
0xb5: {  	s18 =	rddreg [dreg:$0x7];
	[sflag:s0] =	ssyncadd.s32 $0xFFFFF960  }
0xb6: {  	[hbm4b:s18+s2] =	stream.linear.scatter [tilespmem:s30], [sflag:$0x1], $0x6A0, $0x38;
	[tilespmem:$0x1F0A0] =	vst v63  }
0xb7: {  	_ =	swait.ge [sflag:s0], $0x6A0  }
0xb8: {  	[sflag:s0] =	ssyncset.done $0x0  }
0xb9: {  	[sflag:s0] =	ssyncadd.s32 $0xFFFFF960  }
0xba: {  	s31 =	simm.s32 $0x0;
	[bflag:$0x0] =	sbarrier.arrive $0xFFFF  }
.LBB2_2:
0xbb: {  	s18 =	smov.u32 s19;
	s19 =	simm.s32 $0x0;
	s2 =	rddreg [dreg:$0x17]  }
0xbc: {  	[tilespmem:s30], [sflag:$0x1] =	stream.linear.gather [hbm4b:s2+s19], $0x4000, $0x38;
	[tilespmem:$0x1F0A0] =	vst v63  }
0xbd: {  	_ =	swait.ge [sflag:s0], $0x4000  }
0xbe: {  	[sflag:s0] =	ssyncset.done $0x0  }
0xbf: {  	[sflag:s0] =	ssyncadd.s32 $0xFFFFC000  }
0xc0: {  	[spmem:s28] =	stream.linear.scatter [tilespmem:s30], [sflag:$0x1], $0x4000, $0x38;
	[tilespmem:$0x1F0A0] =	vst v63  }
0xc1: {  	_ =	swait.ge [sflag:s0], $0x4000  }
0xc2: {  	[sflag:s0] =	ssyncset.done $0x0  }
0xc3: {  	s28 =	rddreg [dreg:$0x18];
	[sflag:s0] =	ssyncadd.s32 $0xFFFFC000  }
0xc4: {  	[tilespmem:s30], [sflag:$0x1] =	stream.linear.gather [hbm4b:s28+s19], $0x4000, $0x38;
	[tilespmem:$0x1F0A0] =	vst v63  }
0xc5: {  	_ =	swait.ge [sflag:s0], $0x4000  }
0xc6: {  	[sflag:s0] =	ssyncset.done $0x0  }
0xc7: {  	[sflag:s0] =	ssyncadd.s32 $0xFFFFC000  }
0xc8: {  	[spmem:s21] =	stream.linear.scatter [tilespmem:s30], [sflag:$0x1], $0x4000, $0x38;
	[tilespmem:$0x1F0A0] =	vst v63  }
0xc9: {  	_ =	swait.ge [sflag:s0], $0x4000  }
0xca: {  	[sflag:s0] =	ssyncset.done $0x0  }
0xcb: {  	s21 =	rddreg [dreg:$0x19];
	[sflag:s0] =	ssyncadd.s32 $0xFFFFC000  }
0xcc: {  	[tilespmem:s30], [sflag:$0x1] =	stream.linear.gather [hbm4b:s21+s19], $0x4000, $0x38;
	[tilespmem:$0x1F0A0] =	vst v63  }
0xcd: {  	_ =	swait.ge [sflag:s0], $0x4000  }
0xce: {  	[sflag:s0] =	ssyncset.done $0x0  }
0xcf: {  	[sflag:s0] =	ssyncadd.s32 $0xFFFFC000  }
0xd0: {  	[spmem:s23] =	stream.linear.scatter [tilespmem:s30], [sflag:$0x1], $0x4000, $0x38;
	[tilespmem:$0x1F0A0] =	vst v63  }
0xd1: {  	_ =	swait.ge [sflag:s0], $0x4000  }
0xd2: {  	[sflag:s0] =	ssyncset.done $0x0  }
0xd3: {  	s23 =	rddreg [dreg:$0x1a];
	[sflag:s0] =	ssyncadd.s32 $0xFFFFC000  }
0xd4: {  	[tilespmem:s30], [sflag:$0x1] =	stream.linear.gather [hbm4b:s23+s19], $0x4000, $0x38;
	[tilespmem:$0x1F0A0] =	vst v63  }
0xd5: {  	_ =	swait.ge [sflag:s0], $0x4000  }
0xd6: {  	[sflag:s0] =	ssyncset.done $0x0  }
0xd7: {  	[sflag:s0] =	ssyncadd.s32 $0xFFFFC000  }
0xd8: {  	[spmem:s25] =	stream.linear.scatter [tilespmem:s30], [sflag:$0x1], $0x4000, $0x38;
	[tilespmem:$0x1F0A0] =	vst v63  }
0xd9: {  	_ =	swait.ge [sflag:s0], $0x4000  }
0xda: {  	[sflag:s0] =	ssyncset.done $0x0  }
0xdb: {  	s25 =	rddreg [dreg:$0x1b];
	[sflag:s0] =	ssyncadd.s32 $0xFFFFC000  }
0xdc: {  	[tilespmem:s30], [sflag:$0x1] =	stream.linear.gather [hbm4b:s25+s19], $0x4000, $0x38;
	[tilespmem:$0x1F0A0] =	vst v63  }
0xdd: {  	_ =	swait.ge [sflag:s0], $0x4000  }
0xde: {  	[sflag:s0] =	ssyncset.done $0x0  }
0xdf: {  	[sflag:s0] =	ssyncadd.s32 $0xFFFFC000  }
0xe0: {  	[spmem:s29] =	stream.linear.scatter [tilespmem:s30], [sflag:$0x1], $0x4000, $0x38;
	[tilespmem:$0x1F0A0] =	vst v63  }
0xe1: {  	_ =	swait.ge [sflag:s0], $0x4000  }
0xe2: {  	[sflag:s0] =	ssyncset.done $0x0  }
0xe3: {  	s28 =	rddreg [dreg:$0x1c];
	[sflag:s0] =	ssyncadd.s32 $0xFFFFC000  }
0xe4: {  	[tilespmem:s30], [sflag:$0x1] =	stream.linear.gather [hbm4b:s28+s19], $0x4000, $0x38;
	[tilespmem:$0x1F0A0] =	vst v63  }
0xe5: {  	_ =	swait.ge [sflag:s0], $0x4000  }
0xe6: {  	[sflag:s0] =	ssyncset.done $0x0  }
0xe7: {  	[sflag:s0] =	ssyncadd.s32 $0xFFFFC000  }
0xe8: {  	[spmem:s18] =	stream.linear.scatter [tilespmem:s30], [sflag:$0x1], $0x4000, $0x38;
	[tilespmem:$0x1F0A0] =	vst v63  }
0xe9: {  	_ =	swait.ge [sflag:s0], $0x4000  }
0xea: {  	[sflag:s0] =	ssyncset.done $0x0  }
0xeb: {  	s29 =	rddreg [dreg:$0x8];
	[sflag:s0] =	ssyncadd.s32 $0xFFFFC000  }
0xec: {  	[tilespmem:s30], [sflag:$0x1] =	stream.linear.gather [hbm4b:s29+s19], $0x6A0, $0x38;
	[tilespmem:$0x1F0A0] =	vst v63  }
0xed: {  	_ =	swait.ge [sflag:s0], $0x6A0  }
0xee: {  	[sflag:s0] =	ssyncset.done $0x0  }
0xef: {  	[sflag:s0] =	ssyncadd.s32 $0xFFFFF960  }
0xf0: {  	[spmem:s20] =	stream.linear.scatter [tilespmem:s30], [sflag:$0x1], $0x6A0, $0x38;
	[tilespmem:$0x1F0A0] =	vst v63  }
0xf1: {  	_ =	swait.ge [sflag:s0], $0x6A0  }
0xf2: {  	[sflag:s0] =	ssyncset.done $0x0  }
0xf3: {  	[sflag:s0] =	ssyncadd.s32 $0xFFFFF960  }
0xf4: {  	s18 =	simm.s32 $0x0;
	[bflag:$0x0] =	sbarrier.arrive $0xFFFF  }
.LBB2_3:
0xf5: {  	s2 =	smul.u32 $0xE00, s18;
	_ =	sdelay $0x1  }
0xf6: {  	s2 =	sadd.s32 s22, s2  }
0xf7: {  	s2 =	sshrl.u32 s2, $0x3  }
0xf8: {  	s20 =	sadd.s32 s3, s2  }
0xf9: {  	[tilespmem:s7], [sflag:$0x1] =	stream.linear.gather [hbm4b:s20+s19], $0xE00, $0x38;
	[tilespmem:$0x1F0A0] =	vst v63  }
0xfa: {  	_ =	swait.ge [sflag:s0], $0xE00  }
0xfb: {  	[sflag:s0] =	ssyncset.done $0x0  }
0xfc: {  	s28 =	sadd.s32 s4, s2;
	[sflag:s0] =	ssyncadd.s32 $0xFFFFF200  }
0xfd: {  	[tilespmem:s26], [sflag:$0x1] =	stream.linear.gather [hbm4b:s28+s19], $0xE00, $0x38;
	[tilespmem:$0x1F0A0] =	vst v63  }
0xfe: {  	_ =	swait.ge [sflag:s0], $0xE00  }
0xff: {  	[sflag:s0] =	ssyncset.done $0x0  }
0x100: {  	s29 =	sadd.s32 s5, s2;
	s2 =	simm.s32 $0x1A2A0;
	[sflag:s0] =	ssyncadd.s32 $0xFFFFF200  }
0x101: {  	[tilespmem:s2], [sflag:$0x1] =	stream.linear.gather [hbm4b:s29+s19], $0xE00, $0x38;
	[tilespmem:$0x1F0A0] =	vst v63  }
0x102: {  	_ =	swait.ge [sflag:s0], $0xE00  }
0x103: {  	[sflag:s0] =	ssyncset.done $0x0  }
0x104: {  	s20 =	simm.s32 $0x0;
	[sflag:s0] =	ssyncadd.s32 $0xFFFFF200  }
.LBB2_4:
0x105: {  	s21 =	sshll.u32 s20, $0x9  }
0x106: {  	v17 =	vld [tilespmem:s21+$0x186A0]  }
0x107: {  	v18 =	vld [tilespmem:s21+$0x186B0]  }
0x108: {  	v19 =	vld [tilespmem:s21+$0x186C0]  }
0x109: {  	v20 =	vld [tilespmem:s21+$0x186D0]  }
0x10a: {  	v21 =	vld [tilespmem:s21+$0x186E0]  }
0x10b: {  	v22 =	vld [tilespmem:s21+$0x186F0];
	v17 =	vadd.s32 v0, v17  }
0x10c: {  	[tilespmem:s21+$0x186A0] =	vst v17;
	v17 =	vadd.s32 v0, v18;
	v18 =	vld [tilespmem:s21+$0x18700]  }
0x10d: {  	[tilespmem:s21+$0x186B0] =	vst v17;
	v17 =	vadd.s32 v0, v19;
	v19 =	vld [tilespmem:s21+$0x18710]  }
0x10e: {  	[tilespmem:s21+$0x186C0] =	vst v17;
	v17 =	vadd.s32 v0, v20;
	v20 =	vld [tilespmem:s21+$0x18720]  }
0x10f: {  	[tilespmem:s21+$0x186D0] =	vst v17;
	v17 =	vadd.s32 v0, v21;
	v21 =	vld [tilespmem:s21+$0x18730]  }
0x110: {  	[tilespmem:s21+$0x186E0] =	vst v17;
	v17 =	vadd.s32 v0, v22;
	v22 =	vld [tilespmem:s21+$0x18740]  }
0x111: {  	[tilespmem:s21+$0x186F0] =	vst v17;
	v17 =	vadd.s32 v0, v18;
	v18 =	vld [tilespmem:s21+$0x18750]  }
0x112: {  	[tilespmem:s21+$0x18700] =	vst v17;
	v17 =	vadd.s32 v0, v19;
	v19 =	vld [tilespmem:s21+$0x18760]  }
0x113: {  	[tilespmem:s21+$0x18710] =	vst v17;
	v17 =	vadd.s32 v0, v20;
	v20 =	vld [tilespmem:s21+$0x18770]  }
0x114: {  	[tilespmem:s21+$0x18720] =	vst v17;
	v17 =	vadd.s32 v0, v21;
	v21 =	vld [tilespmem:s21+$0x18780]  }
0x115: {  	[tilespmem:s21+$0x18730] =	vst v17;
	v17 =	vadd.s32 v0, v22;
	v22 =	vld [tilespmem:s21+$0x18790]  }
0x116: {  	[tilespmem:s21+$0x18740] =	vst v17;
	v17 =	vadd.s32 v0, v18;
	v18 =	vld [tilespmem:s21+$0x187A0]  }
0x117: {  	[tilespmem:s21+$0x18750] =	vst v17;
	v17 =	vadd.s32 v0, v19;
	v19 =	vld [tilespmem:s21+$0x187B0]  }
0x118: {  	[tilespmem:s21+$0x18760] =	vst v17;
	v17 =	vadd.s32 v0, v20;
	v20 =	vld [tilespmem:s21+$0x187C0]  }
0x119: {  	[tilespmem:s21+$0x18770] =	vst v17;
	v17 =	vadd.s32 v0, v21;
	v21 =	vld [tilespmem:s21+$0x187D0]  }
0x11a: {  	[tilespmem:s21+$0x18780] =	vst v17;
	v17 =	vadd.s32 v0, v22;
	v22 =	vld [tilespmem:s21+$0x187E0]  }
0x11b: {  	[tilespmem:s21+$0x18790] =	vst v17;
	v17 =	vadd.s32 v0, v18;
	v18 =	vld [tilespmem:s21+$0x187F0]  }
0x11c: {  	[tilespmem:s21+$0x187A0] =	vst v17;
	v17 =	vadd.s32 v0, v19;
	v19 =	vld [tilespmem:s21+$0x18800]  }
0x11d: {  	[tilespmem:s21+$0x187B0] =	vst v17;
	v17 =	vadd.s32 v0, v20;
	v20 =	vld [tilespmem:s21+$0x18810]  }
0x11e: {  	[tilespmem:s21+$0x187C0] =	vst v17;
	v17 =	vadd.s32 v0, v21;
	v21 =	vld [tilespmem:s21+$0x18820]  }
0x11f: {  	[tilespmem:s21+$0x187D0] =	vst v17;
	v17 =	vadd.s32 v0, v22;
	v22 =	vld [tilespmem:s21+$0x18830]  }
0x120: {  	[tilespmem:s21+$0x187E0] =	vst v17;
	v17 =	vadd.s32 v0, v18;
	v18 =	vld [tilespmem:s21+$0x18840]  }
0x121: {  	[tilespmem:s21+$0x187F0] =	vst v17;
	v17 =	vadd.s32 v0, v19;
	v19 =	vld [tilespmem:s21+$0x18850]  }
0x122: {  	[tilespmem:s21+$0x18800] =	vst v17;
	v17 =	vadd.s32 v0, v20;
	v20 =	vld [tilespmem:s21+$0x18860]  }
0x123: {  	[tilespmem:s21+$0x18810] =	vst v17;
	v17 =	vadd.s32 v0, v21;
	v21 =	vld [tilespmem:s21+$0x18870]  }
0x124: {  	[tilespmem:s21+$0x18820] =	vst v17;
	v17 =	vadd.s32 v0, v22;
	v22 =	vld [tilespmem:s21+$0x18880]  }
0x125: {  	[tilespmem:s21+$0x18830] =	vst v17;
	v17 =	vadd.s32 v0, v18;
	v18 =	vld [tilespmem:s21+$0x18890]  }
0x126: {  	[tilespmem:s21+$0x18840] =	vst v17;
	v17 =	vadd.s32 v0, v19  }
0x127: {  	[tilespmem:s21+$0x18850] =	vst v17;
	v17 =	vadd.s32 v0, v20  }
0x128: {  	[tilespmem:s21+$0x18860] =	vst v17;
	v17 =	vadd.s32 v0, v21  }
0x129: {  	[tilespmem:s21+$0x18870] =	vst v17;
	v17 =	vadd.s32 v0, v22  }
0x12a: {  	[tilespmem:s21+$0x18880] =	vst v17;
	v17 =	vadd.s32 v0, v18  }
0x12b: {  	s23 =	sadd.s32 $0x186A0, s21;
	[tilespmem:s21+$0x18890] =	vst v17  }
0x12c: {  	[tilespmem:s30], [sflag:$0x1] =	stream.indirect.gather [hbm4b:s16+s24], $0x20, s23, s24, $0xb8;
	[tilespmem:$0x1F0A0] =	vst v63  }
0x12d: {  	_ =	swait.ge [sflag:s0], $0x4000  }
0x12e: {  	[sflag:s0] =	ssyncset.done $0x0  }
0x12f: {  	s25 =	simm.s32 $0x1B1A0;
	[sflag:s0] =	ssyncadd.s32 $0xFFFFC000  }
0x130: {  	v23 =	vld [tilespmem:s25+$0xFFFFFFA0]  }
0x131: {  	v20 =	vmov s2;
	v21 =	vld [tilespmem:s25+$0xFFFFFFF0]  }
0x132: {  	v17 =	vld [tilespmem:s25+$0xFFFFFF60]  }
0x133: {  	v24 =	vld [tilespmem:s25+$0xFFFFFFD0]  }
0x134: {  	v25 =	vld [tilespmem:s25+$0x80]  }
0x135: {  	s29 =	simm.s32 $0x0;
	v28 =	vld [tilespmem:s25+$0xFFFFFF10]  }
0x136: {  	v19 =	vld.idx.msk [tilespmem:v20+s29+$0x0 ss:$0x1], $0xffff  }
0x137: {  	v34 =	vld [tilespmem:s25+$0xE0]  }
0x138: {  	v27 =	vld [tilespmem:s25+$0xFFFFFF40]  }
0x139: {  	v18 =	vld [tilespmem:s25+$0xFFFFFF90]  }
0x13a: {  	v26 =	vld [tilespmem:s25+$0xFFFFFFC0]  }
0x13b: {  	v29 =	vld [tilespmem:s25+$0xFFFFFF00]  }
0x13c: {  	v30 =	vld [tilespmem:s25+$0xD0];
	v19 =	vmul.f32 $5.000000000e-01, v19  }
0x13d: {  	v39 =	vld [tilespmem:s25+$0xC0]  }
0x13e: {  	v37 =	vld [tilespmem:s25+$0x90];
	v35 =	vperm.xlane v19, v1;
	v22 =	vperm.xlane v19, v16  }
0x13f: {  	v38 =	vld [tilespmem:s25+$0xFFFFFF50];
	v36 =	vperm.xlane v19, v3;
	v32 =	vperm.xlane v19, v15  }
0x140: {  	v33 =	vld [tilespmem:s25+$0xB0];
	v31 =	vperm.xlane v19, v13;
	v41 =	vmul.f32 v29, v35  }
0x141: {  	s28 =	simm.s32 $0x40;
	s23 =	simm.s32 $0x1B1A0;
	v29 =	vperm.xlane v19, v14;
	v40 =	vmul.f32 v27, v36;
	v27 =	vld [tilespmem:s25+$0x60]  }
.LBB2_5:
0x142: {  	p0 =	sne.s32 s28, $0x7C0  }
0x143: {  	[tilespmem:s25+$0xFFFFFF00] =	vst v41;
	v41 =	vld [tilespmem:s25+$0xFFFFFFB0];
	v39 =	vmul.f32 v39, v32;
	v34 =	vmul.f32 v34, v22;
	s23 =	sadd.s32 $0x200, s23;
	s29 =	smov.u32 s28;
	s28 =	sadd.s32 $0x40, s28  }
0x144: {  	[tilespmem:s25+$0xFFFFFF40] =	vst v40;
	v40 =	vperm.xlane v19, v11;
	v37 =	vmul.f32 v37, v31;
	v42 =	vld [tilespmem:s25+$0xA0]  }
0x145: {  	v28 =	vmul.f32 v28, v35;
	v35 =	vmul.f32 v38, v36;
	v36 =	vld [tilespmem:s25+$0x70];
	[tilespmem:s25+$0xE0] =	vst v34  }
0x146: {  	v34 =	vperm.xlane v19, v6;
	v38 =	vld [tilespmem:s25+$0xFFFFFFE0];
	v33 =	vmul.f32 v33, v29;
	[tilespmem:s25+$0xC0] =	vst v39  }
0x147: {  	v30 =	vmul.f32 v30, v32;
	v39 =	vperm.xlane v19, v7;
	[tilespmem:s25+$0xFFFFFF10] =	vst v28;
	v28 =	vld [tilespmem:s25+$0xFFFFFF20]  }
0x148: {  	v43 =	vperm.xlane v19, v12;
	v23 =	vmul.f32 v23, v34;
	v32 =	vld [tilespmem:s25+$0x40];
	[tilespmem:s25+$0x90] =	vst v37  }
0x149: {  	[tilespmem:s25+$0xFFFFFF50] =	vst v35;
	v35 =	vperm.xlane v19, v10;
	v37 =	vld [tilespmem:s25+$0x20];
	v29 =	vmul.f32 v42, v29  }
0x14a: {  	v34 =	vmul.f32 v41, v34;
	v41 =	vld [tilespmem:s25+$0x50];
	v36 =	vmul.f32 v36, v43;
	[tilespmem:s25+$0xD0] =	vst v30  }
0x14b: {  	v25 =	vmul.f32 v25, v31;
	v30 =	vperm.xlane v19, v8;
	v42 =	vld [tilespmem:s25+$0x30];
	[tilespmem:s25+$0xA0] =	vst v29  }
0x14c: {  	v26 =	vmul.f32 v26, v39;
	v29 =	vperm.xlane v19, v4;
	v31 =	vld [tilespmem:s25+$0x0];
	[tilespmem:s25+$0x70] =	vst v36  }
0x14d: {  	v27 =	vmul.f32 v27, v43;
	v24 =	vmul.f32 v24, v39;
	v36 =	vld [tilespmem:s25+$0x10];
	[tilespmem:s25+$0x80] =	vst v25  }
0x14e: {  	v39 =	vperm.xlane v19, v9;
	v32 =	vmul.f32 v32, v40;
	v25 =	vld [tilespmem:s25+$0xFFFFFF30];
	[tilespmem:s25+$0xB0] =	vst v33  }
0x14f: {  	v33 =	vperm.xlane v19, v2;
	v43 =	vld [tilespmem:s25+$0xFFFFFF70];
	[tilespmem:s25+$0xFFFFFFD0] =	vst v24;
	v24 =	vmul.f32 v41, v40  }
0x150: {  	v21 =	vmul.f32 v21, v30;
	[tilespmem:s25+$0xFFFFFFC0] =	vst v26;
	v26 =	vmul.f32 v38, v30;
	v30 =	vld [tilespmem:s25+$0xF0]  }
0x151: {  	v40 =	vmul.f32 v42, v35;
	v38 =	vld [tilespmem:s25+$0xFFFFFF80];
	[tilespmem:s25+$0xFFFFFFA0] =	vst v23;
	v31 =	vmul.f32 v31, v39  }
0x152: {  	v23 =	vld [tilespmem:s23+$0xFFFFFFA0];
	[tilespmem:s25+$0xFFFFFFF0] =	vst v21;
	v36 =	vmul.f32 v36, v39;
	v21 =	vmul.f32 v37, v35  }
0x153: {  	v28 =	vmul.f32 v28, v33;
	v33 =	vmul.f32 v25, v33;
	[tilespmem:s25+$0x60] =	vst v27  }
0x154: {  	v17 =	vmul.f32 v17, v29;
	v25 =	vmul.f32 v43, v29;
	[tilespmem:s25+$0xFFFFFFB0] =	vst v34  }
0x155: {  	v19 =	vperm.xlane v19, v5;
	[tilespmem:s25+$0xFFFFFF20] =	vst v28;
	v22 =	vmul.f32 v30, v22  }
0x156: {  	[tilespmem:s25+$0xFFFFFF60] =	vst v17  }
0x157: {  	v18 =	vmul.f32 v18, v19;
	v17 =	vmul.f32 v38, v19;
	[tilespmem:s25+$0x40] =	vst v32  }
0x158: {  	[tilespmem:s25+$0xFFFFFFE0] =	vst v26  }
0x159: {  	[tilespmem:s25+$0xF0] =	vst v22  }
0x15a: {  	[tilespmem:s25+$0xFFFFFF90] =	vst v18  }
0x15b: {  	[tilespmem:s25+$0xFFFFFF70] =	vst v25  }
0x15c: {  	[tilespmem:s25+$0x20] =	vst v21  }
0x15d: {  	[tilespmem:s25+$0x30] =	vst v40  }
0x15e: {  	v21 =	vld [tilespmem:s23+$0xFFFFFFF0];
	[tilespmem:s25+$0xFFFFFF80] =	vst v17  }
0x15f: {  	v17 =	vld [tilespmem:s23+$0xFFFFFF60];
	[tilespmem:s25+$0x50] =	vst v24  }
0x160: {  	v24 =	vld [tilespmem:s23+$0xFFFFFFD0];
	[tilespmem:s25+$0x0] =	vst v31  }
0x161: {  	v25 =	vld [tilespmem:s23+$0x80];
	[tilespmem:s25+$0xFFFFFF30] =	vst v33  }
0x162: {  	s29 =	sshra.s32 s29, $0x2;
	v28 =	vld [tilespmem:s23+$0xFFFFFF10];
	[tilespmem:s25+$0x10] =	vst v36;
	s25 =	smov.u32 s23  }
0x163: {  	v19 =	vld.idx.msk [tilespmem:v20+s29+$0x0 ss:$0x1], $0xffff  }
0x164: {  	v34 =	vld [tilespmem:s23+$0xE0]  }
0x165: {  	v27 =	vld [tilespmem:s23+$0xFFFFFF40]  }
0x166: {  	v18 =	vld [tilespmem:s23+$0xFFFFFF90]  }
0x167: {  	v26 =	vld [tilespmem:s23+$0xFFFFFFC0]  }
0x168: {  	v29 =	vld [tilespmem:s23+$0xFFFFFF00]  }
0x169: {  	v19 =	vmul.f32 $5.000000000e-01, v19;
	v30 =	vld [tilespmem:s23+$0xD0]  }
.Ltmp0:
0x16a: {  	v39 =	vld [tilespmem:s23+$0xC0];
	(pc) =	sbr.rel @p0 .LBB2_5-.Ltmp0, $4  }
0x16b: {  	v35 =	vperm.xlane v19, v1;
	v22 =	vperm.xlane v19, v16;
	v37 =	vld [tilespmem:s23+$0x90]  }
0x16c: {  	v36 =	vperm.xlane v19, v3;
	v32 =	vperm.xlane v19, v15;
	v38 =	vld [tilespmem:s23+$0xFFFFFF50]  }
0x16d: {  	v41 =	vmul.f32 v29, v35;
	v29 =	vperm.xlane v19, v14;
	v33 =	vld [tilespmem:s23+$0xB0]  }
0x16e: {  	v31 =	vperm.xlane v19, v13;
	v40 =	vmul.f32 v27, v36;
	v27 =	vld [tilespmem:s23+$0x60]  }
0x16f: {  	[tilespmem:s25+$0xFFFFFF00] =	vst v41;
	v20 =	vmul.f32 v34, v22  }
0x170: {  	v55 =	vmul.f32 v39, v32;
	[tilespmem:s25+$0xFFFFFF40] =	vst v40  }
0x171: {  	v28 =	vmul.f32 v28, v35;
	[tilespmem:s25+$0xE0] =	vst v20  }
0x172: {  	v30 =	vmul.f32 v30, v32;
	[tilespmem:s25+$0xC0] =	vst v55  }
0x173: {  	v58 =	vmul.f32 v37, v31;
	[tilespmem:s25+$0xFFFFFF10] =	vst v28  }
0x174: {  	v41 =	vperm.xlane v19, v7;
	v25 =	vmul.f32 v25, v31;
	[tilespmem:s25+$0xD0] =	vst v30  }
0x175: {  	v36 =	vmul.f32 v38, v36;
	[tilespmem:s25+$0x90] =	vst v58  }
0x176: {  	v45 =	vperm.xlane v19, v6;
	v24 =	vmul.f32 v24, v41;
	[tilespmem:s25+$0x80] =	vst v25  }
0x177: {  	v47 =	vperm.xlane v19, v8;
	v26 =	vmul.f32 v26, v41;
	[tilespmem:s25+$0xFFFFFF50] =	vst v36  }
0x178: {  	v56 =	vld [tilespmem:s25+$0xA0];
	v54 =	vperm.xlane v19, v4;
	v23 =	vmul.f32 v23, v45;
	[tilespmem:s25+$0xFFFFFFD0] =	vst v24  }
0x179: {  	v57 =	vld [tilespmem:s25+$0x70];
	v21 =	vmul.f32 v21, v47;
	[tilespmem:s25+$0xFFFFFFC0] =	vst v26  }
0x17a: {  	v59 =	vld [tilespmem:s25+$0xFFFFFFB0];
	v61 =	vperm.xlane v19, v12;
	v17 =	vmul.f32 v17, v54;
	[tilespmem:s25+$0xFFFFFFA0] =	vst v23  }
0x17b: {  	v60 =	vld [tilespmem:s25+$0xFFFFFF20];
	v43 =	vmul.f32 v33, v29;
	[tilespmem:s25+$0xFFFFFFF0] =	vst v21  }
0x17c: {  	v62 =	vld [tilespmem:s25+$0xFFFFFFE0];
	v27 =	vmul.f32 v27, v61;
	[tilespmem:s25+$0xFFFFFF60] =	vst v17  }
0x17d: {  	v49 =	vld [tilespmem:s25+$0xFFFFFF70];
	v63 =	vmul.f32 v56, v29;
	[tilespmem:s25+$0xB0] =	vst v43  }
0x17e: {  	v52 =	vperm.xlane v19, v2;
	v40 =	vld [tilespmem:s25+$0x40];
	v35 =	vmul.f32 v57, v61;
	[tilespmem:s25+$0x60] =	vst v27  }
0x17f: {  	v55 =	vld [tilespmem:s25+$0xF0];
	v53 =	vmul.f32 v59, v45;
	[tilespmem:s25+$0xA0] =	vst v63  }
0x180: {  	v28 =	vmul.f32 v60, v52;
	[tilespmem:s25+$0x70] =	vst v35  }
0x181: {  	v50 =	vld [tilespmem:s25+$0xFFFFFF80];
	v56 =	vperm.xlane v19, v11;
	v20 =	vmul.f32 v62, v47;
	[tilespmem:s25+$0xFFFFFFB0] =	vst v53  }
0x182: {  	v44 =	vld [tilespmem:s25+$0x20];
	v61 =	vmul.f32 v49, v54;
	[tilespmem:s25+$0xFFFFFF20] =	vst v28  }
0x183: {  	v46 =	vld [tilespmem:s25+$0x30];
	v59 =	vperm.xlane v19, v5;
	v58 =	vmul.f32 v40, v56;
	[tilespmem:s25+$0xFFFFFFE0] =	vst v20  }
0x184: {  	v57 =	vld [tilespmem:s25+$0xFFFFFF30];
	v17 =	vmul.f32 v55, v22;
	[tilespmem:s25+$0xFFFFFF70] =	vst v61  }
0x185: {  	v42 =	vld [tilespmem:s25+$0x50];
	v60 =	vperm.xlane v19, v10;
	v18 =	vmul.f32 v18, v59;
	[tilespmem:s25+$0x40] =	vst v58  }
0x186: {  	v48 =	vld [tilespmem:s25+$0x0];
	v62 =	vmul.f32 v50, v59;
	[tilespmem:s25+$0xF0] =	vst v17  }
0x187: {  	v51 =	vld [tilespmem:s25+$0x10];
	v17 =	vmul.f32 v44, v60;
	[tilespmem:s25+$0xFFFFFF90] =	vst v18  }
0x188: {  	v18 =	vmul.f32 v46, v60;
	[tilespmem:s25+$0xFFFFFF80] =	vst v62  }
0x189: {  	v19 =	vperm.xlane v19, v9;
	v63 =	vmul.f32 v57, v52;
	[tilespmem:s25+$0x20] =	vst v17  }
0x18a: {  	v17 =	vmul.f32 v42, v56;
	[tilespmem:s25+$0x30] =	vst v18  }
0x18b: {  	v18 =	vmul.f32 v48, v19;
	[tilespmem:s25+$0xFFFFFF30] =	vst v63  }
0x18c: {  	s20 =	sadd.s32 $0x1, s20;
	[tilespmem:s25+$0x50] =	vst v17;
	v17 =	vmul.f32 v51, v19  }
0x18d: {  	p0 =	sne.s32 s20, $0x7;
	[tilespmem:s25+$0x0] =	vst v18  }
.Ltmp1:
0x18e: {  	s21 =	sadd.s32 $0x194A0, s21;
	[tilespmem:s25+$0x10] =	vst v17;
	(pc) =	sbr.rel @p0 .LBB2_4-.Ltmp1, $4  }
0x18f: {  	[spmem:s1] =	stream.indirect.scatter.add.f32 [tilespmem:s30], [sflag:$0x1], $0x20, s21, s24, $0xb8;
	[tilespmem:$0x1F0A0] =	vst v63  }
0x190: {  	_ =	swait.ge [sflag:s0], $0x4000  }
0x191: {  	[sflag:s0] =	ssyncset.done $0x0  }
0x192: {  	s2 =	sadd.s32 $0x200, s2;
	[sflag:s0] =	ssyncadd.s32 $0xFFFFC000  }
0x193: {  	s18 =	sadd.s32 $0x1, s18  }
0x194: {  	p0 =	sne.s32 s18, $0xE  }
.Ltmp2:
0x195: {  	_ = 	snop;
	(pc) =	sbr.rel @p0 .LBB2_3-.Ltmp2, $2  }
0x196: {  	_ =	sdelay $0x2  }
0x197: {  	s2 =	simm.s32 $0x0  }
0x198: {  	s18 =	simm.s32 $0x0  }
.LBB2_9:
0x199: {  	s19 =	smul.u32 $0xE00, s18;
	_ =	sdelay $0x1  }
0x19a: {  	s19 =	sadd.s32 s22, s19  }
0x19b: {  	s19 =	sshrl.u32 s19, $0x3  }
0x19c: {  	s20 =	sadd.s32 s6, s19  }
0x19d: {  	[tilespmem:s7], [sflag:$0x1] =	stream.linear.gather [hbm4b:s20+s2], $0xE00, $0x38;
	[tilespmem:$0x1F0A0] =	vst v63  }
0x19e: {  	_ =	swait.ge [sflag:s0], $0xE00  }
0x19f: {  	[sflag:s0] =	ssyncset.done $0x0  }
0x1a0: {  	s28 =	sadd.s32 s8, s19;
	[sflag:s0] =	ssyncadd.s32 $0xFFFFF200  }
0x1a1: {  	[tilespmem:s26], [sflag:$0x1] =	stream.linear.gather [hbm4b:s28+s2], $0xE00, $0x38;
	[tilespmem:$0x1F0A0] =	vst v63  }
0x1a2: {  	_ =	swait.ge [sflag:s0], $0xE00  }
0x1a3: {  	[sflag:s0] =	ssyncset.done $0x0  }
0x1a4: {  	s29 =	sadd.s32 s9, s19;
	s19 =	simm.s32 $0x1A2A0;
	[sflag:s0] =	ssyncadd.s32 $0xFFFFF200  }
0x1a5: {  	[tilespmem:s19], [sflag:$0x1] =	stream.linear.gather [hbm4b:s29+s2], $0xE00, $0x38;
	[tilespmem:$0x1F0A0] =	vst v63  }
0x1a6: {  	_ =	swait.ge [sflag:s0], $0xE00  }
0x1a7: {  	[sflag:s0] =	ssyncset.done $0x0  }
0x1a8: {  	s20 =	simm.s32 $0x0;
	[sflag:s0] =	ssyncadd.s32 $0xFFFFF200  }
.LBB2_10:
0x1a9: {  	s21 =	sshll.u32 s20, $0x9  }
0x1aa: {  	v17 =	vld [tilespmem:s21+$0x186A0]  }
0x1ab: {  	v18 =	vld [tilespmem:s21+$0x186B0]  }
0x1ac: {  	v19 =	vld [tilespmem:s21+$0x186C0]  }
0x1ad: {  	v20 =	vld [tilespmem:s21+$0x186D0]  }
0x1ae: {  	v21 =	vld [tilespmem:s21+$0x186E0]  }
0x1af: {  	v22 =	vld [tilespmem:s21+$0x186F0];
	v17 =	vadd.s32 v0, v17  }
0x1b0: {  	[tilespmem:s21+$0x186A0] =	vst v17;
	v17 =	vadd.s32 v0, v18;
	v18 =	vld [tilespmem:s21+$0x18700]  }
0x1b1: {  	[tilespmem:s21+$0x186B0] =	vst v17;
	v17 =	vadd.s32 v0, v19;
	v19 =	vld [tilespmem:s21+$0x18710]  }
0x1b2: {  	[tilespmem:s21+$0x186C0] =	vst v17;
	v17 =	vadd.s32 v0, v20;
	v20 =	vld [tilespmem:s21+$0x18720]  }
0x1b3: {  	[tilespmem:s21+$0x186D0] =	vst v17;
	v17 =	vadd.s32 v0, v21;
	v21 =	vld [tilespmem:s21+$0x18730]  }
0x1b4: {  	[tilespmem:s21+$0x186E0] =	vst v17;
	v17 =	vadd.s32 v0, v22;
	v22 =	vld [tilespmem:s21+$0x18740]  }
0x1b5: {  	[tilespmem:s21+$0x186F0] =	vst v17;
	v17 =	vadd.s32 v0, v18;
	v18 =	vld [tilespmem:s21+$0x18750]  }
0x1b6: {  	[tilespmem:s21+$0x18700] =	vst v17;
	v17 =	vadd.s32 v0, v19;
	v19 =	vld [tilespmem:s21+$0x18760]  }
0x1b7: {  	[tilespmem:s21+$0x18710] =	vst v17;
	v17 =	vadd.s32 v0, v20;
	v20 =	vld [tilespmem:s21+$0x18770]  }
0x1b8: {  	[tilespmem:s21+$0x18720] =	vst v17;
	v17 =	vadd.s32 v0, v21;
	v21 =	vld [tilespmem:s21+$0x18780]  }
0x1b9: {  	[tilespmem:s21+$0x18730] =	vst v17;
	v17 =	vadd.s32 v0, v22;
	v22 =	vld [tilespmem:s21+$0x18790]  }
0x1ba: {  	[tilespmem:s21+$0x18740] =	vst v17;
	v17 =	vadd.s32 v0, v18;
	v18 =	vld [tilespmem:s21+$0x187A0]  }
0x1bb: {  	[tilespmem:s21+$0x18750] =	vst v17;
	v17 =	vadd.s32 v0, v19;
	v19 =	vld [tilespmem:s21+$0x187B0]  }
0x1bc: {  	[tilespmem:s21+$0x18760] =	vst v17;
	v17 =	vadd.s32 v0, v20;
	v20 =	vld [tilespmem:s21+$0x187C0]  }
0x1bd: {  	[tilespmem:s21+$0x18770] =	vst v17;
	v17 =	vadd.s32 v0, v21;
	v21 =	vld [tilespmem:s21+$0x187D0]  }
0x1be: {  	[tilespmem:s21+$0x18780] =	vst v17;
	v17 =	vadd.s32 v0, v22;
	v22 =	vld [tilespmem:s21+$0x187E0]  }
0x1bf: {  	[tilespmem:s21+$0x18790] =	vst v17;
	v17 =	vadd.s32 v0, v18;
	v18 =	vld [tilespmem:s21+$0x187F0]  }
0x1c0: {  	[tilespmem:s21+$0x187A0] =	vst v17;
	v17 =	vadd.s32 v0, v19;
	v19 =	vld [tilespmem:s21+$0x18800]  }
0x1c1: {  	[tilespmem:s21+$0x187B0] =	vst v17;
	v17 =	vadd.s32 v0, v20;
	v20 =	vld [tilespmem:s21+$0x18810]  }
0x1c2: {  	[tilespmem:s21+$0x187C0] =	vst v17;
	v17 =	vadd.s32 v0, v21;
	v21 =	vld [tilespmem:s21+$0x18820]  }
0x1c3: {  	[tilespmem:s21+$0x187D0] =	vst v17;
	v17 =	vadd.s32 v0, v22;
	v22 =	vld [tilespmem:s21+$0x18830]  }
0x1c4: {  	[tilespmem:s21+$0x187E0] =	vst v17;
	v17 =	vadd.s32 v0, v18;
	v18 =	vld [tilespmem:s21+$0x18840]  }
0x1c5: {  	[tilespmem:s21+$0x187F0] =	vst v17;
	v17 =	vadd.s32 v0, v19;
	v19 =	vld [tilespmem:s21+$0x18850]  }
0x1c6: {  	[tilespmem:s21+$0x18800] =	vst v17;
	v17 =	vadd.s32 v0, v20;
	v20 =	vld [tilespmem:s21+$0x18860]  }
0x1c7: {  	[tilespmem:s21+$0x18810] =	vst v17;
	v17 =	vadd.s32 v0, v21;
	v21 =	vld [tilespmem:s21+$0x18870]  }
0x1c8: {  	[tilespmem:s21+$0x18820] =	vst v17;
	v17 =	vadd.s32 v0, v22;
	v22 =	vld [tilespmem:s21+$0x18880]  }
0x1c9: {  	[tilespmem:s21+$0x18830] =	vst v17;
	v17 =	vadd.s32 v0, v18;
	v18 =	vld [tilespmem:s21+$0x18890]  }
0x1ca: {  	[tilespmem:s21+$0x18840] =	vst v17;
	v17 =	vadd.s32 v0, v19  }
0x1cb: {  	[tilespmem:s21+$0x18850] =	vst v17;
	v17 =	vadd.s32 v0, v20  }
0x1cc: {  	[tilespmem:s21+$0x18860] =	vst v17;
	v17 =	vadd.s32 v0, v21  }
0x1cd: {  	[tilespmem:s21+$0x18870] =	vst v17;
	v17 =	vadd.s32 v0, v22  }
0x1ce: {  	[tilespmem:s21+$0x18880] =	vst v17;
	v17 =	vadd.s32 v0, v18  }
0x1cf: {  	s23 =	sadd.s32 $0x186A0, s21;
	[tilespmem:s21+$0x18890] =	vst v17  }
0x1d0: {  	[tilespmem:s30], [sflag:$0x1] =	stream.indirect.gather [hbm4b:s17+s24], $0x20, s23, s24, $0xb8;
	[tilespmem:$0x1F0A0] =	vst v63  }
0x1d1: {  	_ =	swait.ge [sflag:s0], $0x4000  }
0x1d2: {  	[sflag:s0] =	ssyncset.done $0x0  }
0x1d3: {  	s25 =	simm.s32 $0x1B1A0;
	[sflag:s0] =	ssyncadd.s32 $0xFFFFC000  }
0x1d4: {  	v23 =	vld [tilespmem:s25+$0xFFFFFFA0]  }
0x1d5: {  	v20 =	vmov s19;
	v21 =	vld [tilespmem:s25+$0xFFFFFFF0]  }
0x1d6: {  	v17 =	vld [tilespmem:s25+$0xFFFFFF60]  }
0x1d7: {  	v24 =	vld [tilespmem:s25+$0xFFFFFFD0]  }
0x1d8: {  	v25 =	vld [tilespmem:s25+$0x80]  }
0x1d9: {  	s29 =	simm.s32 $0x0;
	v28 =	vld [tilespmem:s25+$0xFFFFFF10]  }
0x1da: {  	v19 =	vld.idx.msk [tilespmem:v20+s29+$0x0 ss:$0x1], $0xffff  }
0x1db: {  	v34 =	vld [tilespmem:s25+$0xE0]  }
0x1dc: {  	v27 =	vld [tilespmem:s25+$0xFFFFFF40]  }
0x1dd: {  	v18 =	vld [tilespmem:s25+$0xFFFFFF90]  }
0x1de: {  	v26 =	vld [tilespmem:s25+$0xFFFFFFC0]  }
0x1df: {  	v29 =	vld [tilespmem:s25+$0xFFFFFF00]  }
0x1e0: {  	v30 =	vld [tilespmem:s25+$0xD0];
	v19 =	vmul.f32 $5.000000000e-01, v19  }
0x1e1: {  	v39 =	vld [tilespmem:s25+$0xC0]  }
0x1e2: {  	v37 =	vld [tilespmem:s25+$0x90];
	v35 =	vperm.xlane v19, v1;
	v22 =	vperm.xlane v19, v16  }
0x1e3: {  	v38 =	vld [tilespmem:s25+$0xFFFFFF50];
	v36 =	vperm.xlane v19, v3;
	v32 =	vperm.xlane v19, v15  }
0x1e4: {  	v33 =	vld [tilespmem:s25+$0xB0];
	v31 =	vperm.xlane v19, v13;
	v41 =	vmul.f32 v29, v35  }
0x1e5: {  	s28 =	simm.s32 $0x40;
	s23 =	simm.s32 $0x1B1A0;
	v29 =	vperm.xlane v19, v14;
	v40 =	vmul.f32 v27, v36;
	v27 =	vld [tilespmem:s25+$0x60]  }
.LBB2_11:
0x1e6: {  	p0 =	sne.s32 s28, $0x7C0  }
0x1e7: {  	[tilespmem:s25+$0xFFFFFF00] =	vst v41;
	v41 =	vld [tilespmem:s25+$0xFFFFFFB0];
	v39 =	vmul.f32 v39, v32;
	v34 =	vmul.f32 v34, v22;
	s23 =	sadd.s32 $0x200, s23;
	s29 =	smov.u32 s28;
	s28 =	sadd.s32 $0x40, s28  }
0x1e8: {  	[tilespmem:s25+$0xFFFFFF40] =	vst v40;
	v40 =	vperm.xlane v19, v11;
	v37 =	vmul.f32 v37, v31;
	v42 =	vld [tilespmem:s25+$0xA0]  }
0x1e9: {  	v28 =	vmul.f32 v28, v35;
	v35 =	vmul.f32 v38, v36;
	v36 =	vld [tilespmem:s25+$0x70];
	[tilespmem:s25+$0xE0] =	vst v34  }
0x1ea: {  	v34 =	vperm.xlane v19, v6;
	v38 =	vld [tilespmem:s25+$0xFFFFFFE0];
	v33 =	vmul.f32 v33, v29;
	[tilespmem:s25+$0xC0] =	vst v39  }
0x1eb: {  	v30 =	vmul.f32 v30, v32;
	v39 =	vperm.xlane v19, v7;
	[tilespmem:s25+$0xFFFFFF10] =	vst v28;
	v28 =	vld [tilespmem:s25+$0xFFFFFF20]  }
0x1ec: {  	v43 =	vperm.xlane v19, v12;
	v23 =	vmul.f32 v23, v34;
	v32 =	vld [tilespmem:s25+$0x40];
	[tilespmem:s25+$0x90] =	vst v37  }
0x1ed: {  	[tilespmem:s25+$0xFFFFFF50] =	vst v35;
	v35 =	vperm.xlane v19, v10;
	v37 =	vld [tilespmem:s25+$0x20];
	v29 =	vmul.f32 v42, v29  }
0x1ee: {  	v34 =	vmul.f32 v41, v34;
	v41 =	vld [tilespmem:s25+$0x50];
	v36 =	vmul.f32 v36, v43;
	[tilespmem:s25+$0xD0] =	vst v30  }
0x1ef: {  	v25 =	vmul.f32 v25, v31;
	v30 =	vperm.xlane v19, v8;
	v42 =	vld [tilespmem:s25+$0x30];
	[tilespmem:s25+$0xA0] =	vst v29  }
0x1f0: {  	v26 =	vmul.f32 v26, v39;
	v29 =	vperm.xlane v19, v4;
	v31 =	vld [tilespmem:s25+$0x0];
	[tilespmem:s25+$0x70] =	vst v36  }
0x1f1: {  	v27 =	vmul.f32 v27, v43;
	v24 =	vmul.f32 v24, v39;
	v36 =	vld [tilespmem:s25+$0x10];
	[tilespmem:s25+$0x80] =	vst v25  }
0x1f2: {  	v39 =	vperm.xlane v19, v9;
	v32 =	vmul.f32 v32, v40;
	v25 =	vld [tilespmem:s25+$0xFFFFFF30];
	[tilespmem:s25+$0xB0] =	vst v33  }
0x1f3: {  	v33 =	vperm.xlane v19, v2;
	v43 =	vld [tilespmem:s25+$0xFFFFFF70];
	[tilespmem:s25+$0xFFFFFFD0] =	vst v24;
	v24 =	vmul.f32 v41, v40  }
0x1f4: {  	v21 =	vmul.f32 v21, v30;
	[tilespmem:s25+$0xFFFFFFC0] =	vst v26;
	v26 =	vmul.f32 v38, v30;
	v30 =	vld [tilespmem:s25+$0xF0]  }
0x1f5: {  	v40 =	vmul.f32 v42, v35;
	v38 =	vld [tilespmem:s25+$0xFFFFFF80];
	[tilespmem:s25+$0xFFFFFFA0] =	vst v23;
	v31 =	vmul.f32 v31, v39  }
0x1f6: {  	v23 =	vld [tilespmem:s23+$0xFFFFFFA0];
	[tilespmem:s25+$0xFFFFFFF0] =	vst v21;
	v36 =	vmul.f32 v36, v39;
	v21 =	vmul.f32 v37, v35  }
0x1f7: {  	v28 =	vmul.f32 v28, v33;
	v33 =	vmul.f32 v25, v33;
	[tilespmem:s25+$0x60] =	vst v27  }
0x1f8: {  	v17 =	vmul.f32 v17, v29;
	v25 =	vmul.f32 v43, v29;
	[tilespmem:s25+$0xFFFFFFB0] =	vst v34  }
0x1f9: {  	v19 =	vperm.xlane v19, v5;
	[tilespmem:s25+$0xFFFFFF20] =	vst v28;
	v22 =	vmul.f32 v30, v22  }
0x1fa: {  	[tilespmem:s25+$0xFFFFFF60] =	vst v17  }
0x1fb: {  	v18 =	vmul.f32 v18, v19;
	v17 =	vmul.f32 v38, v19;
	[tilespmem:s25+$0x40] =	vst v32  }
0x1fc: {  	[tilespmem:s25+$0xFFFFFFE0] =	vst v26  }
0x1fd: {  	[tilespmem:s25+$0xF0] =	vst v22  }
0x1fe: {  	[tilespmem:s25+$0xFFFFFF90] =	vst v18  }
0x1ff: {  	[tilespmem:s25+$0xFFFFFF70] =	vst v25  }
0x200: {  	[tilespmem:s25+$0x20] =	vst v21  }
0x201: {  	[tilespmem:s25+$0x30] =	vst v40  }
0x202: {  	v21 =	vld [tilespmem:s23+$0xFFFFFFF0];
	[tilespmem:s25+$0xFFFFFF80] =	vst v17  }
0x203: {  	v17 =	vld [tilespmem:s23+$0xFFFFFF60];
	[tilespmem:s25+$0x50] =	vst v24  }
0x204: {  	v24 =	vld [tilespmem:s23+$0xFFFFFFD0];
	[tilespmem:s25+$0x0] =	vst v31  }
0x205: {  	v25 =	vld [tilespmem:s23+$0x80];
	[tilespmem:s25+$0xFFFFFF30] =	vst v33  }
0x206: {  	s29 =	sshra.s32 s29, $0x2;
	v28 =	vld [tilespmem:s23+$0xFFFFFF10];
	[tilespmem:s25+$0x10] =	vst v36;
	s25 =	smov.u32 s23  }
0x207: {  	v19 =	vld.idx.msk [tilespmem:v20+s29+$0x0 ss:$0x1], $0xffff  }
0x208: {  	v34 =	vld [tilespmem:s23+$0xE0]  }
0x209: {  	v27 =	vld [tilespmem:s23+$0xFFFFFF40]  }
0x20a: {  	v18 =	vld [tilespmem:s23+$0xFFFFFF90]  }
0x20b: {  	v26 =	vld [tilespmem:s23+$0xFFFFFFC0]  }
0x20c: {  	v29 =	vld [tilespmem:s23+$0xFFFFFF00]  }
0x20d: {  	v19 =	vmul.f32 $5.000000000e-01, v19;
	v30 =	vld [tilespmem:s23+$0xD0]  }
.Ltmp3:
0x20e: {  	v39 =	vld [tilespmem:s23+$0xC0];
	(pc) =	sbr.rel @p0 .LBB2_11-.Ltmp3, $4  }
0x20f: {  	v35 =	vperm.xlane v19, v1;
	v22 =	vperm.xlane v19, v16;
	v37 =	vld [tilespmem:s23+$0x90]  }
0x210: {  	v36 =	vperm.xlane v19, v3;
	v32 =	vperm.xlane v19, v15;
	v38 =	vld [tilespmem:s23+$0xFFFFFF50]  }
0x211: {  	v41 =	vmul.f32 v29, v35;
	v29 =	vperm.xlane v19, v14;
	v33 =	vld [tilespmem:s23+$0xB0]  }
0x212: {  	v31 =	vperm.xlane v19, v13;
	v40 =	vmul.f32 v27, v36;
	v27 =	vld [tilespmem:s23+$0x60]  }
0x213: {  	[tilespmem:s25+$0xFFFFFF00] =	vst v41;
	v20 =	vmul.f32 v34, v22  }
0x214: {  	v55 =	vmul.f32 v39, v32;
	[tilespmem:s25+$0xFFFFFF40] =	vst v40  }
0x215: {  	v28 =	vmul.f32 v28, v35;
	[tilespmem:s25+$0xE0] =	vst v20  }
0x216: {  	v30 =	vmul.f32 v30, v32;
	[tilespmem:s25+$0xC0] =	vst v55  }
0x217: {  	v58 =	vmul.f32 v37, v31;
	[tilespmem:s25+$0xFFFFFF10] =	vst v28  }
0x218: {  	v41 =	vperm.xlane v19, v7;
	v25 =	vmul.f32 v25, v31;
	[tilespmem:s25+$0xD0] =	vst v30  }
0x219: {  	v36 =	vmul.f32 v38, v36;
	[tilespmem:s25+$0x90] =	vst v58  }
0x21a: {  	v45 =	vperm.xlane v19, v6;
	v24 =	vmul.f32 v24, v41;
	[tilespmem:s25+$0x80] =	vst v25  }
0x21b: {  	v47 =	vperm.xlane v19, v8;
	v26 =	vmul.f32 v26, v41;
	[tilespmem:s25+$0xFFFFFF50] =	vst v36  }
0x21c: {  	v56 =	vld [tilespmem:s25+$0xA0];
	v54 =	vperm.xlane v19, v4;
	v23 =	vmul.f32 v23, v45;
	[tilespmem:s25+$0xFFFFFFD0] =	vst v24  }
0x21d: {  	v57 =	vld [tilespmem:s25+$0x70];
	v21 =	vmul.f32 v21, v47;
	[tilespmem:s25+$0xFFFFFFC0] =	vst v26  }
0x21e: {  	v59 =	vld [tilespmem:s25+$0xFFFFFFB0];
	v61 =	vperm.xlane v19, v12;
	v17 =	vmul.f32 v17, v54;
	[tilespmem:s25+$0xFFFFFFA0] =	vst v23  }
0x21f: {  	v60 =	vld [tilespmem:s25+$0xFFFFFF20];
	v43 =	vmul.f32 v33, v29;
	[tilespmem:s25+$0xFFFFFFF0] =	vst v21  }
0x220: {  	v62 =	vld [tilespmem:s25+$0xFFFFFFE0];
	v27 =	vmul.f32 v27, v61;
	[tilespmem:s25+$0xFFFFFF60] =	vst v17  }
0x221: {  	v49 =	vld [tilespmem:s25+$0xFFFFFF70];
	v63 =	vmul.f32 v56, v29;
	[tilespmem:s25+$0xB0] =	vst v43  }
0x222: {  	v52 =	vperm.xlane v19, v2;
	v40 =	vld [tilespmem:s25+$0x40];
	v35 =	vmul.f32 v57, v61;
	[tilespmem:s25+$0x60] =	vst v27  }
0x223: {  	v55 =	vld [tilespmem:s25+$0xF0];
	v53 =	vmul.f32 v59, v45;
	[tilespmem:s25+$0xA0] =	vst v63  }
0x224: {  	v28 =	vmul.f32 v60, v52;
	[tilespmem:s25+$0x70] =	vst v35  }
0x225: {  	v50 =	vld [tilespmem:s25+$0xFFFFFF80];
	v56 =	vperm.xlane v19, v11;
	v20 =	vmul.f32 v62, v47;
	[tilespmem:s25+$0xFFFFFFB0] =	vst v53  }
0x226: {  	v44 =	vld [tilespmem:s25+$0x20];
	v61 =	vmul.f32 v49, v54;
	[tilespmem:s25+$0xFFFFFF20] =	vst v28  }
0x227: {  	v46 =	vld [tilespmem:s25+$0x30];
	v59 =	vperm.xlane v19, v5;
	v58 =	vmul.f32 v40, v56;
	[tilespmem:s25+$0xFFFFFFE0] =	vst v20  }
0x228: {  	v57 =	vld [tilespmem:s25+$0xFFFFFF30];
	v17 =	vmul.f32 v55, v22;
	[tilespmem:s25+$0xFFFFFF70] =	vst v61  }
0x229: {  	v42 =	vld [tilespmem:s25+$0x50];
	v60 =	vperm.xlane v19, v10;
	v18 =	vmul.f32 v18, v59;
	[tilespmem:s25+$0x40] =	vst v58  }
0x22a: {  	v48 =	vld [tilespmem:s25+$0x0];
	v62 =	vmul.f32 v50, v59;
	[tilespmem:s25+$0xF0] =	vst v17  }
0x22b: {  	v51 =	vld [tilespmem:s25+$0x10];
	v17 =	vmul.f32 v44, v60;
	[tilespmem:s25+$0xFFFFFF90] =	vst v18  }
0x22c: {  	v18 =	vmul.f32 v46, v60;
	[tilespmem:s25+$0xFFFFFF80] =	vst v62  }
0x22d: {  	v19 =	vperm.xlane v19, v9;
	v63 =	vmul.f32 v57, v52;
	[tilespmem:s25+$0x20] =	vst v17  }
0x22e: {  	v17 =	vmul.f32 v42, v56;
	[tilespmem:s25+$0x30] =	vst v18  }
0x22f: {  	v18 =	vmul.f32 v48, v19;
	[tilespmem:s25+$0xFFFFFF30] =	vst v63  }
0x230: {  	s20 =	sadd.s32 $0x1, s20;
	[tilespmem:s25+$0x50] =	vst v17;
	v17 =	vmul.f32 v51, v19  }
0x231: {  	p0 =	sne.s32 s20, $0x7;
	[tilespmem:s25+$0x0] =	vst v18  }
.Ltmp4:
0x232: {  	s21 =	sadd.s32 $0x194A0, s21;
	[tilespmem:s25+$0x10] =	vst v17;
	(pc) =	sbr.rel @p0 .LBB2_10-.Ltmp4, $4  }
0x233: {  	[spmem:s1] =	stream.indirect.scatter.add.f32 [tilespmem:s30], [sflag:$0x1], $0x20, s21, s24, $0xb8;
	[tilespmem:$0x1F0A0] =	vst v63  }
0x234: {  	_ =	swait.ge [sflag:s0], $0x4000  }
0x235: {  	[sflag:s0] =	ssyncset.done $0x0  }
0x236: {  	s19 =	sadd.s32 $0x200, s19;
	[sflag:s0] =	ssyncadd.s32 $0xFFFFC000  }
0x237: {  	s18 =	sadd.s32 $0x1, s18  }
0x238: {  	p0 =	sne.s32 s18, $0xE  }
.Ltmp5:
0x239: {  	_ = 	snop;
	(pc) =	sbr.rel @p0 .LBB2_9-.Ltmp5, $1  }
0x23a: {  	_ =	sdelay $0x3  }
0x23b: {  	[bflag:$0x0] =	sbarrier.arrive $0xFFFF  }
0x23c: {  	s2 =	rddreg [dreg:$0x3]  }
0x23d: {  	[tilespmem:s30], [sflag:$0x1] =	stream.linear.gather [spmem:s2], $0x4000, $0x38;
	[tilespmem:$0x1F0A0] =	vst v63  }
0x23e: {  	_ =	swait.ge [sflag:s0], $0x4000  }
0x23f: {  	[sflag:s0] =	ssyncset.done $0x0  }
0x240: {  	s19 =	simm.s32 $0x0;
	s18 =	rddreg [dreg:$0x1d];
	[sflag:s0] =	ssyncadd.s32 $0xFFFFC000  }
0x241: {  	[hbm4b:s18+s19] =	stream.linear.scatter [tilespmem:s30], [sflag:$0x1], $0x4000, $0x38;
	[tilespmem:$0x1F0A0] =	vst v63  }
0x242: {  	_ =	swait.ge [sflag:s0], $0x4000  }
0x243: {  	s21 =	sld [smem:$0x7F9]  }
0x244: {  	[sflag:s0] =	ssyncset.done $0x0  }
0x245: {  	[sflag:s0] =	ssyncadd.s32 $0xFFFFC000  }
0x246: {  	[tilespmem:s30], [sflag:$0x1] =	stream.linear.gather [spmem:s21], $0x4000, $0x38;
	[tilespmem:$0x1F0A0] =	vst v63  }
0x247: {  	_ =	swait.ge [sflag:s0], $0x4000  }
0x248: {  	s23 =	sld [smem:$0x7E9]  }
0x249: {  	[sflag:s0] =	ssyncset.done $0x0  }
0x24a: {  	[sflag:s0] =	ssyncadd.s32 $0xFFFFC000  }
0x24b: {  	[hbm4b:s23+s19] =	stream.linear.scatter [tilespmem:s30], [sflag:$0x1], $0x4000, $0x38;
	[tilespmem:$0x1F0A0] =	vst v63  }
0x24c: {  	_ =	swait.ge [sflag:s0], $0x4000  }
0x24d: {  	s23 =	sld [smem:$0x7FA]  }
0x24e: {  	[sflag:s0] =	ssyncset.done $0x0  }
0x24f: {  	[sflag:s0] =	ssyncadd.s32 $0xFFFFC000  }
0x250: {  	[tilespmem:s30], [sflag:$0x1] =	stream.linear.gather [spmem:s23], $0x4000, $0x38;
	[tilespmem:$0x1F0A0] =	vst v63  }
0x251: {  	_ =	swait.ge [sflag:s0], $0x4000  }
0x252: {  	s25 =	sld [smem:$0x7EC]  }
0x253: {  	[sflag:s0] =	ssyncset.done $0x0  }
0x254: {  	[sflag:s0] =	ssyncadd.s32 $0xFFFFC000  }
0x255: {  	[hbm4b:s25+s19] =	stream.linear.scatter [tilespmem:s30], [sflag:$0x1], $0x4000, $0x38;
	[tilespmem:$0x1F0A0] =	vst v63  }
0x256: {  	_ =	swait.ge [sflag:s0], $0x4000  }
0x257: {  	s25 =	sld [smem:$0x7FB]  }
0x258: {  	[sflag:s0] =	ssyncset.done $0x0  }
0x259: {  	[sflag:s0] =	ssyncadd.s32 $0xFFFFC000  }
0x25a: {  	[tilespmem:s30], [sflag:$0x1] =	stream.linear.gather [spmem:s25], $0x4000, $0x38;
	[tilespmem:$0x1F0A0] =	vst v63  }
0x25b: {  	_ =	swait.ge [sflag:s0], $0x4000  }
0x25c: {  	s28 =	sld [smem:$0x7EF]  }
0x25d: {  	[sflag:s0] =	ssyncset.done $0x0  }
0x25e: {  	[sflag:s0] =	ssyncadd.s32 $0xFFFFC000  }
0x25f: {  	[hbm4b:s28+s19] =	stream.linear.scatter [tilespmem:s30], [sflag:$0x1], $0x4000, $0x38;
	[tilespmem:$0x1F0A0] =	vst v63  }
0x260: {  	_ =	swait.ge [sflag:s0], $0x4000  }
0x261: {  	s28 =	sld [smem:$0x7FC]  }
0x262: {  	[sflag:s0] =	ssyncset.done $0x0  }
0x263: {  	[sflag:s0] =	ssyncadd.s32 $0xFFFFC000  }
0x264: {  	[tilespmem:s30], [sflag:$0x1] =	stream.linear.gather [spmem:s28], $0x4000, $0x38;
	[tilespmem:$0x1F0A0] =	vst v63  }
0x265: {  	_ =	swait.ge [sflag:s0], $0x4000  }
0x266: {  	s29 =	sld [smem:$0x7F2]  }
0x267: {  	[sflag:s0] =	ssyncset.done $0x0  }
0x268: {  	[sflag:s0] =	ssyncadd.s32 $0xFFFFC000  }
0x269: {  	[hbm4b:s29+s19] =	stream.linear.scatter [tilespmem:s30], [sflag:$0x1], $0x4000, $0x38;
	[tilespmem:$0x1F0A0] =	vst v63  }
0x26a: {  	_ =	swait.ge [sflag:s0], $0x4000  }
0x26b: {  	s29 =	sld [smem:$0x7FD]  }
0x26c: {  	[sflag:s0] =	ssyncset.done $0x0  }
0x26d: {  	[sflag:s0] =	ssyncadd.s32 $0xFFFFC000  }
0x26e: {  	[tilespmem:s30], [sflag:$0x1] =	stream.linear.gather [spmem:s29], $0x4000, $0x38;
	[tilespmem:$0x1F0A0] =	vst v63  }
0x26f: {  	_ =	swait.ge [sflag:s0], $0x4000  }
0x270: {  	s20 =	sld [smem:$0x7F6]  }
0x271: {  	[sflag:s0] =	ssyncset.done $0x0  }
0x272: {  	[sflag:s0] =	ssyncadd.s32 $0xFFFFC000  }
0x273: {  	[hbm4b:s20+s19] =	stream.linear.scatter [tilespmem:s30], [sflag:$0x1], $0x4000, $0x38;
	[tilespmem:$0x1F0A0] =	vst v63  }
0x274: {  	_ =	swait.ge [sflag:s0], $0x4000  }
0x275: {  	s20 =	sld [smem:$0x7F8]  }
0x276: {  	[sflag:s0] =	ssyncset.done $0x0  }
0x277: {  	[sflag:s0] =	ssyncadd.s32 $0xFFFFC000  }
0x278: {  	[tilespmem:s30], [sflag:$0x1] =	stream.linear.gather [spmem:s20], $0x6A0, $0x38;
	[tilespmem:$0x1F0A0] =	vst v63  }
0x279: {  	_ =	swait.ge [sflag:s0], $0x6A0  }
0x27a: {  	[sflag:s0] =	ssyncset.done $0x0  }
0x27b: {  	s18 =	rddreg [dreg:$0x5];
	[sflag:s0] =	ssyncadd.s32 $0xFFFFF960  }
0x27c: {  	[hbm4b:s18+s19] =	stream.linear.scatter [tilespmem:s30], [sflag:$0x1], $0x6A0, $0x38;
	[tilespmem:$0x1F0A0] =	vst v63  }
0x27d: {  	_ =	swait.ge [sflag:s0], $0x6A0  }
0x27e: {  	[sflag:s0] =	ssyncset.done $0x0  }
0x27f: {  	[sflag:s0] =	ssyncadd.s32 $0xFFFFF960  }
0x280: {  	[bflag:$0x0] =	sbarrier.arrive $0xFFFF  }
0x281: {  	s18 =	rddreg [dreg:$0x1f]  }
0x282: {  	[tilespmem:s30], [sflag:$0x1] =	stream.linear.gather [hbm4b:s18+s19], $0x4000, $0x38;
	[tilespmem:$0x1F0A0] =	vst v63  }
0x283: {  	_ =	swait.ge [sflag:s0], $0x4000  }
0x284: {  	[sflag:s0] =	ssyncset.done $0x0  }
0x285: {  	[sflag:s0] =	ssyncadd.s32 $0xFFFFC000  }
0x286: {  	[spmem:s2] =	stream.linear.scatter [tilespmem:s30], [sflag:$0x1], $0x4000, $0x38;
	[tilespmem:$0x1F0A0] =	vst v63  }
0x287: {  	_ =	swait.ge [sflag:s0], $0x4000  }
0x288: {  	s18 =	sld [smem:$0x7EB]  }
0x289: {  	[sflag:s0] =	ssyncset.done $0x0  }
0x28a: {  	[sflag:s0] =	ssyncadd.s32 $0xFFFFC000  }
0x28b: {  	[tilespmem:s30], [sflag:$0x1] =	stream.linear.gather [hbm4b:s18+s19], $0x4000, $0x38;
	[tilespmem:$0x1F0A0] =	vst v63  }
0x28c: {  	_ =	swait.ge [sflag:s0], $0x4000  }
0x28d: {  	[sflag:s0] =	ssyncset.done $0x0  }
0x28e: {  	[sflag:s0] =	ssyncadd.s32 $0xFFFFC000  }
0x28f: {  	[spmem:s21] =	stream.linear.scatter [tilespmem:s30], [sflag:$0x1], $0x4000, $0x38;
	[tilespmem:$0x1F0A0] =	vst v63  }
0x290: {  	_ =	swait.ge [sflag:s0], $0x4000  }
0x291: {  	s21 =	sld [smem:$0x7EE]  }
0x292: {  	[sflag:s0] =	ssyncset.done $0x0  }
0x293: {  	[sflag:s0] =	ssyncadd.s32 $0xFFFFC000  }
0x294: {  	[tilespmem:s30], [sflag:$0x1] =	stream.linear.gather [hbm4b:s21+s19], $0x4000, $0x38;
	[tilespmem:$0x1F0A0] =	vst v63  }
0x295: {  	_ =	swait.ge [sflag:s0], $0x4000  }
0x296: {  	[sflag:s0] =	ssyncset.done $0x0  }
0x297: {  	[sflag:s0] =	ssyncadd.s32 $0xFFFFC000  }
0x298: {  	[spmem:s23] =	stream.linear.scatter [tilespmem:s30], [sflag:$0x1], $0x4000, $0x38;
	[tilespmem:$0x1F0A0] =	vst v63  }
0x299: {  	_ =	swait.ge [sflag:s0], $0x4000  }
0x29a: {  	s23 =	sld [smem:$0x7F1]  }
0x29b: {  	[sflag:s0] =	ssyncset.done $0x0  }
0x29c: {  	[sflag:s0] =	ssyncadd.s32 $0xFFFFC000  }
0x29d: {  	[tilespmem:s30], [sflag:$0x1] =	stream.linear.gather [hbm4b:s23+s19], $0x4000, $0x38;
	[tilespmem:$0x1F0A0] =	vst v63  }
0x29e: {  	_ =	swait.ge [sflag:s0], $0x4000  }
0x29f: {  	[sflag:s0] =	ssyncset.done $0x0  }
0x2a0: {  	[sflag:s0] =	ssyncadd.s32 $0xFFFFC000  }
0x2a1: {  	[spmem:s25] =	stream.linear.scatter [tilespmem:s30], [sflag:$0x1], $0x4000, $0x38;
	[tilespmem:$0x1F0A0] =	vst v63  }
0x2a2: {  	_ =	swait.ge [sflag:s0], $0x4000  }
0x2a3: {  	s25 =	sld [smem:$0x7F4]  }
0x2a4: {  	[sflag:s0] =	ssyncset.done $0x0  }
0x2a5: {  	[sflag:s0] =	ssyncadd.s32 $0xFFFFC000  }
0x2a6: {  	[tilespmem:s30], [sflag:$0x1] =	stream.linear.gather [hbm4b:s25+s19], $0x4000, $0x38;
	[tilespmem:$0x1F0A0] =	vst v63  }
0x2a7: {  	_ =	swait.ge [sflag:s0], $0x4000  }
0x2a8: {  	[sflag:s0] =	ssyncset.done $0x0  }
0x2a9: {  	[sflag:s0] =	ssyncadd.s32 $0xFFFFC000  }
0x2aa: {  	[spmem:s28] =	stream.linear.scatter [tilespmem:s30], [sflag:$0x1], $0x4000, $0x38;
	[tilespmem:$0x1F0A0] =	vst v63  }
0x2ab: {  	_ =	swait.ge [sflag:s0], $0x4000  }
0x2ac: {  	s28 =	sld [smem:$0x7F5]  }
0x2ad: {  	[sflag:s0] =	ssyncset.done $0x0  }
0x2ae: {  	[sflag:s0] =	ssyncadd.s32 $0xFFFFC000  }
0x2af: {  	[tilespmem:s30], [sflag:$0x1] =	stream.linear.gather [hbm4b:s28+s19], $0x4000, $0x38;
	[tilespmem:$0x1F0A0] =	vst v63  }
0x2b0: {  	_ =	swait.ge [sflag:s0], $0x4000  }
0x2b1: {  	[sflag:s0] =	ssyncset.done $0x0  }
0x2b2: {  	[sflag:s0] =	ssyncadd.s32 $0xFFFFC000  }
0x2b3: {  	[spmem:s29] =	stream.linear.scatter [tilespmem:s30], [sflag:$0x1], $0x4000, $0x38;
	[tilespmem:$0x1F0A0] =	vst v63  }
0x2b4: {  	_ =	swait.ge [sflag:s0], $0x4000  }
0x2b5: {  	[sflag:s0] =	ssyncset.done $0x0  }
0x2b6: {  	s29 =	rddreg [dreg:$0x9];
	[sflag:s0] =	ssyncadd.s32 $0xFFFFC000  }
0x2b7: {  	[tilespmem:s30], [sflag:$0x1] =	stream.linear.gather [hbm4b:s29+s19], $0x6A0, $0x38;
	[tilespmem:$0x1F0A0] =	vst v63  }
0x2b8: {  	_ =	swait.ge [sflag:s0], $0x6A0  }
0x2b9: {  	[sflag:s0] =	ssyncset.done $0x0  }
0x2ba: {  	[sflag:s0] =	ssyncadd.s32 $0xFFFFF960  }
0x2bb: {  	[spmem:s20] =	stream.linear.scatter [tilespmem:s30], [sflag:$0x1], $0x6A0, $0x38;
	[tilespmem:$0x1F0A0] =	vst v63  }
0x2bc: {  	_ =	swait.ge [sflag:s0], $0x6A0  }
0x2bd: {  	[sflag:s0] =	ssyncset.done $0x0  }
0x2be: {  	[sflag:s0] =	ssyncadd.s32 $0xFFFFF960  }
0x2bf: {  	s18 =	simm.s32 $0x0;
	[bflag:$0x0] =	sbarrier.arrive $0xFFFF  }
.LBB2_15:
0x2c0: {  	s2 =	smul.u32 $0xE00, s18;
	_ =	sdelay $0x1  }
0x2c1: {  	s2 =	sadd.s32 s22, s2  }
0x2c2: {  	s2 =	sshrl.u32 s2, $0x3  }
0x2c3: {  	s20 =	sadd.s32 s10, s2  }
0x2c4: {  	[tilespmem:s7], [sflag:$0x1] =	stream.linear.gather [hbm4b:s20+s19], $0xE00, $0x38;
	[tilespmem:$0x1F0A0] =	vst v63  }
0x2c5: {  	_ =	swait.ge [sflag:s0], $0xE00  }
0x2c6: {  	[sflag:s0] =	ssyncset.done $0x0  }
0x2c7: {  	s28 =	sadd.s32 s11, s2;
	[sflag:s0] =	ssyncadd.s32 $0xFFFFF200  }
0x2c8: {  	[tilespmem:s26], [sflag:$0x1] =	stream.linear.gather [hbm4b:s28+s19], $0xE00, $0x38;
	[tilespmem:$0x1F0A0] =	vst v63  }
0x2c9: {  	_ =	swait.ge [sflag:s0], $0xE00  }
0x2ca: {  	[sflag:s0] =	ssyncset.done $0x0  }
0x2cb: {  	s29 =	sadd.s32 s12, s2;
	s2 =	simm.s32 $0x1A2A0;
	[sflag:s0] =	ssyncadd.s32 $0xFFFFF200  }
0x2cc: {  	[tilespmem:s2], [sflag:$0x1] =	stream.linear.gather [hbm4b:s29+s19], $0xE00, $0x38;
	[tilespmem:$0x1F0A0] =	vst v63  }
0x2cd: {  	_ =	swait.ge [sflag:s0], $0xE00  }
0x2ce: {  	[sflag:s0] =	ssyncset.done $0x0  }
0x2cf: {  	s20 =	simm.s32 $0x0;
	[sflag:s0] =	ssyncadd.s32 $0xFFFFF200  }
.LBB2_16:
0x2d0: {  	s21 =	sshll.u32 s20, $0x9  }
0x2d1: {  	v17 =	vld [tilespmem:s21+$0x186A0]  }
0x2d2: {  	v18 =	vld [tilespmem:s21+$0x186B0]  }
0x2d3: {  	v19 =	vld [tilespmem:s21+$0x186C0]  }
0x2d4: {  	v20 =	vld [tilespmem:s21+$0x186D0]  }
0x2d5: {  	v21 =	vld [tilespmem:s21+$0x186E0]  }
0x2d6: {  	v22 =	vld [tilespmem:s21+$0x186F0];
	v17 =	vadd.s32 v0, v17  }
0x2d7: {  	[tilespmem:s21+$0x186A0] =	vst v17;
	v17 =	vadd.s32 v0, v18;
	v18 =	vld [tilespmem:s21+$0x18700]  }
0x2d8: {  	[tilespmem:s21+$0x186B0] =	vst v17;
	v17 =	vadd.s32 v0, v19;
	v19 =	vld [tilespmem:s21+$0x18710]  }
0x2d9: {  	[tilespmem:s21+$0x186C0] =	vst v17;
	v17 =	vadd.s32 v0, v20;
	v20 =	vld [tilespmem:s21+$0x18720]  }
0x2da: {  	[tilespmem:s21+$0x186D0] =	vst v17;
	v17 =	vadd.s32 v0, v21;
	v21 =	vld [tilespmem:s21+$0x18730]  }
0x2db: {  	[tilespmem:s21+$0x186E0] =	vst v17;
	v17 =	vadd.s32 v0, v22;
	v22 =	vld [tilespmem:s21+$0x18740]  }
0x2dc: {  	[tilespmem:s21+$0x186F0] =	vst v17;
	v17 =	vadd.s32 v0, v18;
	v18 =	vld [tilespmem:s21+$0x18750]  }
0x2dd: {  	[tilespmem:s21+$0x18700] =	vst v17;
	v17 =	vadd.s32 v0, v19;
	v19 =	vld [tilespmem:s21+$0x18760]  }
0x2de: {  	[tilespmem:s21+$0x18710] =	vst v17;
	v17 =	vadd.s32 v0, v20;
	v20 =	vld [tilespmem:s21+$0x18770]  }
0x2df: {  	[tilespmem:s21+$0x18720] =	vst v17;
	v17 =	vadd.s32 v0, v21;
	v21 =	vld [tilespmem:s21+$0x18780]  }
0x2e0: {  	[tilespmem:s21+$0x18730] =	vst v17;
	v17 =	vadd.s32 v0, v22;
	v22 =	vld [tilespmem:s21+$0x18790]  }
0x2e1: {  	[tilespmem:s21+$0x18740] =	vst v17;
	v17 =	vadd.s32 v0, v18;
	v18 =	vld [tilespmem:s21+$0x187A0]  }
0x2e2: {  	[tilespmem:s21+$0x18750] =	vst v17;
	v17 =	vadd.s32 v0, v19;
	v19 =	vld [tilespmem:s21+$0x187B0]  }
0x2e3: {  	[tilespmem:s21+$0x18760] =	vst v17;
	v17 =	vadd.s32 v0, v20;
	v20 =	vld [tilespmem:s21+$0x187C0]  }
0x2e4: {  	[tilespmem:s21+$0x18770] =	vst v17;
	v17 =	vadd.s32 v0, v21;
	v21 =	vld [tilespmem:s21+$0x187D0]  }
0x2e5: {  	[tilespmem:s21+$0x18780] =	vst v17;
	v17 =	vadd.s32 v0, v22;
	v22 =	vld [tilespmem:s21+$0x187E0]  }
0x2e6: {  	[tilespmem:s21+$0x18790] =	vst v17;
	v17 =	vadd.s32 v0, v18;
	v18 =	vld [tilespmem:s21+$0x187F0]  }
0x2e7: {  	[tilespmem:s21+$0x187A0] =	vst v17;
	v17 =	vadd.s32 v0, v19;
	v19 =	vld [tilespmem:s21+$0x18800]  }
0x2e8: {  	[tilespmem:s21+$0x187B0] =	vst v17;
	v17 =	vadd.s32 v0, v20;
	v20 =	vld [tilespmem:s21+$0x18810]  }
0x2e9: {  	[tilespmem:s21+$0x187C0] =	vst v17;
	v17 =	vadd.s32 v0, v21;
	v21 =	vld [tilespmem:s21+$0x18820]  }
0x2ea: {  	[tilespmem:s21+$0x187D0] =	vst v17;
	v17 =	vadd.s32 v0, v22;
	v22 =	vld [tilespmem:s21+$0x18830]  }
0x2eb: {  	[tilespmem:s21+$0x187E0] =	vst v17;
	v17 =	vadd.s32 v0, v18;
	v18 =	vld [tilespmem:s21+$0x18840]  }
0x2ec: {  	[tilespmem:s21+$0x187F0] =	vst v17;
	v17 =	vadd.s32 v0, v19;
	v19 =	vld [tilespmem:s21+$0x18850]  }
0x2ed: {  	[tilespmem:s21+$0x18800] =	vst v17;
	v17 =	vadd.s32 v0, v20;
	v20 =	vld [tilespmem:s21+$0x18860]  }
0x2ee: {  	[tilespmem:s21+$0x18810] =	vst v17;
	v17 =	vadd.s32 v0, v21;
	v21 =	vld [tilespmem:s21+$0x18870]  }
0x2ef: {  	[tilespmem:s21+$0x18820] =	vst v17;
	v17 =	vadd.s32 v0, v22;
	v22 =	vld [tilespmem:s21+$0x18880]  }
0x2f0: {  	[tilespmem:s21+$0x18830] =	vst v17;
	v17 =	vadd.s32 v0, v18;
	v18 =	vld [tilespmem:s21+$0x18890]  }
0x2f1: {  	[tilespmem:s21+$0x18840] =	vst v17;
	v17 =	vadd.s32 v0, v19  }
0x2f2: {  	[tilespmem:s21+$0x18850] =	vst v17;
	v17 =	vadd.s32 v0, v20  }
0x2f3: {  	[tilespmem:s21+$0x18860] =	vst v17;
	v17 =	vadd.s32 v0, v21  }
0x2f4: {  	[tilespmem:s21+$0x18870] =	vst v17;
	v17 =	vadd.s32 v0, v22  }
0x2f5: {  	[tilespmem:s21+$0x18880] =	vst v17;
	v17 =	vadd.s32 v0, v18  }
0x2f6: {  	s23 =	sadd.s32 $0x186A0, s21;
	[tilespmem:s21+$0x18890] =	vst v17  }
0x2f7: {  	[tilespmem:s30], [sflag:$0x1] =	stream.indirect.gather [hbm4b:s16+s24], $0x20, s23, s24, $0xb8;
	[tilespmem:$0x1F0A0] =	vst v63  }
0x2f8: {  	_ =	swait.ge [sflag:s0], $0x4000  }
0x2f9: {  	[sflag:s0] =	ssyncset.done $0x0  }
0x2fa: {  	s25 =	simm.s32 $0x1B1A0;
	[sflag:s0] =	ssyncadd.s32 $0xFFFFC000  }
0x2fb: {  	v23 =	vld [tilespmem:s25+$0xFFFFFFA0]  }
0x2fc: {  	v20 =	vmov s2;
	v21 =	vld [tilespmem:s25+$0xFFFFFFF0]  }
0x2fd: {  	v17 =	vld [tilespmem:s25+$0xFFFFFF60]  }
0x2fe: {  	v24 =	vld [tilespmem:s25+$0xFFFFFFD0]  }
0x2ff: {  	v25 =	vld [tilespmem:s25+$0x80]  }
0x300: {  	s29 =	simm.s32 $0x0;
	v28 =	vld [tilespmem:s25+$0xFFFFFF10]  }
0x301: {  	v19 =	vld.idx.msk [tilespmem:v20+s29+$0x0 ss:$0x1], $0xffff  }
0x302: {  	v34 =	vld [tilespmem:s25+$0xE0]  }
0x303: {  	v27 =	vld [tilespmem:s25+$0xFFFFFF40]  }
0x304: {  	v18 =	vld [tilespmem:s25+$0xFFFFFF90]  }
0x305: {  	v26 =	vld [tilespmem:s25+$0xFFFFFFC0]  }
0x306: {  	v29 =	vld [tilespmem:s25+$0xFFFFFF00]  }
0x307: {  	v30 =	vld [tilespmem:s25+$0xD0];
	v19 =	vmul.f32 $5.000000000e-01, v19  }
0x308: {  	v39 =	vld [tilespmem:s25+$0xC0]  }
0x309: {  	v37 =	vld [tilespmem:s25+$0x90];
	v35 =	vperm.xlane v19, v1;
	v22 =	vperm.xlane v19, v16  }
0x30a: {  	v38 =	vld [tilespmem:s25+$0xFFFFFF50];
	v36 =	vperm.xlane v19, v3;
	v32 =	vperm.xlane v19, v15  }
0x30b: {  	v33 =	vld [tilespmem:s25+$0xB0];
	v31 =	vperm.xlane v19, v13;
	v41 =	vmul.f32 v29, v35  }
0x30c: {  	s28 =	simm.s32 $0x40;
	s23 =	simm.s32 $0x1B1A0;
	v29 =	vperm.xlane v19, v14;
	v40 =	vmul.f32 v27, v36;
	v27 =	vld [tilespmem:s25+$0x60]  }
.LBB2_17:
0x30d: {  	p0 =	sne.s32 s28, $0x7C0  }
0x30e: {  	[tilespmem:s25+$0xFFFFFF00] =	vst v41;
	v41 =	vld [tilespmem:s25+$0xFFFFFFB0];
	v39 =	vmul.f32 v39, v32;
	v34 =	vmul.f32 v34, v22;
	s23 =	sadd.s32 $0x200, s23;
	s29 =	smov.u32 s28;
	s28 =	sadd.s32 $0x40, s28  }
0x30f: {  	[tilespmem:s25+$0xFFFFFF40] =	vst v40;
	v40 =	vperm.xlane v19, v11;
	v37 =	vmul.f32 v37, v31;
	v42 =	vld [tilespmem:s25+$0xA0]  }
0x310: {  	v28 =	vmul.f32 v28, v35;
	v35 =	vmul.f32 v38, v36;
	v36 =	vld [tilespmem:s25+$0x70];
	[tilespmem:s25+$0xE0] =	vst v34  }
0x311: {  	v34 =	vperm.xlane v19, v6;
	v38 =	vld [tilespmem:s25+$0xFFFFFFE0];
	v33 =	vmul.f32 v33, v29;
	[tilespmem:s25+$0xC0] =	vst v39  }
0x312: {  	v30 =	vmul.f32 v30, v32;
	v39 =	vperm.xlane v19, v7;
	[tilespmem:s25+$0xFFFFFF10] =	vst v28;
	v28 =	vld [tilespmem:s25+$0xFFFFFF20]  }
0x313: {  	v43 =	vperm.xlane v19, v12;
	v23 =	vmul.f32 v23, v34;
	v32 =	vld [tilespmem:s25+$0x40];
	[tilespmem:s25+$0x90] =	vst v37  }
0x314: {  	[tilespmem:s25+$0xFFFFFF50] =	vst v35;
	v35 =	vperm.xlane v19, v10;
	v37 =	vld [tilespmem:s25+$0x20];
	v29 =	vmul.f32 v42, v29  }
0x315: {  	v34 =	vmul.f32 v41, v34;
	v41 =	vld [tilespmem:s25+$0x50];
	v36 =	vmul.f32 v36, v43;
	[tilespmem:s25+$0xD0] =	vst v30  }
0x316: {  	v25 =	vmul.f32 v25, v31;
	v30 =	vperm.xlane v19, v8;
	v42 =	vld [tilespmem:s25+$0x30];
	[tilespmem:s25+$0xA0] =	vst v29  }
0x317: {  	v26 =	vmul.f32 v26, v39;
	v29 =	vperm.xlane v19, v4;
	v31 =	vld [tilespmem:s25+$0x0];
	[tilespmem:s25+$0x70] =	vst v36  }
0x318: {  	v27 =	vmul.f32 v27, v43;
	v24 =	vmul.f32 v24, v39;
	v36 =	vld [tilespmem:s25+$0x10];
	[tilespmem:s25+$0x80] =	vst v25  }
0x319: {  	v39 =	vperm.xlane v19, v9;
	v32 =	vmul.f32 v32, v40;
	v25 =	vld [tilespmem:s25+$0xFFFFFF30];
	[tilespmem:s25+$0xB0] =	vst v33  }
0x31a: {  	v33 =	vperm.xlane v19, v2;
	v43 =	vld [tilespmem:s25+$0xFFFFFF70];
	[tilespmem:s25+$0xFFFFFFD0] =	vst v24;
	v24 =	vmul.f32 v41, v40  }
0x31b: {  	v21 =	vmul.f32 v21, v30;
	[tilespmem:s25+$0xFFFFFFC0] =	vst v26;
	v26 =	vmul.f32 v38, v30;
	v30 =	vld [tilespmem:s25+$0xF0]  }
0x31c: {  	v40 =	vmul.f32 v42, v35;
	v38 =	vld [tilespmem:s25+$0xFFFFFF80];
	[tilespmem:s25+$0xFFFFFFA0] =	vst v23;
	v31 =	vmul.f32 v31, v39  }
0x31d: {  	v23 =	vld [tilespmem:s23+$0xFFFFFFA0];
	[tilespmem:s25+$0xFFFFFFF0] =	vst v21;
	v36 =	vmul.f32 v36, v39;
	v21 =	vmul.f32 v37, v35  }
0x31e: {  	v28 =	vmul.f32 v28, v33;
	v33 =	vmul.f32 v25, v33;
	[tilespmem:s25+$0x60] =	vst v27  }
0x31f: {  	v17 =	vmul.f32 v17, v29;
	v25 =	vmul.f32 v43, v29;
	[tilespmem:s25+$0xFFFFFFB0] =	vst v34  }
0x320: {  	v19 =	vperm.xlane v19, v5;
	[tilespmem:s25+$0xFFFFFF20] =	vst v28;
	v22 =	vmul.f32 v30, v22  }
0x321: {  	[tilespmem:s25+$0xFFFFFF60] =	vst v17  }
0x322: {  	v18 =	vmul.f32 v18, v19;
	v17 =	vmul.f32 v38, v19;
	[tilespmem:s25+$0x40] =	vst v32  }
0x323: {  	[tilespmem:s25+$0xFFFFFFE0] =	vst v26  }
0x324: {  	[tilespmem:s25+$0xF0] =	vst v22  }
0x325: {  	[tilespmem:s25+$0xFFFFFF90] =	vst v18  }
0x326: {  	[tilespmem:s25+$0xFFFFFF70] =	vst v25  }
0x327: {  	[tilespmem:s25+$0x20] =	vst v21  }
0x328: {  	[tilespmem:s25+$0x30] =	vst v40  }
0x329: {  	v21 =	vld [tilespmem:s23+$0xFFFFFFF0];
	[tilespmem:s25+$0xFFFFFF80] =	vst v17  }
0x32a: {  	v17 =	vld [tilespmem:s23+$0xFFFFFF60];
	[tilespmem:s25+$0x50] =	vst v24  }
0x32b: {  	v24 =	vld [tilespmem:s23+$0xFFFFFFD0];
	[tilespmem:s25+$0x0] =	vst v31  }
0x32c: {  	v25 =	vld [tilespmem:s23+$0x80];
	[tilespmem:s25+$0xFFFFFF30] =	vst v33  }
0x32d: {  	s29 =	sshra.s32 s29, $0x2;
	v28 =	vld [tilespmem:s23+$0xFFFFFF10];
	[tilespmem:s25+$0x10] =	vst v36;
	s25 =	smov.u32 s23  }
0x32e: {  	v19 =	vld.idx.msk [tilespmem:v20+s29+$0x0 ss:$0x1], $0xffff  }
0x32f: {  	v34 =	vld [tilespmem:s23+$0xE0]  }
0x330: {  	v27 =	vld [tilespmem:s23+$0xFFFFFF40]  }
0x331: {  	v18 =	vld [tilespmem:s23+$0xFFFFFF90]  }
0x332: {  	v26 =	vld [tilespmem:s23+$0xFFFFFFC0]  }
0x333: {  	v29 =	vld [tilespmem:s23+$0xFFFFFF00]  }
0x334: {  	v19 =	vmul.f32 $5.000000000e-01, v19;
	v30 =	vld [tilespmem:s23+$0xD0]  }
.Ltmp6:
0x335: {  	v39 =	vld [tilespmem:s23+$0xC0];
	(pc) =	sbr.rel @p0 .LBB2_17-.Ltmp6, $4  }
0x336: {  	v35 =	vperm.xlane v19, v1;
	v22 =	vperm.xlane v19, v16;
	v37 =	vld [tilespmem:s23+$0x90]  }
0x337: {  	v36 =	vperm.xlane v19, v3;
	v32 =	vperm.xlane v19, v15;
	v38 =	vld [tilespmem:s23+$0xFFFFFF50]  }
0x338: {  	v41 =	vmul.f32 v29, v35;
	v29 =	vperm.xlane v19, v14;
	v33 =	vld [tilespmem:s23+$0xB0]  }
0x339: {  	v31 =	vperm.xlane v19, v13;
	v40 =	vmul.f32 v27, v36;
	v27 =	vld [tilespmem:s23+$0x60]  }
0x33a: {  	[tilespmem:s25+$0xFFFFFF00] =	vst v41;
	v20 =	vmul.f32 v34, v22  }
0x33b: {  	v55 =	vmul.f32 v39, v32;
	[tilespmem:s25+$0xFFFFFF40] =	vst v40  }
0x33c: {  	v28 =	vmul.f32 v28, v35;
	[tilespmem:s25+$0xE0] =	vst v20  }
0x33d: {  	v30 =	vmul.f32 v30, v32;
	[tilespmem:s25+$0xC0] =	vst v55  }
0x33e: {  	v58 =	vmul.f32 v37, v31;
	[tilespmem:s25+$0xFFFFFF10] =	vst v28  }
0x33f: {  	v41 =	vperm.xlane v19, v7;
	v25 =	vmul.f32 v25, v31;
	[tilespmem:s25+$0xD0] =	vst v30  }
0x340: {  	v36 =	vmul.f32 v38, v36;
	[tilespmem:s25+$0x90] =	vst v58  }
0x341: {  	v45 =	vperm.xlane v19, v6;
	v24 =	vmul.f32 v24, v41;
	[tilespmem:s25+$0x80] =	vst v25  }
0x342: {  	v47 =	vperm.xlane v19, v8;
	v26 =	vmul.f32 v26, v41;
	[tilespmem:s25+$0xFFFFFF50] =	vst v36  }
0x343: {  	v56 =	vld [tilespmem:s25+$0xA0];
	v54 =	vperm.xlane v19, v4;
	v23 =	vmul.f32 v23, v45;
	[tilespmem:s25+$0xFFFFFFD0] =	vst v24  }
0x344: {  	v57 =	vld [tilespmem:s25+$0x70];
	v21 =	vmul.f32 v21, v47;
	[tilespmem:s25+$0xFFFFFFC0] =	vst v26  }
0x345: {  	v59 =	vld [tilespmem:s25+$0xFFFFFFB0];
	v61 =	vperm.xlane v19, v12;
	v17 =	vmul.f32 v17, v54;
	[tilespmem:s25+$0xFFFFFFA0] =	vst v23  }
0x346: {  	v60 =	vld [tilespmem:s25+$0xFFFFFF20];
	v43 =	vmul.f32 v33, v29;
	[tilespmem:s25+$0xFFFFFFF0] =	vst v21  }
0x347: {  	v62 =	vld [tilespmem:s25+$0xFFFFFFE0];
	v27 =	vmul.f32 v27, v61;
	[tilespmem:s25+$0xFFFFFF60] =	vst v17  }
0x348: {  	v49 =	vld [tilespmem:s25+$0xFFFFFF70];
	v63 =	vmul.f32 v56, v29;
	[tilespmem:s25+$0xB0] =	vst v43  }
0x349: {  	v52 =	vperm.xlane v19, v2;
	v40 =	vld [tilespmem:s25+$0x40];
	v35 =	vmul.f32 v57, v61;
	[tilespmem:s25+$0x60] =	vst v27  }
0x34a: {  	v55 =	vld [tilespmem:s25+$0xF0];
	v53 =	vmul.f32 v59, v45;
	[tilespmem:s25+$0xA0] =	vst v63  }
0x34b: {  	v28 =	vmul.f32 v60, v52;
	[tilespmem:s25+$0x70] =	vst v35  }
0x34c: {  	v50 =	vld [tilespmem:s25+$0xFFFFFF80];
	v56 =	vperm.xlane v19, v11;
	v20 =	vmul.f32 v62, v47;
	[tilespmem:s25+$0xFFFFFFB0] =	vst v53  }
0x34d: {  	v44 =	vld [tilespmem:s25+$0x20];
	v61 =	vmul.f32 v49, v54;
	[tilespmem:s25+$0xFFFFFF20] =	vst v28  }
0x34e: {  	v46 =	vld [tilespmem:s25+$0x30];
	v59 =	vperm.xlane v19, v5;
	v58 =	vmul.f32 v40, v56;
	[tilespmem:s25+$0xFFFFFFE0] =	vst v20  }
0x34f: {  	v57 =	vld [tilespmem:s25+$0xFFFFFF30];
	v17 =	vmul.f32 v55, v22;
	[tilespmem:s25+$0xFFFFFF70] =	vst v61  }
0x350: {  	v42 =	vld [tilespmem:s25+$0x50];
	v60 =	vperm.xlane v19, v10;
	v18 =	vmul.f32 v18, v59;
	[tilespmem:s25+$0x40] =	vst v58  }
0x351: {  	v48 =	vld [tilespmem:s25+$0x0];
	v62 =	vmul.f32 v50, v59;
	[tilespmem:s25+$0xF0] =	vst v17  }
0x352: {  	v51 =	vld [tilespmem:s25+$0x10];
	v17 =	vmul.f32 v44, v60;
	[tilespmem:s25+$0xFFFFFF90] =	vst v18  }
0x353: {  	v18 =	vmul.f32 v46, v60;
	[tilespmem:s25+$0xFFFFFF80] =	vst v62  }
0x354: {  	v19 =	vperm.xlane v19, v9;
	v63 =	vmul.f32 v57, v52;
	[tilespmem:s25+$0x20] =	vst v17  }
0x355: {  	v17 =	vmul.f32 v42, v56;
	[tilespmem:s25+$0x30] =	vst v18  }
0x356: {  	v18 =	vmul.f32 v48, v19;
	[tilespmem:s25+$0xFFFFFF30] =	vst v63  }
0x357: {  	s20 =	sadd.s32 $0x1, s20;
	[tilespmem:s25+$0x50] =	vst v17;
	v17 =	vmul.f32 v51, v19  }
0x358: {  	p0 =	sne.s32 s20, $0x7;
	[tilespmem:s25+$0x0] =	vst v18  }
.Ltmp7:
0x359: {  	s21 =	sadd.s32 $0x194A0, s21;
	[tilespmem:s25+$0x10] =	vst v17;
	(pc) =	sbr.rel @p0 .LBB2_16-.Ltmp7, $4  }
0x35a: {  	[spmem:s1] =	stream.indirect.scatter.add.f32 [tilespmem:s30], [sflag:$0x1], $0x20, s21, s24, $0xb8;
	[tilespmem:$0x1F0A0] =	vst v63  }
0x35b: {  	_ =	swait.ge [sflag:s0], $0x4000  }
0x35c: {  	[sflag:s0] =	ssyncset.done $0x0  }
0x35d: {  	s2 =	sadd.s32 $0x200, s2;
	[sflag:s0] =	ssyncadd.s32 $0xFFFFC000  }
0x35e: {  	s18 =	sadd.s32 $0x1, s18  }
0x35f: {  	p0 =	sne.s32 s18, $0xE  }
.Ltmp8:
0x360: {  	_ = 	snop;
	(pc) =	sbr.rel @p0 .LBB2_15-.Ltmp8, $2  }
0x361: {  	_ =	sdelay $0x2  }
0x362: {  	s2 =	simm.s32 $0x0  }
0x363: {  	s18 =	simm.s32 $0x0  }
.LBB2_21:
0x364: {  	s19 =	smul.u32 $0xE00, s18;
	_ =	sdelay $0x1  }
0x365: {  	s19 =	sadd.s32 s22, s19  }
0x366: {  	s19 =	sshrl.u32 s19, $0x3  }
0x367: {  	s20 =	sadd.s32 s13, s19  }
0x368: {  	[tilespmem:s7], [sflag:$0x1] =	stream.linear.gather [hbm4b:s20+s2], $0xE00, $0x38;
	[tilespmem:$0x1F0A0] =	vst v63  }
0x369: {  	_ =	swait.ge [sflag:s0], $0xE00  }
0x36a: {  	[sflag:s0] =	ssyncset.done $0x0  }
0x36b: {  	s28 =	sadd.s32 s14, s19;
	[sflag:s0] =	ssyncadd.s32 $0xFFFFF200  }
0x36c: {  	[tilespmem:s26], [sflag:$0x1] =	stream.linear.gather [hbm4b:s28+s2], $0xE00, $0x38;
	[tilespmem:$0x1F0A0] =	vst v63  }
0x36d: {  	_ =	swait.ge [sflag:s0], $0xE00  }
0x36e: {  	[sflag:s0] =	ssyncset.done $0x0  }
0x36f: {  	s29 =	sadd.s32 s15, s19;
	s19 =	simm.s32 $0x1A2A0;
	[sflag:s0] =	ssyncadd.s32 $0xFFFFF200  }
0x370: {  	[tilespmem:s19], [sflag:$0x1] =	stream.linear.gather [hbm4b:s29+s2], $0xE00, $0x38;
	[tilespmem:$0x1F0A0] =	vst v63  }
0x371: {  	_ =	swait.ge [sflag:s0], $0xE00  }
0x372: {  	[sflag:s0] =	ssyncset.done $0x0  }
0x373: {  	s20 =	simm.s32 $0x0;
	[sflag:s0] =	ssyncadd.s32 $0xFFFFF200  }
.LBB2_22:
0x374: {  	s21 =	sshll.u32 s20, $0x9  }
0x375: {  	v17 =	vld [tilespmem:s21+$0x186A0]  }
0x376: {  	v18 =	vld [tilespmem:s21+$0x186B0]  }
0x377: {  	v19 =	vld [tilespmem:s21+$0x186C0]  }
0x378: {  	v20 =	vld [tilespmem:s21+$0x186D0]  }
0x379: {  	v21 =	vld [tilespmem:s21+$0x186E0]  }
0x37a: {  	v22 =	vld [tilespmem:s21+$0x186F0];
	v17 =	vadd.s32 v0, v17  }
0x37b: {  	[tilespmem:s21+$0x186A0] =	vst v17;
	v17 =	vadd.s32 v0, v18;
	v18 =	vld [tilespmem:s21+$0x18700]  }
0x37c: {  	[tilespmem:s21+$0x186B0] =	vst v17;
	v17 =	vadd.s32 v0, v19;
	v19 =	vld [tilespmem:s21+$0x18710]  }
0x37d: {  	[tilespmem:s21+$0x186C0] =	vst v17;
	v17 =	vadd.s32 v0, v20;
	v20 =	vld [tilespmem:s21+$0x18720]  }
0x37e: {  	[tilespmem:s21+$0x186D0] =	vst v17;
	v17 =	vadd.s32 v0, v21;
	v21 =	vld [tilespmem:s21+$0x18730]  }
0x37f: {  	[tilespmem:s21+$0x186E0] =	vst v17;
	v17 =	vadd.s32 v0, v22;
	v22 =	vld [tilespmem:s21+$0x18740]  }
0x380: {  	[tilespmem:s21+$0x186F0] =	vst v17;
	v17 =	vadd.s32 v0, v18;
	v18 =	vld [tilespmem:s21+$0x18750]  }
0x381: {  	[tilespmem:s21+$0x18700] =	vst v17;
	v17 =	vadd.s32 v0, v19;
	v19 =	vld [tilespmem:s21+$0x18760]  }
0x382: {  	[tilespmem:s21+$0x18710] =	vst v17;
	v17 =	vadd.s32 v0, v20;
	v20 =	vld [tilespmem:s21+$0x18770]  }
0x383: {  	[tilespmem:s21+$0x18720] =	vst v17;
	v17 =	vadd.s32 v0, v21;
	v21 =	vld [tilespmem:s21+$0x18780]  }
0x384: {  	[tilespmem:s21+$0x18730] =	vst v17;
	v17 =	vadd.s32 v0, v22;
	v22 =	vld [tilespmem:s21+$0x18790]  }
0x385: {  	[tilespmem:s21+$0x18740] =	vst v17;
	v17 =	vadd.s32 v0, v18;
	v18 =	vld [tilespmem:s21+$0x187A0]  }
0x386: {  	[tilespmem:s21+$0x18750] =	vst v17;
	v17 =	vadd.s32 v0, v19;
	v19 =	vld [tilespmem:s21+$0x187B0]  }
0x387: {  	[tilespmem:s21+$0x18760] =	vst v17;
	v17 =	vadd.s32 v0, v20;
	v20 =	vld [tilespmem:s21+$0x187C0]  }
0x388: {  	[tilespmem:s21+$0x18770] =	vst v17;
	v17 =	vadd.s32 v0, v21;
	v21 =	vld [tilespmem:s21+$0x187D0]  }
0x389: {  	[tilespmem:s21+$0x18780] =	vst v17;
	v17 =	vadd.s32 v0, v22;
	v22 =	vld [tilespmem:s21+$0x187E0]  }
0x38a: {  	[tilespmem:s21+$0x18790] =	vst v17;
	v17 =	vadd.s32 v0, v18;
	v18 =	vld [tilespmem:s21+$0x187F0]  }
0x38b: {  	[tilespmem:s21+$0x187A0] =	vst v17;
	v17 =	vadd.s32 v0, v19;
	v19 =	vld [tilespmem:s21+$0x18800]  }
0x38c: {  	[tilespmem:s21+$0x187B0] =	vst v17;
	v17 =	vadd.s32 v0, v20;
	v20 =	vld [tilespmem:s21+$0x18810]  }
0x38d: {  	[tilespmem:s21+$0x187C0] =	vst v17;
	v17 =	vadd.s32 v0, v21;
	v21 =	vld [tilespmem:s21+$0x18820]  }
0x38e: {  	[tilespmem:s21+$0x187D0] =	vst v17;
	v17 =	vadd.s32 v0, v22;
	v22 =	vld [tilespmem:s21+$0x18830]  }
0x38f: {  	[tilespmem:s21+$0x187E0] =	vst v17;
	v17 =	vadd.s32 v0, v18;
	v18 =	vld [tilespmem:s21+$0x18840]  }
0x390: {  	[tilespmem:s21+$0x187F0] =	vst v17;
	v17 =	vadd.s32 v0, v19;
	v19 =	vld [tilespmem:s21+$0x18850]  }
0x391: {  	[tilespmem:s21+$0x18800] =	vst v17;
	v17 =	vadd.s32 v0, v20;
	v20 =	vld [tilespmem:s21+$0x18860]  }
0x392: {  	[tilespmem:s21+$0x18810] =	vst v17;
	v17 =	vadd.s32 v0, v21;
	v21 =	vld [tilespmem:s21+$0x18870]  }
0x393: {  	[tilespmem:s21+$0x18820] =	vst v17;
	v17 =	vadd.s32 v0, v22;
	v22 =	vld [tilespmem:s21+$0x18880]  }
0x394: {  	[tilespmem:s21+$0x18830] =	vst v17;
	v17 =	vadd.s32 v0, v18;
	v18 =	vld [tilespmem:s21+$0x18890]  }
0x395: {  	[tilespmem:s21+$0x18840] =	vst v17;
	v17 =	vadd.s32 v0, v19  }
0x396: {  	[tilespmem:s21+$0x18850] =	vst v17;
	v17 =	vadd.s32 v0, v20  }
0x397: {  	[tilespmem:s21+$0x18860] =	vst v17;
	v17 =	vadd.s32 v0, v21  }
0x398: {  	[tilespmem:s21+$0x18870] =	vst v17;
	v17 =	vadd.s32 v0, v22  }
0x399: {  	[tilespmem:s21+$0x18880] =	vst v17;
	v17 =	vadd.s32 v0, v18  }
0x39a: {  	s23 =	sadd.s32 $0x186A0, s21;
	[tilespmem:s21+$0x18890] =	vst v17  }
0x39b: {  	[tilespmem:s30], [sflag:$0x1] =	stream.indirect.gather [hbm4b:s17+s24], $0x20, s23, s24, $0xb8;
	[tilespmem:$0x1F0A0] =	vst v63  }
0x39c: {  	_ =	swait.ge [sflag:s0], $0x4000  }
0x39d: {  	[sflag:s0] =	ssyncset.done $0x0  }
0x39e: {  	s25 =	simm.s32 $0x1B1A0;
	[sflag:s0] =	ssyncadd.s32 $0xFFFFC000  }
0x39f: {  	v23 =	vld [tilespmem:s25+$0xFFFFFFA0]  }
0x3a0: {  	v20 =	vmov s19;
	v21 =	vld [tilespmem:s25+$0xFFFFFFF0]  }
0x3a1: {  	v17 =	vld [tilespmem:s25+$0xFFFFFF60]  }
0x3a2: {  	v24 =	vld [tilespmem:s25+$0xFFFFFFD0]  }
0x3a3: {  	v25 =	vld [tilespmem:s25+$0x80]  }
0x3a4: {  	s29 =	simm.s32 $0x0;
	v28 =	vld [tilespmem:s25+$0xFFFFFF10]  }
0x3a5: {  	v19 =	vld.idx.msk [tilespmem:v20+s29+$0x0 ss:$0x1], $0xffff  }
0x3a6: {  	v34 =	vld [tilespmem:s25+$0xE0]  }
0x3a7: {  	v27 =	vld [tilespmem:s25+$0xFFFFFF40]  }
0x3a8: {  	v18 =	vld [tilespmem:s25+$0xFFFFFF90]  }
0x3a9: {  	v26 =	vld [tilespmem:s25+$0xFFFFFFC0]  }
0x3aa: {  	v29 =	vld [tilespmem:s25+$0xFFFFFF00]  }
0x3ab: {  	v30 =	vld [tilespmem:s25+$0xD0];
	v19 =	vmul.f32 $5.000000000e-01, v19  }
0x3ac: {  	v39 =	vld [tilespmem:s25+$0xC0]  }
0x3ad: {  	v37 =	vld [tilespmem:s25+$0x90];
	v35 =	vperm.xlane v19, v1;
	v22 =	vperm.xlane v19, v16  }
0x3ae: {  	v38 =	vld [tilespmem:s25+$0xFFFFFF50];
	v36 =	vperm.xlane v19, v3;
	v32 =	vperm.xlane v19, v15  }
0x3af: {  	v33 =	vld [tilespmem:s25+$0xB0];
	v31 =	vperm.xlane v19, v13;
	v41 =	vmul.f32 v29, v35  }
0x3b0: {  	s28 =	simm.s32 $0x40;
	s23 =	simm.s32 $0x1B1A0;
	v29 =	vperm.xlane v19, v14;
	v40 =	vmul.f32 v27, v36;
	v27 =	vld [tilespmem:s25+$0x60]  }
.LBB2_23:
0x3b1: {  	p0 =	sne.s32 s28, $0x7C0  }
0x3b2: {  	[tilespmem:s25+$0xFFFFFF00] =	vst v41;
	v41 =	vld [tilespmem:s25+$0xFFFFFFB0];
	v39 =	vmul.f32 v39, v32;
	v34 =	vmul.f32 v34, v22;
	s23 =	sadd.s32 $0x200, s23;
	s29 =	smov.u32 s28;
	s28 =	sadd.s32 $0x40, s28  }
0x3b3: {  	[tilespmem:s25+$0xFFFFFF40] =	vst v40;
	v40 =	vperm.xlane v19, v11;
	v37 =	vmul.f32 v37, v31;
	v42 =	vld [tilespmem:s25+$0xA0]  }
0x3b4: {  	v28 =	vmul.f32 v28, v35;
	v35 =	vmul.f32 v38, v36;
	v36 =	vld [tilespmem:s25+$0x70];
	[tilespmem:s25+$0xE0] =	vst v34  }
0x3b5: {  	v34 =	vperm.xlane v19, v6;
	v38 =	vld [tilespmem:s25+$0xFFFFFFE0];
	v33 =	vmul.f32 v33, v29;
	[tilespmem:s25+$0xC0] =	vst v39  }
0x3b6: {  	v30 =	vmul.f32 v30, v32;
	v39 =	vperm.xlane v19, v7;
	[tilespmem:s25+$0xFFFFFF10] =	vst v28;
	v28 =	vld [tilespmem:s25+$0xFFFFFF20]  }
0x3b7: {  	v43 =	vperm.xlane v19, v12;
	v23 =	vmul.f32 v23, v34;
	v32 =	vld [tilespmem:s25+$0x40];
	[tilespmem:s25+$0x90] =	vst v37  }
0x3b8: {  	[tilespmem:s25+$0xFFFFFF50] =	vst v35;
	v35 =	vperm.xlane v19, v10;
	v37 =	vld [tilespmem:s25+$0x20];
	v29 =	vmul.f32 v42, v29  }
0x3b9: {  	v34 =	vmul.f32 v41, v34;
	v41 =	vld [tilespmem:s25+$0x50];
	v36 =	vmul.f32 v36, v43;
	[tilespmem:s25+$0xD0] =	vst v30  }
0x3ba: {  	v25 =	vmul.f32 v25, v31;
	v30 =	vperm.xlane v19, v8;
	v42 =	vld [tilespmem:s25+$0x30];
	[tilespmem:s25+$0xA0] =	vst v29  }
0x3bb: {  	v26 =	vmul.f32 v26, v39;
	v29 =	vperm.xlane v19, v4;
	v31 =	vld [tilespmem:s25+$0x0];
	[tilespmem:s25+$0x70] =	vst v36  }
0x3bc: {  	v27 =	vmul.f32 v27, v43;
	v24 =	vmul.f32 v24, v39;
	v36 =	vld [tilespmem:s25+$0x10];
	[tilespmem:s25+$0x80] =	vst v25  }
0x3bd: {  	v39 =	vperm.xlane v19, v9;
	v32 =	vmul.f32 v32, v40;
	v25 =	vld [tilespmem:s25+$0xFFFFFF30];
	[tilespmem:s25+$0xB0] =	vst v33  }
0x3be: {  	v33 =	vperm.xlane v19, v2;
	v43 =	vld [tilespmem:s25+$0xFFFFFF70];
	[tilespmem:s25+$0xFFFFFFD0] =	vst v24;
	v24 =	vmul.f32 v41, v40  }
0x3bf: {  	v21 =	vmul.f32 v21, v30;
	[tilespmem:s25+$0xFFFFFFC0] =	vst v26;
	v26 =	vmul.f32 v38, v30;
	v30 =	vld [tilespmem:s25+$0xF0]  }
0x3c0: {  	v40 =	vmul.f32 v42, v35;
	v38 =	vld [tilespmem:s25+$0xFFFFFF80];
	[tilespmem:s25+$0xFFFFFFA0] =	vst v23;
	v31 =	vmul.f32 v31, v39  }
0x3c1: {  	v23 =	vld [tilespmem:s23+$0xFFFFFFA0];
	[tilespmem:s25+$0xFFFFFFF0] =	vst v21;
	v36 =	vmul.f32 v36, v39;
	v21 =	vmul.f32 v37, v35  }
0x3c2: {  	v28 =	vmul.f32 v28, v33;
	v33 =	vmul.f32 v25, v33;
	[tilespmem:s25+$0x60] =	vst v27  }
0x3c3: {  	v17 =	vmul.f32 v17, v29;
	v25 =	vmul.f32 v43, v29;
	[tilespmem:s25+$0xFFFFFFB0] =	vst v34  }
0x3c4: {  	v19 =	vperm.xlane v19, v5;
	[tilespmem:s25+$0xFFFFFF20] =	vst v28;
	v22 =	vmul.f32 v30, v22  }
0x3c5: {  	[tilespmem:s25+$0xFFFFFF60] =	vst v17  }
0x3c6: {  	v18 =	vmul.f32 v18, v19;
	v17 =	vmul.f32 v38, v19;
	[tilespmem:s25+$0x40] =	vst v32  }
0x3c7: {  	[tilespmem:s25+$0xFFFFFFE0] =	vst v26  }
0x3c8: {  	[tilespmem:s25+$0xF0] =	vst v22  }
0x3c9: {  	[tilespmem:s25+$0xFFFFFF90] =	vst v18  }
0x3ca: {  	[tilespmem:s25+$0xFFFFFF70] =	vst v25  }
0x3cb: {  	[tilespmem:s25+$0x20] =	vst v21  }
0x3cc: {  	[tilespmem:s25+$0x30] =	vst v40  }
0x3cd: {  	v21 =	vld [tilespmem:s23+$0xFFFFFFF0];
	[tilespmem:s25+$0xFFFFFF80] =	vst v17  }
0x3ce: {  	v17 =	vld [tilespmem:s23+$0xFFFFFF60];
	[tilespmem:s25+$0x50] =	vst v24  }
0x3cf: {  	v24 =	vld [tilespmem:s23+$0xFFFFFFD0];
	[tilespmem:s25+$0x0] =	vst v31  }
0x3d0: {  	v25 =	vld [tilespmem:s23+$0x80];
	[tilespmem:s25+$0xFFFFFF30] =	vst v33  }
0x3d1: {  	s29 =	sshra.s32 s29, $0x2;
	v28 =	vld [tilespmem:s23+$0xFFFFFF10];
	[tilespmem:s25+$0x10] =	vst v36;
	s25 =	smov.u32 s23  }
0x3d2: {  	v19 =	vld.idx.msk [tilespmem:v20+s29+$0x0 ss:$0x1], $0xffff  }
0x3d3: {  	v34 =	vld [tilespmem:s23+$0xE0]  }
0x3d4: {  	v27 =	vld [tilespmem:s23+$0xFFFFFF40]  }
0x3d5: {  	v18 =	vld [tilespmem:s23+$0xFFFFFF90]  }
0x3d6: {  	v26 =	vld [tilespmem:s23+$0xFFFFFFC0]  }
0x3d7: {  	v29 =	vld [tilespmem:s23+$0xFFFFFF00]  }
0x3d8: {  	v19 =	vmul.f32 $5.000000000e-01, v19;
	v30 =	vld [tilespmem:s23+$0xD0]  }
.Ltmp9:
0x3d9: {  	v39 =	vld [tilespmem:s23+$0xC0];
	(pc) =	sbr.rel @p0 .LBB2_23-.Ltmp9, $4  }
0x3da: {  	v35 =	vperm.xlane v19, v1;
	v22 =	vperm.xlane v19, v16;
	v37 =	vld [tilespmem:s23+$0x90]  }
0x3db: {  	v36 =	vperm.xlane v19, v3;
	v32 =	vperm.xlane v19, v15;
	v38 =	vld [tilespmem:s23+$0xFFFFFF50]  }
0x3dc: {  	v41 =	vmul.f32 v29, v35;
	v29 =	vperm.xlane v19, v14;
	v33 =	vld [tilespmem:s23+$0xB0]  }
0x3dd: {  	v31 =	vperm.xlane v19, v13;
	v40 =	vmul.f32 v27, v36;
	v27 =	vld [tilespmem:s23+$0x60]  }
0x3de: {  	[tilespmem:s25+$0xFFFFFF00] =	vst v41;
	v20 =	vmul.f32 v34, v22  }
0x3df: {  	v55 =	vmul.f32 v39, v32;
	[tilespmem:s25+$0xFFFFFF40] =	vst v40  }
0x3e0: {  	v28 =	vmul.f32 v28, v35;
	[tilespmem:s25+$0xE0] =	vst v20  }
0x3e1: {  	v30 =	vmul.f32 v30, v32;
	[tilespmem:s25+$0xC0] =	vst v55  }
0x3e2: {  	v58 =	vmul.f32 v37, v31;
	[tilespmem:s25+$0xFFFFFF10] =	vst v28  }
0x3e3: {  	v41 =	vperm.xlane v19, v7;
	v25 =	vmul.f32 v25, v31;
	[tilespmem:s25+$0xD0] =	vst v30  }
0x3e4: {  	v36 =	vmul.f32 v38, v36;
	[tilespmem:s25+$0x90] =	vst v58  }
0x3e5: {  	v45 =	vperm.xlane v19, v6;
	v24 =	vmul.f32 v24, v41;
	[tilespmem:s25+$0x80] =	vst v25  }
0x3e6: {  	v47 =	vperm.xlane v19, v8;
	v26 =	vmul.f32 v26, v41;
	[tilespmem:s25+$0xFFFFFF50] =	vst v36  }
0x3e7: {  	v56 =	vld [tilespmem:s25+$0xA0];
	v54 =	vperm.xlane v19, v4;
	v23 =	vmul.f32 v23, v45;
	[tilespmem:s25+$0xFFFFFFD0] =	vst v24  }
0x3e8: {  	v57 =	vld [tilespmem:s25+$0x70];
	v21 =	vmul.f32 v21, v47;
	[tilespmem:s25+$0xFFFFFFC0] =	vst v26  }
0x3e9: {  	v59 =	vld [tilespmem:s25+$0xFFFFFFB0];
	v61 =	vperm.xlane v19, v12;
	v17 =	vmul.f32 v17, v54;
	[tilespmem:s25+$0xFFFFFFA0] =	vst v23  }
0x3ea: {  	v60 =	vld [tilespmem:s25+$0xFFFFFF20];
	v43 =	vmul.f32 v33, v29;
	[tilespmem:s25+$0xFFFFFFF0] =	vst v21  }
0x3eb: {  	v62 =	vld [tilespmem:s25+$0xFFFFFFE0];
	v27 =	vmul.f32 v27, v61;
	[tilespmem:s25+$0xFFFFFF60] =	vst v17  }
0x3ec: {  	v49 =	vld [tilespmem:s25+$0xFFFFFF70];
	v63 =	vmul.f32 v56, v29;
	[tilespmem:s25+$0xB0] =	vst v43  }
0x3ed: {  	v52 =	vperm.xlane v19, v2;
	v40 =	vld [tilespmem:s25+$0x40];
	v35 =	vmul.f32 v57, v61;
	[tilespmem:s25+$0x60] =	vst v27  }
0x3ee: {  	v55 =	vld [tilespmem:s25+$0xF0];
	v53 =	vmul.f32 v59, v45;
	[tilespmem:s25+$0xA0] =	vst v63  }
0x3ef: {  	v28 =	vmul.f32 v60, v52;
	[tilespmem:s25+$0x70] =	vst v35  }
0x3f0: {  	v50 =	vld [tilespmem:s25+$0xFFFFFF80];
	v56 =	vperm.xlane v19, v11;
	v20 =	vmul.f32 v62, v47;
	[tilespmem:s25+$0xFFFFFFB0] =	vst v53  }
0x3f1: {  	v44 =	vld [tilespmem:s25+$0x20];
	v61 =	vmul.f32 v49, v54;
	[tilespmem:s25+$0xFFFFFF20] =	vst v28  }
0x3f2: {  	v46 =	vld [tilespmem:s25+$0x30];
	v59 =	vperm.xlane v19, v5;
	v58 =	vmul.f32 v40, v56;
	[tilespmem:s25+$0xFFFFFFE0] =	vst v20  }
0x3f3: {  	v57 =	vld [tilespmem:s25+$0xFFFFFF30];
	v17 =	vmul.f32 v55, v22;
	[tilespmem:s25+$0xFFFFFF70] =	vst v61  }
0x3f4: {  	v42 =	vld [tilespmem:s25+$0x50];
	v60 =	vperm.xlane v19, v10;
	v18 =	vmul.f32 v18, v59;
	[tilespmem:s25+$0x40] =	vst v58  }
0x3f5: {  	v48 =	vld [tilespmem:s25+$0x0];
	v62 =	vmul.f32 v50, v59;
	[tilespmem:s25+$0xF0] =	vst v17  }
0x3f6: {  	v51 =	vld [tilespmem:s25+$0x10];
	v17 =	vmul.f32 v44, v60;
	[tilespmem:s25+$0xFFFFFF90] =	vst v18  }
0x3f7: {  	v18 =	vmul.f32 v46, v60;
	[tilespmem:s25+$0xFFFFFF80] =	vst v62  }
0x3f8: {  	v19 =	vperm.xlane v19, v9;
	v63 =	vmul.f32 v57, v52;
	[tilespmem:s25+$0x20] =	vst v17  }
0x3f9: {  	v17 =	vmul.f32 v42, v56;
	[tilespmem:s25+$0x30] =	vst v18  }
0x3fa: {  	v18 =	vmul.f32 v48, v19;
	[tilespmem:s25+$0xFFFFFF30] =	vst v63  }
0x3fb: {  	s20 =	sadd.s32 $0x1, s20;
	[tilespmem:s25+$0x50] =	vst v17;
	v17 =	vmul.f32 v51, v19  }
0x3fc: {  	p0 =	sne.s32 s20, $0x7;
	[tilespmem:s25+$0x0] =	vst v18  }
.Ltmp10:
0x3fd: {  	s21 =	sadd.s32 $0x194A0, s21;
	[tilespmem:s25+$0x10] =	vst v17;
	(pc) =	sbr.rel @p0 .LBB2_22-.Ltmp10, $4  }
0x3fe: {  	[spmem:s1] =	stream.indirect.scatter.add.f32 [tilespmem:s30], [sflag:$0x1], $0x20, s21, s24, $0xb8;
	[tilespmem:$0x1F0A0] =	vst v63  }
0x3ff: {  	_ =	swait.ge [sflag:s0], $0x4000  }
0x400: {  	[sflag:s0] =	ssyncset.done $0x0  }
0x401: {  	s19 =	sadd.s32 $0x200, s19;
	[sflag:s0] =	ssyncadd.s32 $0xFFFFC000  }
0x402: {  	s18 =	sadd.s32 $0x1, s18  }
0x403: {  	p0 =	sne.s32 s18, $0xE  }
.Ltmp11:
0x404: {  	_ = 	snop;
	(pc) =	sbr.rel @p0 .LBB2_21-.Ltmp11, $1  }
0x405: {  	_ =	sdelay $0x3  }
0x406: {  	[bflag:$0x0] =	sbarrier.arrive $0xFFFF  }
0x407: {  	s28 =	rddreg [dreg:$0x3]  }
0x408: {  	[tilespmem:s30], [sflag:$0x1] =	stream.linear.gather [spmem:s28], $0x4000, $0x38;
	[tilespmem:$0x1F0A0] =	vst v63  }
0x409: {  	_ =	swait.ge [sflag:s0], $0x4000  }
0x40a: {  	[sflag:s0] =	ssyncset.done $0x0  }
0x40b: {  	s2 =	simm.s32 $0x0;
	s18 =	rddreg [dreg:$0x1e];
	[sflag:s0] =	ssyncadd.s32 $0xFFFFC000  }
0x40c: {  	[hbm4b:s18+s2] =	stream.linear.scatter [tilespmem:s30], [sflag:$0x1], $0x4000, $0x38;
	[tilespmem:$0x1F0A0] =	vst v63  }
0x40d: {  	_ =	swait.ge [sflag:s0], $0x4000  }
0x40e: {  	s21 =	sld [smem:$0x7F9]  }
0x40f: {  	[sflag:s0] =	ssyncset.done $0x0  }
0x410: {  	[sflag:s0] =	ssyncadd.s32 $0xFFFFC000  }
0x411: {  	[tilespmem:s30], [sflag:$0x1] =	stream.linear.gather [spmem:s21], $0x4000, $0x38;
	[tilespmem:$0x1F0A0] =	vst v63  }
0x412: {  	_ =	swait.ge [sflag:s0], $0x4000  }
0x413: {  	s25 =	sld [smem:$0x7EA]  }
0x414: {  	[sflag:s0] =	ssyncset.done $0x0  }
0x415: {  	[sflag:s0] =	ssyncadd.s32 $0xFFFFC000  }
0x416: {  	[hbm4b:s25+s2] =	stream.linear.scatter [tilespmem:s30], [sflag:$0x1], $0x4000, $0x38;
	[tilespmem:$0x1F0A0] =	vst v63  }
0x417: {  	_ =	swait.ge [sflag:s0], $0x4000  }
0x418: {  	s23 =	sld [smem:$0x7FA]  }
0x419: {  	[sflag:s0] =	ssyncset.done $0x0  }
0x41a: {  	[sflag:s0] =	ssyncadd.s32 $0xFFFFC000  }
0x41b: {  	[tilespmem:s30], [sflag:$0x1] =	stream.linear.gather [spmem:s23], $0x4000, $0x38;
	[tilespmem:$0x1F0A0] =	vst v63  }
0x41c: {  	_ =	swait.ge [sflag:s0], $0x4000  }
0x41d: {  	s19 =	sld [smem:$0x7ED]  }
0x41e: {  	[sflag:s0] =	ssyncset.done $0x0  }
0x41f: {  	[sflag:s0] =	ssyncadd.s32 $0xFFFFC000  }
0x420: {  	[hbm4b:s19+s2] =	stream.linear.scatter [tilespmem:s30], [sflag:$0x1], $0x4000, $0x38;
	[tilespmem:$0x1F0A0] =	vst v63  }
0x421: {  	_ =	swait.ge [sflag:s0], $0x4000  }
0x422: {  	s25 =	sld [smem:$0x7FB]  }
0x423: {  	[sflag:s0] =	ssyncset.done $0x0  }
0x424: {  	[sflag:s0] =	ssyncadd.s32 $0xFFFFC000  }
0x425: {  	[tilespmem:s30], [sflag:$0x1] =	stream.linear.gather [spmem:s25], $0x4000, $0x38;
	[tilespmem:$0x1F0A0] =	vst v63  }
0x426: {  	_ =	swait.ge [sflag:s0], $0x4000  }
0x427: {  	s20 =	sld [smem:$0x7F0]  }
0x428: {  	[sflag:s0] =	ssyncset.done $0x0  }
0x429: {  	[sflag:s0] =	ssyncadd.s32 $0xFFFFC000  }
0x42a: {  	[hbm4b:s20+s2] =	stream.linear.scatter [tilespmem:s30], [sflag:$0x1], $0x4000, $0x38;
	[tilespmem:$0x1F0A0] =	vst v63  }
0x42b: {  	_ =	swait.ge [sflag:s0], $0x4000  }
0x42c: {  	s29 =	sld [smem:$0x7FC]  }
0x42d: {  	[sflag:s0] =	ssyncset.done $0x0  }
0x42e: {  	[sflag:s0] =	ssyncadd.s32 $0xFFFFC000  }
0x42f: {  	[tilespmem:s30], [sflag:$0x1] =	stream.linear.gather [spmem:s29], $0x4000, $0x38;
	[tilespmem:$0x1F0A0] =	vst v63  }
0x430: {  	_ =	swait.ge [sflag:s0], $0x4000  }
0x431: {  	s19 =	sld [smem:$0x7F3]  }
0x432: {  	[sflag:s0] =	ssyncset.done $0x0  }
0x433: {  	[sflag:s0] =	ssyncadd.s32 $0xFFFFC000  }
0x434: {  	[hbm4b:s19+s2] =	stream.linear.scatter [tilespmem:s30], [sflag:$0x1], $0x4000, $0x38;
	[tilespmem:$0x1F0A0] =	vst v63  }
0x435: {  	_ =	swait.ge [sflag:s0], $0x4000  }
0x436: {  	s19 =	sld [smem:$0x7FD]  }
0x437: {  	[sflag:s0] =	ssyncset.done $0x0  }
0x438: {  	[sflag:s0] =	ssyncadd.s32 $0xFFFFC000  }
0x439: {  	[tilespmem:s30], [sflag:$0x1] =	stream.linear.gather [spmem:s19], $0x4000, $0x38;
	[tilespmem:$0x1F0A0] =	vst v63  }
0x43a: {  	_ =	swait.ge [sflag:s0], $0x4000  }
0x43b: {  	s20 =	sld [smem:$0x7F7]  }
0x43c: {  	[sflag:s0] =	ssyncset.done $0x0  }
0x43d: {  	[sflag:s0] =	ssyncadd.s32 $0xFFFFC000  }
0x43e: {  	[hbm4b:s20+s2] =	stream.linear.scatter [tilespmem:s30], [sflag:$0x1], $0x4000, $0x38;
	[tilespmem:$0x1F0A0] =	vst v63  }
0x43f: {  	_ =	swait.ge [sflag:s0], $0x4000  }
0x440: {  	s20 =	sld [smem:$0x7F8]  }
0x441: {  	[sflag:s0] =	ssyncset.done $0x0  }
0x442: {  	[sflag:s0] =	ssyncadd.s32 $0xFFFFC000  }
0x443: {  	[tilespmem:s30], [sflag:$0x1] =	stream.linear.gather [spmem:s20], $0x6A0, $0x38;
	[tilespmem:$0x1F0A0] =	vst v63  }
0x444: {  	_ =	swait.ge [sflag:s0], $0x6A0  }
0x445: {  	s31 =	sadd.s32 $0x1, s31;
	[sflag:s0] =	ssyncset.done $0x0  }
0x446: {  	p0 =	sne.s32 s31, $0x5;
	s18 =	rddreg [dreg:$0x7];
	[sflag:s0] =	ssyncadd.s32 $0xFFFFF960  }
0x447: {  	[hbm4b:s18+s2] =	stream.linear.scatter [tilespmem:s30], [sflag:$0x1], $0x6A0, $0x38;
	[tilespmem:$0x1F0A0] =	vst v63  }
.Ltmp12:
0x448: {  	_ =	swait.ge [sflag:s0], $0x6A0;
	(pc) =	sbr.rel @p0 .LBB2_2-.Ltmp12, $3  }
0x449: {  	[sflag:s0] =	ssyncset.done $0x0  }
0x44a: {  	[sflag:s0] =	ssyncadd.s32 $0xFFFFF960  }
0x44b: {  	[bflag:$0x0] =	sbarrier.arrive $0xFFFF;
	_ =	sdelay $0x1  }
0x44c: {  	s18 =	sld [smem:$0x7E8];
	_ =	sdelay $0x2  }
0x44d: {  	s2 =	rddreg [dreg:$0xa];
	s18 =	sadd.s32 $0x1, s18  }
0x44e: {  	p0 =	sne.s32 s18, s2  }
.Ltmp13:
0x44f: {  	_ = 	snop;
	(pc) =	sbr.rel @p0 .LBB2_1-.Ltmp13, $1  }
0x450: {  	_ =	sdelay $0x3  }
0x451: {  	_ =	sfence.sel $0x180000  }
0x452: {  	[bflag:$0x0] =	sbarrier.arrive $0xFFFF  }
0x453: {  	_ =	strace $0x90000047  }
0x454: {  	s0 =	stileid.u32;
	[bflag:$0x2] =	sbarrier.arrive $0xFFFF  }
0x455: {  	p0 =	sne.s32 s0, $0x0;
	s0 =	rddreg [dreg:$0x2]  }
0x456: {  	s0 =	sadd.s32 @!p0 $0x100000, s0  }
0x457: {  	[sflag:s0] =	ssyncadd.tile.s32 @!p0 $0x1;
	_ =	shalt  }
.Lfunc_end2:
_tile_overlayer_lowered:
.L_overlay_start_2:
0x458: {  	(tag) =	ssettag $0x2  }
0x459: {  	s0 =	rddreg [dreg:$0x0];
	s2 =	stileid.u32  }
0x45a: {  	s1 =	rddreg [dreg:$0x1];
	p0 =	sne.s32 s2, $0x0  }
0x45b: {  	s3 =	rddreg [dreg:$0x2];
	[bflag:$0x3] =	sbarrier.arrive $0xFFFF;
	s2 =	simm.s32 @!p0 $0x1C01  }
0x45c: {  	[timem:s3], [sflag:s2] =	dma.local @!p0 [hbm:s0], s1  }
0x45d: {  	s0 =	simm.s32 @!p0 $0x1  }
0x45e: {  	_ =	swait.ge @!p0 [sflag:s0], s1  }
0x45f: {  	s1 =	ssub.s32 @!p0 $0x0, s1;
	[sflag:s0] =	ssyncset.done @!p0 $0x0  }
0x460: {  	[sflag:s0] =	ssyncadd.s32 @!p0 s1  }
0x461: {  	[bflag:$0x3] =	sbarrier.arrive $0xFFFF  }
0x462: {  	_ =	shalt  }

</sc_bundles>
